<compile_context>
chip_gen: v7x
topology: tpu7x:2x2x1
jax: 0.10.2.dev20260603
libtpu: 0.0.44.dev20260713+nightly
codegen_flags: <defaults>
</compile_context>

<pallas_src>
import functools

import jax
import jax.numpy as jnp
from jax import lax
from jax.experimental import pallas as pl
from jax.experimental.pallas import tpu as pltpu
from jax.experimental.pallas import tpu_sc as plsc

N = 10000
NP = 10240
E = 320000
D = 128
H = 4
R = 64
B = 1024

_NC = 2
_NS = 16
_NW = _NC * _NS
_C = 128

_mesh = plsc.VectorSubcoreMesh(core_axis_name="c", subcore_axis_name="s")


def _wid():
    return lax.axis_index("s") * _NC + lax.axis_index("c")


@functools.partial(
    pl.kernel,
    out_type=jax.ShapeDtypeStruct((NP, D), jnp.float32),
    mesh=_mesh,
    scratch_types=[
        pltpu.VMEM((_C,), jnp.int32),
        pltpu.VMEM((_C, D), jnp.float32),
        pltpu.SemaphoreType.DMA,
    ],
)
def _sc_embed(table_hbm, idx_hbm, out_hbm, idx_v, rows_v, sem):
    w = _wid()
    nch_total = NP // _C
    base_n = nch_total // _NW
    rem = nch_total - base_n * _NW
    nch = base_n + jnp.where(w < rem, 1, 0)

    def body(j, carry):
        cid = w + j * _NW
        r0 = cid * _C
        pltpu.sync_copy(idx_hbm.at[pl.ds(r0, _C)], idx_v)
        pltpu.async_copy(table_hbm.at[idx_v], rows_v, sem).wait()
        pltpu.sync_copy(rows_v, out_hbm.at[pl.ds(r0, _C)])
        return carry

    lax.fori_loop(0, nch, body, 0)


@functools.partial(
    pl.kernel,
    out_type=jax.ShapeDtypeStruct((_NC, NP, D), jnp.float32),
    mesh=_mesh,
    scratch_types=[
        pltpu.VMEM((_C,), jnp.int32),
        pltpu.VMEM((_C,), jnp.int32),
        pltpu.VMEM((_C,), jnp.int32),
        pltpu.VMEM((_C, D), jnp.float32),
        pltpu.VMEM((_C, D), jnp.float32),
        pltpu.VMEM_SHARED((NP, D), jnp.float32),
        pltpu.SemaphoreType.DMA,
        pltpu.SemaphoreType.DMA,
    ],
)
def _sc_edge_pass(h_hbm, src_hbm, dst_hbm, typ_hbm, rel_hbm, zeros_hbm,
                  out_hbm, sidx, didx, tidx, hbuf, rbuf, acc, sem1, sem2):
    c = lax.axis_index("c")
    s = lax.axis_index("s")
    w = _wid()

    pltpu.sync_copy(zeros_hbm, hbuf)
    for j in range(5):
        pltpu.sync_copy(hbuf, acc.at[pl.ds(s * 640 + j * _C, _C)])
    plsc.subcore_barrier()

    nch_total = E // _C
    base_n = nch_total // _NW
    rem = nch_total - base_n * _NW
    nch = base_n + jnp.where(w < rem, 1, 0)

    def body(j, carry):
        cid = w + j * _NW
        e0 = cid * _C
        pltpu.sync_copy(src_hbm.at[pl.ds(e0, _C)], sidx)
        pltpu.sync_copy(typ_hbm.at[pl.ds(e0, _C)], tidx)
        pltpu.sync_copy(dst_hbm.at[pl.ds(e0, _C)], didx)
        d1 = pltpu.async_copy(h_hbm.at[sidx], hbuf, sem1)
        d2 = pltpu.async_copy(rel_hbm.at[tidx], rbuf, sem2)
        d1.wait()
        d2.wait()

        def mul_row(i, carry2):
            for k in range(D // 16):
                sl = pl.ds(k * 16, 16)
                hbuf[i, sl] = hbuf[i, sl] * rbuf[i, sl]
            return carry2

        lax.fori_loop(0, _C, mul_row, 0)
        pltpu.sync_copy(hbuf, acc.at[didx], add=True)
        return carry

    lax.fori_loop(0, nch, body, 0)
    plsc.subcore_barrier()

    pltpu.sync_copy(acc.at[pl.ds(s * 640, 640)], out_hbm.at[c, pl.ds(s * 640, 640)])


@functools.partial(
    pl.kernel,
    out_type=jax.ShapeDtypeStruct((_NC, H * B, D), jnp.float32),
    mesh=_mesh,
    scratch_types=[
        pltpu.VMEM((_C,), jnp.int32),
        pltpu.VMEM((_C, D), jnp.float32),
        pltpu.VMEM_SHARED((H * B, D), jnp.float32),
        pltpu.SemaphoreType.DMA,
    ],
)
def _sc_readout(h_hbm, idx_hbm, zeros_hbm, out_hbm, idx_v, rows_v, acc, sem):
    c = lax.axis_index("c")
    s = lax.axis_index("s")
    w = _wid()

    pltpu.sync_copy(zeros_hbm, rows_v)
    for j in range(2):
        pltpu.sync_copy(rows_v, acc.at[pl.ds(s * 256 + j * _C, _C)])
    plsc.subcore_barrier()

    nch = (H * NP) // _C // _NW

    def body(j, carry):
        cid = w + j * _NW
        r0 = cid * _C
        pltpu.sync_copy(idx_hbm.at[pl.ds(r0, _C)], idx_v)
        pltpu.sync_copy(h_hbm.at[pl.ds(r0, _C)], rows_v)
        pltpu.sync_copy(rows_v, acc.at[idx_v], add=True)
        return carry

    lax.fori_loop(0, nch, body, 0)
    plsc.subcore_barrier()
    pltpu.sync_copy(acc.at[pl.ds(s * 256, 256)], out_hbm.at[c, pl.ds(s * 256, 256)])


_BLK = 1280


def _tc_linear_body(p_ref, w_ref, b_ref, o_ref):
    acc = p_ref[0, 0] + p_ref[0, 1]
    y = jnp.dot(acc, w_ref[0], preferred_element_type=jnp.float32)
    y = jnp.maximum(y + b_ref[0], 0.0)
    nb = pl.program_id(1)
    rows = nb * _BLK + lax.broadcasted_iota(jnp.int32, (_BLK, D), 0)
    o_ref[0] = jnp.where(rows < N, y, 0.0)


def _tc_linear(partials, Wl, bl, shared_partials):
    if shared_partials:
        p_map = lambda hp, nb: (0, 0, nb, 0)
    else:
        p_map = lambda hp, nb: (hp, 0, nb, 0)
    return pl.pallas_call(
        _tc_linear_body,
        grid=(H, NP // _BLK),
        in_specs=[
            pl.BlockSpec((1, 2, _BLK, D), p_map),
            pl.BlockSpec((1, D, D), lambda hp, nb: (hp, 0, 0)),
            pl.BlockSpec((1, 1, D), lambda hp, nb: (hp, 0, 0)),
        ],
        out_specs=pl.BlockSpec((1, _BLK, D), lambda hp, nb: (hp, nb, 0)),
        out_shape=jax.ShapeDtypeStruct((H, NP, D), jnp.float32),
    )(partials, Wl, bl)


def _tc_combine_body(p_ref, o_ref):
    o_ref[...] = p_ref[0, 0] + p_ref[1, 0]


def _tc_combine(ro):
    return pl.pallas_call(
        _tc_combine_body,
        grid=(H,),
        in_specs=[pl.BlockSpec((2, 1, B, D), lambda hp: (0, hp, 0, 0))],
        out_specs=pl.BlockSpec((B, D), lambda hp: (0, hp)),
        out_shape=jax.ShapeDtypeStruct((B, H * D), jnp.float32),
    )(ro)


def kernel(ent_table, rel_table, W, b, node_idx, edge_index, edge_type, batch_idx):
    f32 = jnp.float32
    node_idx_p = jnp.pad(node_idx.astype(jnp.int32), (0, NP - N))
    src = edge_index[0].astype(jnp.int32)
    dst = edge_index[1].astype(jnp.int32)
    etyp = edge_type.astype(jnp.int32)
    zeros128 = jnp.zeros((_C, D), f32)

    bidx_p = jnp.pad(batch_idx.astype(jnp.int32), (0, NP - N))
    idx4 = (bidx_p[None, :] + (jnp.arange(H, dtype=jnp.int32) * B)[:, None])
    idx4 = idx4.reshape(H * NP)

    ent_table = ent_table.astype(f32)
    rel_table = rel_table.astype(f32)
    W = W.astype(f32)
    b = b.astype(f32)

    x = _sc_embed(ent_table, node_idx_p)

    p0 = _sc_edge_pass(x, src, dst, etyp, rel_table, zeros128)
    h1 = _tc_linear(p0[None], W[:, 0], b[:, 0, None, :], True)

    p1 = jnp.stack([
        _sc_edge_pass(h1[hp], src, dst, etyp, rel_table, zeros128)
        for hp in range(H)
    ])
    h2 = _tc_linear(p1, W[:, 1], b[:, 1, None, :], False)

    ro = _sc_readout(h2.reshape(H * NP, D), idx4, zeros128)
    out = _tc_combine(ro.reshape(_NC, H, B, D))
    return out

# --- scband reference (transcript-rebuilt; emitter-appended) ---
"""Pipeline reference for scband-meta-model-5832565588115 (READ-ONLY COPY).

The authoritative reference and input builder live on the scoring server;
editing this copy changes nothing except your own understanding.
"""

import jax, jax.numpy as jnp
import numpy as np

N = 10000   # num nodes
E = 320000  # num edges
D = 128     # embed_dim
H = 4       # num_hyperplanes (submodels)
L = 2       # gcn_layers
R = 64      # num relation types
B = 1024    # batch of queries (graphs) for readout


def setup_inputs(seed: int = 0) -> dict:
    key = jax.random.key(seed)
    ks = jax.random.split(key, 8)
    ent_table = jax.random.normal(ks[0], (N + 1, D), dtype=jnp.float32) * (1.0 / D)
    rel_table = jax.random.normal(ks[1], (R, D), dtype=jnp.float32) * (1.0 / D)
    W = jax.random.normal(ks[2], (H, L, D, D), dtype=jnp.float32) * 0.05
    b = jax.random.normal(ks[3], (H, L, D), dtype=jnp.float32) * 0.05
    node_idx = jax.random.randint(ks[4], (N,), 0, N + 1)
    edge_index = jax.random.randint(ks[5], (2, E), 0, N)
    edge_type = jax.random.randint(ks[6], (E,), 0, R)
    batch_idx = jnp.sort(jax.random.randint(ks[7], (N,), 0, B))
    return {
        "ent_table": ent_table,
        "rel_table": rel_table,
        "W": W,
        "b": b,
        "node_idx": node_idx,
        "edge_index": edge_index,
        "edge_type": edge_type,
        "batch_idx": batch_idx,
    }


def reference(ent_table, rel_table, W, b, node_idx, edge_index, edge_type, batch_idx):
    # embed_ents: entity embedding lookup (node_maps indirection folded into node_idx)
    x = jnp.take(ent_table, node_idx, axis=0)  # [N, D]
    src = edge_index[0]
    dst = edge_index[1]
    # embed_rels: relation embedding lookup per edge
    rel_e = jnp.take(rel_table, edge_type, axis=0)  # [E, D]
    outs = []
    for hp in range(H):  # num_hyperplanes independent GCN submodels
        h = x
        for l in range(L):  # gcn_layers of CompGCN-style message passing
            msg = jnp.take(h, src, axis=0) * rel_e            # opn='mult' composition
            agg = jax.ops.segment_sum(msg, dst, num_segments=N)  # scatter-add to dst
            h = jax.nn.relu(agg @ W[hp, l] + b[hp, l])           # linear + bias
        # readout='sum': per-query-graph sum pooling
        readout = jax.ops.segment_sum(h, batch_idx, num_segments=B)  # [B, D]
        outs.append(readout)
    # torch.cat([gcn(data) for gcn in self.submodels], dim=1)
    return jnp.concatenate(outs, axis=1)  # [B, H*D]

if __name__ == "__main__":
    import jax
    _d = setup_inputs()
    print(jax.jit(kernel)(*tuple(_d.values())))

</pallas_src>

<mosaic_0001>
#map = affine_map<(d0, d1) -> (0, 0)>
#map1 = affine_map<(d0, d1) -> (0)>
#map2 = affine_map<(d0, d1) -> (0, 0, 0)>
module attributes {stable_mosaic.version = 14 : i64} {
  func.func @_sc_edge_pass(%arg0: i32, %arg1: i32, %arg2: memref<10240x128xf32, #tpu.memory_space<hbm>>, %arg3: memref<320000xi32, #tpu.memory_space<hbm>>, %arg4: memref<320000xi32, #tpu.memory_space<hbm>>, %arg5: memref<320000xi32, #tpu.memory_space<hbm>>, %arg6: memref<64x128xf32, #tpu.memory_space<hbm>>, %arg7: memref<128x128xf32, #tpu.memory_space<hbm>>, %arg8: memref<2x10240x128xf32, #tpu.memory_space<hbm>>, %arg9: memref<128xi32, #tpu.memory_space<vmem>>, %arg10: memref<128xi32, #tpu.memory_space<vmem>>, %arg11: memref<128xi32, #tpu.memory_space<vmem>>, %arg12: memref<128x128xf32, #tpu.memory_space<vmem>>, %arg13: memref<128x128xf32, #tpu.memory_space<vmem>>, %arg14: memref<10240x128xf32, #tpu.memory_space<vmem_shared>>, %arg15: memref<!tpu.dma_semaphore, #tpu.memory_space<semaphore_mem>>, %arg16: memref<!tpu.dma_semaphore, #tpu.memory_space<semaphore_mem>>) attributes {dimension_semantics = [#tpu.dimension_semantics<core_parallel>, #tpu.dimension_semantics<subcore_parallel>], iteration_bounds = array<i64: 2, 16>, scalar_prefetch = 0 : i64, scratch_operands = 8 : i64, tpu.core_type = #tpu.core_type<sc_vector_subcore>, window_params = [{transform_indices = #map}, {transform_indices = #map1}, {transform_indices = #map1}, {transform_indices = #map1}, {transform_indices = #map}, {transform_indices = #map}, {transform_indices = #map2}]} {
    %mul3A = arith.constant 2 : i32
    %mul3A_0 = arith.muli %arg1, %mul3A : i32
    %add3A = arith.addi %mul3A_0, %arg0 : i32
    "tpu.region"() ({
      %run_scoped3A = tpu.sem_alloc : memref<!tpu.dma_semaphore, #tpu.memory_space<semaphore_mem>>
      tpu.enqueue_dma source(%arg7 : memref<128x128xf32, #tpu.memory_space<hbm>>) target(%arg12 : memref<128x128xf32, #tpu.memory_space<vmem>>) target_semaphore(%run_scoped3A : memref<!tpu.dma_semaphore, #tpu.memory_space<semaphore_mem>>)
      tpu.wait_dma2 semaphore(%run_scoped3A : memref<!tpu.dma_semaphore, #tpu.memory_space<semaphore_mem>>) src(%arg7 : memref<128x128xf32, #tpu.memory_space<hbm>>) dst(%arg12 : memref<128x128xf32, #tpu.memory_space<vmem>>)
      tpu.yield
    }) : () -> ()
    %mul3A_1 = arith.constant 640 : i32
    %mul3A_2 = arith.muli %arg1, %mul3A_1 : i32
    %add3A_3 = arith.constant 0 : i32
    %add3A_4 = arith.addi %mul3A_2, %add3A_3 : i32
    "tpu.region"() ({
      %run_scoped3A = tpu.sem_alloc : memref<!tpu.dma_semaphore, #tpu.memory_space<semaphore_mem>>
      %dma_start3A = arith.constant 0 : i32
      %dma_start3A_39 = tpu.memref_slice %arg14[%add3A_4, %dma_start3A] : memref<10240x128xf32, #tpu.memory_space<vmem_shared>> -> memref<128x128xf32, #tpu.memory_space<vmem_shared>>
      %dma_start3A_40 = arith.constant 0 : i32
      %dma_start3A_41 = tpu.memref_slice %arg14[%add3A_4, %dma_start3A_40] : memref<10240x128xf32, #tpu.memory_space<vmem_shared>> -> memref<128x128xf32, #tpu.memory_space<vmem_shared>>
      tpu.enqueue_dma source(%arg12 : memref<128x128xf32, #tpu.memory_space<vmem>>) target(%dma_start3A_41 : memref<128x128xf32, #tpu.memory_space<vmem_shared>>) target_semaphore(%run_scoped3A : memref<!tpu.dma_semaphore, #tpu.memory_space<semaphore_mem>>)
      %dma_wait3A = arith.constant 0 : i32
      %dma_wait3A_42 = tpu.memref_slice %arg14[%add3A_4, %dma_wait3A] : memref<10240x128xf32, #tpu.memory_space<vmem_shared>> -> memref<128x128xf32, #tpu.memory_space<vmem_shared>>
      %dma_wait3A_43 = arith.constant 0 : i32
      %dma_wait3A_44 = tpu.memref_slice %arg14[%add3A_4, %dma_wait3A_43] : memref<10240x128xf32, #tpu.memory_space<vmem_shared>> -> memref<128x128xf32, #tpu.memory_space<vmem_shared>>
      tpu.wait_dma2 semaphore(%run_scoped3A : memref<!tpu.dma_semaphore, #tpu.memory_space<semaphore_mem>>) src(%arg12 : memref<128x128xf32, #tpu.memory_space<vmem>>) dst(%dma_wait3A_44 : memref<128x128xf32, #tpu.memory_space<vmem_shared>>)
      tpu.yield
    }) : () -> ()
    %mul3A_5 = arith.constant 640 : i32
    %mul3A_6 = arith.muli %arg1, %mul3A_5 : i32
    %add3A_7 = arith.constant 128 : i32
    %add3A_8 = arith.addi %mul3A_6, %add3A_7 : i32
    "tpu.region"() ({
      %run_scoped3A = tpu.sem_alloc : memref<!tpu.dma_semaphore, #tpu.memory_space<semaphore_mem>>
      %dma_start3A = arith.constant 0 : i32
      %dma_start3A_39 = tpu.memref_slice %arg14[%add3A_8, %dma_start3A] : memref<10240x128xf32, #tpu.memory_space<vmem_shared>> -> memref<128x128xf32, #tpu.memory_space<vmem_shared>>
      %dma_start3A_40 = arith.constant 0 : i32
      %dma_start3A_41 = tpu.memref_slice %arg14[%add3A_8, %dma_start3A_40] : memref<10240x128xf32, #tpu.memory_space<vmem_shared>> -> memref<128x128xf32, #tpu.memory_space<vmem_shared>>
      tpu.enqueue_dma source(%arg12 : memref<128x128xf32, #tpu.memory_space<vmem>>) target(%dma_start3A_41 : memref<128x128xf32, #tpu.memory_space<vmem_shared>>) target_semaphore(%run_scoped3A : memref<!tpu.dma_semaphore, #tpu.memory_space<semaphore_mem>>)
      %dma_wait3A = arith.constant 0 : i32
      %dma_wait3A_42 = tpu.memref_slice %arg14[%add3A_8, %dma_wait3A] : memref<10240x128xf32, #tpu.memory_space<vmem_shared>> -> memref<128x128xf32, #tpu.memory_space<vmem_shared>>
      %dma_wait3A_43 = arith.constant 0 : i32
      %dma_wait3A_44 = tpu.memref_slice %arg14[%add3A_8, %dma_wait3A_43] : memref<10240x128xf32, #tpu.memory_space<vmem_shared>> -> memref<128x128xf32, #tpu.memory_space<vmem_shared>>
      tpu.wait_dma2 semaphore(%run_scoped3A : memref<!tpu.dma_semaphore, #tpu.memory_space<semaphore_mem>>) src(%arg12 : memref<128x128xf32, #tpu.memory_space<vmem>>) dst(%dma_wait3A_44 : memref<128x128xf32, #tpu.memory_space<vmem_shared>>)
      tpu.yield
    }) : () -> ()
    %mul3A_9 = arith.constant 640 : i32
    %mul3A_10 = arith.muli %arg1, %mul3A_9 : i32
    %add3A_11 = arith.constant 256 : i32
    %add3A_12 = arith.addi %mul3A_10, %add3A_11 : i32
    "tpu.region"() ({
      %run_scoped3A = tpu.sem_alloc : memref<!tpu.dma_semaphore, #tpu.memory_space<semaphore_mem>>
      %dma_start3A = arith.constant 0 : i32
      %dma_start3A_39 = tpu.memref_slice %arg14[%add3A_12, %dma_start3A] : memref<10240x128xf32, #tpu.memory_space<vmem_shared>> -> memref<128x128xf32, #tpu.memory_space<vmem_shared>>
      %dma_start3A_40 = arith.constant 0 : i32
      %dma_start3A_41 = tpu.memref_slice %arg14[%add3A_12, %dma_start3A_40] : memref<10240x128xf32, #tpu.memory_space<vmem_shared>> -> memref<128x128xf32, #tpu.memory_space<vmem_shared>>
      tpu.enqueue_dma source(%arg12 : memref<128x128xf32, #tpu.memory_space<vmem>>) target(%dma_start3A_41 : memref<128x128xf32, #tpu.memory_space<vmem_shared>>) target_semaphore(%run_scoped3A : memref<!tpu.dma_semaphore, #tpu.memory_space<semaphore_mem>>)
      %dma_wait3A = arith.constant 0 : i32
      %dma_wait3A_42 = tpu.memref_slice %arg14[%add3A_12, %dma_wait3A] : memref<10240x128xf32, #tpu.memory_space<vmem_shared>> -> memref<128x128xf32, #tpu.memory_space<vmem_shared>>
      %dma_wait3A_43 = arith.constant 0 : i32
      %dma_wait3A_44 = tpu.memref_slice %arg14[%add3A_12, %dma_wait3A_43] : memref<10240x128xf32, #tpu.memory_space<vmem_shared>> -> memref<128x128xf32, #tpu.memory_space<vmem_shared>>
      tpu.wait_dma2 semaphore(%run_scoped3A : memref<!tpu.dma_semaphore, #tpu.memory_space<semaphore_mem>>) src(%arg12 : memref<128x128xf32, #tpu.memory_space<vmem>>) dst(%dma_wait3A_44 : memref<128x128xf32, #tpu.memory_space<vmem_shared>>)
      tpu.yield
    }) : () -> ()
    %mul3A_13 = arith.constant 640 : i32
    %mul3A_14 = arith.muli %arg1, %mul3A_13 : i32
    %add3A_15 = arith.constant 384 : i32
    %add3A_16 = arith.addi %mul3A_14, %add3A_15 : i32
    "tpu.region"() ({
      %run_scoped3A = tpu.sem_alloc : memref<!tpu.dma_semaphore, #tpu.memory_space<semaphore_mem>>
      %dma_start3A = arith.constant 0 : i32
      %dma_start3A_39 = tpu.memref_slice %arg14[%add3A_16, %dma_start3A] : memref<10240x128xf32, #tpu.memory_space<vmem_shared>> -> memref<128x128xf32, #tpu.memory_space<vmem_shared>>
      %dma_start3A_40 = arith.constant 0 : i32
      %dma_start3A_41 = tpu.memref_slice %arg14[%add3A_16, %dma_start3A_40] : memref<10240x128xf32, #tpu.memory_space<vmem_shared>> -> memref<128x128xf32, #tpu.memory_space<vmem_shared>>
      tpu.enqueue_dma source(%arg12 : memref<128x128xf32, #tpu.memory_space<vmem>>) target(%dma_start3A_41 : memref<128x128xf32, #tpu.memory_space<vmem_shared>>) target_semaphore(%run_scoped3A : memref<!tpu.dma_semaphore, #tpu.memory_space<semaphore_mem>>)
      %dma_wait3A = arith.constant 0 : i32
      %dma_wait3A_42 = tpu.memref_slice %arg14[%add3A_16, %dma_wait3A] : memref<10240x128xf32, #tpu.memory_space<vmem_shared>> -> memref<128x128xf32, #tpu.memory_space<vmem_shared>>
      %dma_wait3A_43 = arith.constant 0 : i32
      %dma_wait3A_44 = tpu.memref_slice %arg14[%add3A_16, %dma_wait3A_43] : memref<10240x128xf32, #tpu.memory_space<vmem_shared>> -> memref<128x128xf32, #tpu.memory_space<vmem_shared>>
      tpu.wait_dma2 semaphore(%run_scoped3A : memref<!tpu.dma_semaphore, #tpu.memory_space<semaphore_mem>>) src(%arg12 : memref<128x128xf32, #tpu.memory_space<vmem>>) dst(%dma_wait3A_44 : memref<128x128xf32, #tpu.memory_space<vmem_shared>>)
      tpu.yield
    }) : () -> ()
    %mul3A_17 = arith.constant 640 : i32
    %mul3A_18 = arith.muli %arg1, %mul3A_17 : i32
    %add3A_19 = arith.constant 512 : i32
    %add3A_20 = arith.addi %mul3A_18, %add3A_19 : i32
    "tpu.region"() ({
      %run_scoped3A = tpu.sem_alloc : memref<!tpu.dma_semaphore, #tpu.memory_space<semaphore_mem>>
      %dma_start3A = arith.constant 0 : i32
      %dma_start3A_39 = tpu.memref_slice %arg14[%add3A_20, %dma_start3A] : memref<10240x128xf32, #tpu.memory_space<vmem_shared>> -> memref<128x128xf32, #tpu.memory_space<vmem_shared>>
      %dma_start3A_40 = arith.constant 0 : i32
      %dma_start3A_41 = tpu.memref_slice %arg14[%add3A_20, %dma_start3A_40] : memref<10240x128xf32, #tpu.memory_space<vmem_shared>> -> memref<128x128xf32, #tpu.memory_space<vmem_shared>>
      tpu.enqueue_dma source(%arg12 : memref<128x128xf32, #tpu.memory_space<vmem>>) target(%dma_start3A_41 : memref<128x128xf32, #tpu.memory_space<vmem_shared>>) target_semaphore(%run_scoped3A : memref<!tpu.dma_semaphore, #tpu.memory_space<semaphore_mem>>)
      %dma_wait3A = arith.constant 0 : i32
      %dma_wait3A_42 = tpu.memref_slice %arg14[%add3A_20, %dma_wait3A] : memref<10240x128xf32, #tpu.memory_space<vmem_shared>> -> memref<128x128xf32, #tpu.memory_space<vmem_shared>>
      %dma_wait3A_43 = arith.constant 0 : i32
      %dma_wait3A_44 = tpu.memref_slice %arg14[%add3A_20, %dma_wait3A_43] : memref<10240x128xf32, #tpu.memory_space<vmem_shared>> -> memref<128x128xf32, #tpu.memory_space<vmem_shared>>
      tpu.wait_dma2 semaphore(%run_scoped3A : memref<!tpu.dma_semaphore, #tpu.memory_space<semaphore_mem>>) src(%arg12 : memref<128x128xf32, #tpu.memory_space<vmem>>) dst(%dma_wait3A_44 : memref<128x128xf32, #tpu.memory_space<vmem_shared>>)
      tpu.yield
    }) : () -> ()
    %barrier3A = arith.constant 0 : index
    tpu.barrier barrier_id(%barrier3A)
    %lt3A = arith.constant 4 : i32
    %lt3A_21 = arith.cmpi slt, %add3A, %lt3A : i32
    %jit3A = arith.constant 1 : i32
    %jit3A_22 = arith.constant 0 : i32
    %select_n3A = arith.select %lt3A_21, %jit3A, %jit3A_22 : i32
    %add3A_23 = arith.constant 78 : i32
    %add3A_24 = arith.addi %add3A_23, %select_n3A : i32
    %while3A = arith.constant 0 : i32
    %while3A_25 = arith.constant 0 : i32
    %while3A_26 = arith.subi %add3A_24, %while3A_25 : i32
    %while3A_27 = arith.addi %while3A_25, %while3A_26 : i32
    %while3A_28 = arith.constant 1 : i32
    %while3A_29 = arith.divsi %while3A_26, %while3A_28 : i32
    %while3A_30 = arith.muli %while3A_29, %while3A_28 : i32
    %while3A_31 = arith.addi %while3A_25, %while3A_30 : i32
    %while3A_32 = arith.constant 1 : i32
    scf.for %while3A_39 = %while3A_25 to %while3A_31 step %while3A_32  : i32 {
      %mul3A_40 = arith.constant 32 : i32
      %mul3A_41 = arith.muli %while3A_39, %mul3A_40 : i32
      %add3A_42 = arith.addi %add3A, %mul3A_41 : i32
      %mul3A_43 = arith.constant 128 : i32
      %mul3A_44 = arith.muli %add3A_42, %mul3A_43 : i32
      "tpu.region"() ({
        %run_scoped3A = tpu.sem_alloc : memref<!tpu.dma_semaphore, #tpu.memory_space<semaphore_mem>>
        %dma_start3A_60 = tpu.memref_slice %arg3[%mul3A_44] : memref<320000xi32, #tpu.memory_space<hbm>> -> memref<128xi32, #tpu.memory_space<hbm>>
        %dma_start3A_61 = tpu.memref_slice %arg3[%mul3A_44] : memref<320000xi32, #tpu.memory_space<hbm>> -> memref<128xi32, #tpu.memory_space<hbm>>
        tpu.enqueue_dma source(%dma_start3A_61 : memref<128xi32, #tpu.memory_space<hbm>>) target(%arg9 : memref<128xi32, #tpu.memory_space<vmem>>) target_semaphore(%run_scoped3A : memref<!tpu.dma_semaphore, #tpu.memory_space<semaphore_mem>>)
        %dma_wait3A_62 = tpu.memref_slice %arg3[%mul3A_44] : memref<320000xi32, #tpu.memory_space<hbm>> -> memref<128xi32, #tpu.memory_space<hbm>>
        %dma_wait3A_63 = tpu.memref_slice %arg3[%mul3A_44] : memref<320000xi32, #tpu.memory_space<hbm>> -> memref<128xi32, #tpu.memory_space<hbm>>
        tpu.wait_dma2 semaphore(%run_scoped3A : memref<!tpu.dma_semaphore, #tpu.memory_space<semaphore_mem>>) src(%dma_wait3A_63 : memref<128xi32, #tpu.memory_space<hbm>>) dst(%arg9 : memref<128xi32, #tpu.memory_space<vmem>>)
        tpu.yield
      }) : () -> ()
      "tpu.region"() ({
        %run_scoped3A = tpu.sem_alloc : memref<!tpu.dma_semaphore, #tpu.memory_space<semaphore_mem>>
        %dma_start3A_60 = tpu.memref_slice %arg5[%mul3A_44] : memref<320000xi32, #tpu.memory_space<hbm>> -> memref<128xi32, #tpu.memory_space<hbm>>
        %dma_start3A_61 = tpu.memref_slice %arg5[%mul3A_44] : memref<320000xi32, #tpu.memory_space<hbm>> -> memref<128xi32, #tpu.memory_space<hbm>>
        tpu.enqueue_dma source(%dma_start3A_61 : memref<128xi32, #tpu.memory_space<hbm>>) target(%arg11 : memref<128xi32, #tpu.memory_space<vmem>>) target_semaphore(%run_scoped3A : memref<!tpu.dma_semaphore, #tpu.memory_space<semaphore_mem>>)
        %dma_wait3A_62 = tpu.memref_slice %arg5[%mul3A_44] : memref<320000xi32, #tpu.memory_space<hbm>> -> memref<128xi32, #tpu.memory_space<hbm>>
        %dma_wait3A_63 = tpu.memref_slice %arg5[%mul3A_44] : memref<320000xi32, #tpu.memory_space<hbm>> -> memref<128xi32, #tpu.memory_space<hbm>>
        tpu.wait_dma2 semaphore(%run_scoped3A : memref<!tpu.dma_semaphore, #tpu.memory_space<semaphore_mem>>) src(%dma_wait3A_63 : memref<128xi32, #tpu.memory_space<hbm>>) dst(%arg11 : memref<128xi32, #tpu.memory_space<vmem>>)
        tpu.yield
      }) : () -> ()
      "tpu.region"() ({
        %run_scoped3A = tpu.sem_alloc : memref<!tpu.dma_semaphore, #tpu.memory_space<semaphore_mem>>
        %dma_start3A_60 = tpu.memref_slice %arg4[%mul3A_44] : memref<320000xi32, #tpu.memory_space<hbm>> -> memref<128xi32, #tpu.memory_space<hbm>>
        %dma_start3A_61 = tpu.memref_slice %arg4[%mul3A_44] : memref<320000xi32, #tpu.memory_space<hbm>> -> memref<128xi32, #tpu.memory_space<hbm>>
        tpu.enqueue_dma source(%dma_start3A_61 : memref<128xi32, #tpu.memory_space<hbm>>) target(%arg10 : memref<128xi32, #tpu.memory_space<vmem>>) target_semaphore(%run_scoped3A : memref<!tpu.dma_semaphore, #tpu.memory_space<semaphore_mem>>)
        %dma_wait3A_62 = tpu.memref_slice %arg4[%mul3A_44] : memref<320000xi32, #tpu.memory_space<hbm>> -> memref<128xi32, #tpu.memory_space<hbm>>
        %dma_wait3A_63 = tpu.memref_slice %arg4[%mul3A_44] : memref<320000xi32, #tpu.memory_space<hbm>> -> memref<128xi32, #tpu.memory_space<hbm>>
        tpu.wait_dma2 semaphore(%run_scoped3A : memref<!tpu.dma_semaphore, #tpu.memory_space<semaphore_mem>>) src(%dma_wait3A_63 : memref<128xi32, #tpu.memory_space<hbm>>) dst(%arg10 : memref<128xi32, #tpu.memory_space<vmem>>)
        tpu.yield
      }) : () -> ()
      %dma_start3A = arith.constant 0 : i32
      %dma_start3A_45 = arith.constant 0 : i32
      %dma_start3A_46 = tpu.memref_slice %arg2[%dma_start3A, %dma_start3A_45] : memref<10240x128xf32, #tpu.memory_space<hbm>> -> memref<10240x128xf32, #tpu.memory_space<hbm>>
      tpu.enqueue_indirect_dma source(%dma_start3A_46 : memref<10240x128xf32, #tpu.memory_space<hbm>>) target(%arg12 : memref<128x128xf32, #tpu.memory_space<vmem>>) offsets(%arg9 : memref<128xi32, #tpu.memory_space<vmem>>) semaphore(%arg15 : memref<!tpu.dma_semaphore, #tpu.memory_space<semaphore_mem>>)
      %dma_start3A_47 = arith.constant 0 : i32
      %dma_start3A_48 = arith.constant 0 : i32
      %dma_start3A_49 = tpu.memref_slice %arg6[%dma_start3A_47, %dma_start3A_48] : memref<64x128xf32, #tpu.memory_space<hbm>> -> memref<64x128xf32, #tpu.memory_space<hbm>>
      tpu.enqueue_indirect_dma source(%dma_start3A_49 : memref<64x128xf32, #tpu.memory_space<hbm>>) target(%arg13 : memref<128x128xf32, #tpu.memory_space<vmem>>) offsets(%arg11 : memref<128xi32, #tpu.memory_space<vmem>>) semaphore(%arg16 : memref<!tpu.dma_semaphore, #tpu.memory_space<semaphore_mem>>)
      %dma_wait3A = arith.constant 0 : i32
      %dma_wait3A_50 = arith.constant 0 : i32
      %dma_wait3A_51 = tpu.memref_slice %arg2[%dma_wait3A, %dma_wait3A_50] : memref<10240x128xf32, #tpu.memory_space<hbm>> -> memref<10240x128xf32, #tpu.memory_space<hbm>>
      tpu.wait_indirect_dma semaphore(%arg15 : memref<!tpu.dma_semaphore, #tpu.memory_space<semaphore_mem>>) src(%dma_wait3A_51 : memref<10240x128xf32, #tpu.memory_space<hbm>>) dst(%arg12 : memref<128x128xf32, #tpu.memory_space<vmem>>)
      %dma_wait3A_52 = arith.constant 0 : i32
      %dma_wait3A_53 = arith.constant 0 : i32
      %dma_wait3A_54 = tpu.memref_slice %arg6[%dma_wait3A_52, %dma_wait3A_53] : memref<64x128xf32, #tpu.memory_space<hbm>> -> memref<64x128xf32, #tpu.memory_space<hbm>>
      tpu.wait_indirect_dma semaphore(%arg16 : memref<!tpu.dma_semaphore, #tpu.memory_space<semaphore_mem>>) src(%dma_wait3A_54 : memref<64x128xf32, #tpu.memory_space<hbm>>) dst(%arg13 : memref<128x128xf32, #tpu.memory_space<vmem>>)
      %scan3A = arith.constant 0 : i32
      %scan3A_55 = arith.constant 0 : i32
      %scan3A_56 = arith.constant 128 : i32
      %scan3A_57 = arith.addi %scan3A_55, %scan3A_56 : i32
      %scan3A_58 = arith.constant 1 : i32
      scf.for %scan3A_60 = %scan3A_55 to %scan3A_57 step %scan3A_58  : i32 {
        %get3A = arith.index_cast %scan3A_60 : i32 to index
        %get3A_61 = arith.constant 0 : index
        %get3A_62 = tpu.vector_load %arg12[%get3A, %get3A_61] {strides = array<i32>} : memref<128x128xf32, #tpu.memory_space<vmem>>, vector<1x16xf32>,
        %get3A_63 = vector.shape_cast %get3A_62 : vector<1x16xf32> to vector<16xf32>
        %get3A_64 = arith.index_cast %scan3A_60 : i32 to index
        %get3A_65 = arith.constant 0 : index
        %get3A_66 = tpu.vector_load %arg13[%get3A_64, %get3A_65] {strides = array<i32>} : memref<128x128xf32, #tpu.memory_space<vmem>>, vector<1x16xf32>,
        %get3A_67 = vector.shape_cast %get3A_66 : vector<1x16xf32> to vector<16xf32>
        %mul3A_68 = arith.mulf %get3A_63, %get3A_67 : vector<16xf32>
        %swap3A = arith.index_cast %scan3A_60 : i32 to index
        %swap3A_69 = arith.constant 0 : index
        %swap3A_70 = tpu.vector_load %arg12[%swap3A, %swap3A_69] {strides = array<i32>} : memref<128x128xf32, #tpu.memory_space<vmem>>, vector<1x16xf32>,
        %swap3A_71 = vector.shape_cast %swap3A_70 : vector<1x16xf32> to vector<16xf32>
        %swap3A_72 = vector.shape_cast %mul3A_68 : vector<16xf32> to vector<1x16xf32>
        tpu.vector_store %arg12[%swap3A, %swap3A_69], %swap3A_72 {strides = array<i32>} : memref<128x128xf32, #tpu.memory_space<vmem>>, vector<1x16xf32>,
        %get3A_73 = arith.index_cast %scan3A_60 : i32 to index
        %get3A_74 = arith.constant 16 : index
        %get3A_75 = tpu.vector_load %arg12[%get3A_73, %get3A_74] {strides = array<i32>} : memref<128x128xf32, #tpu.memory_space<vmem>>, vector<1x16xf32>,
        %get3A_76 = vector.shape_cast %get3A_75 : vector<1x16xf32> to vector<16xf32>
        %get3A_77 = arith.index_cast %scan3A_60 : i32 to index
        %get3A_78 = arith.constant 16 : index
        %get3A_79 = tpu.vector_load %arg13[%get3A_77, %get3A_78] {strides = array<i32>} : memref<128x128xf32, #tpu.memory_space<vmem>>, vector<1x16xf32>,
        %get3A_80 = vector.shape_cast %get3A_79 : vector<1x16xf32> to vector<16xf32>
        %mul3A_81 = arith.mulf %get3A_76, %get3A_80 : vector<16xf32>
        %swap3A_82 = arith.index_cast %scan3A_60 : i32 to index
        %swap3A_83 = arith.constant 16 : index
        %swap3A_84 = tpu.vector_load %arg12[%swap3A_82, %swap3A_83] {strides = array<i32>} : memref<128x128xf32, #tpu.memory_space<vmem>>, vector<1x16xf32>,
        %swap3A_85 = vector.shape_cast %swap3A_84 : vector<1x16xf32> to vector<16xf32>
        %swap3A_86 = vector.shape_cast %mul3A_81 : vector<16xf32> to vector<1x16xf32>
        tpu.vector_store %arg12[%swap3A_82, %swap3A_83], %swap3A_86 {strides = array<i32>} : memref<128x128xf32, #tpu.memory_space<vmem>>, vector<1x16xf32>,
        %get3A_87 = arith.index_cast %scan3A_60 : i32 to index
        %get3A_88 = arith.constant 32 : index
        %get3A_89 = tpu.vector_load %arg12[%get3A_87, %get3A_88] {strides = array<i32>} : memref<128x128xf32, #tpu.memory_space<vmem>>, vector<1x16xf32>,
        %get3A_90 = vector.shape_cast %get3A_89 : vector<1x16xf32> to vector<16xf32>
        %get3A_91 = arith.index_cast %scan3A_60 : i32 to index
        %get3A_92 = arith.constant 32 : index
        %get3A_93 = tpu.vector_load %arg13[%get3A_91, %get3A_92] {strides = array<i32>} : memref<128x128xf32, #tpu.memory_space<vmem>>, vector<1x16xf32>,
        %get3A_94 = vector.shape_cast %get3A_93 : vector<1x16xf32> to vector<16xf32>
        %mul3A_95 = arith.mulf %get3A_90, %get3A_94 : vector<16xf32>
        %swap3A_96 = arith.index_cast %scan3A_60 : i32 to index
        %swap3A_97 = arith.constant 32 : index
        %swap3A_98 = tpu.vector_load %arg12[%swap3A_96, %swap3A_97] {strides = array<i32>} : memref<128x128xf32, #tpu.memory_space<vmem>>, vector<1x16xf32>,
        %swap3A_99 = vector.shape_cast %swap3A_98 : vector<1x16xf32> to vector<16xf32>
        %swap3A_100 = vector.shape_cast %mul3A_95 : vector<16xf32> to vector<1x16xf32>
        tpu.vector_store %arg12[%swap3A_96, %swap3A_97], %swap3A_100 {strides = array<i32>} : memref<128x128xf32, #tpu.memory_space<vmem>>, vector<1x16xf32>,
        %get3A_101 = arith.index_cast %scan3A_60 : i32 to index
        %get3A_102 = arith.constant 48 : index
        %get3A_103 = tpu.vector_load %arg12[%get3A_101, %get3A_102] {strides = array<i32>} : memref<128x128xf32, #tpu.memory_space<vmem>>, vector<1x16xf32>,
        %get3A_104 = vector.shape_cast %get3A_103 : vector<1x16xf32> to vector<16xf32>
        %get3A_105 = arith.index_cast %scan3A_60 : i32 to index
        %get3A_106 = arith.constant 48 : index
        %get3A_107 = tpu.vector_load %arg13[%get3A_105, %get3A_106] {strides = array<i32>} : memref<128x128xf32, #tpu.memory_space<vmem>>, vector<1x16xf32>,
        %get3A_108 = vector.shape_cast %get3A_107 : vector<1x16xf32> to vector<16xf32>
        %mul3A_109 = arith.mulf %get3A_104, %get3A_108 : vector<16xf32>
        %swap3A_110 = arith.index_cast %scan3A_60 : i32 to index
        %swap3A_111 = arith.constant 48 : index
        %swap3A_112 = tpu.vector_load %arg12[%swap3A_110, %swap3A_111] {strides = array<i32>} : memref<128x128xf32, #tpu.memory_space<vmem>>, vector<1x16xf32>,
        %swap3A_113 = vector.shape_cast %swap3A_112 : vector<1x16xf32> to vector<16xf32>
        %swap3A_114 = vector.shape_cast %mul3A_109 : vector<16xf32> to vector<1x16xf32>
        tpu.vector_store %arg12[%swap3A_110, %swap3A_111], %swap3A_114 {strides = array<i32>} : memref<128x128xf32, #tpu.memory_space<vmem>>, vector<1x16xf32>,
        %get3A_115 = arith.index_cast %scan3A_60 : i32 to index
        %get3A_116 = arith.constant 64 : index
        %get3A_117 = tpu.vector_load %arg12[%get3A_115, %get3A_116] {strides = array<i32>} : memref<128x128xf32, #tpu.memory_space<vmem>>, vector<1x16xf32>,
        %get3A_118 = vector.shape_cast %get3A_117 : vector<1x16xf32> to vector<16xf32>
        %get3A_119 = arith.index_cast %scan3A_60 : i32 to index
        %get3A_120 = arith.constant 64 : index
        %get3A_121 = tpu.vector_load %arg13[%get3A_119, %get3A_120] {strides = array<i32>} : memref<128x128xf32, #tpu.memory_space<vmem>>, vector<1x16xf32>,
        %get3A_122 = vector.shape_cast %get3A_121 : vector<1x16xf32> to vector<16xf32>
        %mul3A_123 = arith.mulf %get3A_118, %get3A_122 : vector<16xf32>
        %swap3A_124 = arith.index_cast %scan3A_60 : i32 to index
        %swap3A_125 = arith.constant 64 : index
        %swap3A_126 = tpu.vector_load %arg12[%swap3A_124, %swap3A_125] {strides = array<i32>} : memref<128x128xf32, #tpu.memory_space<vmem>>, vector<1x16xf32>,
        %swap3A_127 = vector.shape_cast %swap3A_126 : vector<1x16xf32> to vector<16xf32>
        %swap3A_128 = vector.shape_cast %mul3A_123 : vector<16xf32> to vector<1x16xf32>
        tpu.vector_store %arg12[%swap3A_124, %swap3A_125], %swap3A_128 {strides = array<i32>} : memref<128x128xf32, #tpu.memory_space<vmem>>, vector<1x16xf32>,
        %get3A_129 = arith.index_cast %scan3A_60 : i32 to index
        %get3A_130 = arith.constant 80 : index
        %get3A_131 = tpu.vector_load %arg12[%get3A_129, %get3A_130] {strides = array<i32>} : memref<128x128xf32, #tpu.memory_space<vmem>>, vector<1x16xf32>,
        %get3A_132 = vector.shape_cast %get3A_131 : vector<1x16xf32> to vector<16xf32>
        %get3A_133 = arith.index_cast %scan3A_60 : i32 to index
        %get3A_134 = arith.constant 80 : index
        %get3A_135 = tpu.vector_load %arg13[%get3A_133, %get3A_134] {strides = array<i32>} : memref<128x128xf32, #tpu.memory_space<vmem>>, vector<1x16xf32>,
        %get3A_136 = vector.shape_cast %get3A_135 : vector<1x16xf32> to vector<16xf32>
        %mul3A_137 = arith.mulf %get3A_132, %get3A_136 : vector<16xf32>
        %swap3A_138 = arith.index_cast %scan3A_60 : i32 to index
        %swap3A_139 = arith.constant 80 : index
        %swap3A_140 = tpu.vector_load %arg12[%swap3A_138, %swap3A_139] {strides = array<i32>} : memref<128x128xf32, #tpu.memory_space<vmem>>, vector<1x16xf32>,
        %swap3A_141 = vector.shape_cast %swap3A_140 : vector<1x16xf32> to vector<16xf32>
        %swap3A_142 = vector.shape_cast %mul3A_137 : vector<16xf32> to vector<1x16xf32>
        tpu.vector_store %arg12[%swap3A_138, %swap3A_139], %swap3A_142 {strides = array<i32>} : memref<128x128xf32, #tpu.memory_space<vmem>>, vector<1x16xf32>,
        %get3A_143 = arith.index_cast %scan3A_60 : i32 to index
        %get3A_144 = arith.constant 96 : index
        %get3A_145 = tpu.vector_load %arg12[%get3A_143, %get3A_144] {strides = array<i32>} : memref<128x128xf32, #tpu.memory_space<vmem>>, vector<1x16xf32>,
        %get3A_146 = vector.shape_cast %get3A_145 : vector<1x16xf32> to vector<16xf32>
        %get3A_147 = arith.index_cast %scan3A_60 : i32 to index
        %get3A_148 = arith.constant 96 : index
        %get3A_149 = tpu.vector_load %arg13[%get3A_147, %get3A_148] {strides = array<i32>} : memref<128x128xf32, #tpu.memory_space<vmem>>, vector<1x16xf32>,
        %get3A_150 = vector.shape_cast %get3A_149 : vector<1x16xf32> to vector<16xf32>
        %mul3A_151 = arith.mulf %get3A_146, %get3A_150 : vector<16xf32>
        %swap3A_152 = arith.index_cast %scan3A_60 : i32 to index
        %swap3A_153 = arith.constant 96 : index
        %swap3A_154 = tpu.vector_load %arg12[%swap3A_152, %swap3A_153] {strides = array<i32>} : memref<128x128xf32, #tpu.memory_space<vmem>>, vector<1x16xf32>,
        %swap3A_155 = vector.shape_cast %swap3A_154 : vector<1x16xf32> to vector<16xf32>
        %swap3A_156 = vector.shape_cast %mul3A_151 : vector<16xf32> to vector<1x16xf32>
        tpu.vector_store %arg12[%swap3A_152, %swap3A_153], %swap3A_156 {strides = array<i32>} : memref<128x128xf32, #tpu.memory_space<vmem>>, vector<1x16xf32>,
        %get3A_157 = arith.index_cast %scan3A_60 : i32 to index
        %get3A_158 = arith.constant 112 : index
        %get3A_159 = tpu.vector_load %arg12[%get3A_157, %get3A_158] {strides = array<i32>} : memref<128x128xf32, #tpu.memory_space<vmem>>, vector<1x16xf32>,
        %get3A_160 = vector.shape_cast %get3A_159 : vector<1x16xf32> to vector<16xf32>
        %get3A_161 = arith.index_cast %scan3A_60 : i32 to index
        %get3A_162 = arith.constant 112 : index
        %get3A_163 = tpu.vector_load %arg13[%get3A_161, %get3A_162] {strides = array<i32>} : memref<128x128xf32, #tpu.memory_space<vmem>>, vector<1x16xf32>,
        %get3A_164 = vector.shape_cast %get3A_163 : vector<1x16xf32> to vector<16xf32>
        %mul3A_165 = arith.mulf %get3A_160, %get3A_164 : vector<16xf32>
        %swap3A_166 = arith.index_cast %scan3A_60 : i32 to index
        %swap3A_167 = arith.constant 112 : index
        %swap3A_168 = tpu.vector_load %arg12[%swap3A_166, %swap3A_167] {strides = array<i32>} : memref<128x128xf32, #tpu.memory_space<vmem>>, vector<1x16xf32>,
        %swap3A_169 = vector.shape_cast %swap3A_168 : vector<1x16xf32> to vector<16xf32>
        %swap3A_170 = vector.shape_cast %mul3A_165 : vector<16xf32> to vector<1x16xf32>
        tpu.vector_store %arg12[%swap3A_166, %swap3A_167], %swap3A_170 {strides = array<i32>} : memref<128x128xf32, #tpu.memory_space<vmem>>, vector<1x16xf32>,
      }
      %scan3A_59 = arith.constant 128 : i32
      "tpu.region"() ({
        %run_scoped3A = tpu.sem_alloc : memref<!tpu.dma_semaphore, #tpu.memory_space<semaphore_mem>>
        %dma_start3A_60 = arith.constant 0 : i32
        %dma_start3A_61 = arith.constant 0 : i32
        %dma_start3A_62 = tpu.memref_slice %arg14[%dma_start3A_60, %dma_start3A_61] : memref<10240x128xf32, #tpu.memory_space<vmem_shared>> -> memref<10240x128xf32, #tpu.memory_space<vmem_shared>>
        tpu.enqueue_indirect_dma source(%arg12 : memref<128x128xf32, #tpu.memory_space<vmem>>) target(%dma_start3A_62 : memref<10240x128xf32, #tpu.memory_space<vmem_shared>>) offsets(%arg10 : memref<128xi32, #tpu.memory_space<vmem>>) semaphore(%run_scoped3A : memref<!tpu.dma_semaphore, #tpu.memory_space<semaphore_mem>>) {add = true}
        %dma_wait3A_63 = arith.constant 0 : i32
        %dma_wait3A_64 = arith.constant 0 : i32
        %dma_wait3A_65 = tpu.memref_slice %arg14[%dma_wait3A_63, %dma_wait3A_64] : memref<10240x128xf32, #tpu.memory_space<vmem_shared>> -> memref<10240x128xf32, #tpu.memory_space<vmem_shared>>
        tpu.wait_indirect_dma semaphore(%run_scoped3A : memref<!tpu.dma_semaphore, #tpu.memory_space<semaphore_mem>>) src(%arg12 : memref<128x128xf32, #tpu.memory_space<vmem>>) dst(%dma_wait3A_65 : memref<10240x128xf32, #tpu.memory_space<vmem_shared>>)
        tpu.yield
      }) : () -> ()
    }
    %while3A_33 = arith.constant 1 : i32
    scf.for %while3A_39 = %while3A_31 to %while3A_27 step %while3A_33  : i32 {
      %mul3A_40 = arith.constant 32 : i32
      %mul3A_41 = arith.muli %while3A_39, %mul3A_40 : i32
      %add3A_42 = arith.addi %add3A, %mul3A_41 : i32
      %mul3A_43 = arith.constant 128 : i32
      %mul3A_44 = arith.muli %add3A_42, %mul3A_43 : i32
      "tpu.region"() ({
        %run_scoped3A = tpu.sem_alloc : memref<!tpu.dma_semaphore, #tpu.memory_space<semaphore_mem>>
        %dma_start3A_60 = tpu.memref_slice %arg3[%mul3A_44] : memref<320000xi32, #tpu.memory_space<hbm>> -> memref<128xi32, #tpu.memory_space<hbm>>
        %dma_start3A_61 = tpu.memref_slice %arg3[%mul3A_44] : memref<320000xi32, #tpu.memory_space<hbm>> -> memref<128xi32, #tpu.memory_space<hbm>>
        tpu.enqueue_dma source(%dma_start3A_61 : memref<128xi32, #tpu.memory_space<hbm>>) target(%arg9 : memref<128xi32, #tpu.memory_space<vmem>>) target_semaphore(%run_scoped3A : memref<!tpu.dma_semaphore, #tpu.memory_space<semaphore_mem>>)
        %dma_wait3A_62 = tpu.memref_slice %arg3[%mul3A_44] : memref<320000xi32, #tpu.memory_space<hbm>> -> memref<128xi32, #tpu.memory_space<hbm>>
        %dma_wait3A_63 = tpu.memref_slice %arg3[%mul3A_44] : memref<320000xi32, #tpu.memory_space<hbm>> -> memref<128xi32, #tpu.memory_space<hbm>>
        tpu.wait_dma2 semaphore(%run_scoped3A : memref<!tpu.dma_semaphore, #tpu.memory_space<semaphore_mem>>) src(%dma_wait3A_63 : memref<128xi32, #tpu.memory_space<hbm>>) dst(%arg9 : memref<128xi32, #tpu.memory_space<vmem>>)
        tpu.yield
      }) : () -> ()
      "tpu.region"() ({
        %run_scoped3A = tpu.sem_alloc : memref<!tpu.dma_semaphore, #tpu.memory_space<semaphore_mem>>
        %dma_start3A_60 = tpu.memref_slice %arg5[%mul3A_44] : memref<320000xi32, #tpu.memory_space<hbm>> -> memref<128xi32, #tpu.memory_space<hbm>>
        %dma_start3A_61 = tpu.memref_slice %arg5[%mul3A_44] : memref<320000xi32, #tpu.memory_space<hbm>> -> memref<128xi32, #tpu.memory_space<hbm>>
        tpu.enqueue_dma source(%dma_start3A_61 : memref<128xi32, #tpu.memory_space<hbm>>) target(%arg11 : memref<128xi32, #tpu.memory_space<vmem>>) target_semaphore(%run_scoped3A : memref<!tpu.dma_semaphore, #tpu.memory_space<semaphore_mem>>)
        %dma_wait3A_62 = tpu.memref_slice %arg5[%mul3A_44] : memref<320000xi32, #tpu.memory_space<hbm>> -> memref<128xi32, #tpu.memory_space<hbm>>
        %dma_wait3A_63 = tpu.memref_slice %arg5[%mul3A_44] : memref<320000xi32, #tpu.memory_space<hbm>> -> memref<128xi32, #tpu.memory_space<hbm>>
        tpu.wait_dma2 semaphore(%run_scoped3A : memref<!tpu.dma_semaphore, #tpu.memory_space<semaphore_mem>>) src(%dma_wait3A_63 : memref<128xi32, #tpu.memory_space<hbm>>) dst(%arg11 : memref<128xi32, #tpu.memory_space<vmem>>)
        tpu.yield
      }) : () -> ()
      "tpu.region"() ({
        %run_scoped3A = tpu.sem_alloc : memref<!tpu.dma_semaphore, #tpu.memory_space<semaphore_mem>>
        %dma_start3A_60 = tpu.memref_slice %arg4[%mul3A_44] : memref<320000xi32, #tpu.memory_space<hbm>> -> memref<128xi32, #tpu.memory_space<hbm>>
        %dma_start3A_61 = tpu.memref_slice %arg4[%mul3A_44] : memref<320000xi32, #tpu.memory_space<hbm>> -> memref<128xi32, #tpu.memory_space<hbm>>
        tpu.enqueue_dma source(%dma_start3A_61 : memref<128xi32, #tpu.memory_space<hbm>>) target(%arg10 : memref<128xi32, #tpu.memory_space<vmem>>) target_semaphore(%run_scoped3A : memref<!tpu.dma_semaphore, #tpu.memory_space<semaphore_mem>>)
        %dma_wait3A_62 = tpu.memref_slice %arg4[%mul3A_44] : memref<320000xi32, #tpu.memory_space<hbm>> -> memref<128xi32, #tpu.memory_space<hbm>>
        %dma_wait3A_63 = tpu.memref_slice %arg4[%mul3A_44] : memref<320000xi32, #tpu.memory_space<hbm>> -> memref<128xi32, #tpu.memory_space<hbm>>
        tpu.wait_dma2 semaphore(%run_scoped3A : memref<!tpu.dma_semaphore, #tpu.memory_space<semaphore_mem>>) src(%dma_wait3A_63 : memref<128xi32, #tpu.memory_space<hbm>>) dst(%arg10 : memref<128xi32, #tpu.memory_space<vmem>>)
        tpu.yield
      }) : () -> ()
      %dma_start3A = arith.constant 0 : i32
      %dma_start3A_45 = arith.constant 0 : i32
      %dma_start3A_46 = tpu.memref_slice %arg2[%dma_start3A, %dma_start3A_45] : memref<10240x128xf32, #tpu.memory_space<hbm>> -> memref<10240x128xf32, #tpu.memory_space<hbm>>
      tpu.enqueue_indirect_dma source(%dma_start3A_46 : memref<10240x128xf32, #tpu.memory_space<hbm>>) target(%arg12 : memref<128x128xf32, #tpu.memory_space<vmem>>) offsets(%arg9 : memref<128xi32, #tpu.memory_space<vmem>>) semaphore(%arg15 : memref<!tpu.dma_semaphore, #tpu.memory_space<semaphore_mem>>)
      %dma_start3A_47 = arith.constant 0 : i32
      %dma_start3A_48 = arith.constant 0 : i32
      %dma_start3A_49 = tpu.memref_slice %arg6[%dma_start3A_47, %dma_start3A_48] : memref<64x128xf32, #tpu.memory_space<hbm>> -> memref<64x128xf32, #tpu.memory_space<hbm>>
      tpu.enqueue_indirect_dma source(%dma_start3A_49 : memref<64x128xf32, #tpu.memory_space<hbm>>) target(%arg13 : memref<128x128xf32, #tpu.memory_space<vmem>>) offsets(%arg11 : memref<128xi32, #tpu.memory_space<vmem>>) semaphore(%arg16 : memref<!tpu.dma_semaphore, #tpu.memory_space<semaphore_mem>>)
      %dma_wait3A = arith.constant 0 : i32
      %dma_wait3A_50 = arith.constant 0 : i32
      %dma_wait3A_51 = tpu.memref_slice %arg2[%dma_wait3A, %dma_wait3A_50] : memref<10240x128xf32, #tpu.memory_space<hbm>> -> memref<10240x128xf32, #tpu.memory_space<hbm>>
      tpu.wait_indirect_dma semaphore(%arg15 : memref<!tpu.dma_semaphore, #tpu.memory_space<semaphore_mem>>) src(%dma_wait3A_51 : memref<10240x128xf32, #tpu.memory_space<hbm>>) dst(%arg12 : memref<128x128xf32, #tpu.memory_space<vmem>>)
      %dma_wait3A_52 = arith.constant 0 : i32
      %dma_wait3A_53 = arith.constant 0 : i32
      %dma_wait3A_54 = tpu.memref_slice %arg6[%dma_wait3A_52, %dma_wait3A_53] : memref<64x128xf32, #tpu.memory_space<hbm>> -> memref<64x128xf32, #tpu.memory_space<hbm>>
      tpu.wait_indirect_dma semaphore(%arg16 : memref<!tpu.dma_semaphore, #tpu.memory_space<semaphore_mem>>) src(%dma_wait3A_54 : memref<64x128xf32, #tpu.memory_space<hbm>>) dst(%arg13 : memref<128x128xf32, #tpu.memory_space<vmem>>)
      %scan3A = arith.constant 0 : i32
      %scan3A_55 = arith.constant 0 : i32
      %scan3A_56 = arith.constant 128 : i32
      %scan3A_57 = arith.addi %scan3A_55, %scan3A_56 : i32
      %scan3A_58 = arith.constant 1 : i32
      scf.for %scan3A_60 = %scan3A_55 to %scan3A_57 step %scan3A_58  : i32 {
        %get3A = arith.index_cast %scan3A_60 : i32 to index
        %get3A_61 = arith.constant 0 : index
        %get3A_62 = tpu.vector_load %arg12[%get3A, %get3A_61] {strides = array<i32>} : memref<128x128xf32, #tpu.memory_space<vmem>>, vector<1x16xf32>,
        %get3A_63 = vector.shape_cast %get3A_62 : vector<1x16xf32> to vector<16xf32>
        %get3A_64 = arith.index_cast %scan3A_60 : i32 to index
        %get3A_65 = arith.constant 0 : index
        %get3A_66 = tpu.vector_load %arg13[%get3A_64, %get3A_65] {strides = array<i32>} : memref<128x128xf32, #tpu.memory_space<vmem>>, vector<1x16xf32>,
        %get3A_67 = vector.shape_cast %get3A_66 : vector<1x16xf32> to vector<16xf32>
        %mul3A_68 = arith.mulf %get3A_63, %get3A_67 : vector<16xf32>
        %swap3A = arith.index_cast %scan3A_60 : i32 to index
        %swap3A_69 = arith.constant 0 : index
        %swap3A_70 = tpu.vector_load %arg12[%swap3A, %swap3A_69] {strides = array<i32>} : memref<128x128xf32, #tpu.memory_space<vmem>>, vector<1x16xf32>,
        %swap3A_71 = vector.shape_cast %swap3A_70 : vector<1x16xf32> to vector<16xf32>
        %swap3A_72 = vector.shape_cast %mul3A_68 : vector<16xf32> to vector<1x16xf32>
        tpu.vector_store %arg12[%swap3A, %swap3A_69], %swap3A_72 {strides = array<i32>} : memref<128x128xf32, #tpu.memory_space<vmem>>, vector<1x16xf32>,
        %get3A_73 = arith.index_cast %scan3A_60 : i32 to index
        %get3A_74 = arith.constant 16 : index
        %get3A_75 = tpu.vector_load %arg12[%get3A_73, %get3A_74] {strides = array<i32>} : memref<128x128xf32, #tpu.memory_space<vmem>>, vector<1x16xf32>,
        %get3A_76 = vector.shape_cast %get3A_75 : vector<1x16xf32> to vector<16xf32>
        %get3A_77 = arith.index_cast %scan3A_60 : i32 to index
        %get3A_78 = arith.constant 16 : index
        %get3A_79 = tpu.vector_load %arg13[%get3A_77, %get3A_78] {strides = array<i32>} : memref<128x128xf32, #tpu.memory_space<vmem>>, vector<1x16xf32>,
        %get3A_80 = vector.shape_cast %get3A_79 : vector<1x16xf32> to vector<16xf32>
        %mul3A_81 = arith.mulf %get3A_76, %get3A_80 : vector<16xf32>
        %swap3A_82 = arith.index_cast %scan3A_60 : i32 to index
        %swap3A_83 = arith.constant 16 : index
        %swap3A_84 = tpu.vector_load %arg12[%swap3A_82, %swap3A_83] {strides = array<i32>} : memref<128x128xf32, #tpu.memory_space<vmem>>, vector<1x16xf32>,
        %swap3A_85 = vector.shape_cast %swap3A_84 : vector<1x16xf32> to vector<16xf32>
        %swap3A_86 = vector.shape_cast %mul3A_81 : vector<16xf32> to vector<1x16xf32>
        tpu.vector_store %arg12[%swap3A_82, %swap3A_83], %swap3A_86 {strides = array<i32>} : memref<128x128xf32, #tpu.memory_space<vmem>>, vector<1x16xf32>,
        %get3A_87 = arith.index_cast %scan3A_60 : i32 to index
        %get3A_88 = arith.constant 32 : index
        %get3A_89 = tpu.vector_load %arg12[%get3A_87, %get3A_88] {strides = array<i32>} : memref<128x128xf32, #tpu.memory_space<vmem>>, vector<1x16xf32>,
        %get3A_90 = vector.shape_cast %get3A_89 : vector<1x16xf32> to vector<16xf32>
        %get3A_91 = arith.index_cast %scan3A_60 : i32 to index
        %get3A_92 = arith.constant 32 : index
        %get3A_93 = tpu.vector_load %arg13[%get3A_91, %get3A_92] {strides = array<i32>} : memref<128x128xf32, #tpu.memory_space<vmem>>, vector<1x16xf32>,
        %get3A_94 = vector.shape_cast %get3A_93 : vector<1x16xf32> to vector<16xf32>
        %mul3A_95 = arith.mulf %get3A_90, %get3A_94 : vector<16xf32>
        %swap3A_96 = arith.index_cast %scan3A_60 : i32 to index
        %swap3A_97 = arith.constant 32 : index
        %swap3A_98 = tpu.vector_load %arg12[%swap3A_96, %swap3A_97] {strides = array<i32>} : memref<128x128xf32, #tpu.memory_space<vmem>>, vector<1x16xf32>,
        %swap3A_99 = vector.shape_cast %swap3A_98 : vector<1x16xf32> to vector<16xf32>
        %swap3A_100 = vector.shape_cast %mul3A_95 : vector<16xf32> to vector<1x16xf32>
        tpu.vector_store %arg12[%swap3A_96, %swap3A_97], %swap3A_100 {strides = array<i32>} : memref<128x128xf32, #tpu.memory_space<vmem>>, vector<1x16xf32>,
        %get3A_101 = arith.index_cast %scan3A_60 : i32 to index
        %get3A_102 = arith.constant 48 : index
        %get3A_103 = tpu.vector_load %arg12[%get3A_101, %get3A_102] {strides = array<i32>} : memref<128x128xf32, #tpu.memory_space<vmem>>, vector<1x16xf32>,
        %get3A_104 = vector.shape_cast %get3A_103 : vector<1x16xf32> to vector<16xf32>
        %get3A_105 = arith.index_cast %scan3A_60 : i32 to index
        %get3A_106 = arith.constant 48 : index
        %get3A_107 = tpu.vector_load %arg13[%get3A_105, %get3A_106] {strides = array<i32>} : memref<128x128xf32, #tpu.memory_space<vmem>>, vector<1x16xf32>,
        %get3A_108 = vector.shape_cast %get3A_107 : vector<1x16xf32> to vector<16xf32>
        %mul3A_109 = arith.mulf %get3A_104, %get3A_108 : vector<16xf32>
        %swap3A_110 = arith.index_cast %scan3A_60 : i32 to index
        %swap3A_111 = arith.constant 48 : index
        %swap3A_112 = tpu.vector_load %arg12[%swap3A_110, %swap3A_111] {strides = array<i32>} : memref<128x128xf32, #tpu.memory_space<vmem>>, vector<1x16xf32>,
        %swap3A_113 = vector.shape_cast %swap3A_112 : vector<1x16xf32> to vector<16xf32>
        %swap3A_114 = vector.shape_cast %mul3A_109 : vector<16xf32> to vector<1x16xf32>
        tpu.vector_store %arg12[%swap3A_110, %swap3A_111], %swap3A_114 {strides = array<i32>} : memref<128x128xf32, #tpu.memory_space<vmem>>, vector<1x16xf32>,
        %get3A_115 = arith.index_cast %scan3A_60 : i32 to index
        %get3A_116 = arith.constant 64 : index
        %get3A_117 = tpu.vector_load %arg12[%get3A_115, %get3A_116] {strides = array<i32>} : memref<128x128xf32, #tpu.memory_space<vmem>>, vector<1x16xf32>,
        %get3A_118 = vector.shape_cast %get3A_117 : vector<1x16xf32> to vector<16xf32>
        %get3A_119 = arith.index_cast %scan3A_60 : i32 to index
        %get3A_120 = arith.constant 64 : index
        %get3A_121 = tpu.vector_load %arg13[%get3A_119, %get3A_120] {strides = array<i32>} : memref<128x128xf32, #tpu.memory_space<vmem>>, vector<1x16xf32>,
        %get3A_122 = vector.shape_cast %get3A_121 : vector<1x16xf32> to vector<16xf32>
        %mul3A_123 = arith.mulf %get3A_118, %get3A_122 : vector<16xf32>
        %swap3A_124 = arith.index_cast %scan3A_60 : i32 to index
        %swap3A_125 = arith.constant 64 : index
        %swap3A_126 = tpu.vector_load %arg12[%swap3A_124, %swap3A_125] {strides = array<i32>} : memref<128x128xf32, #tpu.memory_space<vmem>>, vector<1x16xf32>,
        %swap3A_127 = vector.shape_cast %swap3A_126 : vector<1x16xf32> to vector<16xf32>
        %swap3A_128 = vector.shape_cast %mul3A_123 : vector<16xf32> to vector<1x16xf32>
        tpu.vector_store %arg12[%swap3A_124, %swap3A_125], %swap3A_128 {strides = array<i32>} : memref<128x128xf32, #tpu.memory_space<vmem>>, vector<1x16xf32>,
        %get3A_129 = arith.index_cast %scan3A_60 : i32 to index
        %get3A_130 = arith.constant 80 : index
        %get3A_131 = tpu.vector_load %arg12[%get3A_129, %get3A_130] {strides = array<i32>} : memref<128x128xf32, #tpu.memory_space<vmem>>, vector<1x16xf32>,
        %get3A_132 = vector.shape_cast %get3A_131 : vector<1x16xf32> to vector<16xf32>
        %get3A_133 = arith.index_cast %scan3A_60 : i32 to index
        %get3A_134 = arith.constant 80 : index
        %get3A_135 = tpu.vector_load %arg13[%get3A_133, %get3A_134] {strides = array<i32>} : memref<128x128xf32, #tpu.memory_space<vmem>>, vector<1x16xf32>,
        %get3A_136 = vector.shape_cast %get3A_135 : vector<1x16xf32> to vector<16xf32>
        %mul3A_137 = arith.mulf %get3A_132, %get3A_136 : vector<16xf32>
        %swap3A_138 = arith.index_cast %scan3A_60 : i32 to index
        %swap3A_139 = arith.constant 80 : index
        %swap3A_140 = tpu.vector_load %arg12[%swap3A_138, %swap3A_139] {strides = array<i32>} : memref<128x128xf32, #tpu.memory_space<vmem>>, vector<1x16xf32>,
        %swap3A_141 = vector.shape_cast %swap3A_140 : vector<1x16xf32> to vector<16xf32>
        %swap3A_142 = vector.shape_cast %mul3A_137 : vector<16xf32> to vector<1x16xf32>
        tpu.vector_store %arg12[%swap3A_138, %swap3A_139], %swap3A_142 {strides = array<i32>} : memref<128x128xf32, #tpu.memory_space<vmem>>, vector<1x16xf32>,
        %get3A_143 = arith.index_cast %scan3A_60 : i32 to index
        %get3A_144 = arith.constant 96 : index
        %get3A_145 = tpu.vector_load %arg12[%get3A_143, %get3A_144] {strides = array<i32>} : memref<128x128xf32, #tpu.memory_space<vmem>>, vector<1x16xf32>,
        %get3A_146 = vector.shape_cast %get3A_145 : vector<1x16xf32> to vector<16xf32>
        %get3A_147 = arith.index_cast %scan3A_60 : i32 to index
        %get3A_148 = arith.constant 96 : index
        %get3A_149 = tpu.vector_load %arg13[%get3A_147, %get3A_148] {strides = array<i32>} : memref<128x128xf32, #tpu.memory_space<vmem>>, vector<1x16xf32>,
        %get3A_150 = vector.shape_cast %get3A_149 : vector<1x16xf32> to vector<16xf32>
        %mul3A_151 = arith.mulf %get3A_146, %get3A_150 : vector<16xf32>
        %swap3A_152 = arith.index_cast %scan3A_60 : i32 to index
        %swap3A_153 = arith.constant 96 : index
        %swap3A_154 = tpu.vector_load %arg12[%swap3A_152, %swap3A_153] {strides = array<i32>} : memref<128x128xf32, #tpu.memory_space<vmem>>, vector<1x16xf32>,
        %swap3A_155 = vector.shape_cast %swap3A_154 : vector<1x16xf32> to vector<16xf32>
        %swap3A_156 = vector.shape_cast %mul3A_151 : vector<16xf32> to vector<1x16xf32>
        tpu.vector_store %arg12[%swap3A_152, %swap3A_153], %swap3A_156 {strides = array<i32>} : memref<128x128xf32, #tpu.memory_space<vmem>>, vector<1x16xf32>,
        %get3A_157 = arith.index_cast %scan3A_60 : i32 to index
        %get3A_158 = arith.constant 112 : index
        %get3A_159 = tpu.vector_load %arg12[%get3A_157, %get3A_158] {strides = array<i32>} : memref<128x128xf32, #tpu.memory_space<vmem>>, vector<1x16xf32>,
        %get3A_160 = vector.shape_cast %get3A_159 : vector<1x16xf32> to vector<16xf32>
        %get3A_161 = arith.index_cast %scan3A_60 : i32 to index
        %get3A_162 = arith.constant 112 : index
        %get3A_163 = tpu.vector_load %arg13[%get3A_161, %get3A_162] {strides = array<i32>} : memref<128x128xf32, #tpu.memory_space<vmem>>, vector<1x16xf32>,
        %get3A_164 = vector.shape_cast %get3A_163 : vector<1x16xf32> to vector<16xf32>
        %mul3A_165 = arith.mulf %get3A_160, %get3A_164 : vector<16xf32>
        %swap3A_166 = arith.index_cast %scan3A_60 : i32 to index
        %swap3A_167 = arith.constant 112 : index
        %swap3A_168 = tpu.vector_load %arg12[%swap3A_166, %swap3A_167] {strides = array<i32>} : memref<128x128xf32, #tpu.memory_space<vmem>>, vector<1x16xf32>,
        %swap3A_169 = vector.shape_cast %swap3A_168 : vector<1x16xf32> to vector<16xf32>
        %swap3A_170 = vector.shape_cast %mul3A_165 : vector<16xf32> to vector<1x16xf32>
        tpu.vector_store %arg12[%swap3A_166, %swap3A_167], %swap3A_170 {strides = array<i32>} : memref<128x128xf32, #tpu.memory_space<vmem>>, vector<1x16xf32>,
      }
      %scan3A_59 = arith.constant 128 : i32
      "tpu.region"() ({
        %run_scoped3A = tpu.sem_alloc : memref<!tpu.dma_semaphore, #tpu.memory_space<semaphore_mem>>
        %dma_start3A_60 = arith.constant 0 : i32
        %dma_start3A_61 = arith.constant 0 : i32
        %dma_start3A_62 = tpu.memref_slice %arg14[%dma_start3A_60, %dma_start3A_61] : memref<10240x128xf32, #tpu.memory_space<vmem_shared>> -> memref<10240x128xf32, #tpu.memory_space<vmem_shared>>
        tpu.enqueue_indirect_dma source(%arg12 : memref<128x128xf32, #tpu.memory_space<vmem>>) target(%dma_start3A_62 : memref<10240x128xf32, #tpu.memory_space<vmem_shared>>) offsets(%arg10 : memref<128xi32, #tpu.memory_space<vmem>>) semaphore(%run_scoped3A : memref<!tpu.dma_semaphore, #tpu.memory_space<semaphore_mem>>) {add = true}
        %dma_wait3A_63 = arith.constant 0 : i32
        %dma_wait3A_64 = arith.constant 0 : i32
        %dma_wait3A_65 = tpu.memref_slice %arg14[%dma_wait3A_63, %dma_wait3A_64] : memref<10240x128xf32, #tpu.memory_space<vmem_shared>> -> memref<10240x128xf32, #tpu.memory_space<vmem_shared>>
        tpu.wait_indirect_dma semaphore(%run_scoped3A : memref<!tpu.dma_semaphore, #tpu.memory_space<semaphore_mem>>) src(%arg12 : memref<128x128xf32, #tpu.memory_space<vmem>>) dst(%dma_wait3A_65 : memref<10240x128xf32, #tpu.memory_space<vmem_shared>>)
        tpu.yield
      }) : () -> ()
    }
    %barrier3A_34 = arith.constant 0 : index
    tpu.barrier barrier_id(%barrier3A_34)
    %mul3A_35 = arith.constant 640 : i32
    %mul3A_36 = arith.muli %arg1, %mul3A_35 : i32
    %mul3A_37 = arith.constant 640 : i32
    %mul3A_38 = arith.muli %arg1, %mul3A_37 : i32
    "tpu.region"() ({
      %run_scoped3A = tpu.sem_alloc : memref<!tpu.dma_semaphore, #tpu.memory_space<semaphore_mem>>
      %dma_start3A = arith.constant 0 : i32
      %dma_start3A_39 = tpu.memref_slice %arg8[%arg0, %mul3A_38, %dma_start3A] : memref<2x10240x128xf32, #tpu.memory_space<hbm>> -> memref<1x640x128xf32, #tpu.memory_space<hbm>>
      %dma_start3A_40 = tpu.memref_squeeze %dma_start3A_39 : memref<1x640x128xf32, #tpu.memory_space<hbm>> -> memref<640x128xf32, #tpu.memory_space<hbm>>
      %dma_start3A_41 = arith.constant 0 : i32
      %dma_start3A_42 = tpu.memref_slice %arg14[%mul3A_36, %dma_start3A_41] : memref<10240x128xf32, #tpu.memory_space<vmem_shared>> -> memref<640x128xf32, #tpu.memory_space<vmem_shared>>
      tpu.enqueue_dma source(%dma_start3A_42 : memref<640x128xf32, #tpu.memory_space<vmem_shared>>) target(%dma_start3A_40 : memref<640x128xf32, #tpu.memory_space<hbm>>) target_semaphore(%run_scoped3A : memref<!tpu.dma_semaphore, #tpu.memory_space<semaphore_mem>>)
      %dma_wait3A = arith.constant 0 : i32
      %dma_wait3A_43 = tpu.memref_slice %arg8[%arg0, %mul3A_38, %dma_wait3A] : memref<2x10240x128xf32, #tpu.memory_space<hbm>> -> memref<1x640x128xf32, #tpu.memory_space<hbm>>
      %dma_wait3A_44 = tpu.memref_squeeze %dma_wait3A_43 : memref<1x640x128xf32, #tpu.memory_space<hbm>> -> memref<640x128xf32, #tpu.memory_space<hbm>>
      %dma_wait3A_45 = arith.constant 0 : i32
      %dma_wait3A_46 = tpu.memref_slice %arg14[%mul3A_36, %dma_wait3A_45] : memref<10240x128xf32, #tpu.memory_space<vmem_shared>> -> memref<640x128xf32, #tpu.memory_space<vmem_shared>>
      tpu.wait_dma2 semaphore(%run_scoped3A : memref<!tpu.dma_semaphore, #tpu.memory_space<semaphore_mem>>) src(%dma_wait3A_46 : memref<640x128xf32, #tpu.memory_space<vmem_shared>>) dst(%dma_wait3A_44 : memref<640x128xf32, #tpu.memory_space<hbm>>)
      tpu.yield
    }) : () -> ()
    return
  }
}

#map = affine_map<(d0, d1) -> (0, 0)>
#map1 = affine_map<(d0, d1) -> (0)>
module attributes {stable_mosaic.version = 14 : i64} {
  func.func @_sc_embed(%arg0: i32, %arg1: i32, %arg2: memref<10001x128xf32, #tpu.memory_space<hbm>>, %arg3: memref<10240xi32, #tpu.memory_space<hbm>>, %arg4: memref<10240x128xf32, #tpu.memory_space<hbm>>, %arg5: memref<128xi32, #tpu.memory_space<vmem>>, %arg6: memref<128x128xf32, #tpu.memory_space<vmem>>, %arg7: memref<!tpu.dma_semaphore, #tpu.memory_space<semaphore_mem>>) attributes {dimension_semantics = [#tpu.dimension_semantics<core_parallel>, #tpu.dimension_semantics<subcore_parallel>], iteration_bounds = array<i64: 2, 16>, scalar_prefetch = 0 : i64, scratch_operands = 3 : i64, tpu.core_type = #tpu.core_type<sc_vector_subcore>, window_params = [{transform_indices = #map}, {transform_indices = #map1}, {transform_indices = #map}]} {
    %mul3A = arith.constant 2 : i32
    %mul3A_0 = arith.muli %arg1, %mul3A : i32
    %add3A = arith.addi %mul3A_0, %arg0 : i32
    %lt3A = arith.constant 16 : i32
    %lt3A_1 = arith.cmpi slt, %add3A, %lt3A : i32
    %jit3A = arith.constant 1 : i32
    %jit3A_2 = arith.constant 0 : i32
    %select_n3A = arith.select %lt3A_1, %jit3A, %jit3A_2 : i32
    %add3A_3 = arith.constant 2 : i32
    %add3A_4 = arith.addi %add3A_3, %select_n3A : i32
    %while3A = arith.constant 0 : i32
    %while3A_5 = arith.constant 0 : i32
    %while3A_6 = arith.subi %add3A_4, %while3A_5 : i32
    %while3A_7 = arith.addi %while3A_5, %while3A_6 : i32
    %while3A_8 = arith.constant 1 : i32
    %while3A_9 = arith.divsi %while3A_6, %while3A_8 : i32
    %while3A_10 = arith.muli %while3A_9, %while3A_8 : i32
    %while3A_11 = arith.addi %while3A_5, %while3A_10 : i32
    %while3A_12 = arith.constant 1 : i32
    scf.for %while3A_14 = %while3A_5 to %while3A_11 step %while3A_12  : i32 {
      %mul3A_15 = arith.constant 32 : i32
      %mul3A_16 = arith.muli %while3A_14, %mul3A_15 : i32
      %add3A_17 = arith.addi %add3A, %mul3A_16 : i32
      %mul3A_18 = arith.constant 128 : i32
      %mul3A_19 = arith.muli %add3A_17, %mul3A_18 : i32
      "tpu.region"() ({
        %run_scoped3A = tpu.sem_alloc : memref<!tpu.dma_semaphore, #tpu.memory_space<semaphore_mem>>
        %dma_start3A_24 = tpu.memref_slice %arg3[%mul3A_19] : memref<10240xi32, #tpu.memory_space<hbm>> -> memref<128xi32, #tpu.memory_space<hbm>>
        %dma_start3A_25 = tpu.memref_slice %arg3[%mul3A_19] : memref<10240xi32, #tpu.memory_space<hbm>> -> memref<128xi32, #tpu.memory_space<hbm>>
        tpu.enqueue_dma source(%dma_start3A_25 : memref<128xi32, #tpu.memory_space<hbm>>) target(%arg5 : memref<128xi32, #tpu.memory_space<vmem>>) target_semaphore(%run_scoped3A : memref<!tpu.dma_semaphore, #tpu.memory_space<semaphore_mem>>)
        %dma_wait3A_26 = tpu.memref_slice %arg3[%mul3A_19] : memref<10240xi32, #tpu.memory_space<hbm>> -> memref<128xi32, #tpu.memory_space<hbm>>
        %dma_wait3A_27 = tpu.memref_slice %arg3[%mul3A_19] : memref<10240xi32, #tpu.memory_space<hbm>> -> memref<128xi32, #tpu.memory_space<hbm>>
        tpu.wait_dma2 semaphore(%run_scoped3A : memref<!tpu.dma_semaphore, #tpu.memory_space<semaphore_mem>>) src(%dma_wait3A_27 : memref<128xi32, #tpu.memory_space<hbm>>) dst(%arg5 : memref<128xi32, #tpu.memory_space<vmem>>)
        tpu.yield
      }) : () -> ()
      %dma_start3A = arith.constant 0 : i32
      %dma_start3A_20 = arith.constant 0 : i32
      %dma_start3A_21 = tpu.memref_slice %arg2[%dma_start3A, %dma_start3A_20] : memref<10001x128xf32, #tpu.memory_space<hbm>> -> memref<10001x128xf32, #tpu.memory_space<hbm>>
      tpu.enqueue_indirect_dma source(%dma_start3A_21 : memref<10001x128xf32, #tpu.memory_space<hbm>>) target(%arg6 : memref<128x128xf32, #tpu.memory_space<vmem>>) offsets(%arg5 : memref<128xi32, #tpu.memory_space<vmem>>) semaphore(%arg7 : memref<!tpu.dma_semaphore, #tpu.memory_space<semaphore_mem>>)
      %dma_wait3A = arith.constant 0 : i32
      %dma_wait3A_22 = arith.constant 0 : i32
      %dma_wait3A_23 = tpu.memref_slice %arg2[%dma_wait3A, %dma_wait3A_22] : memref<10001x128xf32, #tpu.memory_space<hbm>> -> memref<10001x128xf32, #tpu.memory_space<hbm>>
      tpu.wait_indirect_dma semaphore(%arg7 : memref<!tpu.dma_semaphore, #tpu.memory_space<semaphore_mem>>) src(%dma_wait3A_23 : memref<10001x128xf32, #tpu.memory_space<hbm>>) dst(%arg6 : memref<128x128xf32, #tpu.memory_space<vmem>>)
      "tpu.region"() ({
        %run_scoped3A = tpu.sem_alloc : memref<!tpu.dma_semaphore, #tpu.memory_space<semaphore_mem>>
        %dma_start3A_24 = arith.constant 0 : i32
        %dma_start3A_25 = tpu.memref_slice %arg4[%mul3A_19, %dma_start3A_24] : memref<10240x128xf32, #tpu.memory_space<hbm>> -> memref<128x128xf32, #tpu.memory_space<hbm>>
        %dma_start3A_26 = arith.constant 0 : i32
        %dma_start3A_27 = tpu.memref_slice %arg4[%mul3A_19, %dma_start3A_26] : memref<10240x128xf32, #tpu.memory_space<hbm>> -> memref<128x128xf32, #tpu.memory_space<hbm>>
        tpu.enqueue_dma source(%arg6 : memref<128x128xf32, #tpu.memory_space<vmem>>) target(%dma_start3A_27 : memref<128x128xf32, #tpu.memory_space<hbm>>) target_semaphore(%run_scoped3A : memref<!tpu.dma_semaphore, #tpu.memory_space<semaphore_mem>>)
        %dma_wait3A_28 = arith.constant 0 : i32
        %dma_wait3A_29 = tpu.memref_slice %arg4[%mul3A_19, %dma_wait3A_28] : memref<10240x128xf32, #tpu.memory_space<hbm>> -> memref<128x128xf32, #tpu.memory_space<hbm>>
        %dma_wait3A_30 = arith.constant 0 : i32
        %dma_wait3A_31 = tpu.memref_slice %arg4[%mul3A_19, %dma_wait3A_30] : memref<10240x128xf32, #tpu.memory_space<hbm>> -> memref<128x128xf32, #tpu.memory_space<hbm>>
        tpu.wait_dma2 semaphore(%run_scoped3A : memref<!tpu.dma_semaphore, #tpu.memory_space<semaphore_mem>>) src(%arg6 : memref<128x128xf32, #tpu.memory_space<vmem>>) dst(%dma_wait3A_31 : memref<128x128xf32, #tpu.memory_space<hbm>>)
        tpu.yield
      }) : () -> ()
    }
    %while3A_13 = arith.constant 1 : i32
    scf.for %while3A_14 = %while3A_11 to %while3A_7 step %while3A_13  : i32 {
      %mul3A_15 = arith.constant 32 : i32
      %mul3A_16 = arith.muli %while3A_14, %mul3A_15 : i32
      %add3A_17 = arith.addi %add3A, %mul3A_16 : i32
      %mul3A_18 = arith.constant 128 : i32
      %mul3A_19 = arith.muli %add3A_17, %mul3A_18 : i32
      "tpu.region"() ({
        %run_scoped3A = tpu.sem_alloc : memref<!tpu.dma_semaphore, #tpu.memory_space<semaphore_mem>>
        %dma_start3A_24 = tpu.memref_slice %arg3[%mul3A_19] : memref<10240xi32, #tpu.memory_space<hbm>> -> memref<128xi32, #tpu.memory_space<hbm>>
        %dma_start3A_25 = tpu.memref_slice %arg3[%mul3A_19] : memref<10240xi32, #tpu.memory_space<hbm>> -> memref<128xi32, #tpu.memory_space<hbm>>
        tpu.enqueue_dma source(%dma_start3A_25 : memref<128xi32, #tpu.memory_space<hbm>>) target(%arg5 : memref<128xi32, #tpu.memory_space<vmem>>) target_semaphore(%run_scoped3A : memref<!tpu.dma_semaphore, #tpu.memory_space<semaphore_mem>>)
        %dma_wait3A_26 = tpu.memref_slice %arg3[%mul3A_19] : memref<10240xi32, #tpu.memory_space<hbm>> -> memref<128xi32, #tpu.memory_space<hbm>>
        %dma_wait3A_27 = tpu.memref_slice %arg3[%mul3A_19] : memref<10240xi32, #tpu.memory_space<hbm>> -> memref<128xi32, #tpu.memory_space<hbm>>
        tpu.wait_dma2 semaphore(%run_scoped3A : memref<!tpu.dma_semaphore, #tpu.memory_space<semaphore_mem>>) src(%dma_wait3A_27 : memref<128xi32, #tpu.memory_space<hbm>>) dst(%arg5 : memref<128xi32, #tpu.memory_space<vmem>>)
        tpu.yield
      }) : () -> ()
      %dma_start3A = arith.constant 0 : i32
      %dma_start3A_20 = arith.constant 0 : i32
      %dma_start3A_21 = tpu.memref_slice %arg2[%dma_start3A, %dma_start3A_20] : memref<10001x128xf32, #tpu.memory_space<hbm>> -> memref<10001x128xf32, #tpu.memory_space<hbm>>
      tpu.enqueue_indirect_dma source(%dma_start3A_21 : memref<10001x128xf32, #tpu.memory_space<hbm>>) target(%arg6 : memref<128x128xf32, #tpu.memory_space<vmem>>) offsets(%arg5 : memref<128xi32, #tpu.memory_space<vmem>>) semaphore(%arg7 : memref<!tpu.dma_semaphore, #tpu.memory_space<semaphore_mem>>)
      %dma_wait3A = arith.constant 0 : i32
      %dma_wait3A_22 = arith.constant 0 : i32
      %dma_wait3A_23 = tpu.memref_slice %arg2[%dma_wait3A, %dma_wait3A_22] : memref<10001x128xf32, #tpu.memory_space<hbm>> -> memref<10001x128xf32, #tpu.memory_space<hbm>>
      tpu.wait_indirect_dma semaphore(%arg7 : memref<!tpu.dma_semaphore, #tpu.memory_space<semaphore_mem>>) src(%dma_wait3A_23 : memref<10001x128xf32, #tpu.memory_space<hbm>>) dst(%arg6 : memref<128x128xf32, #tpu.memory_space<vmem>>)
      "tpu.region"() ({
        %run_scoped3A = tpu.sem_alloc : memref<!tpu.dma_semaphore, #tpu.memory_space<semaphore_mem>>
        %dma_start3A_24 = arith.constant 0 : i32
        %dma_start3A_25 = tpu.memref_slice %arg4[%mul3A_19, %dma_start3A_24] : memref<10240x128xf32, #tpu.memory_space<hbm>> -> memref<128x128xf32, #tpu.memory_space<hbm>>
        %dma_start3A_26 = arith.constant 0 : i32
        %dma_start3A_27 = tpu.memref_slice %arg4[%mul3A_19, %dma_start3A_26] : memref<10240x128xf32, #tpu.memory_space<hbm>> -> memref<128x128xf32, #tpu.memory_space<hbm>>
        tpu.enqueue_dma source(%arg6 : memref<128x128xf32, #tpu.memory_space<vmem>>) target(%dma_start3A_27 : memref<128x128xf32, #tpu.memory_space<hbm>>) target_semaphore(%run_scoped3A : memref<!tpu.dma_semaphore, #tpu.memory_space<semaphore_mem>>)
        %dma_wait3A_28 = arith.constant 0 : i32
        %dma_wait3A_29 = tpu.memref_slice %arg4[%mul3A_19, %dma_wait3A_28] : memref<10240x128xf32, #tpu.memory_space<hbm>> -> memref<128x128xf32, #tpu.memory_space<hbm>>
        %dma_wait3A_30 = arith.constant 0 : i32
        %dma_wait3A_31 = tpu.memref_slice %arg4[%mul3A_19, %dma_wait3A_30] : memref<10240x128xf32, #tpu.memory_space<hbm>> -> memref<128x128xf32, #tpu.memory_space<hbm>>
        tpu.wait_dma2 semaphore(%run_scoped3A : memref<!tpu.dma_semaphore, #tpu.memory_space<semaphore_mem>>) src(%arg6 : memref<128x128xf32, #tpu.memory_space<vmem>>) dst(%dma_wait3A_31 : memref<128x128xf32, #tpu.memory_space<hbm>>)
        tpu.yield
      }) : () -> ()
    }
    return
  }
}

#map = affine_map<(d0, d1) -> (0, 0)>
#map1 = affine_map<(d0, d1) -> (0)>
#map2 = affine_map<(d0, d1) -> (0, 0, 0)>
module attributes {stable_mosaic.version = 14 : i64} {
  func.func @_sc_edge_pass(%arg0: i32, %arg1: i32, %arg2: memref<10240x128xf32, #tpu.memory_space<hbm>>, %arg3: memref<320000xi32, #tpu.memory_space<hbm>>, %arg4: memref<320000xi32, #tpu.memory_space<hbm>>, %arg5: memref<320000xi32, #tpu.memory_space<hbm>>, %arg6: memref<64x128xf32, #tpu.memory_space<hbm>>, %arg7: memref<128x128xf32, #tpu.memory_space<hbm>>, %arg8: memref<2x10240x128xf32, #tpu.memory_space<hbm>>, %arg9: memref<128xi32, #tpu.memory_space<vmem>>, %arg10: memref<128xi32, #tpu.memory_space<vmem>>, %arg11: memref<128xi32, #tpu.memory_space<vmem>>, %arg12: memref<128x128xf32, #tpu.memory_space<vmem>>, %arg13: memref<128x128xf32, #tpu.memory_space<vmem>>, %arg14: memref<10240x128xf32, #tpu.memory_space<vmem_shared>>, %arg15: memref<!tpu.dma_semaphore, #tpu.memory_space<semaphore_mem>>, %arg16: memref<!tpu.dma_semaphore, #tpu.memory_space<semaphore_mem>>) attributes {dimension_semantics = [#tpu.dimension_semantics<core_parallel>, #tpu.dimension_semantics<subcore_parallel>], iteration_bounds = array<i64: 2, 16>, scalar_prefetch = 0 : i64, scratch_operands = 8 : i64, tpu.core_type = #tpu.core_type<sc_vector_subcore>, window_params = [{transform_indices = #map}, {transform_indices = #map1}, {transform_indices = #map1}, {transform_indices = #map1}, {transform_indices = #map}, {transform_indices = #map}, {transform_indices = #map2}]} {
    %mul3A = arith.constant 2 : i32
    %mul3A_0 = arith.muli %arg1, %mul3A : i32
    %add3A = arith.addi %mul3A_0, %arg0 : i32
    "tpu.region"() ({
      %run_scoped3A = tpu.sem_alloc : memref<!tpu.dma_semaphore, #tpu.memory_space<semaphore_mem>>
      tpu.enqueue_dma source(%arg7 : memref<128x128xf32, #tpu.memory_space<hbm>>) target(%arg12 : memref<128x128xf32, #tpu.memory_space<vmem>>) target_semaphore(%run_scoped3A : memref<!tpu.dma_semaphore, #tpu.memory_space<semaphore_mem>>)
      tpu.wait_dma2 semaphore(%run_scoped3A : memref<!tpu.dma_semaphore, #tpu.memory_space<semaphore_mem>>) src(%arg7 : memref<128x128xf32, #tpu.memory_space<hbm>>) dst(%arg12 : memref<128x128xf32, #tpu.memory_space<vmem>>)
      tpu.yield
    }) : () -> ()
    %mul3A_1 = arith.constant 640 : i32
    %mul3A_2 = arith.muli %arg1, %mul3A_1 : i32
    %add3A_3 = arith.constant 0 : i32
    %add3A_4 = arith.addi %mul3A_2, %add3A_3 : i32
    "tpu.region"() ({
      %run_scoped3A = tpu.sem_alloc : memref<!tpu.dma_semaphore, #tpu.memory_space<semaphore_mem>>
      %dma_start3A = arith.constant 0 : i32
      %dma_start3A_39 = tpu.memref_slice %arg14[%add3A_4, %dma_start3A] : memref<10240x128xf32, #tpu.memory_space<vmem_shared>> -> memref<128x128xf32, #tpu.memory_space<vmem_shared>>
      %dma_start3A_40 = arith.constant 0 : i32
      %dma_start3A_41 = tpu.memref_slice %arg14[%add3A_4, %dma_start3A_40] : memref<10240x128xf32, #tpu.memory_space<vmem_shared>> -> memref<128x128xf32, #tpu.memory_space<vmem_shared>>
      tpu.enqueue_dma source(%arg12 : memref<128x128xf32, #tpu.memory_space<vmem>>) target(%dma_start3A_41 : memref<128x128xf32, #tpu.memory_space<vmem_shared>>) target_semaphore(%run_scoped3A : memref<!tpu.dma_semaphore, #tpu.memory_space<semaphore_mem>>)
      %dma_wait3A = arith.constant 0 : i32
      %dma_wait3A_42 = tpu.memref_slice %arg14[%add3A_4, %dma_wait3A] : memref<10240x128xf32, #tpu.memory_space<vmem_shared>> -> memref<128x128xf32, #tpu.memory_space<vmem_shared>>
      %dma_wait3A_43 = arith.constant 0 : i32
      %dma_wait3A_44 = tpu.memref_slice %arg14[%add3A_4, %dma_wait3A_43] : memref<10240x128xf32, #tpu.memory_space<vmem_shared>> -> memref<128x128xf32, #tpu.memory_space<vmem_shared>>
      tpu.wait_dma2 semaphore(%run_scoped3A : memref<!tpu.dma_semaphore, #tpu.memory_space<semaphore_mem>>) src(%arg12 : memref<128x128xf32, #tpu.memory_space<vmem>>) dst(%dma_wait3A_44 : memref<128x128xf32, #tpu.memory_space<vmem_shared>>)
      tpu.yield
    }) : () -> ()
    %mul3A_5 = arith.constant 640 : i32
    %mul3A_6 = arith.muli %arg1, %mul3A_5 : i32
    %add3A_7 = arith.constant 128 : i32
    %add3A_8 = arith.addi %mul3A_6, %add3A_7 : i32
    "tpu.region"() ({
      %run_scoped3A = tpu.sem_alloc : memref<!tpu.dma_semaphore, #tpu.memory_space<semaphore_mem>>
      %dma_start3A = arith.constant 0 : i32
      %dma_start3A_39 = tpu.memref_slice %arg14[%add3A_8, %dma_start3A] : memref<10240x128xf32, #tpu.memory_space<vmem_shared>> -> memref<128x128xf32, #tpu.memory_space<vmem_shared>>
      %dma_start3A_40 = arith.constant 0 : i32
      %dma_start3A_41 = tpu.memref_slice %arg14[%add3A_8, %dma_start3A_40] : memref<10240x128xf32, #tpu.memory_space<vmem_shared>> -> memref<128x128xf32, #tpu.memory_space<vmem_shared>>
      tpu.enqueue_dma source(%arg12 : memref<128x128xf32, #tpu.memory_space<vmem>>) target(%dma_start3A_41 : memref<128x128xf32, #tpu.memory_space<vmem_shared>>) target_semaphore(%run_scoped3A : memref<!tpu.dma_semaphore, #tpu.memory_space<semaphore_mem>>)
      %dma_wait3A = arith.constant 0 : i32
      %dma_wait3A_42 = tpu.memref_slice %arg14[%add3A_8, %dma_wait3A] : memref<10240x128xf32, #tpu.memory_space<vmem_shared>> -> memref<128x128xf32, #tpu.memory_space<vmem_shared>>
      %dma_wait3A_43 = arith.constant 0 : i32
      %dma_wait3A_44 = tpu.memref_slice %arg14[%add3A_8, %dma_wait3A_43] : memref<10240x128xf32, #tpu.memory_space<vmem_shared>> -> memref<128x128xf32, #tpu.memory_space<vmem_shared>>
      tpu.wait_dma2 semaphore(%run_scoped3A : memref<!tpu.dma_semaphore, #tpu.memory_space<semaphore_mem>>) src(%arg12 : memref<128x128xf32, #tpu.memory_space<vmem>>) dst(%dma_wait3A_44 : memref<128x128xf32, #tpu.memory_space<vmem_shared>>)
      tpu.yield
    }) : () -> ()
    %mul3A_9 = arith.constant 640 : i32
    %mul3A_10 = arith.muli %arg1, %mul3A_9 : i32
    %add3A_11 = arith.constant 256 : i32
    %add3A_12 = arith.addi %mul3A_10, %add3A_11 : i32
    "tpu.region"() ({
      %run_scoped3A = tpu.sem_alloc : memref<!tpu.dma_semaphore, #tpu.memory_space<semaphore_mem>>
      %dma_start3A = arith.constant 0 : i32
      %dma_start3A_39 = tpu.memref_slice %arg14[%add3A_12, %dma_start3A] : memref<10240x128xf32, #tpu.memory_space<vmem_shared>> -> memref<128x128xf32, #tpu.memory_space<vmem_shared>>
      %dma_start3A_40 = arith.constant 0 : i32
      %dma_start3A_41 = tpu.memref_slice %arg14[%add3A_12, %dma_start3A_40] : memref<10240x128xf32, #tpu.memory_space<vmem_shared>> -> memref<128x128xf32, #tpu.memory_space<vmem_shared>>
      tpu.enqueue_dma source(%arg12 : memref<128x128xf32, #tpu.memory_space<vmem>>) target(%dma_start3A_41 : memref<128x128xf32, #tpu.memory_space<vmem_shared>>) target_semaphore(%run_scoped3A : memref<!tpu.dma_semaphore, #tpu.memory_space<semaphore_mem>>)
      %dma_wait3A = arith.constant 0 : i32
      %dma_wait3A_42 = tpu.memref_slice %arg14[%add3A_12, %dma_wait3A] : memref<10240x128xf32, #tpu.memory_space<vmem_shared>> -> memref<128x128xf32, #tpu.memory_space<vmem_shared>>
      %dma_wait3A_43 = arith.constant 0 : i32
      %dma_wait3A_44 = tpu.memref_slice %arg14[%add3A_12, %dma_wait3A_43] : memref<10240x128xf32, #tpu.memory_space<vmem_shared>> -> memref<128x128xf32, #tpu.memory_space<vmem_shared>>
      tpu.wait_dma2 semaphore(%run_scoped3A : memref<!tpu.dma_semaphore, #tpu.memory_space<semaphore_mem>>) src(%arg12 : memref<128x128xf32, #tpu.memory_space<vmem>>) dst(%dma_wait3A_44 : memref<128x128xf32, #tpu.memory_space<vmem_shared>>)
      tpu.yield
    }) : () -> ()
    %mul3A_13 = arith.constant 640 : i32
    %mul3A_14 = arith.muli %arg1, %mul3A_13 : i32
    %add3A_15 = arith.constant 384 : i32
    %add3A_16 = arith.addi %mul3A_14, %add3A_15 : i32
    "tpu.region"() ({
      %run_scoped3A = tpu.sem_alloc : memref<!tpu.dma_semaphore, #tpu.memory_space<semaphore_mem>>
      %dma_start3A = arith.constant 0 : i32
      %dma_start3A_39 = tpu.memref_slice %arg14[%add3A_16, %dma_start3A] : memref<10240x128xf32, #tpu.memory_space<vmem_shared>> -> memref<128x128xf32, #tpu.memory_space<vmem_shared>>
      %dma_start3A_40 = arith.constant 0 : i32
      %dma_start3A_41 = tpu.memref_slice %arg14[%add3A_16, %dma_start3A_40] : memref<10240x128xf32, #tpu.memory_space<vmem_shared>> -> memref<128x128xf32, #tpu.memory_space<vmem_shared>>
      tpu.enqueue_dma source(%arg12 : memref<128x128xf32, #tpu.memory_space<vmem>>) target(%dma_start3A_41 : memref<128x128xf32, #tpu.memory_space<vmem_shared>>) target_semaphore(%run_scoped3A : memref<!tpu.dma_semaphore, #tpu.memory_space<semaphore_mem>>)
      %dma_wait3A = arith.constant 0 : i32
      %dma_wait3A_42 = tpu.memref_slice %arg14[%add3A_16, %dma_wait3A] : memref<10240x128xf32, #tpu.memory_space<vmem_shared>> -> memref<128x128xf32, #tpu.memory_space<vmem_shared>>
      %dma_wait3A_43 = arith.constant 0 : i32
      %dma_wait3A_44 = tpu.memref_slice %arg14[%add3A_16, %dma_wait3A_43] : memref<10240x128xf32, #tpu.memory_space<vmem_shared>> -> memref<128x128xf32, #tpu.memory_space<vmem_shared>>
      tpu.wait_dma2 semaphore(%run_scoped3A : memref<!tpu.dma_semaphore, #tpu.memory_space<semaphore_mem>>) src(%arg12 : memref<128x128xf32, #tpu.memory_space<vmem>>) dst(%dma_wait3A_44 : memref<128x128xf32, #tpu.memory_space<vmem_shared>>)
      tpu.yield
    }) : () -> ()
    %mul3A_17 = arith.constant 640 : i32
    %mul3A_18 = arith.muli %arg1, %mul3A_17 : i32
    %add3A_19 = arith.constant 512 : i32
    %add3A_20 = arith.addi %mul3A_18, %add3A_19 : i32
    "tpu.region"() ({
      %run_scoped3A = tpu.sem_alloc : memref<!tpu.dma_semaphore, #tpu.memory_space<semaphore_mem>>
      %dma_start3A = arith.constant 0 : i32
      %dma_start3A_39 = tpu.memref_slice %arg14[%add3A_20, %dma_start3A] : memref<10240x128xf32, #tpu.memory_space<vmem_shared>> -> memref<128x128xf32, #tpu.memory_space<vmem_shared>>
      %dma_start3A_40 = arith.constant 0 : i32
      %dma_start3A_41 = tpu.memref_slice %arg14[%add3A_20, %dma_start3A_40] : memref<10240x128xf32, #tpu.memory_space<vmem_shared>> -> memref<128x128xf32, #tpu.memory_space<vmem_shared>>
      tpu.enqueue_dma source(%arg12 : memref<128x128xf32, #tpu.memory_space<vmem>>) target(%dma_start3A_41 : memref<128x128xf32, #tpu.memory_space<vmem_shared>>) target_semaphore(%run_scoped3A : memref<!tpu.dma_semaphore, #tpu.memory_space<semaphore_mem>>)
      %dma_wait3A = arith.constant 0 : i32
      %dma_wait3A_42 = tpu.memref_slice %arg14[%add3A_20, %dma_wait3A] : memref<10240x128xf32, #tpu.memory_space<vmem_shared>> -> memref<128x128xf32, #tpu.memory_space<vmem_shared>>
      %dma_wait3A_43 = arith.constant 0 : i32
      %dma_wait3A_44 = tpu.memref_slice %arg14[%add3A_20, %dma_wait3A_43] : memref<10240x128xf32, #tpu.memory_space<vmem_shared>> -> memref<128x128xf32, #tpu.memory_space<vmem_shared>>
      tpu.wait_dma2 semaphore(%run_scoped3A : memref<!tpu.dma_semaphore, #tpu.memory_space<semaphore_mem>>) src(%arg12 : memref<128x128xf32, #tpu.memory_space<vmem>>) dst(%dma_wait3A_44 : memref<128x128xf32, #tpu.memory_space<vmem_shared>>)
      tpu.yield
    }) : () -> ()
    %barrier3A = arith.constant 0 : index
    tpu.barrier barrier_id(%barrier3A)
    %lt3A = arith.constant 4 : i32
    %lt3A_21 = arith.cmpi slt, %add3A, %lt3A : i32
    %jit3A = arith.constant 1 : i32
    %jit3A_22 = arith.constant 0 : i32
    %select_n3A = arith.select %lt3A_21, %jit3A, %jit3A_22 : i32
    %add3A_23 = arith.constant 78 : i32
    %add3A_24 = arith.addi %add3A_23, %select_n3A : i32
    %while3A = arith.constant 0 : i32
    %while3A_25 = arith.constant 0 : i32
    %while3A_26 = arith.subi %add3A_24, %while3A_25 : i32
    %while3A_27 = arith.addi %while3A_25, %while3A_26 : i32
    %while3A_28 = arith.constant 1 : i32
    %while3A_29 = arith.divsi %while3A_26, %while3A_28 : i32
    %while3A_30 = arith.muli %while3A_29, %while3A_28 : i32
    %while3A_31 = arith.addi %while3A_25, %while3A_30 : i32
    %while3A_32 = arith.constant 1 : i32
    scf.for %while3A_39 = %while3A_25 to %while3A_31 step %while3A_32  : i32 {
      %mul3A_40 = arith.constant 32 : i32
      %mul3A_41 = arith.muli %while3A_39, %mul3A_40 : i32
      %add3A_42 = arith.addi %add3A, %mul3A_41 : i32
      %mul3A_43 = arith.constant 128 : i32
      %mul3A_44 = arith.muli %add3A_42, %mul3A_43 : i32
      "tpu.region"() ({
        %run_scoped3A = tpu.sem_alloc : memref<!tpu.dma_semaphore, #tpu.memory_space<semaphore_mem>>
        %dma_start3A_60 = tpu.memref_slice %arg3[%mul3A_44] : memref<320000xi32, #tpu.memory_space<hbm>> -> memref<128xi32, #tpu.memory_space<hbm>>
        %dma_start3A_61 = tpu.memref_slice %arg3[%mul3A_44] : memref<320000xi32, #tpu.memory_space<hbm>> -> memref<128xi32, #tpu.memory_space<hbm>>
        tpu.enqueue_dma source(%dma_start3A_61 : memref<128xi32, #tpu.memory_space<hbm>>) target(%arg9 : memref<128xi32, #tpu.memory_space<vmem>>) target_semaphore(%run_scoped3A : memref<!tpu.dma_semaphore, #tpu.memory_space<semaphore_mem>>)
        %dma_wait3A_62 = tpu.memref_slice %arg3[%mul3A_44] : memref<320000xi32, #tpu.memory_space<hbm>> -> memref<128xi32, #tpu.memory_space<hbm>>
        %dma_wait3A_63 = tpu.memref_slice %arg3[%mul3A_44] : memref<320000xi32, #tpu.memory_space<hbm>> -> memref<128xi32, #tpu.memory_space<hbm>>
        tpu.wait_dma2 semaphore(%run_scoped3A : memref<!tpu.dma_semaphore, #tpu.memory_space<semaphore_mem>>) src(%dma_wait3A_63 : memref<128xi32, #tpu.memory_space<hbm>>) dst(%arg9 : memref<128xi32, #tpu.memory_space<vmem>>)
        tpu.yield
      }) : () -> ()
      "tpu.region"() ({
        %run_scoped3A = tpu.sem_alloc : memref<!tpu.dma_semaphore, #tpu.memory_space<semaphore_mem>>
        %dma_start3A_60 = tpu.memref_slice %arg5[%mul3A_44] : memref<320000xi32, #tpu.memory_space<hbm>> -> memref<128xi32, #tpu.memory_space<hbm>>
        %dma_start3A_61 = tpu.memref_slice %arg5[%mul3A_44] : memref<320000xi32, #tpu.memory_space<hbm>> -> memref<128xi32, #tpu.memory_space<hbm>>
        tpu.enqueue_dma source(%dma_start3A_61 : memref<128xi32, #tpu.memory_space<hbm>>) target(%arg11 : memref<128xi32, #tpu.memory_space<vmem>>) target_semaphore(%run_scoped3A : memref<!tpu.dma_semaphore, #tpu.memory_space<semaphore_mem>>)
        %dma_wait3A_62 = tpu.memref_slice %arg5[%mul3A_44] : memref<320000xi32, #tpu.memory_space<hbm>> -> memref<128xi32, #tpu.memory_space<hbm>>
        %dma_wait3A_63 = tpu.memref_slice %arg5[%mul3A_44] : memref<320000xi32, #tpu.memory_space<hbm>> -> memref<128xi32, #tpu.memory_space<hbm>>
        tpu.wait_dma2 semaphore(%run_scoped3A : memref<!tpu.dma_semaphore, #tpu.memory_space<semaphore_mem>>) src(%dma_wait3A_63 : memref<128xi32, #tpu.memory_space<hbm>>) dst(%arg11 : memref<128xi32, #tpu.memory_space<vmem>>)
        tpu.yield
      }) : () -> ()
      "tpu.region"() ({
        %run_scoped3A = tpu.sem_alloc : memref<!tpu.dma_semaphore, #tpu.memory_space<semaphore_mem>>
        %dma_start3A_60 = tpu.memref_slice %arg4[%mul3A_44] : memref<320000xi32, #tpu.memory_space<hbm>> -> memref<128xi32, #tpu.memory_space<hbm>>
        %dma_start3A_61 = tpu.memref_slice %arg4[%mul3A_44] : memref<320000xi32, #tpu.memory_space<hbm>> -> memref<128xi32, #tpu.memory_space<hbm>>
        tpu.enqueue_dma source(%dma_start3A_61 : memref<128xi32, #tpu.memory_space<hbm>>) target(%arg10 : memref<128xi32, #tpu.memory_space<vmem>>) target_semaphore(%run_scoped3A : memref<!tpu.dma_semaphore, #tpu.memory_space<semaphore_mem>>)
        %dma_wait3A_62 = tpu.memref_slice %arg4[%mul3A_44] : memref<320000xi32, #tpu.memory_space<hbm>> -> memref<128xi32, #tpu.memory_space<hbm>>
        %dma_wait3A_63 = tpu.memref_slice %arg4[%mul3A_44] : memref<320000xi32, #tpu.memory_space<hbm>> -> memref<128xi32, #tpu.memory_space<hbm>>
        tpu.wait_dma2 semaphore(%run_scoped3A : memref<!tpu.dma_semaphore, #tpu.memory_space<semaphore_mem>>) src(%dma_wait3A_63 : memref<128xi32, #tpu.memory_space<hbm>>) dst(%arg10 : memref<128xi32, #tpu.memory_space<vmem>>)
        tpu.yield
      }) : () -> ()
      %dma_start3A = arith.constant 0 : i32
      %dma_start3A_45 = arith.constant 0 : i32
      %dma_start3A_46 = tpu.memref_slice %arg2[%dma_start3A, %dma_start3A_45] : memref<10240x128xf32, #tpu.memory_space<hbm>> -> memref<10240x128xf32, #tpu.memory_space<hbm>>
      tpu.enqueue_indirect_dma source(%dma_start3A_46 : memref<10240x128xf32, #tpu.memory_space<hbm>>) target(%arg12 : memref<128x128xf32, #tpu.memory_space<vmem>>) offsets(%arg9 : memref<128xi32, #tpu.memory_space<vmem>>) semaphore(%arg15 : memref<!tpu.dma_semaphore, #tpu.memory_space<semaphore_mem>>)
      %dma_start3A_47 = arith.constant 0 : i32
      %dma_start3A_48 = arith.constant 0 : i32
      %dma_start3A_49 = tpu.memref_slice %arg6[%dma_start3A_47, %dma_start3A_48] : memref<64x128xf32, #tpu.memory_space<hbm>> -> memref<64x128xf32, #tpu.memory_space<hbm>>
      tpu.enqueue_indirect_dma source(%dma_start3A_49 : memref<64x128xf32, #tpu.memory_space<hbm>>) target(%arg13 : memref<128x128xf32, #tpu.memory_space<vmem>>) offsets(%arg11 : memref<128xi32, #tpu.memory_space<vmem>>) semaphore(%arg16 : memref<!tpu.dma_semaphore, #tpu.memory_space<semaphore_mem>>)
      %dma_wait3A = arith.constant 0 : i32
      %dma_wait3A_50 = arith.constant 0 : i32
      %dma_wait3A_51 = tpu.memref_slice %arg2[%dma_wait3A, %dma_wait3A_50] : memref<10240x128xf32, #tpu.memory_space<hbm>> -> memref<10240x128xf32, #tpu.memory_space<hbm>>
      tpu.wait_indirect_dma semaphore(%arg15 : memref<!tpu.dma_semaphore, #tpu.memory_space<semaphore_mem>>) src(%dma_wait3A_51 : memref<10240x128xf32, #tpu.memory_space<hbm>>) dst(%arg12 : memref<128x128xf32, #tpu.memory_space<vmem>>)
      %dma_wait3A_52 = arith.constant 0 : i32
      %dma_wait3A_53 = arith.constant 0 : i32
      %dma_wait3A_54 = tpu.memref_slice %arg6[%dma_wait3A_52, %dma_wait3A_53] : memref<64x128xf32, #tpu.memory_space<hbm>> -> memref<64x128xf32, #tpu.memory_space<hbm>>
      tpu.wait_indirect_dma semaphore(%arg16 : memref<!tpu.dma_semaphore, #tpu.memory_space<semaphore_mem>>) src(%dma_wait3A_54 : memref<64x128xf32, #tpu.memory_space<hbm>>) dst(%arg13 : memref<128x128xf32, #tpu.memory_space<vmem>>)
      %scan3A = arith.constant 0 : i32
      %scan3A_55 = arith.constant 0 : i32
      %scan3A_56 = arith.constant 128 : i32
      %scan3A_57 = arith.addi %scan3A_55, %scan3A_56 : i32
      %scan3A_58 = arith.constant 1 : i32
      scf.for %scan3A_60 = %scan3A_55 to %scan3A_57 step %scan3A_58  : i32 {
        %get3A = arith.index_cast %scan3A_60 : i32 to index
        %get3A_61 = arith.constant 0 : index
        %get3A_62 = tpu.vector_load %arg12[%get3A, %get3A_61] {strides = array<i32>} : memref<128x128xf32, #tpu.memory_space<vmem>>, vector<1x16xf32>,
        %get3A_63 = vector.shape_cast %get3A_62 : vector<1x16xf32> to vector<16xf32>
        %get3A_64 = arith.index_cast %scan3A_60 : i32 to index
        %get3A_65 = arith.constant 0 : index
        %get3A_66 = tpu.vector_load %arg13[%get3A_64, %get3A_65] {strides = array<i32>} : memref<128x128xf32, #tpu.memory_space<vmem>>, vector<1x16xf32>,
        %get3A_67 = vector.shape_cast %get3A_66 : vector<1x16xf32> to vector<16xf32>
        %mul3A_68 = arith.mulf %get3A_63, %get3A_67 : vector<16xf32>
        %swap3A = arith.index_cast %scan3A_60 : i32 to index
        %swap3A_69 = arith.constant 0 : index
        %swap3A_70 = tpu.vector_load %arg12[%swap3A, %swap3A_69] {strides = array<i32>} : memref<128x128xf32, #tpu.memory_space<vmem>>, vector<1x16xf32>,
        %swap3A_71 = vector.shape_cast %swap3A_70 : vector<1x16xf32> to vector<16xf32>
        %swap3A_72 = vector.shape_cast %mul3A_68 : vector<16xf32> to vector<1x16xf32>
        tpu.vector_store %arg12[%swap3A, %swap3A_69], %swap3A_72 {strides = array<i32>} : memref<128x128xf32, #tpu.memory_space<vmem>>, vector<1x16xf32>,
        %get3A_73 = arith.index_cast %scan3A_60 : i32 to index
        %get3A_74 = arith.constant 16 : index
        %get3A_75 = tpu.vector_load %arg12[%get3A_73, %get3A_74] {strides = array<i32>} : memref<128x128xf32, #tpu.memory_space<vmem>>, vector<1x16xf32>,
        %get3A_76 = vector.shape_cast %get3A_75 : vector<1x16xf32> to vector<16xf32>
        %get3A_77 = arith.index_cast %scan3A_60 : i32 to index
        %get3A_78 = arith.constant 16 : index
        %get3A_79 = tpu.vector_load %arg13[%get3A_77, %get3A_78] {strides = array<i32>} : memref<128x128xf32, #tpu.memory_space<vmem>>, vector<1x16xf32>,
        %get3A_80 = vector.shape_cast %get3A_79 : vector<1x16xf32> to vector<16xf32>
        %mul3A_81 = arith.mulf %get3A_76, %get3A_80 : vector<16xf32>
        %swap3A_82 = arith.index_cast %scan3A_60 : i32 to index
        %swap3A_83 = arith.constant 16 : index
        %swap3A_84 = tpu.vector_load %arg12[%swap3A_82, %swap3A_83] {strides = array<i32>} : memref<128x128xf32, #tpu.memory_space<vmem>>, vector<1x16xf32>,
        %swap3A_85 = vector.shape_cast %swap3A_84 : vector<1x16xf32> to vector<16xf32>
        %swap3A_86 = vector.shape_cast %mul3A_81 : vector<16xf32> to vector<1x16xf32>
        tpu.vector_store %arg12[%swap3A_82, %swap3A_83], %swap3A_86 {strides = array<i32>} : memref<128x128xf32, #tpu.memory_space<vmem>>, vector<1x16xf32>,
        %get3A_87 = arith.index_cast %scan3A_60 : i32 to index
        %get3A_88 = arith.constant 32 : index
        %get3A_89 = tpu.vector_load %arg12[%get3A_87, %get3A_88] {strides = array<i32>} : memref<128x128xf32, #tpu.memory_space<vmem>>, vector<1x16xf32>,
        %get3A_90 = vector.shape_cast %get3A_89 : vector<1x16xf32> to vector<16xf32>
        %get3A_91 = arith.index_cast %scan3A_60 : i32 to index
        %get3A_92 = arith.constant 32 : index
        %get3A_93 = tpu.vector_load %arg13[%get3A_91, %get3A_92] {strides = array<i32>} : memref<128x128xf32, #tpu.memory_space<vmem>>, vector<1x16xf32>,
        %get3A_94 = vector.shape_cast %get3A_93 : vector<1x16xf32> to vector<16xf32>
        %mul3A_95 = arith.mulf %get3A_90, %get3A_94 : vector<16xf32>
        %swap3A_96 = arith.index_cast %scan3A_60 : i32 to index
        %swap3A_97 = arith.constant 32 : index
        %swap3A_98 = tpu.vector_load %arg12[%swap3A_96, %swap3A_97] {strides = array<i32>} : memref<128x128xf32, #tpu.memory_space<vmem>>, vector<1x16xf32>,
        %swap3A_99 = vector.shape_cast %swap3A_98 : vector<1x16xf32> to vector<16xf32>
        %swap3A_100 = vector.shape_cast %mul3A_95 : vector<16xf32> to vector<1x16xf32>
        tpu.vector_store %arg12[%swap3A_96, %swap3A_97], %swap3A_100 {strides = array<i32>} : memref<128x128xf32, #tpu.memory_space<vmem>>, vector<1x16xf32>,
        %get3A_101 = arith.index_cast %scan3A_60 : i32 to index
        %get3A_102 = arith.constant 48 : index
        %get3A_103 = tpu.vector_load %arg12[%get3A_101, %get3A_102] {strides = array<i32>} : memref<128x128xf32, #tpu.memory_space<vmem>>, vector<1x16xf32>,
        %get3A_104 = vector.shape_cast %get3A_103 : vector<1x16xf32> to vector<16xf32>
        %get3A_105 = arith.index_cast %scan3A_60 : i32 to index
        %get3A_106 = arith.constant 48 : index
        %get3A_107 = tpu.vector_load %arg13[%get3A_105, %get3A_106] {strides = array<i32>} : memref<128x128xf32, #tpu.memory_space<vmem>>, vector<1x16xf32>,
        %get3A_108 = vector.shape_cast %get3A_107 : vector<1x16xf32> to vector<16xf32>
        %mul3A_109 = arith.mulf %get3A_104, %get3A_108 : vector<16xf32>
        %swap3A_110 = arith.index_cast %scan3A_60 : i32 to index
        %swap3A_111 = arith.constant 48 : index
        %swap3A_112 = tpu.vector_load %arg12[%swap3A_110, %swap3A_111] {strides = array<i32>} : memref<128x128xf32, #tpu.memory_space<vmem>>, vector<1x16xf32>,
        %swap3A_113 = vector.shape_cast %swap3A_112 : vector<1x16xf32> to vector<16xf32>
        %swap3A_114 = vector.shape_cast %mul3A_109 : vector<16xf32> to vector<1x16xf32>
        tpu.vector_store %arg12[%swap3A_110, %swap3A_111], %swap3A_114 {strides = array<i32>} : memref<128x128xf32, #tpu.memory_space<vmem>>, vector<1x16xf32>,
        %get3A_115 = arith.index_cast %scan3A_60 : i32 to index
        %get3A_116 = arith.constant 64 : index
        %get3A_117 = tpu.vector_load %arg12[%get3A_115, %get3A_116] {strides = array<i32>} : memref<128x128xf32, #tpu.memory_space<vmem>>, vector<1x16xf32>,
        %get3A_118 = vector.shape_cast %get3A_117 : vector<1x16xf32> to vector<16xf32>
        %get3A_119 = arith.index_cast %scan3A_60 : i32 to index
        %get3A_120 = arith.constant 64 : index
        %get3A_121 = tpu.vector_load %arg13[%get3A_119, %get3A_120] {strides = array<i32>} : memref<128x128xf32, #tpu.memory_space<vmem>>, vector<1x16xf32>,
        %get3A_122 = vector.shape_cast %get3A_121 : vector<1x16xf32> to vector<16xf32>
        %mul3A_123 = arith.mulf %get3A_118, %get3A_122 : vector<16xf32>
        %swap3A_124 = arith.index_cast %scan3A_60 : i32 to index
        %swap3A_125 = arith.constant 64 : index
        %swap3A_126 = tpu.vector_load %arg12[%swap3A_124, %swap3A_125] {strides = array<i32>} : memref<128x128xf32, #tpu.memory_space<vmem>>, vector<1x16xf32>,
        %swap3A_127 = vector.shape_cast %swap3A_126 : vector<1x16xf32> to vector<16xf32>
        %swap3A_128 = vector.shape_cast %mul3A_123 : vector<16xf32> to vector<1x16xf32>
        tpu.vector_store %arg12[%swap3A_124, %swap3A_125], %swap3A_128 {strides = array<i32>} : memref<128x128xf32, #tpu.memory_space<vmem>>, vector<1x16xf32>,
        %get3A_129 = arith.index_cast %scan3A_60 : i32 to index
        %get3A_130 = arith.constant 80 : index
        %get3A_131 = tpu.vector_load %arg12[%get3A_129, %get3A_130] {strides = array<i32>} : memref<128x128xf32, #tpu.memory_space<vmem>>, vector<1x16xf32>,
        %get3A_132 = vector.shape_cast %get3A_131 : vector<1x16xf32> to vector<16xf32>
        %get3A_133 = arith.index_cast %scan3A_60 : i32 to index
        %get3A_134 = arith.constant 80 : index
        %get3A_135 = tpu.vector_load %arg13[%get3A_133, %get3A_134] {strides = array<i32>} : memref<128x128xf32, #tpu.memory_space<vmem>>, vector<1x16xf32>,
        %get3A_136 = vector.shape_cast %get3A_135 : vector<1x16xf32> to vector<16xf32>
        %mul3A_137 = arith.mulf %get3A_132, %get3A_136 : vector<16xf32>
        %swap3A_138 = arith.index_cast %scan3A_60 : i32 to index
        %swap3A_139 = arith.constant 80 : index
        %swap3A_140 = tpu.vector_load %arg12[%swap3A_138, %swap3A_139] {strides = array<i32>} : memref<128x128xf32, #tpu.memory_space<vmem>>, vector<1x16xf32>,
        %swap3A_141 = vector.shape_cast %swap3A_140 : vector<1x16xf32> to vector<16xf32>
        %swap3A_142 = vector.shape_cast %mul3A_137 : vector<16xf32> to vector<1x16xf32>
        tpu.vector_store %arg12[%swap3A_138, %swap3A_139], %swap3A_142 {strides = array<i32>} : memref<128x128xf32, #tpu.memory_space<vmem>>, vector<1x16xf32>,
        %get3A_143 = arith.index_cast %scan3A_60 : i32 to index
        %get3A_144 = arith.constant 96 : index
        %get3A_145 = tpu.vector_load %arg12[%get3A_143, %get3A_144] {strides = array<i32>} : memref<128x128xf32, #tpu.memory_space<vmem>>, vector<1x16xf32>,
        %get3A_146 = vector.shape_cast %get3A_145 : vector<1x16xf32> to vector<16xf32>
        %get3A_147 = arith.index_cast %scan3A_60 : i32 to index
        %get3A_148 = arith.constant 96 : index
        %get3A_149 = tpu.vector_load %arg13[%get3A_147, %get3A_148] {strides = array<i32>} : memref<128x128xf32, #tpu.memory_space<vmem>>, vector<1x16xf32>,
        %get3A_150 = vector.shape_cast %get3A_149 : vector<1x16xf32> to vector<16xf32>
        %mul3A_151 = arith.mulf %get3A_146, %get3A_150 : vector<16xf32>
        %swap3A_152 = arith.index_cast %scan3A_60 : i32 to index
        %swap3A_153 = arith.constant 96 : index
        %swap3A_154 = tpu.vector_load %arg12[%swap3A_152, %swap3A_153] {strides = array<i32>} : memref<128x128xf32, #tpu.memory_space<vmem>>, vector<1x16xf32>,
        %swap3A_155 = vector.shape_cast %swap3A_154 : vector<1x16xf32> to vector<16xf32>
        %swap3A_156 = vector.shape_cast %mul3A_151 : vector<16xf32> to vector<1x16xf32>
        tpu.vector_store %arg12[%swap3A_152, %swap3A_153], %swap3A_156 {strides = array<i32>} : memref<128x128xf32, #tpu.memory_space<vmem>>, vector<1x16xf32>,
        %get3A_157 = arith.index_cast %scan3A_60 : i32 to index
        %get3A_158 = arith.constant 112 : index
        %get3A_159 = tpu.vector_load %arg12[%get3A_157, %get3A_158] {strides = array<i32>} : memref<128x128xf32, #tpu.memory_space<vmem>>, vector<1x16xf32>,
        %get3A_160 = vector.shape_cast %get3A_159 : vector<1x16xf32> to vector<16xf32>
        %get3A_161 = arith.index_cast %scan3A_60 : i32 to index
        %get3A_162 = arith.constant 112 : index
        %get3A_163 = tpu.vector_load %arg13[%get3A_161, %get3A_162] {strides = array<i32>} : memref<128x128xf32, #tpu.memory_space<vmem>>, vector<1x16xf32>,
        %get3A_164 = vector.shape_cast %get3A_163 : vector<1x16xf32> to vector<16xf32>
        %mul3A_165 = arith.mulf %get3A_160, %get3A_164 : vector<16xf32>
        %swap3A_166 = arith.index_cast %scan3A_60 : i32 to index
        %swap3A_167 = arith.constant 112 : index
        %swap3A_168 = tpu.vector_load %arg12[%swap3A_166, %swap3A_167] {strides = array<i32>} : memref<128x128xf32, #tpu.memory_space<vmem>>, vector<1x16xf32>,
        %swap3A_169 = vector.shape_cast %swap3A_168 : vector<1x16xf32> to vector<16xf32>
        %swap3A_170 = vector.shape_cast %mul3A_165 : vector<16xf32> to vector<1x16xf32>
        tpu.vector_store %arg12[%swap3A_166, %swap3A_167], %swap3A_170 {strides = array<i32>} : memref<128x128xf32, #tpu.memory_space<vmem>>, vector<1x16xf32>,
      }
      %scan3A_59 = arith.constant 128 : i32
      "tpu.region"() ({
        %run_scoped3A = tpu.sem_alloc : memref<!tpu.dma_semaphore, #tpu.memory_space<semaphore_mem>>
        %dma_start3A_60 = arith.constant 0 : i32
        %dma_start3A_61 = arith.constant 0 : i32
        %dma_start3A_62 = tpu.memref_slice %arg14[%dma_start3A_60, %dma_start3A_61] : memref<10240x128xf32, #tpu.memory_space<vmem_shared>> -> memref<10240x128xf32, #tpu.memory_space<vmem_shared>>
        tpu.enqueue_indirect_dma source(%arg12 : memref<128x128xf32, #tpu.memory_space<vmem>>) target(%dma_start3A_62 : memref<10240x128xf32, #tpu.memory_space<vmem_shared>>) offsets(%arg10 : memref<128xi32, #tpu.memory_space<vmem>>) semaphore(%run_scoped3A : memref<!tpu.dma_semaphore, #tpu.memory_space<semaphore_mem>>) {add = true}
        %dma_wait3A_63 = arith.constant 0 : i32
        %dma_wait3A_64 = arith.constant 0 : i32
        %dma_wait3A_65 = tpu.memref_slice %arg14[%dma_wait3A_63, %dma_wait3A_64] : memref<10240x128xf32, #tpu.memory_space<vmem_shared>> -> memref<10240x128xf32, #tpu.memory_space<vmem_shared>>
        tpu.wait_indirect_dma semaphore(%run_scoped3A : memref<!tpu.dma_semaphore, #tpu.memory_space<semaphore_mem>>) src(%arg12 : memref<128x128xf32, #tpu.memory_space<vmem>>) dst(%dma_wait3A_65 : memref<10240x128xf32, #tpu.memory_space<vmem_shared>>)
        tpu.yield
      }) : () -> ()
    }
    %while3A_33 = arith.constant 1 : i32
    scf.for %while3A_39 = %while3A_31 to %while3A_27 step %while3A_33  : i32 {
      %mul3A_40 = arith.constant 32 : i32
      %mul3A_41 = arith.muli %while3A_39, %mul3A_40 : i32
      %add3A_42 = arith.addi %add3A, %mul3A_41 : i32
      %mul3A_43 = arith.constant 128 : i32
      %mul3A_44 = arith.muli %add3A_42, %mul3A_43 : i32
      "tpu.region"() ({
        %run_scoped3A = tpu.sem_alloc : memref<!tpu.dma_semaphore, #tpu.memory_space<semaphore_mem>>
        %dma_start3A_60 = tpu.memref_slice %arg3[%mul3A_44] : memref<320000xi32, #tpu.memory_space<hbm>> -> memref<128xi32, #tpu.memory_space<hbm>>
        %dma_start3A_61 = tpu.memref_slice %arg3[%mul3A_44] : memref<320000xi32, #tpu.memory_space<hbm>> -> memref<128xi32, #tpu.memory_space<hbm>>
        tpu.enqueue_dma source(%dma_start3A_61 : memref<128xi32, #tpu.memory_space<hbm>>) target(%arg9 : memref<128xi32, #tpu.memory_space<vmem>>) target_semaphore(%run_scoped3A : memref<!tpu.dma_semaphore, #tpu.memory_space<semaphore_mem>>)
        %dma_wait3A_62 = tpu.memref_slice %arg3[%mul3A_44] : memref<320000xi32, #tpu.memory_space<hbm>> -> memref<128xi32, #tpu.memory_space<hbm>>
        %dma_wait3A_63 = tpu.memref_slice %arg3[%mul3A_44] : memref<320000xi32, #tpu.memory_space<hbm>> -> memref<128xi32, #tpu.memory_space<hbm>>
        tpu.wait_dma2 semaphore(%run_scoped3A : memref<!tpu.dma_semaphore, #tpu.memory_space<semaphore_mem>>) src(%dma_wait3A_63 : memref<128xi32, #tpu.memory_space<hbm>>) dst(%arg9 : memref<128xi32, #tpu.memory_space<vmem>>)
        tpu.yield
      }) : () -> ()
      "tpu.region"() ({
        %run_scoped3A = tpu.sem_alloc : memref<!tpu.dma_semaphore, #tpu.memory_space<semaphore_mem>>
        %dma_start3A_60 = tpu.memref_slice %arg5[%mul3A_44] : memref<320000xi32, #tpu.memory_space<hbm>> -> memref<128xi32, #tpu.memory_space<hbm>>
        %dma_start3A_61 = tpu.memref_slice %arg5[%mul3A_44] : memref<320000xi32, #tpu.memory_space<hbm>> -> memref<128xi32, #tpu.memory_space<hbm>>
        tpu.enqueue_dma source(%dma_start3A_61 : memref<128xi32, #tpu.memory_space<hbm>>) target(%arg11 : memref<128xi32, #tpu.memory_space<vmem>>) target_semaphore(%run_scoped3A : memref<!tpu.dma_semaphore, #tpu.memory_space<semaphore_mem>>)
        %dma_wait3A_62 = tpu.memref_slice %arg5[%mul3A_44] : memref<320000xi32, #tpu.memory_space<hbm>> -> memref<128xi32, #tpu.memory_space<hbm>>
        %dma_wait3A_63 = tpu.memref_slice %arg5[%mul3A_44] : memref<320000xi32, #tpu.memory_space<hbm>> -> memref<128xi32, #tpu.memory_space<hbm>>
        tpu.wait_dma2 semaphore(%run_scoped3A : memref<!tpu.dma_semaphore, #tpu.memory_space<semaphore_mem>>) src(%dma_wait3A_63 : memref<128xi32, #tpu.memory_space<hbm>>) dst(%arg11 : memref<128xi32, #tpu.memory_space<vmem>>)
        tpu.yield
      }) : () -> ()
      "tpu.region"() ({
        %run_scoped3A = tpu.sem_alloc : memref<!tpu.dma_semaphore, #tpu.memory_space<semaphore_mem>>
        %dma_start3A_60 = tpu.memref_slice %arg4[%mul3A_44] : memref<320000xi32, #tpu.memory_space<hbm>> -> memref<128xi32, #tpu.memory_space<hbm>>
        %dma_start3A_61 = tpu.memref_slice %arg4[%mul3A_44] : memref<320000xi32, #tpu.memory_space<hbm>> -> memref<128xi32, #tpu.memory_space<hbm>>
        tpu.enqueue_dma source(%dma_start3A_61 : memref<128xi32, #tpu.memory_space<hbm>>) target(%arg10 : memref<128xi32, #tpu.memory_space<vmem>>) target_semaphore(%run_scoped3A : memref<!tpu.dma_semaphore, #tpu.memory_space<semaphore_mem>>)
        %dma_wait3A_62 = tpu.memref_slice %arg4[%mul3A_44] : memref<320000xi32, #tpu.memory_space<hbm>> -> memref<128xi32, #tpu.memory_space<hbm>>
        %dma_wait3A_63 = tpu.memref_slice %arg4[%mul3A_44] : memref<320000xi32, #tpu.memory_space<hbm>> -> memref<128xi32, #tpu.memory_space<hbm>>
        tpu.wait_dma2 semaphore(%run_scoped3A : memref<!tpu.dma_semaphore, #tpu.memory_space<semaphore_mem>>) src(%dma_wait3A_63 : memref<128xi32, #tpu.memory_space<hbm>>) dst(%arg10 : memref<128xi32, #tpu.memory_space<vmem>>)
        tpu.yield
      }) : () -> ()
      %dma_start3A = arith.constant 0 : i32
      %dma_start3A_45 = arith.constant 0 : i32
      %dma_start3A_46 = tpu.memref_slice %arg2[%dma_start3A, %dma_start3A_45] : memref<10240x128xf32, #tpu.memory_space<hbm>> -> memref<10240x128xf32, #tpu.memory_space<hbm>>
      tpu.enqueue_indirect_dma source(%dma_start3A_46 : memref<10240x128xf32, #tpu.memory_space<hbm>>) target(%arg12 : memref<128x128xf32, #tpu.memory_space<vmem>>) offsets(%arg9 : memref<128xi32, #tpu.memory_space<vmem>>) semaphore(%arg15 : memref<!tpu.dma_semaphore, #tpu.memory_space<semaphore_mem>>)
      %dma_start3A_47 = arith.constant 0 : i32
      %dma_start3A_48 = arith.constant 0 : i32
      %dma_start3A_49 = tpu.memref_slice %arg6[%dma_start3A_47, %dma_start3A_48] : memref<64x128xf32, #tpu.memory_space<hbm>> -> memref<64x128xf32, #tpu.memory_space<hbm>>
      tpu.enqueue_indirect_dma source(%dma_start3A_49 : memref<64x128xf32, #tpu.memory_space<hbm>>) target(%arg13 : memref<128x128xf32, #tpu.memory_space<vmem>>) offsets(%arg11 : memref<128xi32, #tpu.memory_space<vmem>>) semaphore(%arg16 : memref<!tpu.dma_semaphore, #tpu.memory_space<semaphore_mem>>)
      %dma_wait3A = arith.constant 0 : i32
      %dma_wait3A_50 = arith.constant 0 : i32
      %dma_wait3A_51 = tpu.memref_slice %arg2[%dma_wait3A, %dma_wait3A_50] : memref<10240x128xf32, #tpu.memory_space<hbm>> -> memref<10240x128xf32, #tpu.memory_space<hbm>>
      tpu.wait_indirect_dma semaphore(%arg15 : memref<!tpu.dma_semaphore, #tpu.memory_space<semaphore_mem>>) src(%dma_wait3A_51 : memref<10240x128xf32, #tpu.memory_space<hbm>>) dst(%arg12 : memref<128x128xf32, #tpu.memory_space<vmem>>)
      %dma_wait3A_52 = arith.constant 0 : i32
      %dma_wait3A_53 = arith.constant 0 : i32
      %dma_wait3A_54 = tpu.memref_slice %arg6[%dma_wait3A_52, %dma_wait3A_53] : memref<64x128xf32, #tpu.memory_space<hbm>> -> memref<64x128xf32, #tpu.memory_space<hbm>>
      tpu.wait_indirect_dma semaphore(%arg16 : memref<!tpu.dma_semaphore, #tpu.memory_space<semaphore_mem>>) src(%dma_wait3A_54 : memref<64x128xf32, #tpu.memory_space<hbm>>) dst(%arg13 : memref<128x128xf32, #tpu.memory_space<vmem>>)
      %scan3A = arith.constant 0 : i32
      %scan3A_55 = arith.constant 0 : i32
      %scan3A_56 = arith.constant 128 : i32
      %scan3A_57 = arith.addi %scan3A_55, %scan3A_56 : i32
      %scan3A_58 = arith.constant 1 : i32
      scf.for %scan3A_60 = %scan3A_55 to %scan3A_57 step %scan3A_58  : i32 {
        %get3A = arith.index_cast %scan3A_60 : i32 to index
        %get3A_61 = arith.constant 0 : index
        %get3A_62 = tpu.vector_load %arg12[%get3A, %get3A_61] {strides = array<i32>} : memref<128x128xf32, #tpu.memory_space<vmem>>, vector<1x16xf32>,
        %get3A_63 = vector.shape_cast %get3A_62 : vector<1x16xf32> to vector<16xf32>
        %get3A_64 = arith.index_cast %scan3A_60 : i32 to index
        %get3A_65 = arith.constant 0 : index
        %get3A_66 = tpu.vector_load %arg13[%get3A_64, %get3A_65] {strides = array<i32>} : memref<128x128xf32, #tpu.memory_space<vmem>>, vector<1x16xf32>,
        %get3A_67 = vector.shape_cast %get3A_66 : vector<1x16xf32> to vector<16xf32>
        %mul3A_68 = arith.mulf %get3A_63, %get3A_67 : vector<16xf32>
        %swap3A = arith.index_cast %scan3A_60 : i32 to index
        %swap3A_69 = arith.constant 0 : index
        %swap3A_70 = tpu.vector_load %arg12[%swap3A, %swap3A_69] {strides = array<i32>} : memref<128x128xf32, #tpu.memory_space<vmem>>, vector<1x16xf32>,
        %swap3A_71 = vector.shape_cast %swap3A_70 : vector<1x16xf32> to vector<16xf32>
        %swap3A_72 = vector.shape_cast %mul3A_68 : vector<16xf32> to vector<1x16xf32>
        tpu.vector_store %arg12[%swap3A, %swap3A_69], %swap3A_72 {strides = array<i32>} : memref<128x128xf32, #tpu.memory_space<vmem>>, vector<1x16xf32>,
        %get3A_73 = arith.index_cast %scan3A_60 : i32 to index
        %get3A_74 = arith.constant 16 : index
        %get3A_75 = tpu.vector_load %arg12[%get3A_73, %get3A_74] {strides = array<i32>} : memref<128x128xf32, #tpu.memory_space<vmem>>, vector<1x16xf32>,
        %get3A_76 = vector.shape_cast %get3A_75 : vector<1x16xf32> to vector<16xf32>
        %get3A_77 = arith.index_cast %scan3A_60 : i32 to index
        %get3A_78 = arith.constant 16 : index
        %get3A_79 = tpu.vector_load %arg13[%get3A_77, %get3A_78] {strides = array<i32>} : memref<128x128xf32, #tpu.memory_space<vmem>>, vector<1x16xf32>,
        %get3A_80 = vector.shape_cast %get3A_79 : vector<1x16xf32> to vector<16xf32>
        %mul3A_81 = arith.mulf %get3A_76, %get3A_80 : vector<16xf32>
        %swap3A_82 = arith.index_cast %scan3A_60 : i32 to index
        %swap3A_83 = arith.constant 16 : index
        %swap3A_84 = tpu.vector_load %arg12[%swap3A_82, %swap3A_83] {strides = array<i32>} : memref<128x128xf32, #tpu.memory_space<vmem>>, vector<1x16xf32>,
        %swap3A_85 = vector.shape_cast %swap3A_84 : vector<1x16xf32> to vector<16xf32>
        %swap3A_86 = vector.shape_cast %mul3A_81 : vector<16xf32> to vector<1x16xf32>
        tpu.vector_store %arg12[%swap3A_82, %swap3A_83], %swap3A_86 {strides = array<i32>} : memref<128x128xf32, #tpu.memory_space<vmem>>, vector<1x16xf32>,
        %get3A_87 = arith.index_cast %scan3A_60 : i32 to index
        %get3A_88 = arith.constant 32 : index
        %get3A_89 = tpu.vector_load %arg12[%get3A_87, %get3A_88] {strides = array<i32>} : memref<128x128xf32, #tpu.memory_space<vmem>>, vector<1x16xf32>,
        %get3A_90 = vector.shape_cast %get3A_89 : vector<1x16xf32> to vector<16xf32>
        %get3A_91 = arith.index_cast %scan3A_60 : i32 to index
        %get3A_92 = arith.constant 32 : index
        %get3A_93 = tpu.vector_load %arg13[%get3A_91, %get3A_92] {strides = array<i32>} : memref<128x128xf32, #tpu.memory_space<vmem>>, vector<1x16xf32>,
        %get3A_94 = vector.shape_cast %get3A_93 : vector<1x16xf32> to vector<16xf32>
        %mul3A_95 = arith.mulf %get3A_90, %get3A_94 : vector<16xf32>
        %swap3A_96 = arith.index_cast %scan3A_60 : i32 to index
        %swap3A_97 = arith.constant 32 : index
        %swap3A_98 = tpu.vector_load %arg12[%swap3A_96, %swap3A_97] {strides = array<i32>} : memref<128x128xf32, #tpu.memory_space<vmem>>, vector<1x16xf32>,
        %swap3A_99 = vector.shape_cast %swap3A_98 : vector<1x16xf32> to vector<16xf32>
        %swap3A_100 = vector.shape_cast %mul3A_95 : vector<16xf32> to vector<1x16xf32>
        tpu.vector_store %arg12[%swap3A_96, %swap3A_97], %swap3A_100 {strides = array<i32>} : memref<128x128xf32, #tpu.memory_space<vmem>>, vector<1x16xf32>,
        %get3A_101 = arith.index_cast %scan3A_60 : i32 to index
        %get3A_102 = arith.constant 48 : index
        %get3A_103 = tpu.vector_load %arg12[%get3A_101, %get3A_102] {strides = array<i32>} : memref<128x128xf32, #tpu.memory_space<vmem>>, vector<1x16xf32>,
        %get3A_104 = vector.shape_cast %get3A_103 : vector<1x16xf32> to vector<16xf32>
        %get3A_105 = arith.index_cast %scan3A_60 : i32 to index
        %get3A_106 = arith.constant 48 : index
        %get3A_107 = tpu.vector_load %arg13[%get3A_105, %get3A_106] {strides = array<i32>} : memref<128x128xf32, #tpu.memory_space<vmem>>, vector<1x16xf32>,
        %get3A_108 = vector.shape_cast %get3A_107 : vector<1x16xf32> to vector<16xf32>
        %mul3A_109 = arith.mulf %get3A_104, %get3A_108 : vector<16xf32>
        %swap3A_110 = arith.index_cast %scan3A_60 : i32 to index
        %swap3A_111 = arith.constant 48 : index
        %swap3A_112 = tpu.vector_load %arg12[%swap3A_110, %swap3A_111] {strides = array<i32>} : memref<128x128xf32, #tpu.memory_space<vmem>>, vector<1x16xf32>,
        %swap3A_113 = vector.shape_cast %swap3A_112 : vector<1x16xf32> to vector<16xf32>
        %swap3A_114 = vector.shape_cast %mul3A_109 : vector<16xf32> to vector<1x16xf32>
        tpu.vector_store %arg12[%swap3A_110, %swap3A_111], %swap3A_114 {strides = array<i32>} : memref<128x128xf32, #tpu.memory_space<vmem>>, vector<1x16xf32>,
        %get3A_115 = arith.index_cast %scan3A_60 : i32 to index
        %get3A_116 = arith.constant 64 : index
        %get3A_117 = tpu.vector_load %arg12[%get3A_115, %get3A_116] {strides = array<i32>} : memref<128x128xf32, #tpu.memory_space<vmem>>, vector<1x16xf32>,
        %get3A_118 = vector.shape_cast %get3A_117 : vector<1x16xf32> to vector<16xf32>
        %get3A_119 = arith.index_cast %scan3A_60 : i32 to index
        %get3A_120 = arith.constant 64 : index
        %get3A_121 = tpu.vector_load %arg13[%get3A_119, %get3A_120] {strides = array<i32>} : memref<128x128xf32, #tpu.memory_space<vmem>>, vector<1x16xf32>,
        %get3A_122 = vector.shape_cast %get3A_121 : vector<1x16xf32> to vector<16xf32>
        %mul3A_123 = arith.mulf %get3A_118, %get3A_122 : vector<16xf32>
        %swap3A_124 = arith.index_cast %scan3A_60 : i32 to index
        %swap3A_125 = arith.constant 64 : index
        %swap3A_126 = tpu.vector_load %arg12[%swap3A_124, %swap3A_125] {strides = array<i32>} : memref<128x128xf32, #tpu.memory_space<vmem>>, vector<1x16xf32>,
        %swap3A_127 = vector.shape_cast %swap3A_126 : vector<1x16xf32> to vector<16xf32>
        %swap3A_128 = vector.shape_cast %mul3A_123 : vector<16xf32> to vector<1x16xf32>
        tpu.vector_store %arg12[%swap3A_124, %swap3A_125], %swap3A_128 {strides = array<i32>} : memref<128x128xf32, #tpu.memory_space<vmem>>, vector<1x16xf32>,
        %get3A_129 = arith.index_cast %scan3A_60 : i32 to index
        %get3A_130 = arith.constant 80 : index
        %get3A_131 = tpu.vector_load %arg12[%get3A_129, %get3A_130] {strides = array<i32>} : memref<128x128xf32, #tpu.memory_space<vmem>>, vector<1x16xf32>,
        %get3A_132 = vector.shape_cast %get3A_131 : vector<1x16xf32> to vector<16xf32>
        %get3A_133 = arith.index_cast %scan3A_60 : i32 to index
        %get3A_134 = arith.constant 80 : index
        %get3A_135 = tpu.vector_load %arg13[%get3A_133, %get3A_134] {strides = array<i32>} : memref<128x128xf32, #tpu.memory_space<vmem>>, vector<1x16xf32>,
        %get3A_136 = vector.shape_cast %get3A_135 : vector<1x16xf32> to vector<16xf32>
        %mul3A_137 = arith.mulf %get3A_132, %get3A_136 : vector<16xf32>
        %swap3A_138 = arith.index_cast %scan3A_60 : i32 to index
        %swap3A_139 = arith.constant 80 : index
        %swap3A_140 = tpu.vector_load %arg12[%swap3A_138, %swap3A_139] {strides = array<i32>} : memref<128x128xf32, #tpu.memory_space<vmem>>, vector<1x16xf32>,
        %swap3A_141 = vector.shape_cast %swap3A_140 : vector<1x16xf32> to vector<16xf32>
        %swap3A_142 = vector.shape_cast %mul3A_137 : vector<16xf32> to vector<1x16xf32>
        tpu.vector_store %arg12[%swap3A_138, %swap3A_139], %swap3A_142 {strides = array<i32>} : memref<128x128xf32, #tpu.memory_space<vmem>>, vector<1x16xf32>,
        %get3A_143 = arith.index_cast %scan3A_60 : i32 to index
        %get3A_144 = arith.constant 96 : index
        %get3A_145 = tpu.vector_load %arg12[%get3A_143, %get3A_144] {strides = array<i32>} : memref<128x128xf32, #tpu.memory_space<vmem>>, vector<1x16xf32>,
        %get3A_146 = vector.shape_cast %get3A_145 : vector<1x16xf32> to vector<16xf32>
        %get3A_147 = arith.index_cast %scan3A_60 : i32 to index
        %get3A_148 = arith.constant 96 : index
        %get3A_149 = tpu.vector_load %arg13[%get3A_147, %get3A_148] {strides = array<i32>} : memref<128x128xf32, #tpu.memory_space<vmem>>, vector<1x16xf32>,
        %get3A_150 = vector.shape_cast %get3A_149 : vector<1x16xf32> to vector<16xf32>
        %mul3A_151 = arith.mulf %get3A_146, %get3A_150 : vector<16xf32>
        %swap3A_152 = arith.index_cast %scan3A_60 : i32 to index
        %swap3A_153 = arith.constant 96 : index
        %swap3A_154 = tpu.vector_load %arg12[%swap3A_152, %swap3A_153] {strides = array<i32>} : memref<128x128xf32, #tpu.memory_space<vmem>>, vector<1x16xf32>,
        %swap3A_155 = vector.shape_cast %swap3A_154 : vector<1x16xf32> to vector<16xf32>
        %swap3A_156 = vector.shape_cast %mul3A_151 : vector<16xf32> to vector<1x16xf32>
        tpu.vector_store %arg12[%swap3A_152, %swap3A_153], %swap3A_156 {strides = array<i32>} : memref<128x128xf32, #tpu.memory_space<vmem>>, vector<1x16xf32>,
        %get3A_157 = arith.index_cast %scan3A_60 : i32 to index
        %get3A_158 = arith.constant 112 : index
        %get3A_159 = tpu.vector_load %arg12[%get3A_157, %get3A_158] {strides = array<i32>} : memref<128x128xf32, #tpu.memory_space<vmem>>, vector<1x16xf32>,
        %get3A_160 = vector.shape_cast %get3A_159 : vector<1x16xf32> to vector<16xf32>
        %get3A_161 = arith.index_cast %scan3A_60 : i32 to index
        %get3A_162 = arith.constant 112 : index
        %get3A_163 = tpu.vector_load %arg13[%get3A_161, %get3A_162] {strides = array<i32>} : memref<128x128xf32, #tpu.memory_space<vmem>>, vector<1x16xf32>,
        %get3A_164 = vector.shape_cast %get3A_163 : vector<1x16xf32> to vector<16xf32>
        %mul3A_165 = arith.mulf %get3A_160, %get3A_164 : vector<16xf32>
        %swap3A_166 = arith.index_cast %scan3A_60 : i32 to index
        %swap3A_167 = arith.constant 112 : index
        %swap3A_168 = tpu.vector_load %arg12[%swap3A_166, %swap3A_167] {strides = array<i32>} : memref<128x128xf32, #tpu.memory_space<vmem>>, vector<1x16xf32>,
        %swap3A_169 = vector.shape_cast %swap3A_168 : vector<1x16xf32> to vector<16xf32>
        %swap3A_170 = vector.shape_cast %mul3A_165 : vector<16xf32> to vector<1x16xf32>
        tpu.vector_store %arg12[%swap3A_166, %swap3A_167], %swap3A_170 {strides = array<i32>} : memref<128x128xf32, #tpu.memory_space<vmem>>, vector<1x16xf32>,
      }
      %scan3A_59 = arith.constant 128 : i32
      "tpu.region"() ({
        %run_scoped3A = tpu.sem_alloc : memref<!tpu.dma_semaphore, #tpu.memory_space<semaphore_mem>>
        %dma_start3A_60 = arith.constant 0 : i32
        %dma_start3A_61 = arith.constant 0 : i32
        %dma_start3A_62 = tpu.memref_slice %arg14[%dma_start3A_60, %dma_start3A_61] : memref<10240x128xf32, #tpu.memory_space<vmem_shared>> -> memref<10240x128xf32, #tpu.memory_space<vmem_shared>>
        tpu.enqueue_indirect_dma source(%arg12 : memref<128x128xf32, #tpu.memory_space<vmem>>) target(%dma_start3A_62 : memref<10240x128xf32, #tpu.memory_space<vmem_shared>>) offsets(%arg10 : memref<128xi32, #tpu.memory_space<vmem>>) semaphore(%run_scoped3A : memref<!tpu.dma_semaphore, #tpu.memory_space<semaphore_mem>>) {add = true}
        %dma_wait3A_63 = arith.constant 0 : i32
        %dma_wait3A_64 = arith.constant 0 : i32
        %dma_wait3A_65 = tpu.memref_slice %arg14[%dma_wait3A_63, %dma_wait3A_64] : memref<10240x128xf32, #tpu.memory_space<vmem_shared>> -> memref<10240x128xf32, #tpu.memory_space<vmem_shared>>
        tpu.wait_indirect_dma semaphore(%run_scoped3A : memref<!tpu.dma_semaphore, #tpu.memory_space<semaphore_mem>>) src(%arg12 : memref<128x128xf32, #tpu.memory_space<vmem>>) dst(%dma_wait3A_65 : memref<10240x128xf32, #tpu.memory_space<vmem_shared>>)
        tpu.yield
      }) : () -> ()
    }
    %barrier3A_34 = arith.constant 0 : index
    tpu.barrier barrier_id(%barrier3A_34)
    %mul3A_35 = arith.constant 640 : i32
    %mul3A_36 = arith.muli %arg1, %mul3A_35 : i32
    %mul3A_37 = arith.constant 640 : i32
    %mul3A_38 = arith.muli %arg1, %mul3A_37 : i32
    "tpu.region"() ({
      %run_scoped3A = tpu.sem_alloc : memref<!tpu.dma_semaphore, #tpu.memory_space<semaphore_mem>>
      %dma_start3A = arith.constant 0 : i32
      %dma_start3A_39 = tpu.memref_slice %arg8[%arg0, %mul3A_38, %dma_start3A] : memref<2x10240x128xf32, #tpu.memory_space<hbm>> -> memref<1x640x128xf32, #tpu.memory_space<hbm>>
      %dma_start3A_40 = tpu.memref_squeeze %dma_start3A_39 : memref<1x640x128xf32, #tpu.memory_space<hbm>> -> memref<640x128xf32, #tpu.memory_space<hbm>>
      %dma_start3A_41 = arith.constant 0 : i32
      %dma_start3A_42 = tpu.memref_slice %arg14[%mul3A_36, %dma_start3A_41] : memref<10240x128xf32, #tpu.memory_space<vmem_shared>> -> memref<640x128xf32, #tpu.memory_space<vmem_shared>>
      tpu.enqueue_dma source(%dma_start3A_42 : memref<640x128xf32, #tpu.memory_space<vmem_shared>>) target(%dma_start3A_40 : memref<640x128xf32, #tpu.memory_space<hbm>>) target_semaphore(%run_scoped3A : memref<!tpu.dma_semaphore, #tpu.memory_space<semaphore_mem>>)
      %dma_wait3A = arith.constant 0 : i32
      %dma_wait3A_43 = tpu.memref_slice %arg8[%arg0, %mul3A_38, %dma_wait3A] : memref<2x10240x128xf32, #tpu.memory_space<hbm>> -> memref<1x640x128xf32, #tpu.memory_space<hbm>>
      %dma_wait3A_44 = tpu.memref_squeeze %dma_wait3A_43 : memref<1x640x128xf32, #tpu.memory_space<hbm>> -> memref<640x128xf32, #tpu.memory_space<hbm>>
      %dma_wait3A_45 = arith.constant 0 : i32
      %dma_wait3A_46 = tpu.memref_slice %arg14[%mul3A_36, %dma_wait3A_45] : memref<10240x128xf32, #tpu.memory_space<vmem_shared>> -> memref<640x128xf32, #tpu.memory_space<vmem_shared>>
      tpu.wait_dma2 semaphore(%run_scoped3A : memref<!tpu.dma_semaphore, #tpu.memory_space<semaphore_mem>>) src(%dma_wait3A_46 : memref<640x128xf32, #tpu.memory_space<vmem_shared>>) dst(%dma_wait3A_44 : memref<640x128xf32, #tpu.memory_space<hbm>>)
      tpu.yield
    }) : () -> ()
    return
  }
}

#map = affine_map<(d0, d1) -> (0, 0)>
#map1 = affine_map<(d0, d1) -> (0)>
#map2 = affine_map<(d0, d1) -> (0, 0, 0)>
module attributes {stable_mosaic.version = 14 : i64} {
  func.func @_sc_edge_pass(%arg0: i32, %arg1: i32, %arg2: memref<10240x128xf32, #tpu.memory_space<hbm>>, %arg3: memref<320000xi32, #tpu.memory_space<hbm>>, %arg4: memref<320000xi32, #tpu.memory_space<hbm>>, %arg5: memref<320000xi32, #tpu.memory_space<hbm>>, %arg6: memref<64x128xf32, #tpu.memory_space<hbm>>, %arg7: memref<128x128xf32, #tpu.memory_space<hbm>>, %arg8: memref<2x10240x128xf32, #tpu.memory_space<hbm>>, %arg9: memref<128xi32, #tpu.memory_space<vmem>>, %arg10: memref<128xi32, #tpu.memory_space<vmem>>, %arg11: memref<128xi32, #tpu.memory_space<vmem>>, %arg12: memref<128x128xf32, #tpu.memory_space<vmem>>, %arg13: memref<128x128xf32, #tpu.memory_space<vmem>>, %arg14: memref<10240x128xf32, #tpu.memory_space<vmem_shared>>, %arg15: memref<!tpu.dma_semaphore, #tpu.memory_space<semaphore_mem>>, %arg16: memref<!tpu.dma_semaphore, #tpu.memory_space<semaphore_mem>>) attributes {dimension_semantics = [#tpu.dimension_semantics<core_parallel>, #tpu.dimension_semantics<subcore_parallel>], iteration_bounds = array<i64: 2, 16>, scalar_prefetch = 0 : i64, scratch_operands = 8 : i64, tpu.core_type = #tpu.core_type<sc_vector_subcore>, window_params = [{transform_indices = #map}, {transform_indices = #map1}, {transform_indices = #map1}, {transform_indices = #map1}, {transform_indices = #map}, {transform_indices = #map}, {transform_indices = #map2}]} {
    %mul3A = arith.constant 2 : i32
    %mul3A_0 = arith.muli %arg1, %mul3A : i32
    %add3A = arith.addi %mul3A_0, %arg0 : i32
    "tpu.region"() ({
      %run_scoped3A = tpu.sem_alloc : memref<!tpu.dma_semaphore, #tpu.memory_space<semaphore_mem>>
      tpu.enqueue_dma source(%arg7 : memref<128x128xf32, #tpu.memory_space<hbm>>) target(%arg12 : memref<128x128xf32, #tpu.memory_space<vmem>>) target_semaphore(%run_scoped3A : memref<!tpu.dma_semaphore, #tpu.memory_space<semaphore_mem>>)
      tpu.wait_dma2 semaphore(%run_scoped3A : memref<!tpu.dma_semaphore, #tpu.memory_space<semaphore_mem>>) src(%arg7 : memref<128x128xf32, #tpu.memory_space<hbm>>) dst(%arg12 : memref<128x128xf32, #tpu.memory_space<vmem>>)
      tpu.yield
    }) : () -> ()
    %mul3A_1 = arith.constant 640 : i32
    %mul3A_2 = arith.muli %arg1, %mul3A_1 : i32
    %add3A_3 = arith.constant 0 : i32
    %add3A_4 = arith.addi %mul3A_2, %add3A_3 : i32
    "tpu.region"() ({
      %run_scoped3A = tpu.sem_alloc : memref<!tpu.dma_semaphore, #tpu.memory_space<semaphore_mem>>
      %dma_start3A = arith.constant 0 : i32
      %dma_start3A_39 = tpu.memref_slice %arg14[%add3A_4, %dma_start3A] : memref<10240x128xf32, #tpu.memory_space<vmem_shared>> -> memref<128x128xf32, #tpu.memory_space<vmem_shared>>
      %dma_start3A_40 = arith.constant 0 : i32
      %dma_start3A_41 = tpu.memref_slice %arg14[%add3A_4, %dma_start3A_40] : memref<10240x128xf32, #tpu.memory_space<vmem_shared>> -> memref<128x128xf32, #tpu.memory_space<vmem_shared>>
      tpu.enqueue_dma source(%arg12 : memref<128x128xf32, #tpu.memory_space<vmem>>) target(%dma_start3A_41 : memref<128x128xf32, #tpu.memory_space<vmem_shared>>) target_semaphore(%run_scoped3A : memref<!tpu.dma_semaphore, #tpu.memory_space<semaphore_mem>>)
      %dma_wait3A = arith.constant 0 : i32
      %dma_wait3A_42 = tpu.memref_slice %arg14[%add3A_4, %dma_wait3A] : memref<10240x128xf32, #tpu.memory_space<vmem_shared>> -> memref<128x128xf32, #tpu.memory_space<vmem_shared>>
      %dma_wait3A_43 = arith.constant 0 : i32
      %dma_wait3A_44 = tpu.memref_slice %arg14[%add3A_4, %dma_wait3A_43] : memref<10240x128xf32, #tpu.memory_space<vmem_shared>> -> memref<128x128xf32, #tpu.memory_space<vmem_shared>>
      tpu.wait_dma2 semaphore(%run_scoped3A : memref<!tpu.dma_semaphore, #tpu.memory_space<semaphore_mem>>) src(%arg12 : memref<128x128xf32, #tpu.memory_space<vmem>>) dst(%dma_wait3A_44 : memref<128x128xf32, #tpu.memory_space<vmem_shared>>)
      tpu.yield
    }) : () -> ()
    %mul3A_5 = arith.constant 640 : i32
    %mul3A_6 = arith.muli %arg1, %mul3A_5 : i32
    %add3A_7 = arith.constant 128 : i32
    %add3A_8 = arith.addi %mul3A_6, %add3A_7 : i32
    "tpu.region"() ({
      %run_scoped3A = tpu.sem_alloc : memref<!tpu.dma_semaphore, #tpu.memory_space<semaphore_mem>>
      %dma_start3A = arith.constant 0 : i32
      %dma_start3A_39 = tpu.memref_slice %arg14[%add3A_8, %dma_start3A] : memref<10240x128xf32, #tpu.memory_space<vmem_shared>> -> memref<128x128xf32, #tpu.memory_space<vmem_shared>>
      %dma_start3A_40 = arith.constant 0 : i32
      %dma_start3A_41 = tpu.memref_slice %arg14[%add3A_8, %dma_start3A_40] : memref<10240x128xf32, #tpu.memory_space<vmem_shared>> -> memref<128x128xf32, #tpu.memory_space<vmem_shared>>
      tpu.enqueue_dma source(%arg12 : memref<128x128xf32, #tpu.memory_space<vmem>>) target(%dma_start3A_41 : memref<128x128xf32, #tpu.memory_space<vmem_shared>>) target_semaphore(%run_scoped3A : memref<!tpu.dma_semaphore, #tpu.memory_space<semaphore_mem>>)
      %dma_wait3A = arith.constant 0 : i32
      %dma_wait3A_42 = tpu.memref_slice %arg14[%add3A_8, %dma_wait3A] : memref<10240x128xf32, #tpu.memory_space<vmem_shared>> -> memref<128x128xf32, #tpu.memory_space<vmem_shared>>
      %dma_wait3A_43 = arith.constant 0 : i32
      %dma_wait3A_44 = tpu.memref_slice %arg14[%add3A_8, %dma_wait3A_43] : memref<10240x128xf32, #tpu.memory_space<vmem_shared>> -> memref<128x128xf32, #tpu.memory_space<vmem_shared>>
      tpu.wait_dma2 semaphore(%run_scoped3A : memref<!tpu.dma_semaphore, #tpu.memory_space<semaphore_mem>>) src(%arg12 : memref<128x128xf32, #tpu.memory_space<vmem>>) dst(%dma_wait3A_44 : memref<128x128xf32, #tpu.memory_space<vmem_shared>>)
      tpu.yield
    }) : () -> ()
    %mul3A_9 = arith.constant 640 : i32
    %mul3A_10 = arith.muli %arg1, %mul3A_9 : i32
    %add3A_11 = arith.constant 256 : i32
    %add3A_12 = arith.addi %mul3A_10, %add3A_11 : i32
    "tpu.region"() ({
      %run_scoped3A = tpu.sem_alloc : memref<!tpu.dma_semaphore, #tpu.memory_space<semaphore_mem>>
      %dma_start3A = arith.constant 0 : i32
      %dma_start3A_39 = tpu.memref_slice %arg14[%add3A_12, %dma_start3A] : memref<10240x128xf32, #tpu.memory_space<vmem_shared>> -> memref<128x128xf32, #tpu.memory_space<vmem_shared>>
      %dma_start3A_40 = arith.constant 0 : i32
      %dma_start3A_41 = tpu.memref_slice %arg14[%add3A_12, %dma_start3A_40] : memref<10240x128xf32, #tpu.memory_space<vmem_shared>> -> memref<128x128xf32, #tpu.memory_space<vmem_shared>>
      tpu.enqueue_dma source(%arg12 : memref<128x128xf32, #tpu.memory_space<vmem>>) target(%dma_start3A_41 : memref<128x128xf32, #tpu.memory_space<vmem_shared>>) target_semaphore(%run_scoped3A : memref<!tpu.dma_semaphore, #tpu.memory_space<semaphore_mem>>)
      %dma_wait3A = arith.constant 0 : i32
      %dma_wait3A_42 = tpu.memref_slice %arg14[%add3A_12, %dma_wait3A] : memref<10240x128xf32, #tpu.memory_space<vmem_shared>> -> memref<128x128xf32, #tpu.memory_space<vmem_shared>>
      %dma_wait3A_43 = arith.constant 0 : i32
      %dma_wait3A_44 = tpu.memref_slice %arg14[%add3A_12, %dma_wait3A_43] : memref<10240x128xf32, #tpu.memory_space<vmem_shared>> -> memref<128x128xf32, #tpu.memory_space<vmem_shared>>
      tpu.wait_dma2 semaphore(%run_scoped3A : memref<!tpu.dma_semaphore, #tpu.memory_space<semaphore_mem>>) src(%arg12 : memref<128x128xf32, #tpu.memory_space<vmem>>) dst(%dma_wait3A_44 : memref<128x128xf32, #tpu.memory_space<vmem_shared>>)
      tpu.yield
    }) : () -> ()
    %mul3A_13 = arith.constant 640 : i32
    %mul3A_14 = arith.muli %arg1, %mul3A_13 : i32
    %add3A_15 = arith.constant 384 : i32
    %add3A_16 = arith.addi %mul3A_14, %add3A_15 : i32
    "tpu.region"() ({
      %run_scoped3A = tpu.sem_alloc : memref<!tpu.dma_semaphore, #tpu.memory_space<semaphore_mem>>
      %dma_start3A = arith.constant 0 : i32
      %dma_start3A_39 = tpu.memref_slice %arg14[%add3A_16, %dma_start3A] : memref<10240x128xf32, #tpu.memory_space<vmem_shared>> -> memref<128x128xf32, #tpu.memory_space<vmem_shared>>
      %dma_start3A_40 = arith.constant 0 : i32
      %dma_start3A_41 = tpu.memref_slice %arg14[%add3A_16, %dma_start3A_40] : memref<10240x128xf32, #tpu.memory_space<vmem_shared>> -> memref<128x128xf32, #tpu.memory_space<vmem_shared>>
      tpu.enqueue_dma source(%arg12 : memref<128x128xf32, #tpu.memory_space<vmem>>) target(%dma_start3A_41 : memref<128x128xf32, #tpu.memory_space<vmem_shared>>) target_semaphore(%run_scoped3A : memref<!tpu.dma_semaphore, #tpu.memory_space<semaphore_mem>>)
      %dma_wait3A = arith.constant 0 : i32
      %dma_wait3A_42 = tpu.memref_slice %arg14[%add3A_16, %dma_wait3A] : memref<10240x128xf32, #tpu.memory_space<vmem_shared>> -> memref<128x128xf32, #tpu.memory_space<vmem_shared>>
      %dma_wait3A_43 = arith.constant 0 : i32
      %dma_wait3A_44 = tpu.memref_slice %arg14[%add3A_16, %dma_wait3A_43] : memref<10240x128xf32, #tpu.memory_space<vmem_shared>> -> memref<128x128xf32, #tpu.memory_space<vmem_shared>>
      tpu.wait_dma2 semaphore(%run_scoped3A : memref<!tpu.dma_semaphore, #tpu.memory_space<semaphore_mem>>) src(%arg12 : memref<128x128xf32, #tpu.memory_space<vmem>>) dst(%dma_wait3A_44 : memref<128x128xf32, #tpu.memory_space<vmem_shared>>)
      tpu.yield
    }) : () -> ()
    %mul3A_17 = arith.constant 640 : i32
    %mul3A_18 = arith.muli %arg1, %mul3A_17 : i32
    %add3A_19 = arith.constant 512 : i32
    %add3A_20 = arith.addi %mul3A_18, %add3A_19 : i32
    "tpu.region"() ({
      %run_scoped3A = tpu.sem_alloc : memref<!tpu.dma_semaphore, #tpu.memory_space<semaphore_mem>>
      %dma_start3A = arith.constant 0 : i32
      %dma_start3A_39 = tpu.memref_slice %arg14[%add3A_20, %dma_start3A] : memref<10240x128xf32, #tpu.memory_space<vmem_shared>> -> memref<128x128xf32, #tpu.memory_space<vmem_shared>>
      %dma_start3A_40 = arith.constant 0 : i32
      %dma_start3A_41 = tpu.memref_slice %arg14[%add3A_20, %dma_start3A_40] : memref<10240x128xf32, #tpu.memory_space<vmem_shared>> -> memref<128x128xf32, #tpu.memory_space<vmem_shared>>
      tpu.enqueue_dma source(%arg12 : memref<128x128xf32, #tpu.memory_space<vmem>>) target(%dma_start3A_41 : memref<128x128xf32, #tpu.memory_space<vmem_shared>>) target_semaphore(%run_scoped3A : memref<!tpu.dma_semaphore, #tpu.memory_space<semaphore_mem>>)
      %dma_wait3A = arith.constant 0 : i32
      %dma_wait3A_42 = tpu.memref_slice %arg14[%add3A_20, %dma_wait3A] : memref<10240x128xf32, #tpu.memory_space<vmem_shared>> -> memref<128x128xf32, #tpu.memory_space<vmem_shared>>
      %dma_wait3A_43 = arith.constant 0 : i32
      %dma_wait3A_44 = tpu.memref_slice %arg14[%add3A_20, %dma_wait3A_43] : memref<10240x128xf32, #tpu.memory_space<vmem_shared>> -> memref<128x128xf32, #tpu.memory_space<vmem_shared>>
      tpu.wait_dma2 semaphore(%run_scoped3A : memref<!tpu.dma_semaphore, #tpu.memory_space<semaphore_mem>>) src(%arg12 : memref<128x128xf32, #tpu.memory_space<vmem>>) dst(%dma_wait3A_44 : memref<128x128xf32, #tpu.memory_space<vmem_shared>>)
      tpu.yield
    }) : () -> ()
    %barrier3A = arith.constant 0 : index
    tpu.barrier barrier_id(%barrier3A)
    %lt3A = arith.constant 4 : i32
    %lt3A_21 = arith.cmpi slt, %add3A, %lt3A : i32
    %jit3A = arith.constant 1 : i32
    %jit3A_22 = arith.constant 0 : i32
    %select_n3A = arith.select %lt3A_21, %jit3A, %jit3A_22 : i32
    %add3A_23 = arith.constant 78 : i32
    %add3A_24 = arith.addi %add3A_23, %select_n3A : i32
    %while3A = arith.constant 0 : i32
    %while3A_25 = arith.constant 0 : i32
    %while3A_26 = arith.subi %add3A_24, %while3A_25 : i32
    %while3A_27 = arith.addi %while3A_25, %while3A_26 : i32
    %while3A_28 = arith.constant 1 : i32
    %while3A_29 = arith.divsi %while3A_26, %while3A_28 : i32
    %while3A_30 = arith.muli %while3A_29, %while3A_28 : i32
    %while3A_31 = arith.addi %while3A_25, %while3A_30 : i32
    %while3A_32 = arith.constant 1 : i32
    scf.for %while3A_39 = %while3A_25 to %while3A_31 step %while3A_32  : i32 {
      %mul3A_40 = arith.constant 32 : i32
      %mul3A_41 = arith.muli %while3A_39, %mul3A_40 : i32
      %add3A_42 = arith.addi %add3A, %mul3A_41 : i32
      %mul3A_43 = arith.constant 128 : i32
      %mul3A_44 = arith.muli %add3A_42, %mul3A_43 : i32
      "tpu.region"() ({
        %run_scoped3A = tpu.sem_alloc : memref<!tpu.dma_semaphore, #tpu.memory_space<semaphore_mem>>
        %dma_start3A_60 = tpu.memref_slice %arg3[%mul3A_44] : memref<320000xi32, #tpu.memory_space<hbm>> -> memref<128xi32, #tpu.memory_space<hbm>>
        %dma_start3A_61 = tpu.memref_slice %arg3[%mul3A_44] : memref<320000xi32, #tpu.memory_space<hbm>> -> memref<128xi32, #tpu.memory_space<hbm>>
        tpu.enqueue_dma source(%dma_start3A_61 : memref<128xi32, #tpu.memory_space<hbm>>) target(%arg9 : memref<128xi32, #tpu.memory_space<vmem>>) target_semaphore(%run_scoped3A : memref<!tpu.dma_semaphore, #tpu.memory_space<semaphore_mem>>)
        %dma_wait3A_62 = tpu.memref_slice %arg3[%mul3A_44] : memref<320000xi32, #tpu.memory_space<hbm>> -> memref<128xi32, #tpu.memory_space<hbm>>
        %dma_wait3A_63 = tpu.memref_slice %arg3[%mul3A_44] : memref<320000xi32, #tpu.memory_space<hbm>> -> memref<128xi32, #tpu.memory_space<hbm>>
        tpu.wait_dma2 semaphore(%run_scoped3A : memref<!tpu.dma_semaphore, #tpu.memory_space<semaphore_mem>>) src(%dma_wait3A_63 : memref<128xi32, #tpu.memory_space<hbm>>) dst(%arg9 : memref<128xi32, #tpu.memory_space<vmem>>)
        tpu.yield
      }) : () -> ()
      "tpu.region"() ({
        %run_scoped3A = tpu.sem_alloc : memref<!tpu.dma_semaphore, #tpu.memory_space<semaphore_mem>>
        %dma_start3A_60 = tpu.memref_slice %arg5[%mul3A_44] : memref<320000xi32, #tpu.memory_space<hbm>> -> memref<128xi32, #tpu.memory_space<hbm>>
        %dma_start3A_61 = tpu.memref_slice %arg5[%mul3A_44] : memref<320000xi32, #tpu.memory_space<hbm>> -> memref<128xi32, #tpu.memory_space<hbm>>
        tpu.enqueue_dma source(%dma_start3A_61 : memref<128xi32, #tpu.memory_space<hbm>>) target(%arg11 : memref<128xi32, #tpu.memory_space<vmem>>) target_semaphore(%run_scoped3A : memref<!tpu.dma_semaphore, #tpu.memory_space<semaphore_mem>>)
        %dma_wait3A_62 = tpu.memref_slice %arg5[%mul3A_44] : memref<320000xi32, #tpu.memory_space<hbm>> -> memref<128xi32, #tpu.memory_space<hbm>>
        %dma_wait3A_63 = tpu.memref_slice %arg5[%mul3A_44] : memref<320000xi32, #tpu.memory_space<hbm>> -> memref<128xi32, #tpu.memory_space<hbm>>
        tpu.wait_dma2 semaphore(%run_scoped3A : memref<!tpu.dma_semaphore, #tpu.memory_space<semaphore_mem>>) src(%dma_wait3A_63 : memref<128xi32, #tpu.memory_space<hbm>>) dst(%arg11 : memref<128xi32, #tpu.memory_space<vmem>>)
        tpu.yield
      }) : () -> ()
      "tpu.region"() ({
        %run_scoped3A = tpu.sem_alloc : memref<!tpu.dma_semaphore, #tpu.memory_space<semaphore_mem>>
        %dma_start3A_60 = tpu.memref_slice %arg4[%mul3A_44] : memref<320000xi32, #tpu.memory_space<hbm>> -> memref<128xi32, #tpu.memory_space<hbm>>
        %dma_start3A_61 = tpu.memref_slice %arg4[%mul3A_44] : memref<320000xi32, #tpu.memory_space<hbm>> -> memref<128xi32, #tpu.memory_space<hbm>>
        tpu.enqueue_dma source(%dma_start3A_61 : memref<128xi32, #tpu.memory_space<hbm>>) target(%arg10 : memref<128xi32, #tpu.memory_space<vmem>>) target_semaphore(%run_scoped3A : memref<!tpu.dma_semaphore, #tpu.memory_space<semaphore_mem>>)
        %dma_wait3A_62 = tpu.memref_slice %arg4[%mul3A_44] : memref<320000xi32, #tpu.memory_space<hbm>> -> memref<128xi32, #tpu.memory_space<hbm>>
        %dma_wait3A_63 = tpu.memref_slice %arg4[%mul3A_44] : memref<320000xi32, #tpu.memory_space<hbm>> -> memref<128xi32, #tpu.memory_space<hbm>>
        tpu.wait_dma2 semaphore(%run_scoped3A : memref<!tpu.dma_semaphore, #tpu.memory_space<semaphore_mem>>) src(%dma_wait3A_63 : memref<128xi32, #tpu.memory_space<hbm>>) dst(%arg10 : memref<128xi32, #tpu.memory_space<vmem>>)
        tpu.yield
      }) : () -> ()
      %dma_start3A = arith.constant 0 : i32
      %dma_start3A_45 = arith.constant 0 : i32
      %dma_start3A_46 = tpu.memref_slice %arg2[%dma_start3A, %dma_start3A_45] : memref<10240x128xf32, #tpu.memory_space<hbm>> -> memref<10240x128xf32, #tpu.memory_space<hbm>>
      tpu.enqueue_indirect_dma source(%dma_start3A_46 : memref<10240x128xf32, #tpu.memory_space<hbm>>) target(%arg12 : memref<128x128xf32, #tpu.memory_space<vmem>>) offsets(%arg9 : memref<128xi32, #tpu.memory_space<vmem>>) semaphore(%arg15 : memref<!tpu.dma_semaphore, #tpu.memory_space<semaphore_mem>>)
      %dma_start3A_47 = arith.constant 0 : i32
      %dma_start3A_48 = arith.constant 0 : i32
      %dma_start3A_49 = tpu.memref_slice %arg6[%dma_start3A_47, %dma_start3A_48] : memref<64x128xf32, #tpu.memory_space<hbm>> -> memref<64x128xf32, #tpu.memory_space<hbm>>
      tpu.enqueue_indirect_dma source(%dma_start3A_49 : memref<64x128xf32, #tpu.memory_space<hbm>>) target(%arg13 : memref<128x128xf32, #tpu.memory_space<vmem>>) offsets(%arg11 : memref<128xi32, #tpu.memory_space<vmem>>) semaphore(%arg16 : memref<!tpu.dma_semaphore, #tpu.memory_space<semaphore_mem>>)
      %dma_wait3A = arith.constant 0 : i32
      %dma_wait3A_50 = arith.constant 0 : i32
      %dma_wait3A_51 = tpu.memref_slice %arg2[%dma_wait3A, %dma_wait3A_50] : memref<10240x128xf32, #tpu.memory_space<hbm>> -> memref<10240x128xf32, #tpu.memory_space<hbm>>
      tpu.wait_indirect_dma semaphore(%arg15 : memref<!tpu.dma_semaphore, #tpu.memory_space<semaphore_mem>>) src(%dma_wait3A_51 : memref<10240x128xf32, #tpu.memory_space<hbm>>) dst(%arg12 : memref<128x128xf32, #tpu.memory_space<vmem>>)
      %dma_wait3A_52 = arith.constant 0 : i32
      %dma_wait3A_53 = arith.constant 0 : i32
      %dma_wait3A_54 = tpu.memref_slice %arg6[%dma_wait3A_52, %dma_wait3A_53] : memref<64x128xf32, #tpu.memory_space<hbm>> -> memref<64x128xf32, #tpu.memory_space<hbm>>
      tpu.wait_indirect_dma semaphore(%arg16 : memref<!tpu.dma_semaphore, #tpu.memory_space<semaphore_mem>>) src(%dma_wait3A_54 : memref<64x128xf32, #tpu.memory_space<hbm>>) dst(%arg13 : memref<128x128xf32, #tpu.memory_space<vmem>>)
      %scan3A = arith.constant 0 : i32
      %scan3A_55 = arith.constant 0 : i32
      %scan3A_56 = arith.constant 128 : i32
      %scan3A_57 = arith.addi %scan3A_55, %scan3A_56 : i32
      %scan3A_58 = arith.constant 1 : i32
      scf.for %scan3A_60 = %scan3A_55 to %scan3A_57 step %scan3A_58  : i32 {
        %get3A = arith.index_cast %scan3A_60 : i32 to index
        %get3A_61 = arith.constant 0 : index
        %get3A_62 = tpu.vector_load %arg12[%get3A, %get3A_61] {strides = array<i32>} : memref<128x128xf32, #tpu.memory_space<vmem>>, vector<1x16xf32>,
        %get3A_63 = vector.shape_cast %get3A_62 : vector<1x16xf32> to vector<16xf32>
        %get3A_64 = arith.index_cast %scan3A_60 : i32 to index
        %get3A_65 = arith.constant 0 : index
        %get3A_66 = tpu.vector_load %arg13[%get3A_64, %get3A_65] {strides = array<i32>} : memref<128x128xf32, #tpu.memory_space<vmem>>, vector<1x16xf32>,
        %get3A_67 = vector.shape_cast %get3A_66 : vector<1x16xf32> to vector<16xf32>
        %mul3A_68 = arith.mulf %get3A_63, %get3A_67 : vector<16xf32>
        %swap3A = arith.index_cast %scan3A_60 : i32 to index
        %swap3A_69 = arith.constant 0 : index
        %swap3A_70 = tpu.vector_load %arg12[%swap3A, %swap3A_69] {strides = array<i32>} : memref<128x128xf32, #tpu.memory_space<vmem>>, vector<1x16xf32>,
        %swap3A_71 = vector.shape_cast %swap3A_70 : vector<1x16xf32> to vector<16xf32>
        %swap3A_72 = vector.shape_cast %mul3A_68 : vector<16xf32> to vector<1x16xf32>
        tpu.vector_store %arg12[%swap3A, %swap3A_69], %swap3A_72 {strides = array<i32>} : memref<128x128xf32, #tpu.memory_space<vmem>>, vector<1x16xf32>,
        %get3A_73 = arith.index_cast %scan3A_60 : i32 to index
        %get3A_74 = arith.constant 16 : index
        %get3A_75 = tpu.vector_load %arg12[%get3A_73, %get3A_74] {strides = array<i32>} : memref<128x128xf32, #tpu.memory_space<vmem>>, vector<1x16xf32>,
        %get3A_76 = vector.shape_cast %get3A_75 : vector<1x16xf32> to vector<16xf32>
        %get3A_77 = arith.index_cast %scan3A_60 : i32 to index
        %get3A_78 = arith.constant 16 : index
        %get3A_79 = tpu.vector_load %arg13[%get3A_77, %get3A_78] {strides = array<i32>} : memref<128x128xf32, #tpu.memory_space<vmem>>, vector<1x16xf32>,
        %get3A_80 = vector.shape_cast %get3A_79 : vector<1x16xf32> to vector<16xf32>
        %mul3A_81 = arith.mulf %get3A_76, %get3A_80 : vector<16xf32>
        %swap3A_82 = arith.index_cast %scan3A_60 : i32 to index
        %swap3A_83 = arith.constant 16 : index
        %swap3A_84 = tpu.vector_load %arg12[%swap3A_82, %swap3A_83] {strides = array<i32>} : memref<128x128xf32, #tpu.memory_space<vmem>>, vector<1x16xf32>,
        %swap3A_85 = vector.shape_cast %swap3A_84 : vector<1x16xf32> to vector<16xf32>
        %swap3A_86 = vector.shape_cast %mul3A_81 : vector<16xf32> to vector<1x16xf32>
        tpu.vector_store %arg12[%swap3A_82, %swap3A_83], %swap3A_86 {strides = array<i32>} : memref<128x128xf32, #tpu.memory_space<vmem>>, vector<1x16xf32>,
        %get3A_87 = arith.index_cast %scan3A_60 : i32 to index
        %get3A_88 = arith.constant 32 : index
        %get3A_89 = tpu.vector_load %arg12[%get3A_87, %get3A_88] {strides = array<i32>} : memref<128x128xf32, #tpu.memory_space<vmem>>, vector<1x16xf32>,
        %get3A_90 = vector.shape_cast %get3A_89 : vector<1x16xf32> to vector<16xf32>
        %get3A_91 = arith.index_cast %scan3A_60 : i32 to index
        %get3A_92 = arith.constant 32 : index
        %get3A_93 = tpu.vector_load %arg13[%get3A_91, %get3A_92] {strides = array<i32>} : memref<128x128xf32, #tpu.memory_space<vmem>>, vector<1x16xf32>,
        %get3A_94 = vector.shape_cast %get3A_93 : vector<1x16xf32> to vector<16xf32>
        %mul3A_95 = arith.mulf %get3A_90, %get3A_94 : vector<16xf32>
        %swap3A_96 = arith.index_cast %scan3A_60 : i32 to index
        %swap3A_97 = arith.constant 32 : index
        %swap3A_98 = tpu.vector_load %arg12[%swap3A_96, %swap3A_97] {strides = array<i32>} : memref<128x128xf32, #tpu.memory_space<vmem>>, vector<1x16xf32>,
        %swap3A_99 = vector.shape_cast %swap3A_98 : vector<1x16xf32> to vector<16xf32>
        %swap3A_100 = vector.shape_cast %mul3A_95 : vector<16xf32> to vector<1x16xf32>
        tpu.vector_store %arg12[%swap3A_96, %swap3A_97], %swap3A_100 {strides = array<i32>} : memref<128x128xf32, #tpu.memory_space<vmem>>, vector<1x16xf32>,
        %get3A_101 = arith.index_cast %scan3A_60 : i32 to index
        %get3A_102 = arith.constant 48 : index
        %get3A_103 = tpu.vector_load %arg12[%get3A_101, %get3A_102] {strides = array<i32>} : memref<128x128xf32, #tpu.memory_space<vmem>>, vector<1x16xf32>,
        %get3A_104 = vector.shape_cast %get3A_103 : vector<1x16xf32> to vector<16xf32>
        %get3A_105 = arith.index_cast %scan3A_60 : i32 to index
        %get3A_106 = arith.constant 48 : index
        %get3A_107 = tpu.vector_load %arg13[%get3A_105, %get3A_106] {strides = array<i32>} : memref<128x128xf32, #tpu.memory_space<vmem>>, vector<1x16xf32>,
        %get3A_108 = vector.shape_cast %get3A_107 : vector<1x16xf32> to vector<16xf32>
        %mul3A_109 = arith.mulf %get3A_104, %get3A_108 : vector<16xf32>
        %swap3A_110 = arith.index_cast %scan3A_60 : i32 to index
        %swap3A_111 = arith.constant 48 : index
        %swap3A_112 = tpu.vector_load %arg12[%swap3A_110, %swap3A_111] {strides = array<i32>} : memref<128x128xf32, #tpu.memory_space<vmem>>, vector<1x16xf32>,
        %swap3A_113 = vector.shape_cast %swap3A_112 : vector<1x16xf32> to vector<16xf32>
        %swap3A_114 = vector.shape_cast %mul3A_109 : vector<16xf32> to vector<1x16xf32>
        tpu.vector_store %arg12[%swap3A_110, %swap3A_111], %swap3A_114 {strides = array<i32>} : memref<128x128xf32, #tpu.memory_space<vmem>>, vector<1x16xf32>,
        %get3A_115 = arith.index_cast %scan3A_60 : i32 to index
        %get3A_116 = arith.constant 64 : index
        %get3A_117 = tpu.vector_load %arg12[%get3A_115, %get3A_116] {strides = array<i32>} : memref<128x128xf32, #tpu.memory_space<vmem>>, vector<1x16xf32>,
        %get3A_118 = vector.shape_cast %get3A_117 : vector<1x16xf32> to vector<16xf32>
        %get3A_119 = arith.index_cast %scan3A_60 : i32 to index
        %get3A_120 = arith.constant 64 : index
        %get3A_121 = tpu.vector_load %arg13[%get3A_119, %get3A_120] {strides = array<i32>} : memref<128x128xf32, #tpu.memory_space<vmem>>, vector<1x16xf32>,
        %get3A_122 = vector.shape_cast %get3A_121 : vector<1x16xf32> to vector<16xf32>
        %mul3A_123 = arith.mulf %get3A_118, %get3A_122 : vector<16xf32>
        %swap3A_124 = arith.index_cast %scan3A_60 : i32 to index
        %swap3A_125 = arith.constant 64 : index
        %swap3A_126 = tpu.vector_load %arg12[%swap3A_124, %swap3A_125] {strides = array<i32>} : memref<128x128xf32, #tpu.memory_space<vmem>>, vector<1x16xf32>,
        %swap3A_127 = vector.shape_cast %swap3A_126 : vector<1x16xf32> to vector<16xf32>
        %swap3A_128 = vector.shape_cast %mul3A_123 : vector<16xf32> to vector<1x16xf32>
        tpu.vector_store %arg12[%swap3A_124, %swap3A_125], %swap3A_128 {strides = array<i32>} : memref<128x128xf32, #tpu.memory_space<vmem>>, vector<1x16xf32>,
        %get3A_129 = arith.index_cast %scan3A_60 : i32 to index
        %get3A_130 = arith.constant 80 : index
        %get3A_131 = tpu.vector_load %arg12[%get3A_129, %get3A_130] {strides = array<i32>} : memref<128x128xf32, #tpu.memory_space<vmem>>, vector<1x16xf32>,
        %get3A_132 = vector.shape_cast %get3A_131 : vector<1x16xf32> to vector<16xf32>
        %get3A_133 = arith.index_cast %scan3A_60 : i32 to index
        %get3A_134 = arith.constant 80 : index
        %get3A_135 = tpu.vector_load %arg13[%get3A_133, %get3A_134] {strides = array<i32>} : memref<128x128xf32, #tpu.memory_space<vmem>>, vector<1x16xf32>,
        %get3A_136 = vector.shape_cast %get3A_135 : vector<1x16xf32> to vector<16xf32>
        %mul3A_137 = arith.mulf %get3A_132, %get3A_136 : vector<16xf32>
        %swap3A_138 = arith.index_cast %scan3A_60 : i32 to index
        %swap3A_139 = arith.constant 80 : index
        %swap3A_140 = tpu.vector_load %arg12[%swap3A_138, %swap3A_139] {strides = array<i32>} : memref<128x128xf32, #tpu.memory_space<vmem>>, vector<1x16xf32>,
        %swap3A_141 = vector.shape_cast %swap3A_140 : vector<1x16xf32> to vector<16xf32>
        %swap3A_142 = vector.shape_cast %mul3A_137 : vector<16xf32> to vector<1x16xf32>
        tpu.vector_store %arg12[%swap3A_138, %swap3A_139], %swap3A_142 {strides = array<i32>} : memref<128x128xf32, #tpu.memory_space<vmem>>, vector<1x16xf32>,
        %get3A_143 = arith.index_cast %scan3A_60 : i32 to index
        %get3A_144 = arith.constant 96 : index
        %get3A_145 = tpu.vector_load %arg12[%get3A_143, %get3A_144] {strides = array<i32>} : memref<128x128xf32, #tpu.memory_space<vmem>>, vector<1x16xf32>,
        %get3A_146 = vector.shape_cast %get3A_145 : vector<1x16xf32> to vector<16xf32>
        %get3A_147 = arith.index_cast %scan3A_60 : i32 to index
        %get3A_148 = arith.constant 96 : index
        %get3A_149 = tpu.vector_load %arg13[%get3A_147, %get3A_148] {strides = array<i32>} : memref<128x128xf32, #tpu.memory_space<vmem>>, vector<1x16xf32>,
        %get3A_150 = vector.shape_cast %get3A_149 : vector<1x16xf32> to vector<16xf32>
        %mul3A_151 = arith.mulf %get3A_146, %get3A_150 : vector<16xf32>
        %swap3A_152 = arith.index_cast %scan3A_60 : i32 to index
        %swap3A_153 = arith.constant 96 : index
        %swap3A_154 = tpu.vector_load %arg12[%swap3A_152, %swap3A_153] {strides = array<i32>} : memref<128x128xf32, #tpu.memory_space<vmem>>, vector<1x16xf32>,
        %swap3A_155 = vector.shape_cast %swap3A_154 : vector<1x16xf32> to vector<16xf32>
        %swap3A_156 = vector.shape_cast %mul3A_151 : vector<16xf32> to vector<1x16xf32>
        tpu.vector_store %arg12[%swap3A_152, %swap3A_153], %swap3A_156 {strides = array<i32>} : memref<128x128xf32, #tpu.memory_space<vmem>>, vector<1x16xf32>,
        %get3A_157 = arith.index_cast %scan3A_60 : i32 to index
        %get3A_158 = arith.constant 112 : index
        %get3A_159 = tpu.vector_load %arg12[%get3A_157, %get3A_158] {strides = array<i32>} : memref<128x128xf32, #tpu.memory_space<vmem>>, vector<1x16xf32>,
        %get3A_160 = vector.shape_cast %get3A_159 : vector<1x16xf32> to vector<16xf32>
        %get3A_161 = arith.index_cast %scan3A_60 : i32 to index
        %get3A_162 = arith.constant 112 : index
        %get3A_163 = tpu.vector_load %arg13[%get3A_161, %get3A_162] {strides = array<i32>} : memref<128x128xf32, #tpu.memory_space<vmem>>, vector<1x16xf32>,
        %get3A_164 = vector.shape_cast %get3A_163 : vector<1x16xf32> to vector<16xf32>
        %mul3A_165 = arith.mulf %get3A_160, %get3A_164 : vector<16xf32>
        %swap3A_166 = arith.index_cast %scan3A_60 : i32 to index
        %swap3A_167 = arith.constant 112 : index
        %swap3A_168 = tpu.vector_load %arg12[%swap3A_166, %swap3A_167] {strides = array<i32>} : memref<128x128xf32, #tpu.memory_space<vmem>>, vector<1x16xf32>,
        %swap3A_169 = vector.shape_cast %swap3A_168 : vector<1x16xf32> to vector<16xf32>
        %swap3A_170 = vector.shape_cast %mul3A_165 : vector<16xf32> to vector<1x16xf32>
        tpu.vector_store %arg12[%swap3A_166, %swap3A_167], %swap3A_170 {strides = array<i32>} : memref<128x128xf32, #tpu.memory_space<vmem>>, vector<1x16xf32>,
      }
      %scan3A_59 = arith.constant 128 : i32
      "tpu.region"() ({
        %run_scoped3A = tpu.sem_alloc : memref<!tpu.dma_semaphore, #tpu.memory_space<semaphore_mem>>
        %dma_start3A_60 = arith.constant 0 : i32
        %dma_start3A_61 = arith.constant 0 : i32
        %dma_start3A_62 = tpu.memref_slice %arg14[%dma_start3A_60, %dma_start3A_61] : memref<10240x128xf32, #tpu.memory_space<vmem_shared>> -> memref<10240x128xf32, #tpu.memory_space<vmem_shared>>
        tpu.enqueue_indirect_dma source(%arg12 : memref<128x128xf32, #tpu.memory_space<vmem>>) target(%dma_start3A_62 : memref<10240x128xf32, #tpu.memory_space<vmem_shared>>) offsets(%arg10 : memref<128xi32, #tpu.memory_space<vmem>>) semaphore(%run_scoped3A : memref<!tpu.dma_semaphore, #tpu.memory_space<semaphore_mem>>) {add = true}
        %dma_wait3A_63 = arith.constant 0 : i32
        %dma_wait3A_64 = arith.constant 0 : i32
        %dma_wait3A_65 = tpu.memref_slice %arg14[%dma_wait3A_63, %dma_wait3A_64] : memref<10240x128xf32, #tpu.memory_space<vmem_shared>> -> memref<10240x128xf32, #tpu.memory_space<vmem_shared>>
        tpu.wait_indirect_dma semaphore(%run_scoped3A : memref<!tpu.dma_semaphore, #tpu.memory_space<semaphore_mem>>) src(%arg12 : memref<128x128xf32, #tpu.memory_space<vmem>>) dst(%dma_wait3A_65 : memref<10240x128xf32, #tpu.memory_space<vmem_shared>>)
        tpu.yield
      }) : () -> ()
    }
    %while3A_33 = arith.constant 1 : i32
    scf.for %while3A_39 = %while3A_31 to %while3A_27 step %while3A_33  : i32 {
      %mul3A_40 = arith.constant 32 : i32
      %mul3A_41 = arith.muli %while3A_39, %mul3A_40 : i32
      %add3A_42 = arith.addi %add3A, %mul3A_41 : i32
      %mul3A_43 = arith.constant 128 : i32
      %mul3A_44 = arith.muli %add3A_42, %mul3A_43 : i32
      "tpu.region"() ({
        %run_scoped3A = tpu.sem_alloc : memref<!tpu.dma_semaphore, #tpu.memory_space<semaphore_mem>>
        %dma_start3A_60 = tpu.memref_slice %arg3[%mul3A_44] : memref<320000xi32, #tpu.memory_space<hbm>> -> memref<128xi32, #tpu.memory_space<hbm>>
        %dma_start3A_61 = tpu.memref_slice %arg3[%mul3A_44] : memref<320000xi32, #tpu.memory_space<hbm>> -> memref<128xi32, #tpu.memory_space<hbm>>
        tpu.enqueue_dma source(%dma_start3A_61 : memref<128xi32, #tpu.memory_space<hbm>>) target(%arg9 : memref<128xi32, #tpu.memory_space<vmem>>) target_semaphore(%run_scoped3A : memref<!tpu.dma_semaphore, #tpu.memory_space<semaphore_mem>>)
        %dma_wait3A_62 = tpu.memref_slice %arg3[%mul3A_44] : memref<320000xi32, #tpu.memory_space<hbm>> -> memref<128xi32, #tpu.memory_space<hbm>>
        %dma_wait3A_63 = tpu.memref_slice %arg3[%mul3A_44] : memref<320000xi32, #tpu.memory_space<hbm>> -> memref<128xi32, #tpu.memory_space<hbm>>
        tpu.wait_dma2 semaphore(%run_scoped3A : memref<!tpu.dma_semaphore, #tpu.memory_space<semaphore_mem>>) src(%dma_wait3A_63 : memref<128xi32, #tpu.memory_space<hbm>>) dst(%arg9 : memref<128xi32, #tpu.memory_space<vmem>>)
        tpu.yield
      }) : () -> ()
      "tpu.region"() ({
        %run_scoped3A = tpu.sem_alloc : memref<!tpu.dma_semaphore, #tpu.memory_space<semaphore_mem>>
        %dma_start3A_60 = tpu.memref_slice %arg5[%mul3A_44] : memref<320000xi32, #tpu.memory_space<hbm>> -> memref<128xi32, #tpu.memory_space<hbm>>
        %dma_start3A_61 = tpu.memref_slice %arg5[%mul3A_44] : memref<320000xi32, #tpu.memory_space<hbm>> -> memref<128xi32, #tpu.memory_space<hbm>>
        tpu.enqueue_dma source(%dma_start3A_61 : memref<128xi32, #tpu.memory_space<hbm>>) target(%arg11 : memref<128xi32, #tpu.memory_space<vmem>>) target_semaphore(%run_scoped3A : memref<!tpu.dma_semaphore, #tpu.memory_space<semaphore_mem>>)
        %dma_wait3A_62 = tpu.memref_slice %arg5[%mul3A_44] : memref<320000xi32, #tpu.memory_space<hbm>> -> memref<128xi32, #tpu.memory_space<hbm>>
        %dma_wait3A_63 = tpu.memref_slice %arg5[%mul3A_44] : memref<320000xi32, #tpu.memory_space<hbm>> -> memref<128xi32, #tpu.memory_space<hbm>>
        tpu.wait_dma2 semaphore(%run_scoped3A : memref<!tpu.dma_semaphore, #tpu.memory_space<semaphore_mem>>) src(%dma_wait3A_63 : memref<128xi32, #tpu.memory_space<hbm>>) dst(%arg11 : memref<128xi32, #tpu.memory_space<vmem>>)
        tpu.yield
      }) : () -> ()
      "tpu.region"() ({
        %run_scoped3A = tpu.sem_alloc : memref<!tpu.dma_semaphore, #tpu.memory_space<semaphore_mem>>
        %dma_start3A_60 = tpu.memref_slice %arg4[%mul3A_44] : memref<320000xi32, #tpu.memory_space<hbm>> -> memref<128xi32, #tpu.memory_space<hbm>>
        %dma_start3A_61 = tpu.memref_slice %arg4[%mul3A_44] : memref<320000xi32, #tpu.memory_space<hbm>> -> memref<128xi32, #tpu.memory_space<hbm>>
        tpu.enqueue_dma source(%dma_start3A_61 : memref<128xi32, #tpu.memory_space<hbm>>) target(%arg10 : memref<128xi32, #tpu.memory_space<vmem>>) target_semaphore(%run_scoped3A : memref<!tpu.dma_semaphore, #tpu.memory_space<semaphore_mem>>)
        %dma_wait3A_62 = tpu.memref_slice %arg4[%mul3A_44] : memref<320000xi32, #tpu.memory_space<hbm>> -> memref<128xi32, #tpu.memory_space<hbm>>
        %dma_wait3A_63 = tpu.memref_slice %arg4[%mul3A_44] : memref<320000xi32, #tpu.memory_space<hbm>> -> memref<128xi32, #tpu.memory_space<hbm>>
        tpu.wait_dma2 semaphore(%run_scoped3A : memref<!tpu.dma_semaphore, #tpu.memory_space<semaphore_mem>>) src(%dma_wait3A_63 : memref<128xi32, #tpu.memory_space<hbm>>) dst(%arg10 : memref<128xi32, #tpu.memory_space<vmem>>)
        tpu.yield
      }) : () -> ()
      %dma_start3A = arith.constant 0 : i32
      %dma_start3A_45 = arith.constant 0 : i32
      %dma_start3A_46 = tpu.memref_slice %arg2[%dma_start3A, %dma_start3A_45] : memref<10240x128xf32, #tpu.memory_space<hbm>> -> memref<10240x128xf32, #tpu.memory_space<hbm>>
      tpu.enqueue_indirect_dma source(%dma_start3A_46 : memref<10240x128xf32, #tpu.memory_space<hbm>>) target(%arg12 : memref<128x128xf32, #tpu.memory_space<vmem>>) offsets(%arg9 : memref<128xi32, #tpu.memory_space<vmem>>) semaphore(%arg15 : memref<!tpu.dma_semaphore, #tpu.memory_space<semaphore_mem>>)
      %dma_start3A_47 = arith.constant 0 : i32
      %dma_start3A_48 = arith.constant 0 : i32
      %dma_start3A_49 = tpu.memref_slice %arg6[%dma_start3A_47, %dma_start3A_48] : memref<64x128xf32, #tpu.memory_space<hbm>> -> memref<64x128xf32, #tpu.memory_space<hbm>>
      tpu.enqueue_indirect_dma source(%dma_start3A_49 : memref<64x128xf32, #tpu.memory_space<hbm>>) target(%arg13 : memref<128x128xf32, #tpu.memory_space<vmem>>) offsets(%arg11 : memref<128xi32, #tpu.memory_space<vmem>>) semaphore(%arg16 : memref<!tpu.dma_semaphore, #tpu.memory_space<semaphore_mem>>)
      %dma_wait3A = arith.constant 0 : i32
      %dma_wait3A_50 = arith.constant 0 : i32
      %dma_wait3A_51 = tpu.memref_slice %arg2[%dma_wait3A, %dma_wait3A_50] : memref<10240x128xf32, #tpu.memory_space<hbm>> -> memref<10240x128xf32, #tpu.memory_space<hbm>>
      tpu.wait_indirect_dma semaphore(%arg15 : memref<!tpu.dma_semaphore, #tpu.memory_space<semaphore_mem>>) src(%dma_wait3A_51 : memref<10240x128xf32, #tpu.memory_space<hbm>>) dst(%arg12 : memref<128x128xf32, #tpu.memory_space<vmem>>)
      %dma_wait3A_52 = arith.constant 0 : i32
      %dma_wait3A_53 = arith.constant 0 : i32
      %dma_wait3A_54 = tpu.memref_slice %arg6[%dma_wait3A_52, %dma_wait3A_53] : memref<64x128xf32, #tpu.memory_space<hbm>> -> memref<64x128xf32, #tpu.memory_space<hbm>>
      tpu.wait_indirect_dma semaphore(%arg16 : memref<!tpu.dma_semaphore, #tpu.memory_space<semaphore_mem>>) src(%dma_wait3A_54 : memref<64x128xf32, #tpu.memory_space<hbm>>) dst(%arg13 : memref<128x128xf32, #tpu.memory_space<vmem>>)
      %scan3A = arith.constant 0 : i32
      %scan3A_55 = arith.constant 0 : i32
      %scan3A_56 = arith.constant 128 : i32
      %scan3A_57 = arith.addi %scan3A_55, %scan3A_56 : i32
      %scan3A_58 = arith.constant 1 : i32
      scf.for %scan3A_60 = %scan3A_55 to %scan3A_57 step %scan3A_58  : i32 {
        %get3A = arith.index_cast %scan3A_60 : i32 to index
        %get3A_61 = arith.constant 0 : index
        %get3A_62 = tpu.vector_load %arg12[%get3A, %get3A_61] {strides = array<i32>} : memref<128x128xf32, #tpu.memory_space<vmem>>, vector<1x16xf32>,
        %get3A_63 = vector.shape_cast %get3A_62 : vector<1x16xf32> to vector<16xf32>
        %get3A_64 = arith.index_cast %scan3A_60 : i32 to index
        %get3A_65 = arith.constant 0 : index
        %get3A_66 = tpu.vector_load %arg13[%get3A_64, %get3A_65] {strides = array<i32>} : memref<128x128xf32, #tpu.memory_space<vmem>>, vector<1x16xf32>,
        %get3A_67 = vector.shape_cast %get3A_66 : vector<1x16xf32> to vector<16xf32>
        %mul3A_68 = arith.mulf %get3A_63, %get3A_67 : vector<16xf32>
        %swap3A = arith.index_cast %scan3A_60 : i32 to index
        %swap3A_69 = arith.constant 0 : index
        %swap3A_70 = tpu.vector_load %arg12[%swap3A, %swap3A_69] {strides = array<i32>} : memref<128x128xf32, #tpu.memory_space<vmem>>, vector<1x16xf32>,
        %swap3A_71 = vector.shape_cast %swap3A_70 : vector<1x16xf32> to vector<16xf32>
        %swap3A_72 = vector.shape_cast %mul3A_68 : vector<16xf32> to vector<1x16xf32>
        tpu.vector_store %arg12[%swap3A, %swap3A_69], %swap3A_72 {strides = array<i32>} : memref<128x128xf32, #tpu.memory_space<vmem>>, vector<1x16xf32>,
        %get3A_73 = arith.index_cast %scan3A_60 : i32 to index
        %get3A_74 = arith.constant 16 : index
        %get3A_75 = tpu.vector_load %arg12[%get3A_73, %get3A_74] {strides = array<i32>} : memref<128x128xf32, #tpu.memory_space<vmem>>, vector<1x16xf32>,
        %get3A_76 = vector.shape_cast %get3A_75 : vector<1x16xf32> to vector<16xf32>
        %get3A_77 = arith.index_cast %scan3A_60 : i32 to index
        %get3A_78 = arith.constant 16 : index
        %get3A_79 = tpu.vector_load %arg13[%get3A_77, %get3A_78] {strides = array<i32>} : memref<128x128xf32, #tpu.memory_space<vmem>>, vector<1x16xf32>,
        %get3A_80 = vector.shape_cast %get3A_79 : vector<1x16xf32> to vector<16xf32>
        %mul3A_81 = arith.mulf %get3A_76, %get3A_80 : vector<16xf32>
        %swap3A_82 = arith.index_cast %scan3A_60 : i32 to index
        %swap3A_83 = arith.constant 16 : index
        %swap3A_84 = tpu.vector_load %arg12[%swap3A_82, %swap3A_83] {strides = array<i32>} : memref<128x128xf32, #tpu.memory_space<vmem>>, vector<1x16xf32>,
        %swap3A_85 = vector.shape_cast %swap3A_84 : vector<1x16xf32> to vector<16xf32>
        %swap3A_86 = vector.shape_cast %mul3A_81 : vector<16xf32> to vector<1x16xf32>
        tpu.vector_store %arg12[%swap3A_82, %swap3A_83], %swap3A_86 {strides = array<i32>} : memref<128x128xf32, #tpu.memory_space<vmem>>, vector<1x16xf32>,
        %get3A_87 = arith.index_cast %scan3A_60 : i32 to index
        %get3A_88 = arith.constant 32 : index
        %get3A_89 = tpu.vector_load %arg12[%get3A_87, %get3A_88] {strides = array<i32>} : memref<128x128xf32, #tpu.memory_space<vmem>>, vector<1x16xf32>,
        %get3A_90 = vector.shape_cast %get3A_89 : vector<1x16xf32> to vector<16xf32>
        %get3A_91 = arith.index_cast %scan3A_60 : i32 to index
        %get3A_92 = arith.constant 32 : index
        %get3A_93 = tpu.vector_load %arg13[%get3A_91, %get3A_92] {strides = array<i32>} : memref<128x128xf32, #tpu.memory_space<vmem>>, vector<1x16xf32>,
        %get3A_94 = vector.shape_cast %get3A_93 : vector<1x16xf32> to vector<16xf32>
        %mul3A_95 = arith.mulf %get3A_90, %get3A_94 : vector<16xf32>
        %swap3A_96 = arith.index_cast %scan3A_60 : i32 to index
        %swap3A_97 = arith.constant 32 : index
        %swap3A_98 = tpu.vector_load %arg12[%swap3A_96, %swap3A_97] {strides = array<i32>} : memref<128x128xf32, #tpu.memory_space<vmem>>, vector<1x16xf32>,
        %swap3A_99 = vector.shape_cast %swap3A_98 : vector<1x16xf32> to vector<16xf32>
        %swap3A_100 = vector.shape_cast %mul3A_95 : vector<16xf32> to vector<1x16xf32>
        tpu.vector_store %arg12[%swap3A_96, %swap3A_97], %swap3A_100 {strides = array<i32>} : memref<128x128xf32, #tpu.memory_space<vmem>>, vector<1x16xf32>,
        %get3A_101 = arith.index_cast %scan3A_60 : i32 to index
        %get3A_102 = arith.constant 48 : index
        %get3A_103 = tpu.vector_load %arg12[%get3A_101, %get3A_102] {strides = array<i32>} : memref<128x128xf32, #tpu.memory_space<vmem>>, vector<1x16xf32>,
        %get3A_104 = vector.shape_cast %get3A_103 : vector<1x16xf32> to vector<16xf32>
        %get3A_105 = arith.index_cast %scan3A_60 : i32 to index
        %get3A_106 = arith.constant 48 : index
        %get3A_107 = tpu.vector_load %arg13[%get3A_105, %get3A_106] {strides = array<i32>} : memref<128x128xf32, #tpu.memory_space<vmem>>, vector<1x16xf32>,
        %get3A_108 = vector.shape_cast %get3A_107 : vector<1x16xf32> to vector<16xf32>
        %mul3A_109 = arith.mulf %get3A_104, %get3A_108 : vector<16xf32>
        %swap3A_110 = arith.index_cast %scan3A_60 : i32 to index
        %swap3A_111 = arith.constant 48 : index
        %swap3A_112 = tpu.vector_load %arg12[%swap3A_110, %swap3A_111] {strides = array<i32>} : memref<128x128xf32, #tpu.memory_space<vmem>>, vector<1x16xf32>,
        %swap3A_113 = vector.shape_cast %swap3A_112 : vector<1x16xf32> to vector<16xf32>
        %swap3A_114 = vector.shape_cast %mul3A_109 : vector<16xf32> to vector<1x16xf32>
        tpu.vector_store %arg12[%swap3A_110, %swap3A_111], %swap3A_114 {strides = array<i32>} : memref<128x128xf32, #tpu.memory_space<vmem>>, vector<1x16xf32>,
        %get3A_115 = arith.index_cast %scan3A_60 : i32 to index
        %get3A_116 = arith.constant 64 : index
        %get3A_117 = tpu.vector_load %arg12[%get3A_115, %get3A_116] {strides = array<i32>} : memref<128x128xf32, #tpu.memory_space<vmem>>, vector<1x16xf32>,
        %get3A_118 = vector.shape_cast %get3A_117 : vector<1x16xf32> to vector<16xf32>
        %get3A_119 = arith.index_cast %scan3A_60 : i32 to index
        %get3A_120 = arith.constant 64 : index
        %get3A_121 = tpu.vector_load %arg13[%get3A_119, %get3A_120] {strides = array<i32>} : memref<128x128xf32, #tpu.memory_space<vmem>>, vector<1x16xf32>,
        %get3A_122 = vector.shape_cast %get3A_121 : vector<1x16xf32> to vector<16xf32>
        %mul3A_123 = arith.mulf %get3A_118, %get3A_122 : vector<16xf32>
        %swap3A_124 = arith.index_cast %scan3A_60 : i32 to index
        %swap3A_125 = arith.constant 64 : index
        %swap3A_126 = tpu.vector_load %arg12[%swap3A_124, %swap3A_125] {strides = array<i32>} : memref<128x128xf32, #tpu.memory_space<vmem>>, vector<1x16xf32>,
        %swap3A_127 = vector.shape_cast %swap3A_126 : vector<1x16xf32> to vector<16xf32>
        %swap3A_128 = vector.shape_cast %mul3A_123 : vector<16xf32> to vector<1x16xf32>
        tpu.vector_store %arg12[%swap3A_124, %swap3A_125], %swap3A_128 {strides = array<i32>} : memref<128x128xf32, #tpu.memory_space<vmem>>, vector<1x16xf32>,
        %get3A_129 = arith.index_cast %scan3A_60 : i32 to index
        %get3A_130 = arith.constant 80 : index
        %get3A_131 = tpu.vector_load %arg12[%get3A_129, %get3A_130] {strides = array<i32>} : memref<128x128xf32, #tpu.memory_space<vmem>>, vector<1x16xf32>,
        %get3A_132 = vector.shape_cast %get3A_131 : vector<1x16xf32> to vector<16xf32>
        %get3A_133 = arith.index_cast %scan3A_60 : i32 to index
        %get3A_134 = arith.constant 80 : index
        %get3A_135 = tpu.vector_load %arg13[%get3A_133, %get3A_134] {strides = array<i32>} : memref<128x128xf32, #tpu.memory_space<vmem>>, vector<1x16xf32>,
        %get3A_136 = vector.shape_cast %get3A_135 : vector<1x16xf32> to vector<16xf32>
        %mul3A_137 = arith.mulf %get3A_132, %get3A_136 : vector<16xf32>
        %swap3A_138 = arith.index_cast %scan3A_60 : i32 to index
        %swap3A_139 = arith.constant 80 : index
        %swap3A_140 = tpu.vector_load %arg12[%swap3A_138, %swap3A_139] {strides = array<i32>} : memref<128x128xf32, #tpu.memory_space<vmem>>, vector<1x16xf32>,
        %swap3A_141 = vector.shape_cast %swap3A_140 : vector<1x16xf32> to vector<16xf32>
        %swap3A_142 = vector.shape_cast %mul3A_137 : vector<16xf32> to vector<1x16xf32>
        tpu.vector_store %arg12[%swap3A_138, %swap3A_139], %swap3A_142 {strides = array<i32>} : memref<128x128xf32, #tpu.memory_space<vmem>>, vector<1x16xf32>,
        %get3A_143 = arith.index_cast %scan3A_60 : i32 to index
        %get3A_144 = arith.constant 96 : index
        %get3A_145 = tpu.vector_load %arg12[%get3A_143, %get3A_144] {strides = array<i32>} : memref<128x128xf32, #tpu.memory_space<vmem>>, vector<1x16xf32>,
        %get3A_146 = vector.shape_cast %get3A_145 : vector<1x16xf32> to vector<16xf32>
        %get3A_147 = arith.index_cast %scan3A_60 : i32 to index
        %get3A_148 = arith.constant 96 : index
        %get3A_149 = tpu.vector_load %arg13[%get3A_147, %get3A_148] {strides = array<i32>} : memref<128x128xf32, #tpu.memory_space<vmem>>, vector<1x16xf32>,
        %get3A_150 = vector.shape_cast %get3A_149 : vector<1x16xf32> to vector<16xf32>
        %mul3A_151 = arith.mulf %get3A_146, %get3A_150 : vector<16xf32>
        %swap3A_152 = arith.index_cast %scan3A_60 : i32 to index
        %swap3A_153 = arith.constant 96 : index
        %swap3A_154 = tpu.vector_load %arg12[%swap3A_152, %swap3A_153] {strides = array<i32>} : memref<128x128xf32, #tpu.memory_space<vmem>>, vector<1x16xf32>,
        %swap3A_155 = vector.shape_cast %swap3A_154 : vector<1x16xf32> to vector<16xf32>
        %swap3A_156 = vector.shape_cast %mul3A_151 : vector<16xf32> to vector<1x16xf32>
        tpu.vector_store %arg12[%swap3A_152, %swap3A_153], %swap3A_156 {strides = array<i32>} : memref<128x128xf32, #tpu.memory_space<vmem>>, vector<1x16xf32>,
        %get3A_157 = arith.index_cast %scan3A_60 : i32 to index
        %get3A_158 = arith.constant 112 : index
        %get3A_159 = tpu.vector_load %arg12[%get3A_157, %get3A_158] {strides = array<i32>} : memref<128x128xf32, #tpu.memory_space<vmem>>, vector<1x16xf32>,
        %get3A_160 = vector.shape_cast %get3A_159 : vector<1x16xf32> to vector<16xf32>
        %get3A_161 = arith.index_cast %scan3A_60 : i32 to index
        %get3A_162 = arith.constant 112 : index
        %get3A_163 = tpu.vector_load %arg13[%get3A_161, %get3A_162] {strides = array<i32>} : memref<128x128xf32, #tpu.memory_space<vmem>>, vector<1x16xf32>,
        %get3A_164 = vector.shape_cast %get3A_163 : vector<1x16xf32> to vector<16xf32>
        %mul3A_165 = arith.mulf %get3A_160, %get3A_164 : vector<16xf32>
        %swap3A_166 = arith.index_cast %scan3A_60 : i32 to index
        %swap3A_167 = arith.constant 112 : index
        %swap3A_168 = tpu.vector_load %arg12[%swap3A_166, %swap3A_167] {strides = array<i32>} : memref<128x128xf32, #tpu.memory_space<vmem>>, vector<1x16xf32>,
        %swap3A_169 = vector.shape_cast %swap3A_168 : vector<1x16xf32> to vector<16xf32>
        %swap3A_170 = vector.shape_cast %mul3A_165 : vector<16xf32> to vector<1x16xf32>
        tpu.vector_store %arg12[%swap3A_166, %swap3A_167], %swap3A_170 {strides = array<i32>} : memref<128x128xf32, #tpu.memory_space<vmem>>, vector<1x16xf32>,
      }
      %scan3A_59 = arith.constant 128 : i32
      "tpu.region"() ({
        %run_scoped3A = tpu.sem_alloc : memref<!tpu.dma_semaphore, #tpu.memory_space<semaphore_mem>>
        %dma_start3A_60 = arith.constant 0 : i32
        %dma_start3A_61 = arith.constant 0 : i32
        %dma_start3A_62 = tpu.memref_slice %arg14[%dma_start3A_60, %dma_start3A_61] : memref<10240x128xf32, #tpu.memory_space<vmem_shared>> -> memref<10240x128xf32, #tpu.memory_space<vmem_shared>>
        tpu.enqueue_indirect_dma source(%arg12 : memref<128x128xf32, #tpu.memory_space<vmem>>) target(%dma_start3A_62 : memref<10240x128xf32, #tpu.memory_space<vmem_shared>>) offsets(%arg10 : memref<128xi32, #tpu.memory_space<vmem>>) semaphore(%run_scoped3A : memref<!tpu.dma_semaphore, #tpu.memory_space<semaphore_mem>>) {add = true}
        %dma_wait3A_63 = arith.constant 0 : i32
        %dma_wait3A_64 = arith.constant 0 : i32
        %dma_wait3A_65 = tpu.memref_slice %arg14[%dma_wait3A_63, %dma_wait3A_64] : memref<10240x128xf32, #tpu.memory_space<vmem_shared>> -> memref<10240x128xf32, #tpu.memory_space<vmem_shared>>
        tpu.wait_indirect_dma semaphore(%run_scoped3A : memref<!tpu.dma_semaphore, #tpu.memory_space<semaphore_mem>>) src(%arg12 : memref<128x128xf32, #tpu.memory_space<vmem>>) dst(%dma_wait3A_65 : memref<10240x128xf32, #tpu.memory_space<vmem_shared>>)
        tpu.yield
      }) : () -> ()
    }
    %barrier3A_34 = arith.constant 0 : index
    tpu.barrier barrier_id(%barrier3A_34)
    %mul3A_35 = arith.constant 640 : i32
    %mul3A_36 = arith.muli %arg1, %mul3A_35 : i32
    %mul3A_37 = arith.constant 640 : i32
    %mul3A_38 = arith.muli %arg1, %mul3A_37 : i32
    "tpu.region"() ({
      %run_scoped3A = tpu.sem_alloc : memref<!tpu.dma_semaphore, #tpu.memory_space<semaphore_mem>>
      %dma_start3A = arith.constant 0 : i32
      %dma_start3A_39 = tpu.memref_slice %arg8[%arg0, %mul3A_38, %dma_start3A] : memref<2x10240x128xf32, #tpu.memory_space<hbm>> -> memref<1x640x128xf32, #tpu.memory_space<hbm>>
      %dma_start3A_40 = tpu.memref_squeeze %dma_start3A_39 : memref<1x640x128xf32, #tpu.memory_space<hbm>> -> memref<640x128xf32, #tpu.memory_space<hbm>>
      %dma_start3A_41 = arith.constant 0 : i32
      %dma_start3A_42 = tpu.memref_slice %arg14[%mul3A_36, %dma_start3A_41] : memref<10240x128xf32, #tpu.memory_space<vmem_shared>> -> memref<640x128xf32, #tpu.memory_space<vmem_shared>>
      tpu.enqueue_dma source(%dma_start3A_42 : memref<640x128xf32, #tpu.memory_space<vmem_shared>>) target(%dma_start3A_40 : memref<640x128xf32, #tpu.memory_space<hbm>>) target_semaphore(%run_scoped3A : memref<!tpu.dma_semaphore, #tpu.memory_space<semaphore_mem>>)
      %dma_wait3A = arith.constant 0 : i32
      %dma_wait3A_43 = tpu.memref_slice %arg8[%arg0, %mul3A_38, %dma_wait3A] : memref<2x10240x128xf32, #tpu.memory_space<hbm>> -> memref<1x640x128xf32, #tpu.memory_space<hbm>>
      %dma_wait3A_44 = tpu.memref_squeeze %dma_wait3A_43 : memref<1x640x128xf32, #tpu.memory_space<hbm>> -> memref<640x128xf32, #tpu.memory_space<hbm>>
      %dma_wait3A_45 = arith.constant 0 : i32
      %dma_wait3A_46 = tpu.memref_slice %arg14[%mul3A_36, %dma_wait3A_45] : memref<10240x128xf32, #tpu.memory_space<vmem_shared>> -> memref<640x128xf32, #tpu.memory_space<vmem_shared>>
      tpu.wait_dma2 semaphore(%run_scoped3A : memref<!tpu.dma_semaphore, #tpu.memory_space<semaphore_mem>>) src(%dma_wait3A_46 : memref<640x128xf32, #tpu.memory_space<vmem_shared>>) dst(%dma_wait3A_44 : memref<640x128xf32, #tpu.memory_space<hbm>>)
      tpu.yield
    }) : () -> ()
    return
  }
}

#map = affine_map<(d0, d1) -> (0, 0)>
#map1 = affine_map<(d0, d1) -> (0)>
#map2 = affine_map<(d0, d1) -> (0, 0, 0)>
module attributes {stable_mosaic.version = 14 : i64} {
  func.func @_sc_edge_pass(%arg0: i32, %arg1: i32, %arg2: memref<10240x128xf32, #tpu.memory_space<hbm>>, %arg3: memref<320000xi32, #tpu.memory_space<hbm>>, %arg4: memref<320000xi32, #tpu.memory_space<hbm>>, %arg5: memref<320000xi32, #tpu.memory_space<hbm>>, %arg6: memref<64x128xf32, #tpu.memory_space<hbm>>, %arg7: memref<128x128xf32, #tpu.memory_space<hbm>>, %arg8: memref<2x10240x128xf32, #tpu.memory_space<hbm>>, %arg9: memref<128xi32, #tpu.memory_space<vmem>>, %arg10: memref<128xi32, #tpu.memory_space<vmem>>, %arg11: memref<128xi32, #tpu.memory_space<vmem>>, %arg12: memref<128x128xf32, #tpu.memory_space<vmem>>, %arg13: memref<128x128xf32, #tpu.memory_space<vmem>>, %arg14: memref<10240x128xf32, #tpu.memory_space<vmem_shared>>, %arg15: memref<!tpu.dma_semaphore, #tpu.memory_space<semaphore_mem>>, %arg16: memref<!tpu.dma_semaphore, #tpu.memory_space<semaphore_mem>>) attributes {dimension_semantics = [#tpu.dimension_semantics<core_parallel>, #tpu.dimension_semantics<subcore_parallel>], iteration_bounds = array<i64: 2, 16>, scalar_prefetch = 0 : i64, scratch_operands = 8 : i64, tpu.core_type = #tpu.core_type<sc_vector_subcore>, window_params = [{transform_indices = #map}, {transform_indices = #map1}, {transform_indices = #map1}, {transform_indices = #map1}, {transform_indices = #map}, {transform_indices = #map}, {transform_indices = #map2}]} {
    %mul3A = arith.constant 2 : i32
    %mul3A_0 = arith.muli %arg1, %mul3A : i32
    %add3A = arith.addi %mul3A_0, %arg0 : i32
    "tpu.region"() ({
      %run_scoped3A = tpu.sem_alloc : memref<!tpu.dma_semaphore, #tpu.memory_space<semaphore_mem>>
      tpu.enqueue_dma source(%arg7 : memref<128x128xf32, #tpu.memory_space<hbm>>) target(%arg12 : memref<128x128xf32, #tpu.memory_space<vmem>>) target_semaphore(%run_scoped3A : memref<!tpu.dma_semaphore, #tpu.memory_space<semaphore_mem>>)
      tpu.wait_dma2 semaphore(%run_scoped3A : memref<!tpu.dma_semaphore, #tpu.memory_space<semaphore_mem>>) src(%arg7 : memref<128x128xf32, #tpu.memory_space<hbm>>) dst(%arg12 : memref<128x128xf32, #tpu.memory_space<vmem>>)
      tpu.yield
    }) : () -> ()
    %mul3A_1 = arith.constant 640 : i32
    %mul3A_2 = arith.muli %arg1, %mul3A_1 : i32
    %add3A_3 = arith.constant 0 : i32
    %add3A_4 = arith.addi %mul3A_2, %add3A_3 : i32
    "tpu.region"() ({
      %run_scoped3A = tpu.sem_alloc : memref<!tpu.dma_semaphore, #tpu.memory_space<semaphore_mem>>
      %dma_start3A = arith.constant 0 : i32
      %dma_start3A_39 = tpu.memref_slice %arg14[%add3A_4, %dma_start3A] : memref<10240x128xf32, #tpu.memory_space<vmem_shared>> -> memref<128x128xf32, #tpu.memory_space<vmem_shared>>
      %dma_start3A_40 = arith.constant 0 : i32
      %dma_start3A_41 = tpu.memref_slice %arg14[%add3A_4, %dma_start3A_40] : memref<10240x128xf32, #tpu.memory_space<vmem_shared>> -> memref<128x128xf32, #tpu.memory_space<vmem_shared>>
      tpu.enqueue_dma source(%arg12 : memref<128x128xf32, #tpu.memory_space<vmem>>) target(%dma_start3A_41 : memref<128x128xf32, #tpu.memory_space<vmem_shared>>) target_semaphore(%run_scoped3A : memref<!tpu.dma_semaphore, #tpu.memory_space<semaphore_mem>>)
      %dma_wait3A = arith.constant 0 : i32
      %dma_wait3A_42 = tpu.memref_slice %arg14[%add3A_4, %dma_wait3A] : memref<10240x128xf32, #tpu.memory_space<vmem_shared>> -> memref<128x128xf32, #tpu.memory_space<vmem_shared>>
      %dma_wait3A_43 = arith.constant 0 : i32
      %dma_wait3A_44 = tpu.memref_slice %arg14[%add3A_4, %dma_wait3A_43] : memref<10240x128xf32, #tpu.memory_space<vmem_shared>> -> memref<128x128xf32, #tpu.memory_space<vmem_shared>>
      tpu.wait_dma2 semaphore(%run_scoped3A : memref<!tpu.dma_semaphore, #tpu.memory_space<semaphore_mem>>) src(%arg12 : memref<128x128xf32, #tpu.memory_space<vmem>>) dst(%dma_wait3A_44 : memref<128x128xf32, #tpu.memory_space<vmem_shared>>)
      tpu.yield
    }) : () -> ()
    %mul3A_5 = arith.constant 640 : i32
    %mul3A_6 = arith.muli %arg1, %mul3A_5 : i32
    %add3A_7 = arith.constant 128 : i32
    %add3A_8 = arith.addi %mul3A_6, %add3A_7 : i32
    "tpu.region"() ({
      %run_scoped3A = tpu.sem_alloc : memref<!tpu.dma_semaphore, #tpu.memory_space<semaphore_mem>>
      %dma_start3A = arith.constant 0 : i32
      %dma_start3A_39 = tpu.memref_slice %arg14[%add3A_8, %dma_start3A] : memref<10240x128xf32, #tpu.memory_space<vmem_shared>> -> memref<128x128xf32, #tpu.memory_space<vmem_shared>>
      %dma_start3A_40 = arith.constant 0 : i32
      %dma_start3A_41 = tpu.memref_slice %arg14[%add3A_8, %dma_start3A_40] : memref<10240x128xf32, #tpu.memory_space<vmem_shared>> -> memref<128x128xf32, #tpu.memory_space<vmem_shared>>
      tpu.enqueue_dma source(%arg12 : memref<128x128xf32, #tpu.memory_space<vmem>>) target(%dma_start3A_41 : memref<128x128xf32, #tpu.memory_space<vmem_shared>>) target_semaphore(%run_scoped3A : memref<!tpu.dma_semaphore, #tpu.memory_space<semaphore_mem>>)
      %dma_wait3A = arith.constant 0 : i32
      %dma_wait3A_42 = tpu.memref_slice %arg14[%add3A_8, %dma_wait3A] : memref<10240x128xf32, #tpu.memory_space<vmem_shared>> -> memref<128x128xf32, #tpu.memory_space<vmem_shared>>
      %dma_wait3A_43 = arith.constant 0 : i32
      %dma_wait3A_44 = tpu.memref_slice %arg14[%add3A_8, %dma_wait3A_43] : memref<10240x128xf32, #tpu.memory_space<vmem_shared>> -> memref<128x128xf32, #tpu.memory_space<vmem_shared>>
      tpu.wait_dma2 semaphore(%run_scoped3A : memref<!tpu.dma_semaphore, #tpu.memory_space<semaphore_mem>>) src(%arg12 : memref<128x128xf32, #tpu.memory_space<vmem>>) dst(%dma_wait3A_44 : memref<128x128xf32, #tpu.memory_space<vmem_shared>>)
      tpu.yield
    }) : () -> ()
    %mul3A_9 = arith.constant 640 : i32
    %mul3A_10 = arith.muli %arg1, %mul3A_9 : i32
    %add3A_11 = arith.constant 256 : i32
    %add3A_12 = arith.addi %mul3A_10, %add3A_11 : i32
    "tpu.region"() ({
      %run_scoped3A = tpu.sem_alloc : memref<!tpu.dma_semaphore, #tpu.memory_space<semaphore_mem>>
      %dma_start3A = arith.constant 0 : i32
      %dma_start3A_39 = tpu.memref_slice %arg14[%add3A_12, %dma_start3A] : memref<10240x128xf32, #tpu.memory_space<vmem_shared>> -> memref<128x128xf32, #tpu.memory_space<vmem_shared>>
      %dma_start3A_40 = arith.constant 0 : i32
      %dma_start3A_41 = tpu.memref_slice %arg14[%add3A_12, %dma_start3A_40] : memref<10240x128xf32, #tpu.memory_space<vmem_shared>> -> memref<128x128xf32, #tpu.memory_space<vmem_shared>>
      tpu.enqueue_dma source(%arg12 : memref<128x128xf32, #tpu.memory_space<vmem>>) target(%dma_start3A_41 : memref<128x128xf32, #tpu.memory_space<vmem_shared>>) target_semaphore(%run_scoped3A : memref<!tpu.dma_semaphore, #tpu.memory_space<semaphore_mem>>)
      %dma_wait3A = arith.constant 0 : i32
      %dma_wait3A_42 = tpu.memref_slice %arg14[%add3A_12, %dma_wait3A] : memref<10240x128xf32, #tpu.memory_space<vmem_shared>> -> memref<128x128xf32, #tpu.memory_space<vmem_shared>>
      %dma_wait3A_43 = arith.constant 0 : i32
      %dma_wait3A_44 = tpu.memref_slice %arg14[%add3A_12, %dma_wait3A_43] : memref<10240x128xf32, #tpu.memory_space<vmem_shared>> -> memref<128x128xf32, #tpu.memory_space<vmem_shared>>
      tpu.wait_dma2 semaphore(%run_scoped3A : memref<!tpu.dma_semaphore, #tpu.memory_space<semaphore_mem>>) src(%arg12 : memref<128x128xf32, #tpu.memory_space<vmem>>) dst(%dma_wait3A_44 : memref<128x128xf32, #tpu.memory_space<vmem_shared>>)
      tpu.yield
    }) : () -> ()
    %mul3A_13 = arith.constant 640 : i32
    %mul3A_14 = arith.muli %arg1, %mul3A_13 : i32
    %add3A_15 = arith.constant 384 : i32
    %add3A_16 = arith.addi %mul3A_14, %add3A_15 : i32
    "tpu.region"() ({
      %run_scoped3A = tpu.sem_alloc : memref<!tpu.dma_semaphore, #tpu.memory_space<semaphore_mem>>
      %dma_start3A = arith.constant 0 : i32
      %dma_start3A_39 = tpu.memref_slice %arg14[%add3A_16, %dma_start3A] : memref<10240x128xf32, #tpu.memory_space<vmem_shared>> -> memref<128x128xf32, #tpu.memory_space<vmem_shared>>
      %dma_start3A_40 = arith.constant 0 : i32
      %dma_start3A_41 = tpu.memref_slice %arg14[%add3A_16, %dma_start3A_40] : memref<10240x128xf32, #tpu.memory_space<vmem_shared>> -> memref<128x128xf32, #tpu.memory_space<vmem_shared>>
      tpu.enqueue_dma source(%arg12 : memref<128x128xf32, #tpu.memory_space<vmem>>) target(%dma_start3A_41 : memref<128x128xf32, #tpu.memory_space<vmem_shared>>) target_semaphore(%run_scoped3A : memref<!tpu.dma_semaphore, #tpu.memory_space<semaphore_mem>>)
      %dma_wait3A = arith.constant 0 : i32
      %dma_wait3A_42 = tpu.memref_slice %arg14[%add3A_16, %dma_wait3A] : memref<10240x128xf32, #tpu.memory_space<vmem_shared>> -> memref<128x128xf32, #tpu.memory_space<vmem_shared>>
      %dma_wait3A_43 = arith.constant 0 : i32
      %dma_wait3A_44 = tpu.memref_slice %arg14[%add3A_16, %dma_wait3A_43] : memref<10240x128xf32, #tpu.memory_space<vmem_shared>> -> memref<128x128xf32, #tpu.memory_space<vmem_shared>>
      tpu.wait_dma2 semaphore(%run_scoped3A : memref<!tpu.dma_semaphore, #tpu.memory_space<semaphore_mem>>) src(%arg12 : memref<128x128xf32, #tpu.memory_space<vmem>>) dst(%dma_wait3A_44 : memref<128x128xf32, #tpu.memory_space<vmem_shared>>)
      tpu.yield
    }) : () -> ()
    %mul3A_17 = arith.constant 640 : i32
    %mul3A_18 = arith.muli %arg1, %mul3A_17 : i32
    %add3A_19 = arith.constant 512 : i32
    %add3A_20 = arith.addi %mul3A_18, %add3A_19 : i32
    "tpu.region"() ({
      %run_scoped3A = tpu.sem_alloc : memref<!tpu.dma_semaphore, #tpu.memory_space<semaphore_mem>>
      %dma_start3A = arith.constant 0 : i32
      %dma_start3A_39 = tpu.memref_slice %arg14[%add3A_20, %dma_start3A] : memref<10240x128xf32, #tpu.memory_space<vmem_shared>> -> memref<128x128xf32, #tpu.memory_space<vmem_shared>>
      %dma_start3A_40 = arith.constant 0 : i32
      %dma_start3A_41 = tpu.memref_slice %arg14[%add3A_20, %dma_start3A_40] : memref<10240x128xf32, #tpu.memory_space<vmem_shared>> -> memref<128x128xf32, #tpu.memory_space<vmem_shared>>
      tpu.enqueue_dma source(%arg12 : memref<128x128xf32, #tpu.memory_space<vmem>>) target(%dma_start3A_41 : memref<128x128xf32, #tpu.memory_space<vmem_shared>>) target_semaphore(%run_scoped3A : memref<!tpu.dma_semaphore, #tpu.memory_space<semaphore_mem>>)
      %dma_wait3A = arith.constant 0 : i32
      %dma_wait3A_42 = tpu.memref_slice %arg14[%add3A_20, %dma_wait3A] : memref<10240x128xf32, #tpu.memory_space<vmem_shared>> -> memref<128x128xf32, #tpu.memory_space<vmem_shared>>
      %dma_wait3A_43 = arith.constant 0 : i32
      %dma_wait3A_44 = tpu.memref_slice %arg14[%add3A_20, %dma_wait3A_43] : memref<10240x128xf32, #tpu.memory_space<vmem_shared>> -> memref<128x128xf32, #tpu.memory_space<vmem_shared>>
      tpu.wait_dma2 semaphore(%run_scoped3A : memref<!tpu.dma_semaphore, #tpu.memory_space<semaphore_mem>>) src(%arg12 : memref<128x128xf32, #tpu.memory_space<vmem>>) dst(%dma_wait3A_44 : memref<128x128xf32, #tpu.memory_space<vmem_shared>>)
      tpu.yield
    }) : () -> ()
    %barrier3A = arith.constant 0 : index
    tpu.barrier barrier_id(%barrier3A)
    %lt3A = arith.constant 4 : i32
    %lt3A_21 = arith.cmpi slt, %add3A, %lt3A : i32
    %jit3A = arith.constant 1 : i32
    %jit3A_22 = arith.constant 0 : i32
    %select_n3A = arith.select %lt3A_21, %jit3A, %jit3A_22 : i32
    %add3A_23 = arith.constant 78 : i32
    %add3A_24 = arith.addi %add3A_23, %select_n3A : i32
    %while3A = arith.constant 0 : i32
    %while3A_25 = arith.constant 0 : i32
    %while3A_26 = arith.subi %add3A_24, %while3A_25 : i32
    %while3A_27 = arith.addi %while3A_25, %while3A_26 : i32
    %while3A_28 = arith.constant 1 : i32
    %while3A_29 = arith.divsi %while3A_26, %while3A_28 : i32
    %while3A_30 = arith.muli %while3A_29, %while3A_28 : i32
    %while3A_31 = arith.addi %while3A_25, %while3A_30 : i32
    %while3A_32 = arith.constant 1 : i32
    scf.for %while3A_39 = %while3A_25 to %while3A_31 step %while3A_32  : i32 {
      %mul3A_40 = arith.constant 32 : i32
      %mul3A_41 = arith.muli %while3A_39, %mul3A_40 : i32
      %add3A_42 = arith.addi %add3A, %mul3A_41 : i32
      %mul3A_43 = arith.constant 128 : i32
      %mul3A_44 = arith.muli %add3A_42, %mul3A_43 : i32
      "tpu.region"() ({
        %run_scoped3A = tpu.sem_alloc : memref<!tpu.dma_semaphore, #tpu.memory_space<semaphore_mem>>
        %dma_start3A_60 = tpu.memref_slice %arg3[%mul3A_44] : memref<320000xi32, #tpu.memory_space<hbm>> -> memref<128xi32, #tpu.memory_space<hbm>>
        %dma_start3A_61 = tpu.memref_slice %arg3[%mul3A_44] : memref<320000xi32, #tpu.memory_space<hbm>> -> memref<128xi32, #tpu.memory_space<hbm>>
        tpu.enqueue_dma source(%dma_start3A_61 : memref<128xi32, #tpu.memory_space<hbm>>) target(%arg9 : memref<128xi32, #tpu.memory_space<vmem>>) target_semaphore(%run_scoped3A : memref<!tpu.dma_semaphore, #tpu.memory_space<semaphore_mem>>)
        %dma_wait3A_62 = tpu.memref_slice %arg3[%mul3A_44] : memref<320000xi32, #tpu.memory_space<hbm>> -> memref<128xi32, #tpu.memory_space<hbm>>
        %dma_wait3A_63 = tpu.memref_slice %arg3[%mul3A_44] : memref<320000xi32, #tpu.memory_space<hbm>> -> memref<128xi32, #tpu.memory_space<hbm>>
        tpu.wait_dma2 semaphore(%run_scoped3A : memref<!tpu.dma_semaphore, #tpu.memory_space<semaphore_mem>>) src(%dma_wait3A_63 : memref<128xi32, #tpu.memory_space<hbm>>) dst(%arg9 : memref<128xi32, #tpu.memory_space<vmem>>)
        tpu.yield
      }) : () -> ()
      "tpu.region"() ({
        %run_scoped3A = tpu.sem_alloc : memref<!tpu.dma_semaphore, #tpu.memory_space<semaphore_mem>>
        %dma_start3A_60 = tpu.memref_slice %arg5[%mul3A_44] : memref<320000xi32, #tpu.memory_space<hbm>> -> memref<128xi32, #tpu.memory_space<hbm>>
        %dma_start3A_61 = tpu.memref_slice %arg5[%mul3A_44] : memref<320000xi32, #tpu.memory_space<hbm>> -> memref<128xi32, #tpu.memory_space<hbm>>
        tpu.enqueue_dma source(%dma_start3A_61 : memref<128xi32, #tpu.memory_space<hbm>>) target(%arg11 : memref<128xi32, #tpu.memory_space<vmem>>) target_semaphore(%run_scoped3A : memref<!tpu.dma_semaphore, #tpu.memory_space<semaphore_mem>>)
        %dma_wait3A_62 = tpu.memref_slice %arg5[%mul3A_44] : memref<320000xi32, #tpu.memory_space<hbm>> -> memref<128xi32, #tpu.memory_space<hbm>>
        %dma_wait3A_63 = tpu.memref_slice %arg5[%mul3A_44] : memref<320000xi32, #tpu.memory_space<hbm>> -> memref<128xi32, #tpu.memory_space<hbm>>
        tpu.wait_dma2 semaphore(%run_scoped3A : memref<!tpu.dma_semaphore, #tpu.memory_space<semaphore_mem>>) src(%dma_wait3A_63 : memref<128xi32, #tpu.memory_space<hbm>>) dst(%arg11 : memref<128xi32, #tpu.memory_space<vmem>>)
        tpu.yield
      }) : () -> ()
      "tpu.region"() ({
        %run_scoped3A = tpu.sem_alloc : memref<!tpu.dma_semaphore, #tpu.memory_space<semaphore_mem>>
        %dma_start3A_60 = tpu.memref_slice %arg4[%mul3A_44] : memref<320000xi32, #tpu.memory_space<hbm>> -> memref<128xi32, #tpu.memory_space<hbm>>
        %dma_start3A_61 = tpu.memref_slice %arg4[%mul3A_44] : memref<320000xi32, #tpu.memory_space<hbm>> -> memref<128xi32, #tpu.memory_space<hbm>>
        tpu.enqueue_dma source(%dma_start3A_61 : memref<128xi32, #tpu.memory_space<hbm>>) target(%arg10 : memref<128xi32, #tpu.memory_space<vmem>>) target_semaphore(%run_scoped3A : memref<!tpu.dma_semaphore, #tpu.memory_space<semaphore_mem>>)
        %dma_wait3A_62 = tpu.memref_slice %arg4[%mul3A_44] : memref<320000xi32, #tpu.memory_space<hbm>> -> memref<128xi32, #tpu.memory_space<hbm>>
        %dma_wait3A_63 = tpu.memref_slice %arg4[%mul3A_44] : memref<320000xi32, #tpu.memory_space<hbm>> -> memref<128xi32, #tpu.memory_space<hbm>>
        tpu.wait_dma2 semaphore(%run_scoped3A : memref<!tpu.dma_semaphore, #tpu.memory_space<semaphore_mem>>) src(%dma_wait3A_63 : memref<128xi32, #tpu.memory_space<hbm>>) dst(%arg10 : memref<128xi32, #tpu.memory_space<vmem>>)
        tpu.yield
      }) : () -> ()
      %dma_start3A = arith.constant 0 : i32
      %dma_start3A_45 = arith.constant 0 : i32
      %dma_start3A_46 = tpu.memref_slice %arg2[%dma_start3A, %dma_start3A_45] : memref<10240x128xf32, #tpu.memory_space<hbm>> -> memref<10240x128xf32, #tpu.memory_space<hbm>>
      tpu.enqueue_indirect_dma source(%dma_start3A_46 : memref<10240x128xf32, #tpu.memory_space<hbm>>) target(%arg12 : memref<128x128xf32, #tpu.memory_space<vmem>>) offsets(%arg9 : memref<128xi32, #tpu.memory_space<vmem>>) semaphore(%arg15 : memref<!tpu.dma_semaphore, #tpu.memory_space<semaphore_mem>>)
      %dma_start3A_47 = arith.constant 0 : i32
      %dma_start3A_48 = arith.constant 0 : i32
      %dma_start3A_49 = tpu.memref_slice %arg6[%dma_start3A_47, %dma_start3A_48] : memref<64x128xf32, #tpu.memory_space<hbm>> -> memref<64x128xf32, #tpu.memory_space<hbm>>
      tpu.enqueue_indirect_dma source(%dma_start3A_49 : memref<64x128xf32, #tpu.memory_space<hbm>>) target(%arg13 : memref<128x128xf32, #tpu.memory_space<vmem>>) offsets(%arg11 : memref<128xi32, #tpu.memory_space<vmem>>) semaphore(%arg16 : memref<!tpu.dma_semaphore, #tpu.memory_space<semaphore_mem>>)
      %dma_wait3A = arith.constant 0 : i32
      %dma_wait3A_50 = arith.constant 0 : i32
      %dma_wait3A_51 = tpu.memref_slice %arg2[%dma_wait3A, %dma_wait3A_50] : memref<10240x128xf32, #tpu.memory_space<hbm>> -> memref<10240x128xf32, #tpu.memory_space<hbm>>
      tpu.wait_indirect_dma semaphore(%arg15 : memref<!tpu.dma_semaphore, #tpu.memory_space<semaphore_mem>>) src(%dma_wait3A_51 : memref<10240x128xf32, #tpu.memory_space<hbm>>) dst(%arg12 : memref<128x128xf32, #tpu.memory_space<vmem>>)
      %dma_wait3A_52 = arith.constant 0 : i32
      %dma_wait3A_53 = arith.constant 0 : i32
      %dma_wait3A_54 = tpu.memref_slice %arg6[%dma_wait3A_52, %dma_wait3A_53] : memref<64x128xf32, #tpu.memory_space<hbm>> -> memref<64x128xf32, #tpu.memory_space<hbm>>
      tpu.wait_indirect_dma semaphore(%arg16 : memref<!tpu.dma_semaphore, #tpu.memory_space<semaphore_mem>>) src(%dma_wait3A_54 : memref<64x128xf32, #tpu.memory_space<hbm>>) dst(%arg13 : memref<128x128xf32, #tpu.memory_space<vmem>>)
      %scan3A = arith.constant 0 : i32
      %scan3A_55 = arith.constant 0 : i32
      %scan3A_56 = arith.constant 128 : i32
      %scan3A_57 = arith.addi %scan3A_55, %scan3A_56 : i32
      %scan3A_58 = arith.constant 1 : i32
      scf.for %scan3A_60 = %scan3A_55 to %scan3A_57 step %scan3A_58  : i32 {
        %get3A = arith.index_cast %scan3A_60 : i32 to index
        %get3A_61 = arith.constant 0 : index
        %get3A_62 = tpu.vector_load %arg12[%get3A, %get3A_61] {strides = array<i32>} : memref<128x128xf32, #tpu.memory_space<vmem>>, vector<1x16xf32>,
        %get3A_63 = vector.shape_cast %get3A_62 : vector<1x16xf32> to vector<16xf32>
        %get3A_64 = arith.index_cast %scan3A_60 : i32 to index
        %get3A_65 = arith.constant 0 : index
        %get3A_66 = tpu.vector_load %arg13[%get3A_64, %get3A_65] {strides = array<i32>} : memref<128x128xf32, #tpu.memory_space<vmem>>, vector<1x16xf32>,
        %get3A_67 = vector.shape_cast %get3A_66 : vector<1x16xf32> to vector<16xf32>
        %mul3A_68 = arith.mulf %get3A_63, %get3A_67 : vector<16xf32>
        %swap3A = arith.index_cast %scan3A_60 : i32 to index
        %swap3A_69 = arith.constant 0 : index
        %swap3A_70 = tpu.vector_load %arg12[%swap3A, %swap3A_69] {strides = array<i32>} : memref<128x128xf32, #tpu.memory_space<vmem>>, vector<1x16xf32>,
        %swap3A_71 = vector.shape_cast %swap3A_70 : vector<1x16xf32> to vector<16xf32>
        %swap3A_72 = vector.shape_cast %mul3A_68 : vector<16xf32> to vector<1x16xf32>
        tpu.vector_store %arg12[%swap3A, %swap3A_69], %swap3A_72 {strides = array<i32>} : memref<128x128xf32, #tpu.memory_space<vmem>>, vector<1x16xf32>,
        %get3A_73 = arith.index_cast %scan3A_60 : i32 to index
        %get3A_74 = arith.constant 16 : index
        %get3A_75 = tpu.vector_load %arg12[%get3A_73, %get3A_74] {strides = array<i32>} : memref<128x128xf32, #tpu.memory_space<vmem>>, vector<1x16xf32>,
        %get3A_76 = vector.shape_cast %get3A_75 : vector<1x16xf32> to vector<16xf32>
        %get3A_77 = arith.index_cast %scan3A_60 : i32 to index
        %get3A_78 = arith.constant 16 : index
        %get3A_79 = tpu.vector_load %arg13[%get3A_77, %get3A_78] {strides = array<i32>} : memref<128x128xf32, #tpu.memory_space<vmem>>, vector<1x16xf32>,
        %get3A_80 = vector.shape_cast %get3A_79 : vector<1x16xf32> to vector<16xf32>
        %mul3A_81 = arith.mulf %get3A_76, %get3A_80 : vector<16xf32>
        %swap3A_82 = arith.index_cast %scan3A_60 : i32 to index
        %swap3A_83 = arith.constant 16 : index
        %swap3A_84 = tpu.vector_load %arg12[%swap3A_82, %swap3A_83] {strides = array<i32>} : memref<128x128xf32, #tpu.memory_space<vmem>>, vector<1x16xf32>,
        %swap3A_85 = vector.shape_cast %swap3A_84 : vector<1x16xf32> to vector<16xf32>
        %swap3A_86 = vector.shape_cast %mul3A_81 : vector<16xf32> to vector<1x16xf32>
        tpu.vector_store %arg12[%swap3A_82, %swap3A_83], %swap3A_86 {strides = array<i32>} : memref<128x128xf32, #tpu.memory_space<vmem>>, vector<1x16xf32>,
        %get3A_87 = arith.index_cast %scan3A_60 : i32 to index
        %get3A_88 = arith.constant 32 : index
        %get3A_89 = tpu.vector_load %arg12[%get3A_87, %get3A_88] {strides = array<i32>} : memref<128x128xf32, #tpu.memory_space<vmem>>, vector<1x16xf32>,
        %get3A_90 = vector.shape_cast %get3A_89 : vector<1x16xf32> to vector<16xf32>
        %get3A_91 = arith.index_cast %scan3A_60 : i32 to index
        %get3A_92 = arith.constant 32 : index
        %get3A_93 = tpu.vector_load %arg13[%get3A_91, %get3A_92] {strides = array<i32>} : memref<128x128xf32, #tpu.memory_space<vmem>>, vector<1x16xf32>,
        %get3A_94 = vector.shape_cast %get3A_93 : vector<1x16xf32> to vector<16xf32>
        %mul3A_95 = arith.mulf %get3A_90, %get3A_94 : vector<16xf32>
        %swap3A_96 = arith.index_cast %scan3A_60 : i32 to index
        %swap3A_97 = arith.constant 32 : index
        %swap3A_98 = tpu.vector_load %arg12[%swap3A_96, %swap3A_97] {strides = array<i32>} : memref<128x128xf32, #tpu.memory_space<vmem>>, vector<1x16xf32>,
        %swap3A_99 = vector.shape_cast %swap3A_98 : vector<1x16xf32> to vector<16xf32>
        %swap3A_100 = vector.shape_cast %mul3A_95 : vector<16xf32> to vector<1x16xf32>
        tpu.vector_store %arg12[%swap3A_96, %swap3A_97], %swap3A_100 {strides = array<i32>} : memref<128x128xf32, #tpu.memory_space<vmem>>, vector<1x16xf32>,
        %get3A_101 = arith.index_cast %scan3A_60 : i32 to index
        %get3A_102 = arith.constant 48 : index
        %get3A_103 = tpu.vector_load %arg12[%get3A_101, %get3A_102] {strides = array<i32>} : memref<128x128xf32, #tpu.memory_space<vmem>>, vector<1x16xf32>,
        %get3A_104 = vector.shape_cast %get3A_103 : vector<1x16xf32> to vector<16xf32>
        %get3A_105 = arith.index_cast %scan3A_60 : i32 to index
        %get3A_106 = arith.constant 48 : index
        %get3A_107 = tpu.vector_load %arg13[%get3A_105, %get3A_106] {strides = array<i32>} : memref<128x128xf32, #tpu.memory_space<vmem>>, vector<1x16xf32>,
        %get3A_108 = vector.shape_cast %get3A_107 : vector<1x16xf32> to vector<16xf32>
        %mul3A_109 = arith.mulf %get3A_104, %get3A_108 : vector<16xf32>
        %swap3A_110 = arith.index_cast %scan3A_60 : i32 to index
        %swap3A_111 = arith.constant 48 : index
        %swap3A_112 = tpu.vector_load %arg12[%swap3A_110, %swap3A_111] {strides = array<i32>} : memref<128x128xf32, #tpu.memory_space<vmem>>, vector<1x16xf32>,
        %swap3A_113 = vector.shape_cast %swap3A_112 : vector<1x16xf32> to vector<16xf32>
        %swap3A_114 = vector.shape_cast %mul3A_109 : vector<16xf32> to vector<1x16xf32>
        tpu.vector_store %arg12[%swap3A_110, %swap3A_111], %swap3A_114 {strides = array<i32>} : memref<128x128xf32, #tpu.memory_space<vmem>>, vector<1x16xf32>,
        %get3A_115 = arith.index_cast %scan3A_60 : i32 to index
        %get3A_116 = arith.constant 64 : index
        %get3A_117 = tpu.vector_load %arg12[%get3A_115, %get3A_116] {strides = array<i32>} : memref<128x128xf32, #tpu.memory_space<vmem>>, vector<1x16xf32>,
        %get3A_118 = vector.shape_cast %get3A_117 : vector<1x16xf32> to vector<16xf32>
        %get3A_119 = arith.index_cast %scan3A_60 : i32 to index
        %get3A_120 = arith.constant 64 : index
        %get3A_121 = tpu.vector_load %arg13[%get3A_119, %get3A_120] {strides = array<i32>} : memref<128x128xf32, #tpu.memory_space<vmem>>, vector<1x16xf32>,
        %get3A_122 = vector.shape_cast %get3A_121 : vector<1x16xf32> to vector<16xf32>
        %mul3A_123 = arith.mulf %get3A_118, %get3A_122 : vector<16xf32>
        %swap3A_124 = arith.index_cast %scan3A_60 : i32 to index
        %swap3A_125 = arith.constant 64 : index
        %swap3A_126 = tpu.vector_load %arg12[%swap3A_124, %swap3A_125] {strides = array<i32>} : memref<128x128xf32, #tpu.memory_space<vmem>>, vector<1x16xf32>,
        %swap3A_127 = vector.shape_cast %swap3A_126 : vector<1x16xf32> to vector<16xf32>
        %swap3A_128 = vector.shape_cast %mul3A_123 : vector<16xf32> to vector<1x16xf32>
        tpu.vector_store %arg12[%swap3A_124, %swap3A_125], %swap3A_128 {strides = array<i32>} : memref<128x128xf32, #tpu.memory_space<vmem>>, vector<1x16xf32>,
        %get3A_129 = arith.index_cast %scan3A_60 : i32 to index
        %get3A_130 = arith.constant 80 : index
        %get3A_131 = tpu.vector_load %arg12[%get3A_129, %get3A_130] {strides = array<i32>} : memref<128x128xf32, #tpu.memory_space<vmem>>, vector<1x16xf32>,
        %get3A_132 = vector.shape_cast %get3A_131 : vector<1x16xf32> to vector<16xf32>
        %get3A_133 = arith.index_cast %scan3A_60 : i32 to index
        %get3A_134 = arith.constant 80 : index
        %get3A_135 = tpu.vector_load %arg13[%get3A_133, %get3A_134] {strides = array<i32>} : memref<128x128xf32, #tpu.memory_space<vmem>>, vector<1x16xf32>,
        %get3A_136 = vector.shape_cast %get3A_135 : vector<1x16xf32> to vector<16xf32>
        %mul3A_137 = arith.mulf %get3A_132, %get3A_136 : vector<16xf32>
        %swap3A_138 = arith.index_cast %scan3A_60 : i32 to index
        %swap3A_139 = arith.constant 80 : index
        %swap3A_140 = tpu.vector_load %arg12[%swap3A_138, %swap3A_139] {strides = array<i32>} : memref<128x128xf32, #tpu.memory_space<vmem>>, vector<1x16xf32>,
        %swap3A_141 = vector.shape_cast %swap3A_140 : vector<1x16xf32> to vector<16xf32>
        %swap3A_142 = vector.shape_cast %mul3A_137 : vector<16xf32> to vector<1x16xf32>
        tpu.vector_store %arg12[%swap3A_138, %swap3A_139], %swap3A_142 {strides = array<i32>} : memref<128x128xf32, #tpu.memory_space<vmem>>, vector<1x16xf32>,
        %get3A_143 = arith.index_cast %scan3A_60 : i32 to index
        %get3A_144 = arith.constant 96 : index
        %get3A_145 = tpu.vector_load %arg12[%get3A_143, %get3A_144] {strides = array<i32>} : memref<128x128xf32, #tpu.memory_space<vmem>>, vector<1x16xf32>,
        %get3A_146 = vector.shape_cast %get3A_145 : vector<1x16xf32> to vector<16xf32>
        %get3A_147 = arith.index_cast %scan3A_60 : i32 to index
        %get3A_148 = arith.constant 96 : index
        %get3A_149 = tpu.vector_load %arg13[%get3A_147, %get3A_148] {strides = array<i32>} : memref<128x128xf32, #tpu.memory_space<vmem>>, vector<1x16xf32>,
        %get3A_150 = vector.shape_cast %get3A_149 : vector<1x16xf32> to vector<16xf32>
        %mul3A_151 = arith.mulf %get3A_146, %get3A_150 : vector<16xf32>
        %swap3A_152 = arith.index_cast %scan3A_60 : i32 to index
        %swap3A_153 = arith.constant 96 : index
        %swap3A_154 = tpu.vector_load %arg12[%swap3A_152, %swap3A_153] {strides = array<i32>} : memref<128x128xf32, #tpu.memory_space<vmem>>, vector<1x16xf32>,
        %swap3A_155 = vector.shape_cast %swap3A_154 : vector<1x16xf32> to vector<16xf32>
        %swap3A_156 = vector.shape_cast %mul3A_151 : vector<16xf32> to vector<1x16xf32>
        tpu.vector_store %arg12[%swap3A_152, %swap3A_153], %swap3A_156 {strides = array<i32>} : memref<128x128xf32, #tpu.memory_space<vmem>>, vector<1x16xf32>,
        %get3A_157 = arith.index_cast %scan3A_60 : i32 to index
        %get3A_158 = arith.constant 112 : index
        %get3A_159 = tpu.vector_load %arg12[%get3A_157, %get3A_158] {strides = array<i32>} : memref<128x128xf32, #tpu.memory_space<vmem>>, vector<1x16xf32>,
        %get3A_160 = vector.shape_cast %get3A_159 : vector<1x16xf32> to vector<16xf32>
        %get3A_161 = arith.index_cast %scan3A_60 : i32 to index
        %get3A_162 = arith.constant 112 : index
        %get3A_163 = tpu.vector_load %arg13[%get3A_161, %get3A_162] {strides = array<i32>} : memref<128x128xf32, #tpu.memory_space<vmem>>, vector<1x16xf32>,
        %get3A_164 = vector.shape_cast %get3A_163 : vector<1x16xf32> to vector<16xf32>
        %mul3A_165 = arith.mulf %get3A_160, %get3A_164 : vector<16xf32>
        %swap3A_166 = arith.index_cast %scan3A_60 : i32 to index
        %swap3A_167 = arith.constant 112 : index
        %swap3A_168 = tpu.vector_load %arg12[%swap3A_166, %swap3A_167] {strides = array<i32>} : memref<128x128xf32, #tpu.memory_space<vmem>>, vector<1x16xf32>,
        %swap3A_169 = vector.shape_cast %swap3A_168 : vector<1x16xf32> to vector<16xf32>
        %swap3A_170 = vector.shape_cast %mul3A_165 : vector<16xf32> to vector<1x16xf32>
        tpu.vector_store %arg12[%swap3A_166, %swap3A_167], %swap3A_170 {strides = array<i32>} : memref<128x128xf32, #tpu.memory_space<vmem>>, vector<1x16xf32>,
      }
      %scan3A_59 = arith.constant 128 : i32
      "tpu.region"() ({
        %run_scoped3A = tpu.sem_alloc : memref<!tpu.dma_semaphore, #tpu.memory_space<semaphore_mem>>
        %dma_start3A_60 = arith.constant 0 : i32
        %dma_start3A_61 = arith.constant 0 : i32
        %dma_start3A_62 = tpu.memref_slice %arg14[%dma_start3A_60, %dma_start3A_61] : memref<10240x128xf32, #tpu.memory_space<vmem_shared>> -> memref<10240x128xf32, #tpu.memory_space<vmem_shared>>
        tpu.enqueue_indirect_dma source(%arg12 : memref<128x128xf32, #tpu.memory_space<vmem>>) target(%dma_start3A_62 : memref<10240x128xf32, #tpu.memory_space<vmem_shared>>) offsets(%arg10 : memref<128xi32, #tpu.memory_space<vmem>>) semaphore(%run_scoped3A : memref<!tpu.dma_semaphore, #tpu.memory_space<semaphore_mem>>) {add = true}
        %dma_wait3A_63 = arith.constant 0 : i32
        %dma_wait3A_64 = arith.constant 0 : i32
        %dma_wait3A_65 = tpu.memref_slice %arg14[%dma_wait3A_63, %dma_wait3A_64] : memref<10240x128xf32, #tpu.memory_space<vmem_shared>> -> memref<10240x128xf32, #tpu.memory_space<vmem_shared>>
        tpu.wait_indirect_dma semaphore(%run_scoped3A : memref<!tpu.dma_semaphore, #tpu.memory_space<semaphore_mem>>) src(%arg12 : memref<128x128xf32, #tpu.memory_space<vmem>>) dst(%dma_wait3A_65 : memref<10240x128xf32, #tpu.memory_space<vmem_shared>>)
        tpu.yield
      }) : () -> ()
    }
    %while3A_33 = arith.constant 1 : i32
    scf.for %while3A_39 = %while3A_31 to %while3A_27 step %while3A_33  : i32 {
      %mul3A_40 = arith.constant 32 : i32
      %mul3A_41 = arith.muli %while3A_39, %mul3A_40 : i32
      %add3A_42 = arith.addi %add3A, %mul3A_41 : i32
      %mul3A_43 = arith.constant 128 : i32
      %mul3A_44 = arith.muli %add3A_42, %mul3A_43 : i32
      "tpu.region"() ({
        %run_scoped3A = tpu.sem_alloc : memref<!tpu.dma_semaphore, #tpu.memory_space<semaphore_mem>>
        %dma_start3A_60 = tpu.memref_slice %arg3[%mul3A_44] : memref<320000xi32, #tpu.memory_space<hbm>> -> memref<128xi32, #tpu.memory_space<hbm>>
        %dma_start3A_61 = tpu.memref_slice %arg3[%mul3A_44] : memref<320000xi32, #tpu.memory_space<hbm>> -> memref<128xi32, #tpu.memory_space<hbm>>
        tpu.enqueue_dma source(%dma_start3A_61 : memref<128xi32, #tpu.memory_space<hbm>>) target(%arg9 : memref<128xi32, #tpu.memory_space<vmem>>) target_semaphore(%run_scoped3A : memref<!tpu.dma_semaphore, #tpu.memory_space<semaphore_mem>>)
        %dma_wait3A_62 = tpu.memref_slice %arg3[%mul3A_44] : memref<320000xi32, #tpu.memory_space<hbm>> -> memref<128xi32, #tpu.memory_space<hbm>>
        %dma_wait3A_63 = tpu.memref_slice %arg3[%mul3A_44] : memref<320000xi32, #tpu.memory_space<hbm>> -> memref<128xi32, #tpu.memory_space<hbm>>
        tpu.wait_dma2 semaphore(%run_scoped3A : memref<!tpu.dma_semaphore, #tpu.memory_space<semaphore_mem>>) src(%dma_wait3A_63 : memref<128xi32, #tpu.memory_space<hbm>>) dst(%arg9 : memref<128xi32, #tpu.memory_space<vmem>>)
        tpu.yield
      }) : () -> ()
      "tpu.region"() ({
        %run_scoped3A = tpu.sem_alloc : memref<!tpu.dma_semaphore, #tpu.memory_space<semaphore_mem>>
        %dma_start3A_60 = tpu.memref_slice %arg5[%mul3A_44] : memref<320000xi32, #tpu.memory_space<hbm>> -> memref<128xi32, #tpu.memory_space<hbm>>
        %dma_start3A_61 = tpu.memref_slice %arg5[%mul3A_44] : memref<320000xi32, #tpu.memory_space<hbm>> -> memref<128xi32, #tpu.memory_space<hbm>>
        tpu.enqueue_dma source(%dma_start3A_61 : memref<128xi32, #tpu.memory_space<hbm>>) target(%arg11 : memref<128xi32, #tpu.memory_space<vmem>>) target_semaphore(%run_scoped3A : memref<!tpu.dma_semaphore, #tpu.memory_space<semaphore_mem>>)
        %dma_wait3A_62 = tpu.memref_slice %arg5[%mul3A_44] : memref<320000xi32, #tpu.memory_space<hbm>> -> memref<128xi32, #tpu.memory_space<hbm>>
        %dma_wait3A_63 = tpu.memref_slice %arg5[%mul3A_44] : memref<320000xi32, #tpu.memory_space<hbm>> -> memref<128xi32, #tpu.memory_space<hbm>>
        tpu.wait_dma2 semaphore(%run_scoped3A : memref<!tpu.dma_semaphore, #tpu.memory_space<semaphore_mem>>) src(%dma_wait3A_63 : memref<128xi32, #tpu.memory_space<hbm>>) dst(%arg11 : memref<128xi32, #tpu.memory_space<vmem>>)
        tpu.yield
      }) : () -> ()
      "tpu.region"() ({
        %run_scoped3A = tpu.sem_alloc : memref<!tpu.dma_semaphore, #tpu.memory_space<semaphore_mem>>
        %dma_start3A_60 = tpu.memref_slice %arg4[%mul3A_44] : memref<320000xi32, #tpu.memory_space<hbm>> -> memref<128xi32, #tpu.memory_space<hbm>>
        %dma_start3A_61 = tpu.memref_slice %arg4[%mul3A_44] : memref<320000xi32, #tpu.memory_space<hbm>> -> memref<128xi32, #tpu.memory_space<hbm>>
        tpu.enqueue_dma source(%dma_start3A_61 : memref<128xi32, #tpu.memory_space<hbm>>) target(%arg10 : memref<128xi32, #tpu.memory_space<vmem>>) target_semaphore(%run_scoped3A : memref<!tpu.dma_semaphore, #tpu.memory_space<semaphore_mem>>)
        %dma_wait3A_62 = tpu.memref_slice %arg4[%mul3A_44] : memref<320000xi32, #tpu.memory_space<hbm>> -> memref<128xi32, #tpu.memory_space<hbm>>
        %dma_wait3A_63 = tpu.memref_slice %arg4[%mul3A_44] : memref<320000xi32, #tpu.memory_space<hbm>> -> memref<128xi32, #tpu.memory_space<hbm>>
        tpu.wait_dma2 semaphore(%run_scoped3A : memref<!tpu.dma_semaphore, #tpu.memory_space<semaphore_mem>>) src(%dma_wait3A_63 : memref<128xi32, #tpu.memory_space<hbm>>) dst(%arg10 : memref<128xi32, #tpu.memory_space<vmem>>)
        tpu.yield
      }) : () -> ()
      %dma_start3A = arith.constant 0 : i32
      %dma_start3A_45 = arith.constant 0 : i32
      %dma_start3A_46 = tpu.memref_slice %arg2[%dma_start3A, %dma_start3A_45] : memref<10240x128xf32, #tpu.memory_space<hbm>> -> memref<10240x128xf32, #tpu.memory_space<hbm>>
      tpu.enqueue_indirect_dma source(%dma_start3A_46 : memref<10240x128xf32, #tpu.memory_space<hbm>>) target(%arg12 : memref<128x128xf32, #tpu.memory_space<vmem>>) offsets(%arg9 : memref<128xi32, #tpu.memory_space<vmem>>) semaphore(%arg15 : memref<!tpu.dma_semaphore, #tpu.memory_space<semaphore_mem>>)
      %dma_start3A_47 = arith.constant 0 : i32
      %dma_start3A_48 = arith.constant 0 : i32
      %dma_start3A_49 = tpu.memref_slice %arg6[%dma_start3A_47, %dma_start3A_48] : memref<64x128xf32, #tpu.memory_space<hbm>> -> memref<64x128xf32, #tpu.memory_space<hbm>>
      tpu.enqueue_indirect_dma source(%dma_start3A_49 : memref<64x128xf32, #tpu.memory_space<hbm>>) target(%arg13 : memref<128x128xf32, #tpu.memory_space<vmem>>) offsets(%arg11 : memref<128xi32, #tpu.memory_space<vmem>>) semaphore(%arg16 : memref<!tpu.dma_semaphore, #tpu.memory_space<semaphore_mem>>)
      %dma_wait3A = arith.constant 0 : i32
      %dma_wait3A_50 = arith.constant 0 : i32
      %dma_wait3A_51 = tpu.memref_slice %arg2[%dma_wait3A, %dma_wait3A_50] : memref<10240x128xf32, #tpu.memory_space<hbm>> -> memref<10240x128xf32, #tpu.memory_space<hbm>>
      tpu.wait_indirect_dma semaphore(%arg15 : memref<!tpu.dma_semaphore, #tpu.memory_space<semaphore_mem>>) src(%dma_wait3A_51 : memref<10240x128xf32, #tpu.memory_space<hbm>>) dst(%arg12 : memref<128x128xf32, #tpu.memory_space<vmem>>)
      %dma_wait3A_52 = arith.constant 0 : i32
      %dma_wait3A_53 = arith.constant 0 : i32
      %dma_wait3A_54 = tpu.memref_slice %arg6[%dma_wait3A_52, %dma_wait3A_53] : memref<64x128xf32, #tpu.memory_space<hbm>> -> memref<64x128xf32, #tpu.memory_space<hbm>>
      tpu.wait_indirect_dma semaphore(%arg16 : memref<!tpu.dma_semaphore, #tpu.memory_space<semaphore_mem>>) src(%dma_wait3A_54 : memref<64x128xf32, #tpu.memory_space<hbm>>) dst(%arg13 : memref<128x128xf32, #tpu.memory_space<vmem>>)
      %scan3A = arith.constant 0 : i32
      %scan3A_55 = arith.constant 0 : i32
      %scan3A_56 = arith.constant 128 : i32
      %scan3A_57 = arith.addi %scan3A_55, %scan3A_56 : i32
      %scan3A_58 = arith.constant 1 : i32
      scf.for %scan3A_60 = %scan3A_55 to %scan3A_57 step %scan3A_58  : i32 {
        %get3A = arith.index_cast %scan3A_60 : i32 to index
        %get3A_61 = arith.constant 0 : index
        %get3A_62 = tpu.vector_load %arg12[%get3A, %get3A_61] {strides = array<i32>} : memref<128x128xf32, #tpu.memory_space<vmem>>, vector<1x16xf32>,
        %get3A_63 = vector.shape_cast %get3A_62 : vector<1x16xf32> to vector<16xf32>
        %get3A_64 = arith.index_cast %scan3A_60 : i32 to index
        %get3A_65 = arith.constant 0 : index
        %get3A_66 = tpu.vector_load %arg13[%get3A_64, %get3A_65] {strides = array<i32>} : memref<128x128xf32, #tpu.memory_space<vmem>>, vector<1x16xf32>,
        %get3A_67 = vector.shape_cast %get3A_66 : vector<1x16xf32> to vector<16xf32>
        %mul3A_68 = arith.mulf %get3A_63, %get3A_67 : vector<16xf32>
        %swap3A = arith.index_cast %scan3A_60 : i32 to index
        %swap3A_69 = arith.constant 0 : index
        %swap3A_70 = tpu.vector_load %arg12[%swap3A, %swap3A_69] {strides = array<i32>} : memref<128x128xf32, #tpu.memory_space<vmem>>, vector<1x16xf32>,
        %swap3A_71 = vector.shape_cast %swap3A_70 : vector<1x16xf32> to vector<16xf32>
        %swap3A_72 = vector.shape_cast %mul3A_68 : vector<16xf32> to vector<1x16xf32>
        tpu.vector_store %arg12[%swap3A, %swap3A_69], %swap3A_72 {strides = array<i32>} : memref<128x128xf32, #tpu.memory_space<vmem>>, vector<1x16xf32>,
        %get3A_73 = arith.index_cast %scan3A_60 : i32 to index
        %get3A_74 = arith.constant 16 : index
        %get3A_75 = tpu.vector_load %arg12[%get3A_73, %get3A_74] {strides = array<i32>} : memref<128x128xf32, #tpu.memory_space<vmem>>, vector<1x16xf32>,
        %get3A_76 = vector.shape_cast %get3A_75 : vector<1x16xf32> to vector<16xf32>
        %get3A_77 = arith.index_cast %scan3A_60 : i32 to index
        %get3A_78 = arith.constant 16 : index
        %get3A_79 = tpu.vector_load %arg13[%get3A_77, %get3A_78] {strides = array<i32>} : memref<128x128xf32, #tpu.memory_space<vmem>>, vector<1x16xf32>,
        %get3A_80 = vector.shape_cast %get3A_79 : vector<1x16xf32> to vector<16xf32>
        %mul3A_81 = arith.mulf %get3A_76, %get3A_80 : vector<16xf32>
        %swap3A_82 = arith.index_cast %scan3A_60 : i32 to index
        %swap3A_83 = arith.constant 16 : index
        %swap3A_84 = tpu.vector_load %arg12[%swap3A_82, %swap3A_83] {strides = array<i32>} : memref<128x128xf32, #tpu.memory_space<vmem>>, vector<1x16xf32>,
        %swap3A_85 = vector.shape_cast %swap3A_84 : vector<1x16xf32> to vector<16xf32>
        %swap3A_86 = vector.shape_cast %mul3A_81 : vector<16xf32> to vector<1x16xf32>
        tpu.vector_store %arg12[%swap3A_82, %swap3A_83], %swap3A_86 {strides = array<i32>} : memref<128x128xf32, #tpu.memory_space<vmem>>, vector<1x16xf32>,
        %get3A_87 = arith.index_cast %scan3A_60 : i32 to index
        %get3A_88 = arith.constant 32 : index
        %get3A_89 = tpu.vector_load %arg12[%get3A_87, %get3A_88] {strides = array<i32>} : memref<128x128xf32, #tpu.memory_space<vmem>>, vector<1x16xf32>,
        %get3A_90 = vector.shape_cast %get3A_89 : vector<1x16xf32> to vector<16xf32>
        %get3A_91 = arith.index_cast %scan3A_60 : i32 to index
        %get3A_92 = arith.constant 32 : index
        %get3A_93 = tpu.vector_load %arg13[%get3A_91, %get3A_92] {strides = array<i32>} : memref<128x128xf32, #tpu.memory_space<vmem>>, vector<1x16xf32>,
        %get3A_94 = vector.shape_cast %get3A_93 : vector<1x16xf32> to vector<16xf32>
        %mul3A_95 = arith.mulf %get3A_90, %get3A_94 : vector<16xf32>
        %swap3A_96 = arith.index_cast %scan3A_60 : i32 to index
        %swap3A_97 = arith.constant 32 : index
        %swap3A_98 = tpu.vector_load %arg12[%swap3A_96, %swap3A_97] {strides = array<i32>} : memref<128x128xf32, #tpu.memory_space<vmem>>, vector<1x16xf32>,
        %swap3A_99 = vector.shape_cast %swap3A_98 : vector<1x16xf32> to vector<16xf32>
        %swap3A_100 = vector.shape_cast %mul3A_95 : vector<16xf32> to vector<1x16xf32>
        tpu.vector_store %arg12[%swap3A_96, %swap3A_97], %swap3A_100 {strides = array<i32>} : memref<128x128xf32, #tpu.memory_space<vmem>>, vector<1x16xf32>,
        %get3A_101 = arith.index_cast %scan3A_60 : i32 to index
        %get3A_102 = arith.constant 48 : index
        %get3A_103 = tpu.vector_load %arg12[%get3A_101, %get3A_102] {strides = array<i32>} : memref<128x128xf32, #tpu.memory_space<vmem>>, vector<1x16xf32>,
        %get3A_104 = vector.shape_cast %get3A_103 : vector<1x16xf32> to vector<16xf32>
        %get3A_105 = arith.index_cast %scan3A_60 : i32 to index
        %get3A_106 = arith.constant 48 : index
        %get3A_107 = tpu.vector_load %arg13[%get3A_105, %get3A_106] {strides = array<i32>} : memref<128x128xf32, #tpu.memory_space<vmem>>, vector<1x16xf32>,
        %get3A_108 = vector.shape_cast %get3A_107 : vector<1x16xf32> to vector<16xf32>
        %mul3A_109 = arith.mulf %get3A_104, %get3A_108 : vector<16xf32>
        %swap3A_110 = arith.index_cast %scan3A_60 : i32 to index
        %swap3A_111 = arith.constant 48 : index
        %swap3A_112 = tpu.vector_load %arg12[%swap3A_110, %swap3A_111] {strides = array<i32>} : memref<128x128xf32, #tpu.memory_space<vmem>>, vector<1x16xf32>,
        %swap3A_113 = vector.shape_cast %swap3A_112 : vector<1x16xf32> to vector<16xf32>
        %swap3A_114 = vector.shape_cast %mul3A_109 : vector<16xf32> to vector<1x16xf32>
        tpu.vector_store %arg12[%swap3A_110, %swap3A_111], %swap3A_114 {strides = array<i32>} : memref<128x128xf32, #tpu.memory_space<vmem>>, vector<1x16xf32>,
        %get3A_115 = arith.index_cast %scan3A_60 : i32 to index
        %get3A_116 = arith.constant 64 : index
        %get3A_117 = tpu.vector_load %arg12[%get3A_115, %get3A_116] {strides = array<i32>} : memref<128x128xf32, #tpu.memory_space<vmem>>, vector<1x16xf32>,
        %get3A_118 = vector.shape_cast %get3A_117 : vector<1x16xf32> to vector<16xf32>
        %get3A_119 = arith.index_cast %scan3A_60 : i32 to index
        %get3A_120 = arith.constant 64 : index
        %get3A_121 = tpu.vector_load %arg13[%get3A_119, %get3A_120] {strides = array<i32>} : memref<128x128xf32, #tpu.memory_space<vmem>>, vector<1x16xf32>,
        %get3A_122 = vector.shape_cast %get3A_121 : vector<1x16xf32> to vector<16xf32>
        %mul3A_123 = arith.mulf %get3A_118, %get3A_122 : vector<16xf32>
        %swap3A_124 = arith.index_cast %scan3A_60 : i32 to index
        %swap3A_125 = arith.constant 64 : index
        %swap3A_126 = tpu.vector_load %arg12[%swap3A_124, %swap3A_125] {strides = array<i32>} : memref<128x128xf32, #tpu.memory_space<vmem>>, vector<1x16xf32>,
        %swap3A_127 = vector.shape_cast %swap3A_126 : vector<1x16xf32> to vector<16xf32>
        %swap3A_128 = vector.shape_cast %mul3A_123 : vector<16xf32> to vector<1x16xf32>
        tpu.vector_store %arg12[%swap3A_124, %swap3A_125], %swap3A_128 {strides = array<i32>} : memref<128x128xf32, #tpu.memory_space<vmem>>, vector<1x16xf32>,
        %get3A_129 = arith.index_cast %scan3A_60 : i32 to index
        %get3A_130 = arith.constant 80 : index
        %get3A_131 = tpu.vector_load %arg12[%get3A_129, %get3A_130] {strides = array<i32>} : memref<128x128xf32, #tpu.memory_space<vmem>>, vector<1x16xf32>,
        %get3A_132 = vector.shape_cast %get3A_131 : vector<1x16xf32> to vector<16xf32>
        %get3A_133 = arith.index_cast %scan3A_60 : i32 to index
        %get3A_134 = arith.constant 80 : index
        %get3A_135 = tpu.vector_load %arg13[%get3A_133, %get3A_134] {strides = array<i32>} : memref<128x128xf32, #tpu.memory_space<vmem>>, vector<1x16xf32>,
        %get3A_136 = vector.shape_cast %get3A_135 : vector<1x16xf32> to vector<16xf32>
        %mul3A_137 = arith.mulf %get3A_132, %get3A_136 : vector<16xf32>
        %swap3A_138 = arith.index_cast %scan3A_60 : i32 to index
        %swap3A_139 = arith.constant 80 : index
        %swap3A_140 = tpu.vector_load %arg12[%swap3A_138, %swap3A_139] {strides = array<i32>} : memref<128x128xf32, #tpu.memory_space<vmem>>, vector<1x16xf32>,
        %swap3A_141 = vector.shape_cast %swap3A_140 : vector<1x16xf32> to vector<16xf32>
        %swap3A_142 = vector.shape_cast %mul3A_137 : vector<16xf32> to vector<1x16xf32>
        tpu.vector_store %arg12[%swap3A_138, %swap3A_139], %swap3A_142 {strides = array<i32>} : memref<128x128xf32, #tpu.memory_space<vmem>>, vector<1x16xf32>,
        %get3A_143 = arith.index_cast %scan3A_60 : i32 to index
        %get3A_144 = arith.constant 96 : index
        %get3A_145 = tpu.vector_load %arg12[%get3A_143, %get3A_144] {strides = array<i32>} : memref<128x128xf32, #tpu.memory_space<vmem>>, vector<1x16xf32>,
        %get3A_146 = vector.shape_cast %get3A_145 : vector<1x16xf32> to vector<16xf32>
        %get3A_147 = arith.index_cast %scan3A_60 : i32 to index
        %get3A_148 = arith.constant 96 : index
        %get3A_149 = tpu.vector_load %arg13[%get3A_147, %get3A_148] {strides = array<i32>} : memref<128x128xf32, #tpu.memory_space<vmem>>, vector<1x16xf32>,
        %get3A_150 = vector.shape_cast %get3A_149 : vector<1x16xf32> to vector<16xf32>
        %mul3A_151 = arith.mulf %get3A_146, %get3A_150 : vector<16xf32>
        %swap3A_152 = arith.index_cast %scan3A_60 : i32 to index
        %swap3A_153 = arith.constant 96 : index
        %swap3A_154 = tpu.vector_load %arg12[%swap3A_152, %swap3A_153] {strides = array<i32>} : memref<128x128xf32, #tpu.memory_space<vmem>>, vector<1x16xf32>,
        %swap3A_155 = vector.shape_cast %swap3A_154 : vector<1x16xf32> to vector<16xf32>
        %swap3A_156 = vector.shape_cast %mul3A_151 : vector<16xf32> to vector<1x16xf32>
        tpu.vector_store %arg12[%swap3A_152, %swap3A_153], %swap3A_156 {strides = array<i32>} : memref<128x128xf32, #tpu.memory_space<vmem>>, vector<1x16xf32>,
        %get3A_157 = arith.index_cast %scan3A_60 : i32 to index
        %get3A_158 = arith.constant 112 : index
        %get3A_159 = tpu.vector_load %arg12[%get3A_157, %get3A_158] {strides = array<i32>} : memref<128x128xf32, #tpu.memory_space<vmem>>, vector<1x16xf32>,
        %get3A_160 = vector.shape_cast %get3A_159 : vector<1x16xf32> to vector<16xf32>
        %get3A_161 = arith.index_cast %scan3A_60 : i32 to index
        %get3A_162 = arith.constant 112 : index
        %get3A_163 = tpu.vector_load %arg13[%get3A_161, %get3A_162] {strides = array<i32>} : memref<128x128xf32, #tpu.memory_space<vmem>>, vector<1x16xf32>,
        %get3A_164 = vector.shape_cast %get3A_163 : vector<1x16xf32> to vector<16xf32>
        %mul3A_165 = arith.mulf %get3A_160, %get3A_164 : vector<16xf32>
        %swap3A_166 = arith.index_cast %scan3A_60 : i32 to index
        %swap3A_167 = arith.constant 112 : index
        %swap3A_168 = tpu.vector_load %arg12[%swap3A_166, %swap3A_167] {strides = array<i32>} : memref<128x128xf32, #tpu.memory_space<vmem>>, vector<1x16xf32>,
        %swap3A_169 = vector.shape_cast %swap3A_168 : vector<1x16xf32> to vector<16xf32>
        %swap3A_170 = vector.shape_cast %mul3A_165 : vector<16xf32> to vector<1x16xf32>
        tpu.vector_store %arg12[%swap3A_166, %swap3A_167], %swap3A_170 {strides = array<i32>} : memref<128x128xf32, #tpu.memory_space<vmem>>, vector<1x16xf32>,
      }
      %scan3A_59 = arith.constant 128 : i32
      "tpu.region"() ({
        %run_scoped3A = tpu.sem_alloc : memref<!tpu.dma_semaphore, #tpu.memory_space<semaphore_mem>>
        %dma_start3A_60 = arith.constant 0 : i32
        %dma_start3A_61 = arith.constant 0 : i32
        %dma_start3A_62 = tpu.memref_slice %arg14[%dma_start3A_60, %dma_start3A_61] : memref<10240x128xf32, #tpu.memory_space<vmem_shared>> -> memref<10240x128xf32, #tpu.memory_space<vmem_shared>>
        tpu.enqueue_indirect_dma source(%arg12 : memref<128x128xf32, #tpu.memory_space<vmem>>) target(%dma_start3A_62 : memref<10240x128xf32, #tpu.memory_space<vmem_shared>>) offsets(%arg10 : memref<128xi32, #tpu.memory_space<vmem>>) semaphore(%run_scoped3A : memref<!tpu.dma_semaphore, #tpu.memory_space<semaphore_mem>>) {add = true}
        %dma_wait3A_63 = arith.constant 0 : i32
        %dma_wait3A_64 = arith.constant 0 : i32
        %dma_wait3A_65 = tpu.memref_slice %arg14[%dma_wait3A_63, %dma_wait3A_64] : memref<10240x128xf32, #tpu.memory_space<vmem_shared>> -> memref<10240x128xf32, #tpu.memory_space<vmem_shared>>
        tpu.wait_indirect_dma semaphore(%run_scoped3A : memref<!tpu.dma_semaphore, #tpu.memory_space<semaphore_mem>>) src(%arg12 : memref<128x128xf32, #tpu.memory_space<vmem>>) dst(%dma_wait3A_65 : memref<10240x128xf32, #tpu.memory_space<vmem_shared>>)
        tpu.yield
      }) : () -> ()
    }
    %barrier3A_34 = arith.constant 0 : index
    tpu.barrier barrier_id(%barrier3A_34)
    %mul3A_35 = arith.constant 640 : i32
    %mul3A_36 = arith.muli %arg1, %mul3A_35 : i32
    %mul3A_37 = arith.constant 640 : i32
    %mul3A_38 = arith.muli %arg1, %mul3A_37 : i32
    "tpu.region"() ({
      %run_scoped3A = tpu.sem_alloc : memref<!tpu.dma_semaphore, #tpu.memory_space<semaphore_mem>>
      %dma_start3A = arith.constant 0 : i32
      %dma_start3A_39 = tpu.memref_slice %arg8[%arg0, %mul3A_38, %dma_start3A] : memref<2x10240x128xf32, #tpu.memory_space<hbm>> -> memref<1x640x128xf32, #tpu.memory_space<hbm>>
      %dma_start3A_40 = tpu.memref_squeeze %dma_start3A_39 : memref<1x640x128xf32, #tpu.memory_space<hbm>> -> memref<640x128xf32, #tpu.memory_space<hbm>>
      %dma_start3A_41 = arith.constant 0 : i32
      %dma_start3A_42 = tpu.memref_slice %arg14[%mul3A_36, %dma_start3A_41] : memref<10240x128xf32, #tpu.memory_space<vmem_shared>> -> memref<640x128xf32, #tpu.memory_space<vmem_shared>>
      tpu.enqueue_dma source(%dma_start3A_42 : memref<640x128xf32, #tpu.memory_space<vmem_shared>>) target(%dma_start3A_40 : memref<640x128xf32, #tpu.memory_space<hbm>>) target_semaphore(%run_scoped3A : memref<!tpu.dma_semaphore, #tpu.memory_space<semaphore_mem>>)
      %dma_wait3A = arith.constant 0 : i32
      %dma_wait3A_43 = tpu.memref_slice %arg8[%arg0, %mul3A_38, %dma_wait3A] : memref<2x10240x128xf32, #tpu.memory_space<hbm>> -> memref<1x640x128xf32, #tpu.memory_space<hbm>>
      %dma_wait3A_44 = tpu.memref_squeeze %dma_wait3A_43 : memref<1x640x128xf32, #tpu.memory_space<hbm>> -> memref<640x128xf32, #tpu.memory_space<hbm>>
      %dma_wait3A_45 = arith.constant 0 : i32
      %dma_wait3A_46 = tpu.memref_slice %arg14[%mul3A_36, %dma_wait3A_45] : memref<10240x128xf32, #tpu.memory_space<vmem_shared>> -> memref<640x128xf32, #tpu.memory_space<vmem_shared>>
      tpu.wait_dma2 semaphore(%run_scoped3A : memref<!tpu.dma_semaphore, #tpu.memory_space<semaphore_mem>>) src(%dma_wait3A_46 : memref<640x128xf32, #tpu.memory_space<vmem_shared>>) dst(%dma_wait3A_44 : memref<640x128xf32, #tpu.memory_space<hbm>>)
      tpu.yield
    }) : () -> ()
    return
  }
}

#map = affine_map<(d0, d1) -> (0, 0)>
#map1 = affine_map<(d0, d1) -> (0)>
#map2 = affine_map<(d0, d1) -> (0, 0, 0)>
module attributes {stable_mosaic.version = 14 : i64} {
  func.func @_sc_edge_pass(%arg0: i32, %arg1: i32, %arg2: memref<10240x128xf32, #tpu.memory_space<hbm>>, %arg3: memref<320000xi32, #tpu.memory_space<hbm>>, %arg4: memref<320000xi32, #tpu.memory_space<hbm>>, %arg5: memref<320000xi32, #tpu.memory_space<hbm>>, %arg6: memref<64x128xf32, #tpu.memory_space<hbm>>, %arg7: memref<128x128xf32, #tpu.memory_space<hbm>>, %arg8: memref<2x10240x128xf32, #tpu.memory_space<hbm>>, %arg9: memref<128xi32, #tpu.memory_space<vmem>>, %arg10: memref<128xi32, #tpu.memory_space<vmem>>, %arg11: memref<128xi32, #tpu.memory_space<vmem>>, %arg12: memref<128x128xf32, #tpu.memory_space<vmem>>, %arg13: memref<128x128xf32, #tpu.memory_space<vmem>>, %arg14: memref<10240x128xf32, #tpu.memory_space<vmem_shared>>, %arg15: memref<!tpu.dma_semaphore, #tpu.memory_space<semaphore_mem>>, %arg16: memref<!tpu.dma_semaphore, #tpu.memory_space<semaphore_mem>>) attributes {dimension_semantics = [#tpu.dimension_semantics<core_parallel>, #tpu.dimension_semantics<subcore_parallel>], iteration_bounds = array<i64: 2, 16>, scalar_prefetch = 0 : i64, scratch_operands = 8 : i64, tpu.core_type = #tpu.core_type<sc_vector_subcore>, window_params = [{transform_indices = #map}, {transform_indices = #map1}, {transform_indices = #map1}, {transform_indices = #map1}, {transform_indices = #map}, {transform_indices = #map}, {transform_indices = #map2}]} {
    %mul3A = arith.constant 2 : i32
    %mul3A_0 = arith.muli %arg1, %mul3A : i32
    %add3A = arith.addi %mul3A_0, %arg0 : i32
    "tpu.region"() ({
      %run_scoped3A = tpu.sem_alloc : memref<!tpu.dma_semaphore, #tpu.memory_space<semaphore_mem>>
      tpu.enqueue_dma source(%arg7 : memref<128x128xf32, #tpu.memory_space<hbm>>) target(%arg12 : memref<128x128xf32, #tpu.memory_space<vmem>>) target_semaphore(%run_scoped3A : memref<!tpu.dma_semaphore, #tpu.memory_space<semaphore_mem>>)
      tpu.wait_dma2 semaphore(%run_scoped3A : memref<!tpu.dma_semaphore, #tpu.memory_space<semaphore_mem>>) src(%arg7 : memref<128x128xf32, #tpu.memory_space<hbm>>) dst(%arg12 : memref<128x128xf32, #tpu.memory_space<vmem>>)
      tpu.yield
    }) : () -> ()
    %mul3A_1 = arith.constant 640 : i32
    %mul3A_2 = arith.muli %arg1, %mul3A_1 : i32
    %add3A_3 = arith.constant 0 : i32
    %add3A_4 = arith.addi %mul3A_2, %add3A_3 : i32
    "tpu.region"() ({
      %run_scoped3A = tpu.sem_alloc : memref<!tpu.dma_semaphore, #tpu.memory_space<semaphore_mem>>
      %dma_start3A = arith.constant 0 : i32
      %dma_start3A_39 = tpu.memref_slice %arg14[%add3A_4, %dma_start3A] : memref<10240x128xf32, #tpu.memory_space<vmem_shared>> -> memref<128x128xf32, #tpu.memory_space<vmem_shared>>
      %dma_start3A_40 = arith.constant 0 : i32
      %dma_start3A_41 = tpu.memref_slice %arg14[%add3A_4, %dma_start3A_40] : memref<10240x128xf32, #tpu.memory_space<vmem_shared>> -> memref<128x128xf32, #tpu.memory_space<vmem_shared>>
      tpu.enqueue_dma source(%arg12 : memref<128x128xf32, #tpu.memory_space<vmem>>) target(%dma_start3A_41 : memref<128x128xf32, #tpu.memory_space<vmem_shared>>) target_semaphore(%run_scoped3A : memref<!tpu.dma_semaphore, #tpu.memory_space<semaphore_mem>>)
      %dma_wait3A = arith.constant 0 : i32
      %dma_wait3A_42 = tpu.memref_slice %arg14[%add3A_4, %dma_wait3A] : memref<10240x128xf32, #tpu.memory_space<vmem_shared>> -> memref<128x128xf32, #tpu.memory_space<vmem_shared>>
      %dma_wait3A_43 = arith.constant 0 : i32
      %dma_wait3A_44 = tpu.memref_slice %arg14[%add3A_4, %dma_wait3A_43] : memref<10240x128xf32, #tpu.memory_space<vmem_shared>> -> memref<128x128xf32, #tpu.memory_space<vmem_shared>>
      tpu.wait_dma2 semaphore(%run_scoped3A : memref<!tpu.dma_semaphore, #tpu.memory_space<semaphore_mem>>) src(%arg12 : memref<128x128xf32, #tpu.memory_space<vmem>>) dst(%dma_wait3A_44 : memref<128x128xf32, #tpu.memory_space<vmem_shared>>)
      tpu.yield
    }) : () -> ()
    %mul3A_5 = arith.constant 640 : i32
    %mul3A_6 = arith.muli %arg1, %mul3A_5 : i32
    %add3A_7 = arith.constant 128 : i32
    %add3A_8 = arith.addi %mul3A_6, %add3A_7 : i32
    "tpu.region"() ({
      %run_scoped3A = tpu.sem_alloc : memref<!tpu.dma_semaphore, #tpu.memory_space<semaphore_mem>>
      %dma_start3A = arith.constant 0 : i32
      %dma_start3A_39 = tpu.memref_slice %arg14[%add3A_8, %dma_start3A] : memref<10240x128xf32, #tpu.memory_space<vmem_shared>> -> memref<128x128xf32, #tpu.memory_space<vmem_shared>>
      %dma_start3A_40 = arith.constant 0 : i32
      %dma_start3A_41 = tpu.memref_slice %arg14[%add3A_8, %dma_start3A_40] : memref<10240x128xf32, #tpu.memory_space<vmem_shared>> -> memref<128x128xf32, #tpu.memory_space<vmem_shared>>
      tpu.enqueue_dma source(%arg12 : memref<128x128xf32, #tpu.memory_space<vmem>>) target(%dma_start3A_41 : memref<128x128xf32, #tpu.memory_space<vmem_shared>>) target_semaphore(%run_scoped3A : memref<!tpu.dma_semaphore, #tpu.memory_space<semaphore_mem>>)
      %dma_wait3A = arith.constant 0 : i32
      %dma_wait3A_42 = tpu.memref_slice %arg14[%add3A_8, %dma_wait3A] : memref<10240x128xf32, #tpu.memory_space<vmem_shared>> -> memref<128x128xf32, #tpu.memory_space<vmem_shared>>
      %dma_wait3A_43 = arith.constant 0 : i32
      %dma_wait3A_44 = tpu.memref_slice %arg14[%add3A_8, %dma_wait3A_43] : memref<10240x128xf32, #tpu.memory_space<vmem_shared>> -> memref<128x128xf32, #tpu.memory_space<vmem_shared>>
      tpu.wait_dma2 semaphore(%run_scoped3A : memref<!tpu.dma_semaphore, #tpu.memory_space<semaphore_mem>>) src(%arg12 : memref<128x128xf32, #tpu.memory_space<vmem>>) dst(%dma_wait3A_44 : memref<128x128xf32, #tpu.memory_space<vmem_shared>>)
      tpu.yield
    }) : () -> ()
    %mul3A_9 = arith.constant 640 : i32
    %mul3A_10 = arith.muli %arg1, %mul3A_9 : i32
    %add3A_11 = arith.constant 256 : i32
    %add3A_12 = arith.addi %mul3A_10, %add3A_11 : i32
    "tpu.region"() ({
      %run_scoped3A = tpu.sem_alloc : memref<!tpu.dma_semaphore, #tpu.memory_space<semaphore_mem>>
      %dma_start3A = arith.constant 0 : i32
      %dma_start3A_39 = tpu.memref_slice %arg14[%add3A_12, %dma_start3A] : memref<10240x128xf32, #tpu.memory_space<vmem_shared>> -> memref<128x128xf32, #tpu.memory_space<vmem_shared>>
      %dma_start3A_40 = arith.constant 0 : i32
      %dma_start3A_41 = tpu.memref_slice %arg14[%add3A_12, %dma_start3A_40] : memref<10240x128xf32, #tpu.memory_space<vmem_shared>> -> memref<128x128xf32, #tpu.memory_space<vmem_shared>>
      tpu.enqueue_dma source(%arg12 : memref<128x128xf32, #tpu.memory_space<vmem>>) target(%dma_start3A_41 : memref<128x128xf32, #tpu.memory_space<vmem_shared>>) target_semaphore(%run_scoped3A : memref<!tpu.dma_semaphore, #tpu.memory_space<semaphore_mem>>)
      %dma_wait3A = arith.constant 0 : i32
      %dma_wait3A_42 = tpu.memref_slice %arg14[%add3A_12, %dma_wait3A] : memref<10240x128xf32, #tpu.memory_space<vmem_shared>> -> memref<128x128xf32, #tpu.memory_space<vmem_shared>>
      %dma_wait3A_43 = arith.constant 0 : i32
      %dma_wait3A_44 = tpu.memref_slice %arg14[%add3A_12, %dma_wait3A_43] : memref<10240x128xf32, #tpu.memory_space<vmem_shared>> -> memref<128x128xf32, #tpu.memory_space<vmem_shared>>
      tpu.wait_dma2 semaphore(%run_scoped3A : memref<!tpu.dma_semaphore, #tpu.memory_space<semaphore_mem>>) src(%arg12 : memref<128x128xf32, #tpu.memory_space<vmem>>) dst(%dma_wait3A_44 : memref<128x128xf32, #tpu.memory_space<vmem_shared>>)
      tpu.yield
    }) : () -> ()
    %mul3A_13 = arith.constant 640 : i32
    %mul3A_14 = arith.muli %arg1, %mul3A_13 : i32
    %add3A_15 = arith.constant 384 : i32
    %add3A_16 = arith.addi %mul3A_14, %add3A_15 : i32
    "tpu.region"() ({
      %run_scoped3A = tpu.sem_alloc : memref<!tpu.dma_semaphore, #tpu.memory_space<semaphore_mem>>
      %dma_start3A = arith.constant 0 : i32
      %dma_start3A_39 = tpu.memref_slice %arg14[%add3A_16, %dma_start3A] : memref<10240x128xf32, #tpu.memory_space<vmem_shared>> -> memref<128x128xf32, #tpu.memory_space<vmem_shared>>
      %dma_start3A_40 = arith.constant 0 : i32
      %dma_start3A_41 = tpu.memref_slice %arg14[%add3A_16, %dma_start3A_40] : memref<10240x128xf32, #tpu.memory_space<vmem_shared>> -> memref<128x128xf32, #tpu.memory_space<vmem_shared>>
      tpu.enqueue_dma source(%arg12 : memref<128x128xf32, #tpu.memory_space<vmem>>) target(%dma_start3A_41 : memref<128x128xf32, #tpu.memory_space<vmem_shared>>) target_semaphore(%run_scoped3A : memref<!tpu.dma_semaphore, #tpu.memory_space<semaphore_mem>>)
      %dma_wait3A = arith.constant 0 : i32
      %dma_wait3A_42 = tpu.memref_slice %arg14[%add3A_16, %dma_wait3A] : memref<10240x128xf32, #tpu.memory_space<vmem_shared>> -> memref<128x128xf32, #tpu.memory_space<vmem_shared>>
      %dma_wait3A_43 = arith.constant 0 : i32
      %dma_wait3A_44 = tpu.memref_slice %arg14[%add3A_16, %dma_wait3A_43] : memref<10240x128xf32, #tpu.memory_space<vmem_shared>> -> memref<128x128xf32, #tpu.memory_space<vmem_shared>>
      tpu.wait_dma2 semaphore(%run_scoped3A : memref<!tpu.dma_semaphore, #tpu.memory_space<semaphore_mem>>) src(%arg12 : memref<128x128xf32, #tpu.memory_space<vmem>>) dst(%dma_wait3A_44 : memref<128x128xf32, #tpu.memory_space<vmem_shared>>)
      tpu.yield
    }) : () -> ()
    %mul3A_17 = arith.constant 640 : i32
    %mul3A_18 = arith.muli %arg1, %mul3A_17 : i32
    %add3A_19 = arith.constant 512 : i32
    %add3A_20 = arith.addi %mul3A_18, %add3A_19 : i32
    "tpu.region"() ({
      %run_scoped3A = tpu.sem_alloc : memref<!tpu.dma_semaphore, #tpu.memory_space<semaphore_mem>>
      %dma_start3A = arith.constant 0 : i32
      %dma_start3A_39 = tpu.memref_slice %arg14[%add3A_20, %dma_start3A] : memref<10240x128xf32, #tpu.memory_space<vmem_shared>> -> memref<128x128xf32, #tpu.memory_space<vmem_shared>>
      %dma_start3A_40 = arith.constant 0 : i32
      %dma_start3A_41 = tpu.memref_slice %arg14[%add3A_20, %dma_start3A_40] : memref<10240x128xf32, #tpu.memory_space<vmem_shared>> -> memref<128x128xf32, #tpu.memory_space<vmem_shared>>
      tpu.enqueue_dma source(%arg12 : memref<128x128xf32, #tpu.memory_space<vmem>>) target(%dma_start3A_41 : memref<128x128xf32, #tpu.memory_space<vmem_shared>>) target_semaphore(%run_scoped3A : memref<!tpu.dma_semaphore, #tpu.memory_space<semaphore_mem>>)
      %dma_wait3A = arith.constant 0 : i32
      %dma_wait3A_42 = tpu.memref_slice %arg14[%add3A_20, %dma_wait3A] : memref<10240x128xf32, #tpu.memory_space<vmem_shared>> -> memref<128x128xf32, #tpu.memory_space<vmem_shared>>
      %dma_wait3A_43 = arith.constant 0 : i32
      %dma_wait3A_44 = tpu.memref_slice %arg14[%add3A_20, %dma_wait3A_43] : memref<10240x128xf32, #tpu.memory_space<vmem_shared>> -> memref<128x128xf32, #tpu.memory_space<vmem_shared>>
      tpu.wait_dma2 semaphore(%run_scoped3A : memref<!tpu.dma_semaphore, #tpu.memory_space<semaphore_mem>>) src(%arg12 : memref<128x128xf32, #tpu.memory_space<vmem>>) dst(%dma_wait3A_44 : memref<128x128xf32, #tpu.memory_space<vmem_shared>>)
      tpu.yield
    }) : () -> ()
    %barrier3A = arith.constant 0 : index
    tpu.barrier barrier_id(%barrier3A)
    %lt3A = arith.constant 4 : i32
    %lt3A_21 = arith.cmpi slt, %add3A, %lt3A : i32
    %jit3A = arith.constant 1 : i32
    %jit3A_22 = arith.constant 0 : i32
    %select_n3A = arith.select %lt3A_21, %jit3A, %jit3A_22 : i32
    %add3A_23 = arith.constant 78 : i32
    %add3A_24 = arith.addi %add3A_23, %select_n3A : i32
    %while3A = arith.constant 0 : i32
    %while3A_25 = arith.constant 0 : i32
    %while3A_26 = arith.subi %add3A_24, %while3A_25 : i32
    %while3A_27 = arith.addi %while3A_25, %while3A_26 : i32
    %while3A_28 = arith.constant 1 : i32
    %while3A_29 = arith.divsi %while3A_26, %while3A_28 : i32
    %while3A_30 = arith.muli %while3A_29, %while3A_28 : i32
    %while3A_31 = arith.addi %while3A_25, %while3A_30 : i32
    %while3A_32 = arith.constant 1 : i32
    scf.for %while3A_39 = %while3A_25 to %while3A_31 step %while3A_32  : i32 {
      %mul3A_40 = arith.constant 32 : i32
      %mul3A_41 = arith.muli %while3A_39, %mul3A_40 : i32
      %add3A_42 = arith.addi %add3A, %mul3A_41 : i32
      %mul3A_43 = arith.constant 128 : i32
      %mul3A_44 = arith.muli %add3A_42, %mul3A_43 : i32
      "tpu.region"() ({
        %run_scoped3A = tpu.sem_alloc : memref<!tpu.dma_semaphore, #tpu.memory_space<semaphore_mem>>
        %dma_start3A_60 = tpu.memref_slice %arg3[%mul3A_44] : memref<320000xi32, #tpu.memory_space<hbm>> -> memref<128xi32, #tpu.memory_space<hbm>>
        %dma_start3A_61 = tpu.memref_slice %arg3[%mul3A_44] : memref<320000xi32, #tpu.memory_space<hbm>> -> memref<128xi32, #tpu.memory_space<hbm>>
        tpu.enqueue_dma source(%dma_start3A_61 : memref<128xi32, #tpu.memory_space<hbm>>) target(%arg9 : memref<128xi32, #tpu.memory_space<vmem>>) target_semaphore(%run_scoped3A : memref<!tpu.dma_semaphore, #tpu.memory_space<semaphore_mem>>)
        %dma_wait3A_62 = tpu.memref_slice %arg3[%mul3A_44] : memref<320000xi32, #tpu.memory_space<hbm>> -> memref<128xi32, #tpu.memory_space<hbm>>
        %dma_wait3A_63 = tpu.memref_slice %arg3[%mul3A_44] : memref<320000xi32, #tpu.memory_space<hbm>> -> memref<128xi32, #tpu.memory_space<hbm>>
        tpu.wait_dma2 semaphore(%run_scoped3A : memref<!tpu.dma_semaphore, #tpu.memory_space<semaphore_mem>>) src(%dma_wait3A_63 : memref<128xi32, #tpu.memory_space<hbm>>) dst(%arg9 : memref<128xi32, #tpu.memory_space<vmem>>)
        tpu.yield
      }) : () -> ()
      "tpu.region"() ({
        %run_scoped3A = tpu.sem_alloc : memref<!tpu.dma_semaphore, #tpu.memory_space<semaphore_mem>>
        %dma_start3A_60 = tpu.memref_slice %arg5[%mul3A_44] : memref<320000xi32, #tpu.memory_space<hbm>> -> memref<128xi32, #tpu.memory_space<hbm>>
        %dma_start3A_61 = tpu.memref_slice %arg5[%mul3A_44] : memref<320000xi32, #tpu.memory_space<hbm>> -> memref<128xi32, #tpu.memory_space<hbm>>
        tpu.enqueue_dma source(%dma_start3A_61 : memref<128xi32, #tpu.memory_space<hbm>>) target(%arg11 : memref<128xi32, #tpu.memory_space<vmem>>) target_semaphore(%run_scoped3A : memref<!tpu.dma_semaphore, #tpu.memory_space<semaphore_mem>>)
        %dma_wait3A_62 = tpu.memref_slice %arg5[%mul3A_44] : memref<320000xi32, #tpu.memory_space<hbm>> -> memref<128xi32, #tpu.memory_space<hbm>>
        %dma_wait3A_63 = tpu.memref_slice %arg5[%mul3A_44] : memref<320000xi32, #tpu.memory_space<hbm>> -> memref<128xi32, #tpu.memory_space<hbm>>
        tpu.wait_dma2 semaphore(%run_scoped3A : memref<!tpu.dma_semaphore, #tpu.memory_space<semaphore_mem>>) src(%dma_wait3A_63 : memref<128xi32, #tpu.memory_space<hbm>>) dst(%arg11 : memref<128xi32, #tpu.memory_space<vmem>>)
        tpu.yield
      }) : () -> ()
      "tpu.region"() ({
        %run_scoped3A = tpu.sem_alloc : memref<!tpu.dma_semaphore, #tpu.memory_space<semaphore_mem>>
        %dma_start3A_60 = tpu.memref_slice %arg4[%mul3A_44] : memref<320000xi32, #tpu.memory_space<hbm>> -> memref<128xi32, #tpu.memory_space<hbm>>
        %dma_start3A_61 = tpu.memref_slice %arg4[%mul3A_44] : memref<320000xi32, #tpu.memory_space<hbm>> -> memref<128xi32, #tpu.memory_space<hbm>>
        tpu.enqueue_dma source(%dma_start3A_61 : memref<128xi32, #tpu.memory_space<hbm>>) target(%arg10 : memref<128xi32, #tpu.memory_space<vmem>>) target_semaphore(%run_scoped3A : memref<!tpu.dma_semaphore, #tpu.memory_space<semaphore_mem>>)
        %dma_wait3A_62 = tpu.memref_slice %arg4[%mul3A_44] : memref<320000xi32, #tpu.memory_space<hbm>> -> memref<128xi32, #tpu.memory_space<hbm>>
        %dma_wait3A_63 = tpu.memref_slice %arg4[%mul3A_44] : memref<320000xi32, #tpu.memory_space<hbm>> -> memref<128xi32, #tpu.memory_space<hbm>>
        tpu.wait_dma2 semaphore(%run_scoped3A : memref<!tpu.dma_semaphore, #tpu.memory_space<semaphore_mem>>) src(%dma_wait3A_63 : memref<128xi32, #tpu.memory_space<hbm>>) dst(%arg10 : memref<128xi32, #tpu.memory_space<vmem>>)
        tpu.yield
      }) : () -> ()
      %dma_start3A = arith.constant 0 : i32
      %dma_start3A_45 = arith.constant 0 : i32
      %dma_start3A_46 = tpu.memref_slice %arg2[%dma_start3A, %dma_start3A_45] : memref<10240x128xf32, #tpu.memory_space<hbm>> -> memref<10240x128xf32, #tpu.memory_space<hbm>>
      tpu.enqueue_indirect_dma source(%dma_start3A_46 : memref<10240x128xf32, #tpu.memory_space<hbm>>) target(%arg12 : memref<128x128xf32, #tpu.memory_space<vmem>>) offsets(%arg9 : memref<128xi32, #tpu.memory_space<vmem>>) semaphore(%arg15 : memref<!tpu.dma_semaphore, #tpu.memory_space<semaphore_mem>>)
      %dma_start3A_47 = arith.constant 0 : i32
      %dma_start3A_48 = arith.constant 0 : i32
      %dma_start3A_49 = tpu.memref_slice %arg6[%dma_start3A_47, %dma_start3A_48] : memref<64x128xf32, #tpu.memory_space<hbm>> -> memref<64x128xf32, #tpu.memory_space<hbm>>
      tpu.enqueue_indirect_dma source(%dma_start3A_49 : memref<64x128xf32, #tpu.memory_space<hbm>>) target(%arg13 : memref<128x128xf32, #tpu.memory_space<vmem>>) offsets(%arg11 : memref<128xi32, #tpu.memory_space<vmem>>) semaphore(%arg16 : memref<!tpu.dma_semaphore, #tpu.memory_space<semaphore_mem>>)
      %dma_wait3A = arith.constant 0 : i32
      %dma_wait3A_50 = arith.constant 0 : i32
      %dma_wait3A_51 = tpu.memref_slice %arg2[%dma_wait3A, %dma_wait3A_50] : memref<10240x128xf32, #tpu.memory_space<hbm>> -> memref<10240x128xf32, #tpu.memory_space<hbm>>
      tpu.wait_indirect_dma semaphore(%arg15 : memref<!tpu.dma_semaphore, #tpu.memory_space<semaphore_mem>>) src(%dma_wait3A_51 : memref<10240x128xf32, #tpu.memory_space<hbm>>) dst(%arg12 : memref<128x128xf32, #tpu.memory_space<vmem>>)
      %dma_wait3A_52 = arith.constant 0 : i32
      %dma_wait3A_53 = arith.constant 0 : i32
      %dma_wait3A_54 = tpu.memref_slice %arg6[%dma_wait3A_52, %dma_wait3A_53] : memref<64x128xf32, #tpu.memory_space<hbm>> -> memref<64x128xf32, #tpu.memory_space<hbm>>
      tpu.wait_indirect_dma semaphore(%arg16 : memref<!tpu.dma_semaphore, #tpu.memory_space<semaphore_mem>>) src(%dma_wait3A_54 : memref<64x128xf32, #tpu.memory_space<hbm>>) dst(%arg13 : memref<128x128xf32, #tpu.memory_space<vmem>>)
      %scan3A = arith.constant 0 : i32
      %scan3A_55 = arith.constant 0 : i32
      %scan3A_56 = arith.constant 128 : i32
      %scan3A_57 = arith.addi %scan3A_55, %scan3A_56 : i32
      %scan3A_58 = arith.constant 1 : i32
      scf.for %scan3A_60 = %scan3A_55 to %scan3A_57 step %scan3A_58  : i32 {
        %get3A = arith.index_cast %scan3A_60 : i32 to index
        %get3A_61 = arith.constant 0 : index
        %get3A_62 = tpu.vector_load %arg12[%get3A, %get3A_61] {strides = array<i32>} : memref<128x128xf32, #tpu.memory_space<vmem>>, vector<1x16xf32>,
        %get3A_63 = vector.shape_cast %get3A_62 : vector<1x16xf32> to vector<16xf32>
        %get3A_64 = arith.index_cast %scan3A_60 : i32 to index
        %get3A_65 = arith.constant 0 : index
        %get3A_66 = tpu.vector_load %arg13[%get3A_64, %get3A_65] {strides = array<i32>} : memref<128x128xf32, #tpu.memory_space<vmem>>, vector<1x16xf32>,
        %get3A_67 = vector.shape_cast %get3A_66 : vector<1x16xf32> to vector<16xf32>
        %mul3A_68 = arith.mulf %get3A_63, %get3A_67 : vector<16xf32>
        %swap3A = arith.index_cast %scan3A_60 : i32 to index
        %swap3A_69 = arith.constant 0 : index
        %swap3A_70 = tpu.vector_load %arg12[%swap3A, %swap3A_69] {strides = array<i32>} : memref<128x128xf32, #tpu.memory_space<vmem>>, vector<1x16xf32>,
        %swap3A_71 = vector.shape_cast %swap3A_70 : vector<1x16xf32> to vector<16xf32>
        %swap3A_72 = vector.shape_cast %mul3A_68 : vector<16xf32> to vector<1x16xf32>
        tpu.vector_store %arg12[%swap3A, %swap3A_69], %swap3A_72 {strides = array<i32>} : memref<128x128xf32, #tpu.memory_space<vmem>>, vector<1x16xf32>,
        %get3A_73 = arith.index_cast %scan3A_60 : i32 to index
        %get3A_74 = arith.constant 16 : index
        %get3A_75 = tpu.vector_load %arg12[%get3A_73, %get3A_74] {strides = array<i32>} : memref<128x128xf32, #tpu.memory_space<vmem>>, vector<1x16xf32>,
        %get3A_76 = vector.shape_cast %get3A_75 : vector<1x16xf32> to vector<16xf32>
        %get3A_77 = arith.index_cast %scan3A_60 : i32 to index
        %get3A_78 = arith.constant 16 : index
        %get3A_79 = tpu.vector_load %arg13[%get3A_77, %get3A_78] {strides = array<i32>} : memref<128x128xf32, #tpu.memory_space<vmem>>, vector<1x16xf32>,
        %get3A_80 = vector.shape_cast %get3A_79 : vector<1x16xf32> to vector<16xf32>
        %mul3A_81 = arith.mulf %get3A_76, %get3A_80 : vector<16xf32>
        %swap3A_82 = arith.index_cast %scan3A_60 : i32 to index
        %swap3A_83 = arith.constant 16 : index
        %swap3A_84 = tpu.vector_load %arg12[%swap3A_82, %swap3A_83] {strides = array<i32>} : memref<128x128xf32, #tpu.memory_space<vmem>>, vector<1x16xf32>,
        %swap3A_85 = vector.shape_cast %swap3A_84 : vector<1x16xf32> to vector<16xf32>
        %swap3A_86 = vector.shape_cast %mul3A_81 : vector<16xf32> to vector<1x16xf32>
        tpu.vector_store %arg12[%swap3A_82, %swap3A_83], %swap3A_86 {strides = array<i32>} : memref<128x128xf32, #tpu.memory_space<vmem>>, vector<1x16xf32>,
        %get3A_87 = arith.index_cast %scan3A_60 : i32 to index
        %get3A_88 = arith.constant 32 : index
        %get3A_89 = tpu.vector_load %arg12[%get3A_87, %get3A_88] {strides = array<i32>} : memref<128x128xf32, #tpu.memory_space<vmem>>, vector<1x16xf32>,
        %get3A_90 = vector.shape_cast %get3A_89 : vector<1x16xf32> to vector<16xf32>
        %get3A_91 = arith.index_cast %scan3A_60 : i32 to index
        %get3A_92 = arith.constant 32 : index
        %get3A_93 = tpu.vector_load %arg13[%get3A_91, %get3A_92] {strides = array<i32>} : memref<128x128xf32, #tpu.memory_space<vmem>>, vector<1x16xf32>,
        %get3A_94 = vector.shape_cast %get3A_93 : vector<1x16xf32> to vector<16xf32>
        %mul3A_95 = arith.mulf %get3A_90, %get3A_94 : vector<16xf32>
        %swap3A_96 = arith.index_cast %scan3A_60 : i32 to index
        %swap3A_97 = arith.constant 32 : index
        %swap3A_98 = tpu.vector_load %arg12[%swap3A_96, %swap3A_97] {strides = array<i32>} : memref<128x128xf32, #tpu.memory_space<vmem>>, vector<1x16xf32>,
        %swap3A_99 = vector.shape_cast %swap3A_98 : vector<1x16xf32> to vector<16xf32>
        %swap3A_100 = vector.shape_cast %mul3A_95 : vector<16xf32> to vector<1x16xf32>
        tpu.vector_store %arg12[%swap3A_96, %swap3A_97], %swap3A_100 {strides = array<i32>} : memref<128x128xf32, #tpu.memory_space<vmem>>, vector<1x16xf32>,
        %get3A_101 = arith.index_cast %scan3A_60 : i32 to index
        %get3A_102 = arith.constant 48 : index
        %get3A_103 = tpu.vector_load %arg12[%get3A_101, %get3A_102] {strides = array<i32>} : memref<128x128xf32, #tpu.memory_space<vmem>>, vector<1x16xf32>,
        %get3A_104 = vector.shape_cast %get3A_103 : vector<1x16xf32> to vector<16xf32>
        %get3A_105 = arith.index_cast %scan3A_60 : i32 to index
        %get3A_106 = arith.constant 48 : index
        %get3A_107 = tpu.vector_load %arg13[%get3A_105, %get3A_106] {strides = array<i32>} : memref<128x128xf32, #tpu.memory_space<vmem>>, vector<1x16xf32>,
        %get3A_108 = vector.shape_cast %get3A_107 : vector<1x16xf32> to vector<16xf32>
        %mul3A_109 = arith.mulf %get3A_104, %get3A_108 : vector<16xf32>
        %swap3A_110 = arith.index_cast %scan3A_60 : i32 to index
        %swap3A_111 = arith.constant 48 : index
        %swap3A_112 = tpu.vector_load %arg12[%swap3A_110, %swap3A_111] {strides = array<i32>} : memref<128x128xf32, #tpu.memory_space<vmem>>, vector<1x16xf32>,
        %swap3A_113 = vector.shape_cast %swap3A_112 : vector<1x16xf32> to vector<16xf32>
        %swap3A_114 = vector.shape_cast %mul3A_109 : vector<16xf32> to vector<1x16xf32>
        tpu.vector_store %arg12[%swap3A_110, %swap3A_111], %swap3A_114 {strides = array<i32>} : memref<128x128xf32, #tpu.memory_space<vmem>>, vector<1x16xf32>,
        %get3A_115 = arith.index_cast %scan3A_60 : i32 to index
        %get3A_116 = arith.constant 64 : index
        %get3A_117 = tpu.vector_load %arg12[%get3A_115, %get3A_116] {strides = array<i32>} : memref<128x128xf32, #tpu.memory_space<vmem>>, vector<1x16xf32>,
        %get3A_118 = vector.shape_cast %get3A_117 : vector<1x16xf32> to vector<16xf32>
        %get3A_119 = arith.index_cast %scan3A_60 : i32 to index
        %get3A_120 = arith.constant 64 : index
        %get3A_121 = tpu.vector_load %arg13[%get3A_119, %get3A_120] {strides = array<i32>} : memref<128x128xf32, #tpu.memory_space<vmem>>, vector<1x16xf32>,
        %get3A_122 = vector.shape_cast %get3A_121 : vector<1x16xf32> to vector<16xf32>
        %mul3A_123 = arith.mulf %get3A_118, %get3A_122 : vector<16xf32>
        %swap3A_124 = arith.index_cast %scan3A_60 : i32 to index
        %swap3A_125 = arith.constant 64 : index
        %swap3A_126 = tpu.vector_load %arg12[%swap3A_124, %swap3A_125] {strides = array<i32>} : memref<128x128xf32, #tpu.memory_space<vmem>>, vector<1x16xf32>,
        %swap3A_127 = vector.shape_cast %swap3A_126 : vector<1x16xf32> to vector<16xf32>
        %swap3A_128 = vector.shape_cast %mul3A_123 : vector<16xf32> to vector<1x16xf32>
        tpu.vector_store %arg12[%swap3A_124, %swap3A_125], %swap3A_128 {strides = array<i32>} : memref<128x128xf32, #tpu.memory_space<vmem>>, vector<1x16xf32>,
        %get3A_129 = arith.index_cast %scan3A_60 : i32 to index
        %get3A_130 = arith.constant 80 : index
        %get3A_131 = tpu.vector_load %arg12[%get3A_129, %get3A_130] {strides = array<i32>} : memref<128x128xf32, #tpu.memory_space<vmem>>, vector<1x16xf32>,
        %get3A_132 = vector.shape_cast %get3A_131 : vector<1x16xf32> to vector<16xf32>
        %get3A_133 = arith.index_cast %scan3A_60 : i32 to index
        %get3A_134 = arith.constant 80 : index
        %get3A_135 = tpu.vector_load %arg13[%get3A_133, %get3A_134] {strides = array<i32>} : memref<128x128xf32, #tpu.memory_space<vmem>>, vector<1x16xf32>,
        %get3A_136 = vector.shape_cast %get3A_135 : vector<1x16xf32> to vector<16xf32>
        %mul3A_137 = arith.mulf %get3A_132, %get3A_136 : vector<16xf32>
        %swap3A_138 = arith.index_cast %scan3A_60 : i32 to index
        %swap3A_139 = arith.constant 80 : index
        %swap3A_140 = tpu.vector_load %arg12[%swap3A_138, %swap3A_139] {strides = array<i32>} : memref<128x128xf32, #tpu.memory_space<vmem>>, vector<1x16xf32>,
        %swap3A_141 = vector.shape_cast %swap3A_140 : vector<1x16xf32> to vector<16xf32>
        %swap3A_142 = vector.shape_cast %mul3A_137 : vector<16xf32> to vector<1x16xf32>
        tpu.vector_store %arg12[%swap3A_138, %swap3A_139], %swap3A_142 {strides = array<i32>} : memref<128x128xf32, #tpu.memory_space<vmem>>, vector<1x16xf32>,
        %get3A_143 = arith.index_cast %scan3A_60 : i32 to index
        %get3A_144 = arith.constant 96 : index
        %get3A_145 = tpu.vector_load %arg12[%get3A_143, %get3A_144] {strides = array<i32>} : memref<128x128xf32, #tpu.memory_space<vmem>>, vector<1x16xf32>,
        %get3A_146 = vector.shape_cast %get3A_145 : vector<1x16xf32> to vector<16xf32>
        %get3A_147 = arith.index_cast %scan3A_60 : i32 to index
        %get3A_148 = arith.constant 96 : index
        %get3A_149 = tpu.vector_load %arg13[%get3A_147, %get3A_148] {strides = array<i32>} : memref<128x128xf32, #tpu.memory_space<vmem>>, vector<1x16xf32>,
        %get3A_150 = vector.shape_cast %get3A_149 : vector<1x16xf32> to vector<16xf32>
        %mul3A_151 = arith.mulf %get3A_146, %get3A_150 : vector<16xf32>
        %swap3A_152 = arith.index_cast %scan3A_60 : i32 to index
        %swap3A_153 = arith.constant 96 : index
        %swap3A_154 = tpu.vector_load %arg12[%swap3A_152, %swap3A_153] {strides = array<i32>} : memref<128x128xf32, #tpu.memory_space<vmem>>, vector<1x16xf32>,
        %swap3A_155 = vector.shape_cast %swap3A_154 : vector<1x16xf32> to vector<16xf32>
        %swap3A_156 = vector.shape_cast %mul3A_151 : vector<16xf32> to vector<1x16xf32>
        tpu.vector_store %arg12[%swap3A_152, %swap3A_153], %swap3A_156 {strides = array<i32>} : memref<128x128xf32, #tpu.memory_space<vmem>>, vector<1x16xf32>,
        %get3A_157 = arith.index_cast %scan3A_60 : i32 to index
        %get3A_158 = arith.constant 112 : index
        %get3A_159 = tpu.vector_load %arg12[%get3A_157, %get3A_158] {strides = array<i32>} : memref<128x128xf32, #tpu.memory_space<vmem>>, vector<1x16xf32>,
        %get3A_160 = vector.shape_cast %get3A_159 : vector<1x16xf32> to vector<16xf32>
        %get3A_161 = arith.index_cast %scan3A_60 : i32 to index
        %get3A_162 = arith.constant 112 : index
        %get3A_163 = tpu.vector_load %arg13[%get3A_161, %get3A_162] {strides = array<i32>} : memref<128x128xf32, #tpu.memory_space<vmem>>, vector<1x16xf32>,
        %get3A_164 = vector.shape_cast %get3A_163 : vector<1x16xf32> to vector<16xf32>
        %mul3A_165 = arith.mulf %get3A_160, %get3A_164 : vector<16xf32>
        %swap3A_166 = arith.index_cast %scan3A_60 : i32 to index
        %swap3A_167 = arith.constant 112 : index
        %swap3A_168 = tpu.vector_load %arg12[%swap3A_166, %swap3A_167] {strides = array<i32>} : memref<128x128xf32, #tpu.memory_space<vmem>>, vector<1x16xf32>,
        %swap3A_169 = vector.shape_cast %swap3A_168 : vector<1x16xf32> to vector<16xf32>
        %swap3A_170 = vector.shape_cast %mul3A_165 : vector<16xf32> to vector<1x16xf32>
        tpu.vector_store %arg12[%swap3A_166, %swap3A_167], %swap3A_170 {strides = array<i32>} : memref<128x128xf32, #tpu.memory_space<vmem>>, vector<1x16xf32>,
      }
      %scan3A_59 = arith.constant 128 : i32
      "tpu.region"() ({
        %run_scoped3A = tpu.sem_alloc : memref<!tpu.dma_semaphore, #tpu.memory_space<semaphore_mem>>
        %dma_start3A_60 = arith.constant 0 : i32
        %dma_start3A_61 = arith.constant 0 : i32
        %dma_start3A_62 = tpu.memref_slice %arg14[%dma_start3A_60, %dma_start3A_61] : memref<10240x128xf32, #tpu.memory_space<vmem_shared>> -> memref<10240x128xf32, #tpu.memory_space<vmem_shared>>
        tpu.enqueue_indirect_dma source(%arg12 : memref<128x128xf32, #tpu.memory_space<vmem>>) target(%dma_start3A_62 : memref<10240x128xf32, #tpu.memory_space<vmem_shared>>) offsets(%arg10 : memref<128xi32, #tpu.memory_space<vmem>>) semaphore(%run_scoped3A : memref<!tpu.dma_semaphore, #tpu.memory_space<semaphore_mem>>) {add = true}
        %dma_wait3A_63 = arith.constant 0 : i32
        %dma_wait3A_64 = arith.constant 0 : i32
        %dma_wait3A_65 = tpu.memref_slice %arg14[%dma_wait3A_63, %dma_wait3A_64] : memref<10240x128xf32, #tpu.memory_space<vmem_shared>> -> memref<10240x128xf32, #tpu.memory_space<vmem_shared>>
        tpu.wait_indirect_dma semaphore(%run_scoped3A : memref<!tpu.dma_semaphore, #tpu.memory_space<semaphore_mem>>) src(%arg12 : memref<128x128xf32, #tpu.memory_space<vmem>>) dst(%dma_wait3A_65 : memref<10240x128xf32, #tpu.memory_space<vmem_shared>>)
        tpu.yield
      }) : () -> ()
    }
    %while3A_33 = arith.constant 1 : i32
    scf.for %while3A_39 = %while3A_31 to %while3A_27 step %while3A_33  : i32 {
      %mul3A_40 = arith.constant 32 : i32
      %mul3A_41 = arith.muli %while3A_39, %mul3A_40 : i32
      %add3A_42 = arith.addi %add3A, %mul3A_41 : i32
      %mul3A_43 = arith.constant 128 : i32
      %mul3A_44 = arith.muli %add3A_42, %mul3A_43 : i32
      "tpu.region"() ({
        %run_scoped3A = tpu.sem_alloc : memref<!tpu.dma_semaphore, #tpu.memory_space<semaphore_mem>>
        %dma_start3A_60 = tpu.memref_slice %arg3[%mul3A_44] : memref<320000xi32, #tpu.memory_space<hbm>> -> memref<128xi32, #tpu.memory_space<hbm>>
        %dma_start3A_61 = tpu.memref_slice %arg3[%mul3A_44] : memref<320000xi32, #tpu.memory_space<hbm>> -> memref<128xi32, #tpu.memory_space<hbm>>
        tpu.enqueue_dma source(%dma_start3A_61 : memref<128xi32, #tpu.memory_space<hbm>>) target(%arg9 : memref<128xi32, #tpu.memory_space<vmem>>) target_semaphore(%run_scoped3A : memref<!tpu.dma_semaphore, #tpu.memory_space<semaphore_mem>>)
        %dma_wait3A_62 = tpu.memref_slice %arg3[%mul3A_44] : memref<320000xi32, #tpu.memory_space<hbm>> -> memref<128xi32, #tpu.memory_space<hbm>>
        %dma_wait3A_63 = tpu.memref_slice %arg3[%mul3A_44] : memref<320000xi32, #tpu.memory_space<hbm>> -> memref<128xi32, #tpu.memory_space<hbm>>
        tpu.wait_dma2 semaphore(%run_scoped3A : memref<!tpu.dma_semaphore, #tpu.memory_space<semaphore_mem>>) src(%dma_wait3A_63 : memref<128xi32, #tpu.memory_space<hbm>>) dst(%arg9 : memref<128xi32, #tpu.memory_space<vmem>>)
        tpu.yield
      }) : () -> ()
      "tpu.region"() ({
        %run_scoped3A = tpu.sem_alloc : memref<!tpu.dma_semaphore, #tpu.memory_space<semaphore_mem>>
        %dma_start3A_60 = tpu.memref_slice %arg5[%mul3A_44] : memref<320000xi32, #tpu.memory_space<hbm>> -> memref<128xi32, #tpu.memory_space<hbm>>
        %dma_start3A_61 = tpu.memref_slice %arg5[%mul3A_44] : memref<320000xi32, #tpu.memory_space<hbm>> -> memref<128xi32, #tpu.memory_space<hbm>>
        tpu.enqueue_dma source(%dma_start3A_61 : memref<128xi32, #tpu.memory_space<hbm>>) target(%arg11 : memref<128xi32, #tpu.memory_space<vmem>>) target_semaphore(%run_scoped3A : memref<!tpu.dma_semaphore, #tpu.memory_space<semaphore_mem>>)
        %dma_wait3A_62 = tpu.memref_slice %arg5[%mul3A_44] : memref<320000xi32, #tpu.memory_space<hbm>> -> memref<128xi32, #tpu.memory_space<hbm>>
        %dma_wait3A_63 = tpu.memref_slice %arg5[%mul3A_44] : memref<320000xi32, #tpu.memory_space<hbm>> -> memref<128xi32, #tpu.memory_space<hbm>>
        tpu.wait_dma2 semaphore(%run_scoped3A : memref<!tpu.dma_semaphore, #tpu.memory_space<semaphore_mem>>) src(%dma_wait3A_63 : memref<128xi32, #tpu.memory_space<hbm>>) dst(%arg11 : memref<128xi32, #tpu.memory_space<vmem>>)
        tpu.yield
      }) : () -> ()
      "tpu.region"() ({
        %run_scoped3A = tpu.sem_alloc : memref<!tpu.dma_semaphore, #tpu.memory_space<semaphore_mem>>
        %dma_start3A_60 = tpu.memref_slice %arg4[%mul3A_44] : memref<320000xi32, #tpu.memory_space<hbm>> -> memref<128xi32, #tpu.memory_space<hbm>>
        %dma_start3A_61 = tpu.memref_slice %arg4[%mul3A_44] : memref<320000xi32, #tpu.memory_space<hbm>> -> memref<128xi32, #tpu.memory_space<hbm>>
        tpu.enqueue_dma source(%dma_start3A_61 : memref<128xi32, #tpu.memory_space<hbm>>) target(%arg10 : memref<128xi32, #tpu.memory_space<vmem>>) target_semaphore(%run_scoped3A : memref<!tpu.dma_semaphore, #tpu.memory_space<semaphore_mem>>)
        %dma_wait3A_62 = tpu.memref_slice %arg4[%mul3A_44] : memref<320000xi32, #tpu.memory_space<hbm>> -> memref<128xi32, #tpu.memory_space<hbm>>
        %dma_wait3A_63 = tpu.memref_slice %arg4[%mul3A_44] : memref<320000xi32, #tpu.memory_space<hbm>> -> memref<128xi32, #tpu.memory_space<hbm>>
        tpu.wait_dma2 semaphore(%run_scoped3A : memref<!tpu.dma_semaphore, #tpu.memory_space<semaphore_mem>>) src(%dma_wait3A_63 : memref<128xi32, #tpu.memory_space<hbm>>) dst(%arg10 : memref<128xi32, #tpu.memory_space<vmem>>)
        tpu.yield
      }) : () -> ()
      %dma_start3A = arith.constant 0 : i32
      %dma_start3A_45 = arith.constant 0 : i32
      %dma_start3A_46 = tpu.memref_slice %arg2[%dma_start3A, %dma_start3A_45] : memref<10240x128xf32, #tpu.memory_space<hbm>> -> memref<10240x128xf32, #tpu.memory_space<hbm>>
      tpu.enqueue_indirect_dma source(%dma_start3A_46 : memref<10240x128xf32, #tpu.memory_space<hbm>>) target(%arg12 : memref<128x128xf32, #tpu.memory_space<vmem>>) offsets(%arg9 : memref<128xi32, #tpu.memory_space<vmem>>) semaphore(%arg15 : memref<!tpu.dma_semaphore, #tpu.memory_space<semaphore_mem>>)
      %dma_start3A_47 = arith.constant 0 : i32
      %dma_start3A_48 = arith.constant 0 : i32
      %dma_start3A_49 = tpu.memref_slice %arg6[%dma_start3A_47, %dma_start3A_48] : memref<64x128xf32, #tpu.memory_space<hbm>> -> memref<64x128xf32, #tpu.memory_space<hbm>>
      tpu.enqueue_indirect_dma source(%dma_start3A_49 : memref<64x128xf32, #tpu.memory_space<hbm>>) target(%arg13 : memref<128x128xf32, #tpu.memory_space<vmem>>) offsets(%arg11 : memref<128xi32, #tpu.memory_space<vmem>>) semaphore(%arg16 : memref<!tpu.dma_semaphore, #tpu.memory_space<semaphore_mem>>)
      %dma_wait3A = arith.constant 0 : i32
      %dma_wait3A_50 = arith.constant 0 : i32
      %dma_wait3A_51 = tpu.memref_slice %arg2[%dma_wait3A, %dma_wait3A_50] : memref<10240x128xf32, #tpu.memory_space<hbm>> -> memref<10240x128xf32, #tpu.memory_space<hbm>>
      tpu.wait_indirect_dma semaphore(%arg15 : memref<!tpu.dma_semaphore, #tpu.memory_space<semaphore_mem>>) src(%dma_wait3A_51 : memref<10240x128xf32, #tpu.memory_space<hbm>>) dst(%arg12 : memref<128x128xf32, #tpu.memory_space<vmem>>)
      %dma_wait3A_52 = arith.constant 0 : i32
      %dma_wait3A_53 = arith.constant 0 : i32
      %dma_wait3A_54 = tpu.memref_slice %arg6[%dma_wait3A_52, %dma_wait3A_53] : memref<64x128xf32, #tpu.memory_space<hbm>> -> memref<64x128xf32, #tpu.memory_space<hbm>>
      tpu.wait_indirect_dma semaphore(%arg16 : memref<!tpu.dma_semaphore, #tpu.memory_space<semaphore_mem>>) src(%dma_wait3A_54 : memref<64x128xf32, #tpu.memory_space<hbm>>) dst(%arg13 : memref<128x128xf32, #tpu.memory_space<vmem>>)
      %scan3A = arith.constant 0 : i32
      %scan3A_55 = arith.constant 0 : i32
      %scan3A_56 = arith.constant 128 : i32
      %scan3A_57 = arith.addi %scan3A_55, %scan3A_56 : i32
      %scan3A_58 = arith.constant 1 : i32
      scf.for %scan3A_60 = %scan3A_55 to %scan3A_57 step %scan3A_58  : i32 {
        %get3A = arith.index_cast %scan3A_60 : i32 to index
        %get3A_61 = arith.constant 0 : index
        %get3A_62 = tpu.vector_load %arg12[%get3A, %get3A_61] {strides = array<i32>} : memref<128x128xf32, #tpu.memory_space<vmem>>, vector<1x16xf32>,
        %get3A_63 = vector.shape_cast %get3A_62 : vector<1x16xf32> to vector<16xf32>
        %get3A_64 = arith.index_cast %scan3A_60 : i32 to index
        %get3A_65 = arith.constant 0 : index
        %get3A_66 = tpu.vector_load %arg13[%get3A_64, %get3A_65] {strides = array<i32>} : memref<128x128xf32, #tpu.memory_space<vmem>>, vector<1x16xf32>,
        %get3A_67 = vector.shape_cast %get3A_66 : vector<1x16xf32> to vector<16xf32>
        %mul3A_68 = arith.mulf %get3A_63, %get3A_67 : vector<16xf32>
        %swap3A = arith.index_cast %scan3A_60 : i32 to index
        %swap3A_69 = arith.constant 0 : index
        %swap3A_70 = tpu.vector_load %arg12[%swap3A, %swap3A_69] {strides = array<i32>} : memref<128x128xf32, #tpu.memory_space<vmem>>, vector<1x16xf32>,
        %swap3A_71 = vector.shape_cast %swap3A_70 : vector<1x16xf32> to vector<16xf32>
        %swap3A_72 = vector.shape_cast %mul3A_68 : vector<16xf32> to vector<1x16xf32>
        tpu.vector_store %arg12[%swap3A, %swap3A_69], %swap3A_72 {strides = array<i32>} : memref<128x128xf32, #tpu.memory_space<vmem>>, vector<1x16xf32>,
        %get3A_73 = arith.index_cast %scan3A_60 : i32 to index
        %get3A_74 = arith.constant 16 : index
        %get3A_75 = tpu.vector_load %arg12[%get3A_73, %get3A_74] {strides = array<i32>} : memref<128x128xf32, #tpu.memory_space<vmem>>, vector<1x16xf32>,
        %get3A_76 = vector.shape_cast %get3A_75 : vector<1x16xf32> to vector<16xf32>
        %get3A_77 = arith.index_cast %scan3A_60 : i32 to index
        %get3A_78 = arith.constant 16 : index
        %get3A_79 = tpu.vector_load %arg13[%get3A_77, %get3A_78] {strides = array<i32>} : memref<128x128xf32, #tpu.memory_space<vmem>>, vector<1x16xf32>,
        %get3A_80 = vector.shape_cast %get3A_79 : vector<1x16xf32> to vector<16xf32>
        %mul3A_81 = arith.mulf %get3A_76, %get3A_80 : vector<16xf32>
        %swap3A_82 = arith.index_cast %scan3A_60 : i32 to index
        %swap3A_83 = arith.constant 16 : index
        %swap3A_84 = tpu.vector_load %arg12[%swap3A_82, %swap3A_83] {strides = array<i32>} : memref<128x128xf32, #tpu.memory_space<vmem>>, vector<1x16xf32>,
        %swap3A_85 = vector.shape_cast %swap3A_84 : vector<1x16xf32> to vector<16xf32>
        %swap3A_86 = vector.shape_cast %mul3A_81 : vector<16xf32> to vector<1x16xf32>
        tpu.vector_store %arg12[%swap3A_82, %swap3A_83], %swap3A_86 {strides = array<i32>} : memref<128x128xf32, #tpu.memory_space<vmem>>, vector<1x16xf32>,
        %get3A_87 = arith.index_cast %scan3A_60 : i32 to index
        %get3A_88 = arith.constant 32 : index
        %get3A_89 = tpu.vector_load %arg12[%get3A_87, %get3A_88] {strides = array<i32>} : memref<128x128xf32, #tpu.memory_space<vmem>>, vector<1x16xf32>,
        %get3A_90 = vector.shape_cast %get3A_89 : vector<1x16xf32> to vector<16xf32>
        %get3A_91 = arith.index_cast %scan3A_60 : i32 to index
        %get3A_92 = arith.constant 32 : index
        %get3A_93 = tpu.vector_load %arg13[%get3A_91, %get3A_92] {strides = array<i32>} : memref<128x128xf32, #tpu.memory_space<vmem>>, vector<1x16xf32>,
        %get3A_94 = vector.shape_cast %get3A_93 : vector<1x16xf32> to vector<16xf32>
        %mul3A_95 = arith.mulf %get3A_90, %get3A_94 : vector<16xf32>
        %swap3A_96 = arith.index_cast %scan3A_60 : i32 to index
        %swap3A_97 = arith.constant 32 : index
        %swap3A_98 = tpu.vector_load %arg12[%swap3A_96, %swap3A_97] {strides = array<i32>} : memref<128x128xf32, #tpu.memory_space<vmem>>, vector<1x16xf32>,
        %swap3A_99 = vector.shape_cast %swap3A_98 : vector<1x16xf32> to vector<16xf32>
        %swap3A_100 = vector.shape_cast %mul3A_95 : vector<16xf32> to vector<1x16xf32>
        tpu.vector_store %arg12[%swap3A_96, %swap3A_97], %swap3A_100 {strides = array<i32>} : memref<128x128xf32, #tpu.memory_space<vmem>>, vector<1x16xf32>,
        %get3A_101 = arith.index_cast %scan3A_60 : i32 to index
        %get3A_102 = arith.constant 48 : index
        %get3A_103 = tpu.vector_load %arg12[%get3A_101, %get3A_102] {strides = array<i32>} : memref<128x128xf32, #tpu.memory_space<vmem>>, vector<1x16xf32>,
        %get3A_104 = vector.shape_cast %get3A_103 : vector<1x16xf32> to vector<16xf32>
        %get3A_105 = arith.index_cast %scan3A_60 : i32 to index
        %get3A_106 = arith.constant 48 : index
        %get3A_107 = tpu.vector_load %arg13[%get3A_105, %get3A_106] {strides = array<i32>} : memref<128x128xf32, #tpu.memory_space<vmem>>, vector<1x16xf32>,
        %get3A_108 = vector.shape_cast %get3A_107 : vector<1x16xf32> to vector<16xf32>
        %mul3A_109 = arith.mulf %get3A_104, %get3A_108 : vector<16xf32>
        %swap3A_110 = arith.index_cast %scan3A_60 : i32 to index
        %swap3A_111 = arith.constant 48 : index
        %swap3A_112 = tpu.vector_load %arg12[%swap3A_110, %swap3A_111] {strides = array<i32>} : memref<128x128xf32, #tpu.memory_space<vmem>>, vector<1x16xf32>,
        %swap3A_113 = vector.shape_cast %swap3A_112 : vector<1x16xf32> to vector<16xf32>
        %swap3A_114 = vector.shape_cast %mul3A_109 : vector<16xf32> to vector<1x16xf32>
        tpu.vector_store %arg12[%swap3A_110, %swap3A_111], %swap3A_114 {strides = array<i32>} : memref<128x128xf32, #tpu.memory_space<vmem>>, vector<1x16xf32>,
        %get3A_115 = arith.index_cast %scan3A_60 : i32 to index
        %get3A_116 = arith.constant 64 : index
        %get3A_117 = tpu.vector_load %arg12[%get3A_115, %get3A_116] {strides = array<i32>} : memref<128x128xf32, #tpu.memory_space<vmem>>, vector<1x16xf32>,
        %get3A_118 = vector.shape_cast %get3A_117 : vector<1x16xf32> to vector<16xf32>
        %get3A_119 = arith.index_cast %scan3A_60 : i32 to index
        %get3A_120 = arith.constant 64 : index
        %get3A_121 = tpu.vector_load %arg13[%get3A_119, %get3A_120] {strides = array<i32>} : memref<128x128xf32, #tpu.memory_space<vmem>>, vector<1x16xf32>,
        %get3A_122 = vector.shape_cast %get3A_121 : vector<1x16xf32> to vector<16xf32>
        %mul3A_123 = arith.mulf %get3A_118, %get3A_122 : vector<16xf32>
        %swap3A_124 = arith.index_cast %scan3A_60 : i32 to index
        %swap3A_125 = arith.constant 64 : index
        %swap3A_126 = tpu.vector_load %arg12[%swap3A_124, %swap3A_125] {strides = array<i32>} : memref<128x128xf32, #tpu.memory_space<vmem>>, vector<1x16xf32>,
        %swap3A_127 = vector.shape_cast %swap3A_126 : vector<1x16xf32> to vector<16xf32>
        %swap3A_128 = vector.shape_cast %mul3A_123 : vector<16xf32> to vector<1x16xf32>
        tpu.vector_store %arg12[%swap3A_124, %swap3A_125], %swap3A_128 {strides = array<i32>} : memref<128x128xf32, #tpu.memory_space<vmem>>, vector<1x16xf32>,
        %get3A_129 = arith.index_cast %scan3A_60 : i32 to index
        %get3A_130 = arith.constant 80 : index
        %get3A_131 = tpu.vector_load %arg12[%get3A_129, %get3A_130] {strides = array<i32>} : memref<128x128xf32, #tpu.memory_space<vmem>>, vector<1x16xf32>,
        %get3A_132 = vector.shape_cast %get3A_131 : vector<1x16xf32> to vector<16xf32>
        %get3A_133 = arith.index_cast %scan3A_60 : i32 to index
        %get3A_134 = arith.constant 80 : index
        %get3A_135 = tpu.vector_load %arg13[%get3A_133, %get3A_134] {strides = array<i32>} : memref<128x128xf32, #tpu.memory_space<vmem>>, vector<1x16xf32>,
        %get3A_136 = vector.shape_cast %get3A_135 : vector<1x16xf32> to vector<16xf32>
        %mul3A_137 = arith.mulf %get3A_132, %get3A_136 : vector<16xf32>
        %swap3A_138 = arith.index_cast %scan3A_60 : i32 to index
        %swap3A_139 = arith.constant 80 : index
        %swap3A_140 = tpu.vector_load %arg12[%swap3A_138, %swap3A_139] {strides = array<i32>} : memref<128x128xf32, #tpu.memory_space<vmem>>, vector<1x16xf32>,
        %swap3A_141 = vector.shape_cast %swap3A_140 : vector<1x16xf32> to vector<16xf32>
        %swap3A_142 = vector.shape_cast %mul3A_137 : vector<16xf32> to vector<1x16xf32>
        tpu.vector_store %arg12[%swap3A_138, %swap3A_139], %swap3A_142 {strides = array<i32>} : memref<128x128xf32, #tpu.memory_space<vmem>>, vector<1x16xf32>,
        %get3A_143 = arith.index_cast %scan3A_60 : i32 to index
        %get3A_144 = arith.constant 96 : index
        %get3A_145 = tpu.vector_load %arg12[%get3A_143, %get3A_144] {strides = array<i32>} : memref<128x128xf32, #tpu.memory_space<vmem>>, vector<1x16xf32>,
        %get3A_146 = vector.shape_cast %get3A_145 : vector<1x16xf32> to vector<16xf32>
        %get3A_147 = arith.index_cast %scan3A_60 : i32 to index
        %get3A_148 = arith.constant 96 : index
        %get3A_149 = tpu.vector_load %arg13[%get3A_147, %get3A_148] {strides = array<i32>} : memref<128x128xf32, #tpu.memory_space<vmem>>, vector<1x16xf32>,
        %get3A_150 = vector.shape_cast %get3A_149 : vector<1x16xf32> to vector<16xf32>
        %mul3A_151 = arith.mulf %get3A_146, %get3A_150 : vector<16xf32>
        %swap3A_152 = arith.index_cast %scan3A_60 : i32 to index
        %swap3A_153 = arith.constant 96 : index
        %swap3A_154 = tpu.vector_load %arg12[%swap3A_152, %swap3A_153] {strides = array<i32>} : memref<128x128xf32, #tpu.memory_space<vmem>>, vector<1x16xf32>,
        %swap3A_155 = vector.shape_cast %swap3A_154 : vector<1x16xf32> to vector<16xf32>
        %swap3A_156 = vector.shape_cast %mul3A_151 : vector<16xf32> to vector<1x16xf32>
        tpu.vector_store %arg12[%swap3A_152, %swap3A_153], %swap3A_156 {strides = array<i32>} : memref<128x128xf32, #tpu.memory_space<vmem>>, vector<1x16xf32>,
        %get3A_157 = arith.index_cast %scan3A_60 : i32 to index
        %get3A_158 = arith.constant 112 : index
        %get3A_159 = tpu.vector_load %arg12[%get3A_157, %get3A_158] {strides = array<i32>} : memref<128x128xf32, #tpu.memory_space<vmem>>, vector<1x16xf32>,
        %get3A_160 = vector.shape_cast %get3A_159 : vector<1x16xf32> to vector<16xf32>
        %get3A_161 = arith.index_cast %scan3A_60 : i32 to index
        %get3A_162 = arith.constant 112 : index
        %get3A_163 = tpu.vector_load %arg13[%get3A_161, %get3A_162] {strides = array<i32>} : memref<128x128xf32, #tpu.memory_space<vmem>>, vector<1x16xf32>,
        %get3A_164 = vector.shape_cast %get3A_163 : vector<1x16xf32> to vector<16xf32>
        %mul3A_165 = arith.mulf %get3A_160, %get3A_164 : vector<16xf32>
        %swap3A_166 = arith.index_cast %scan3A_60 : i32 to index
        %swap3A_167 = arith.constant 112 : index
        %swap3A_168 = tpu.vector_load %arg12[%swap3A_166, %swap3A_167] {strides = array<i32>} : memref<128x128xf32, #tpu.memory_space<vmem>>, vector<1x16xf32>,
        %swap3A_169 = vector.shape_cast %swap3A_168 : vector<1x16xf32> to vector<16xf32>
        %swap3A_170 = vector.shape_cast %mul3A_165 : vector<16xf32> to vector<1x16xf32>
        tpu.vector_store %arg12[%swap3A_166, %swap3A_167], %swap3A_170 {strides = array<i32>} : memref<128x128xf32, #tpu.memory_space<vmem>>, vector<1x16xf32>,
      }
      %scan3A_59 = arith.constant 128 : i32
      "tpu.region"() ({
        %run_scoped3A = tpu.sem_alloc : memref<!tpu.dma_semaphore, #tpu.memory_space<semaphore_mem>>
        %dma_start3A_60 = arith.constant 0 : i32
        %dma_start3A_61 = arith.constant 0 : i32
        %dma_start3A_62 = tpu.memref_slice %arg14[%dma_start3A_60, %dma_start3A_61] : memref<10240x128xf32, #tpu.memory_space<vmem_shared>> -> memref<10240x128xf32, #tpu.memory_space<vmem_shared>>
        tpu.enqueue_indirect_dma source(%arg12 : memref<128x128xf32, #tpu.memory_space<vmem>>) target(%dma_start3A_62 : memref<10240x128xf32, #tpu.memory_space<vmem_shared>>) offsets(%arg10 : memref<128xi32, #tpu.memory_space<vmem>>) semaphore(%run_scoped3A : memref<!tpu.dma_semaphore, #tpu.memory_space<semaphore_mem>>) {add = true}
        %dma_wait3A_63 = arith.constant 0 : i32
        %dma_wait3A_64 = arith.constant 0 : i32
        %dma_wait3A_65 = tpu.memref_slice %arg14[%dma_wait3A_63, %dma_wait3A_64] : memref<10240x128xf32, #tpu.memory_space<vmem_shared>> -> memref<10240x128xf32, #tpu.memory_space<vmem_shared>>
        tpu.wait_indirect_dma semaphore(%run_scoped3A : memref<!tpu.dma_semaphore, #tpu.memory_space<semaphore_mem>>) src(%arg12 : memref<128x128xf32, #tpu.memory_space<vmem>>) dst(%dma_wait3A_65 : memref<10240x128xf32, #tpu.memory_space<vmem_shared>>)
        tpu.yield
      }) : () -> ()
    }
    %barrier3A_34 = arith.constant 0 : index
    tpu.barrier barrier_id(%barrier3A_34)
    %mul3A_35 = arith.constant 640 : i32
    %mul3A_36 = arith.muli %arg1, %mul3A_35 : i32
    %mul3A_37 = arith.constant 640 : i32
    %mul3A_38 = arith.muli %arg1, %mul3A_37 : i32
    "tpu.region"() ({
      %run_scoped3A = tpu.sem_alloc : memref<!tpu.dma_semaphore, #tpu.memory_space<semaphore_mem>>
      %dma_start3A = arith.constant 0 : i32
      %dma_start3A_39 = tpu.memref_slice %arg8[%arg0, %mul3A_38, %dma_start3A] : memref<2x10240x128xf32, #tpu.memory_space<hbm>> -> memref<1x640x128xf32, #tpu.memory_space<hbm>>
      %dma_start3A_40 = tpu.memref_squeeze %dma_start3A_39 : memref<1x640x128xf32, #tpu.memory_space<hbm>> -> memref<640x128xf32, #tpu.memory_space<hbm>>
      %dma_start3A_41 = arith.constant 0 : i32
      %dma_start3A_42 = tpu.memref_slice %arg14[%mul3A_36, %dma_start3A_41] : memref<10240x128xf32, #tpu.memory_space<vmem_shared>> -> memref<640x128xf32, #tpu.memory_space<vmem_shared>>
      tpu.enqueue_dma source(%dma_start3A_42 : memref<640x128xf32, #tpu.memory_space<vmem_shared>>) target(%dma_start3A_40 : memref<640x128xf32, #tpu.memory_space<hbm>>) target_semaphore(%run_scoped3A : memref<!tpu.dma_semaphore, #tpu.memory_space<semaphore_mem>>)
      %dma_wait3A = arith.constant 0 : i32
      %dma_wait3A_43 = tpu.memref_slice %arg8[%arg0, %mul3A_38, %dma_wait3A] : memref<2x10240x128xf32, #tpu.memory_space<hbm>> -> memref<1x640x128xf32, #tpu.memory_space<hbm>>
      %dma_wait3A_44 = tpu.memref_squeeze %dma_wait3A_43 : memref<1x640x128xf32, #tpu.memory_space<hbm>> -> memref<640x128xf32, #tpu.memory_space<hbm>>
      %dma_wait3A_45 = arith.constant 0 : i32
      %dma_wait3A_46 = tpu.memref_slice %arg14[%mul3A_36, %dma_wait3A_45] : memref<10240x128xf32, #tpu.memory_space<vmem_shared>> -> memref<640x128xf32, #tpu.memory_space<vmem_shared>>
      tpu.wait_dma2 semaphore(%run_scoped3A : memref<!tpu.dma_semaphore, #tpu.memory_space<semaphore_mem>>) src(%dma_wait3A_46 : memref<640x128xf32, #tpu.memory_space<vmem_shared>>) dst(%dma_wait3A_44 : memref<640x128xf32, #tpu.memory_space<hbm>>)
      tpu.yield
    }) : () -> ()
    return
  }
}

#map = affine_map<(d0, d1) -> (0, 0)>
#map1 = affine_map<(d0, d1) -> (0)>
#map2 = affine_map<(d0, d1) -> (0, 0, 0)>
module attributes {stable_mosaic.version = 14 : i64} {
  func.func @_sc_readout(%arg0: i32, %arg1: i32, %arg2: memref<40960x128xf32, #tpu.memory_space<hbm>>, %arg3: memref<40960xi32, #tpu.memory_space<hbm>>, %arg4: memref<128x128xf32, #tpu.memory_space<hbm>>, %arg5: memref<2x4096x128xf32, #tpu.memory_space<hbm>>, %arg6: memref<128xi32, #tpu.memory_space<vmem>>, %arg7: memref<128x128xf32, #tpu.memory_space<vmem>>, %arg8: memref<4096x128xf32, #tpu.memory_space<vmem_shared>>, %arg9: memref<!tpu.dma_semaphore, #tpu.memory_space<semaphore_mem>>) attributes {dimension_semantics = [#tpu.dimension_semantics<core_parallel>, #tpu.dimension_semantics<subcore_parallel>], iteration_bounds = array<i64: 2, 16>, scalar_prefetch = 0 : i64, scratch_operands = 4 : i64, tpu.core_type = #tpu.core_type<sc_vector_subcore>, window_params = [{transform_indices = #map}, {transform_indices = #map1}, {transform_indices = #map}, {transform_indices = #map2}]} {
    %mul3A = arith.constant 2 : i32
    %mul3A_0 = arith.muli %arg1, %mul3A : i32
    %add3A = arith.addi %mul3A_0, %arg0 : i32
    "tpu.region"() ({
      %run_scoped3A = tpu.sem_alloc : memref<!tpu.dma_semaphore, #tpu.memory_space<semaphore_mem>>
      tpu.enqueue_dma source(%arg4 : memref<128x128xf32, #tpu.memory_space<hbm>>) target(%arg7 : memref<128x128xf32, #tpu.memory_space<vmem>>) target_semaphore(%run_scoped3A : memref<!tpu.dma_semaphore, #tpu.memory_space<semaphore_mem>>)
      tpu.wait_dma2 semaphore(%run_scoped3A : memref<!tpu.dma_semaphore, #tpu.memory_space<semaphore_mem>>) src(%arg4 : memref<128x128xf32, #tpu.memory_space<hbm>>) dst(%arg7 : memref<128x128xf32, #tpu.memory_space<vmem>>)
      tpu.yield
    }) : () -> ()
    %mul3A_1 = arith.constant 256 : i32
    %mul3A_2 = arith.muli %arg1, %mul3A_1 : i32
    %add3A_3 = arith.constant 0 : i32
    %add3A_4 = arith.addi %mul3A_2, %add3A_3 : i32
    "tpu.region"() ({
      %run_scoped3A = tpu.sem_alloc : memref<!tpu.dma_semaphore, #tpu.memory_space<semaphore_mem>>
      %dma_start3A = arith.constant 0 : i32
      %dma_start3A_19 = tpu.memref_slice %arg8[%add3A_4, %dma_start3A] : memref<4096x128xf32, #tpu.memory_space<vmem_shared>> -> memref<128x128xf32, #tpu.memory_space<vmem_shared>>
      %dma_start3A_20 = arith.constant 0 : i32
      %dma_start3A_21 = tpu.memref_slice %arg8[%add3A_4, %dma_start3A_20] : memref<4096x128xf32, #tpu.memory_space<vmem_shared>> -> memref<128x128xf32, #tpu.memory_space<vmem_shared>>
      tpu.enqueue_dma source(%arg7 : memref<128x128xf32, #tpu.memory_space<vmem>>) target(%dma_start3A_21 : memref<128x128xf32, #tpu.memory_space<vmem_shared>>) target_semaphore(%run_scoped3A : memref<!tpu.dma_semaphore, #tpu.memory_space<semaphore_mem>>)
      %dma_wait3A = arith.constant 0 : i32
      %dma_wait3A_22 = tpu.memref_slice %arg8[%add3A_4, %dma_wait3A] : memref<4096x128xf32, #tpu.memory_space<vmem_shared>> -> memref<128x128xf32, #tpu.memory_space<vmem_shared>>
      %dma_wait3A_23 = arith.constant 0 : i32
      %dma_wait3A_24 = tpu.memref_slice %arg8[%add3A_4, %dma_wait3A_23] : memref<4096x128xf32, #tpu.memory_space<vmem_shared>> -> memref<128x128xf32, #tpu.memory_space<vmem_shared>>
      tpu.wait_dma2 semaphore(%run_scoped3A : memref<!tpu.dma_semaphore, #tpu.memory_space<semaphore_mem>>) src(%arg7 : memref<128x128xf32, #tpu.memory_space<vmem>>) dst(%dma_wait3A_24 : memref<128x128xf32, #tpu.memory_space<vmem_shared>>)
      tpu.yield
    }) : () -> ()
    %mul3A_5 = arith.constant 256 : i32
    %mul3A_6 = arith.muli %arg1, %mul3A_5 : i32
    %add3A_7 = arith.constant 128 : i32
    %add3A_8 = arith.addi %mul3A_6, %add3A_7 : i32
    "tpu.region"() ({
      %run_scoped3A = tpu.sem_alloc : memref<!tpu.dma_semaphore, #tpu.memory_space<semaphore_mem>>
      %dma_start3A = arith.constant 0 : i32
      %dma_start3A_19 = tpu.memref_slice %arg8[%add3A_8, %dma_start3A] : memref<4096x128xf32, #tpu.memory_space<vmem_shared>> -> memref<128x128xf32, #tpu.memory_space<vmem_shared>>
      %dma_start3A_20 = arith.constant 0 : i32
      %dma_start3A_21 = tpu.memref_slice %arg8[%add3A_8, %dma_start3A_20] : memref<4096x128xf32, #tpu.memory_space<vmem_shared>> -> memref<128x128xf32, #tpu.memory_space<vmem_shared>>
      tpu.enqueue_dma source(%arg7 : memref<128x128xf32, #tpu.memory_space<vmem>>) target(%dma_start3A_21 : memref<128x128xf32, #tpu.memory_space<vmem_shared>>) target_semaphore(%run_scoped3A : memref<!tpu.dma_semaphore, #tpu.memory_space<semaphore_mem>>)
      %dma_wait3A = arith.constant 0 : i32
      %dma_wait3A_22 = tpu.memref_slice %arg8[%add3A_8, %dma_wait3A] : memref<4096x128xf32, #tpu.memory_space<vmem_shared>> -> memref<128x128xf32, #tpu.memory_space<vmem_shared>>
      %dma_wait3A_23 = arith.constant 0 : i32
      %dma_wait3A_24 = tpu.memref_slice %arg8[%add3A_8, %dma_wait3A_23] : memref<4096x128xf32, #tpu.memory_space<vmem_shared>> -> memref<128x128xf32, #tpu.memory_space<vmem_shared>>
      tpu.wait_dma2 semaphore(%run_scoped3A : memref<!tpu.dma_semaphore, #tpu.memory_space<semaphore_mem>>) src(%arg7 : memref<128x128xf32, #tpu.memory_space<vmem>>) dst(%dma_wait3A_24 : memref<128x128xf32, #tpu.memory_space<vmem_shared>>)
      tpu.yield
    }) : () -> ()
    %barrier3A = arith.constant 0 : index
    tpu.barrier barrier_id(%barrier3A)
    %scan3A = arith.constant 0 : i32
    %scan3A_9 = arith.constant 0 : i32
    %scan3A_10 = arith.constant 10 : i32
    %scan3A_11 = arith.addi %scan3A_9, %scan3A_10 : i32
    %scan3A_12 = arith.constant 1 : i32
    scf.for %scan3A_19 = %scan3A_9 to %scan3A_11 step %scan3A_12  : i32 {
      %mul3A_20 = arith.constant 32 : i32
      %mul3A_21 = arith.muli %scan3A_19, %mul3A_20 : i32
      %add3A_22 = arith.addi %add3A, %mul3A_21 : i32
      %mul3A_23 = arith.constant 128 : i32
      %mul3A_24 = arith.muli %add3A_22, %mul3A_23 : i32
      "tpu.region"() ({
        %run_scoped3A = tpu.sem_alloc : memref<!tpu.dma_semaphore, #tpu.memory_space<semaphore_mem>>
        %dma_start3A = tpu.memref_slice %arg3[%mul3A_24] : memref<40960xi32, #tpu.memory_space<hbm>> -> memref<128xi32, #tpu.memory_space<hbm>>
        %dma_start3A_25 = tpu.memref_slice %arg3[%mul3A_24] : memref<40960xi32, #tpu.memory_space<hbm>> -> memref<128xi32, #tpu.memory_space<hbm>>
        tpu.enqueue_dma source(%dma_start3A_25 : memref<128xi32, #tpu.memory_space<hbm>>) target(%arg6 : memref<128xi32, #tpu.memory_space<vmem>>) target_semaphore(%run_scoped3A : memref<!tpu.dma_semaphore, #tpu.memory_space<semaphore_mem>>)
        %dma_wait3A = tpu.memref_slice %arg3[%mul3A_24] : memref<40960xi32, #tpu.memory_space<hbm>> -> memref<128xi32, #tpu.memory_space<hbm>>
        %dma_wait3A_26 = tpu.memref_slice %arg3[%mul3A_24] : memref<40960xi32, #tpu.memory_space<hbm>> -> memref<128xi32, #tpu.memory_space<hbm>>
        tpu.wait_dma2 semaphore(%run_scoped3A : memref<!tpu.dma_semaphore, #tpu.memory_space<semaphore_mem>>) src(%dma_wait3A_26 : memref<128xi32, #tpu.memory_space<hbm>>) dst(%arg6 : memref<128xi32, #tpu.memory_space<vmem>>)
        tpu.yield
      }) : () -> ()
      "tpu.region"() ({
        %run_scoped3A = tpu.sem_alloc : memref<!tpu.dma_semaphore, #tpu.memory_space<semaphore_mem>>
        %dma_start3A = arith.constant 0 : i32
        %dma_start3A_25 = tpu.memref_slice %arg2[%mul3A_24, %dma_start3A] : memref<40960x128xf32, #tpu.memory_space<hbm>> -> memref<128x128xf32, #tpu.memory_space<hbm>>
        %dma_start3A_26 = arith.constant 0 : i32
        %dma_start3A_27 = tpu.memref_slice %arg2[%mul3A_24, %dma_start3A_26] : memref<40960x128xf32, #tpu.memory_space<hbm>> -> memref<128x128xf32, #tpu.memory_space<hbm>>
        tpu.enqueue_dma source(%dma_start3A_27 : memref<128x128xf32, #tpu.memory_space<hbm>>) target(%arg7 : memref<128x128xf32, #tpu.memory_space<vmem>>) target_semaphore(%run_scoped3A : memref<!tpu.dma_semaphore, #tpu.memory_space<semaphore_mem>>)
        %dma_wait3A = arith.constant 0 : i32
        %dma_wait3A_28 = tpu.memref_slice %arg2[%mul3A_24, %dma_wait3A] : memref<40960x128xf32, #tpu.memory_space<hbm>> -> memref<128x128xf32, #tpu.memory_space<hbm>>
        %dma_wait3A_29 = arith.constant 0 : i32
        %dma_wait3A_30 = tpu.memref_slice %arg2[%mul3A_24, %dma_wait3A_29] : memref<40960x128xf32, #tpu.memory_space<hbm>> -> memref<128x128xf32, #tpu.memory_space<hbm>>
        tpu.wait_dma2 semaphore(%run_scoped3A : memref<!tpu.dma_semaphore, #tpu.memory_space<semaphore_mem>>) src(%dma_wait3A_30 : memref<128x128xf32, #tpu.memory_space<hbm>>) dst(%arg7 : memref<128x128xf32, #tpu.memory_space<vmem>>)
        tpu.yield
      }) : () -> ()
      "tpu.region"() ({
        %run_scoped3A = tpu.sem_alloc : memref<!tpu.dma_semaphore, #tpu.memory_space<semaphore_mem>>
        %dma_start3A = arith.constant 0 : i32
        %dma_start3A_25 = arith.constant 0 : i32
        %dma_start3A_26 = tpu.memref_slice %arg8[%dma_start3A, %dma_start3A_25] : memref<4096x128xf32, #tpu.memory_space<vmem_shared>> -> memref<4096x128xf32, #tpu.memory_space<vmem_shared>>
        tpu.enqueue_indirect_dma source(%arg7 : memref<128x128xf32, #tpu.memory_space<vmem>>) target(%dma_start3A_26 : memref<4096x128xf32, #tpu.memory_space<vmem_shared>>) offsets(%arg6 : memref<128xi32, #tpu.memory_space<vmem>>) semaphore(%run_scoped3A : memref<!tpu.dma_semaphore, #tpu.memory_space<semaphore_mem>>) {add = true}
        %dma_wait3A = arith.constant 0 : i32
        %dma_wait3A_27 = arith.constant 0 : i32
        %dma_wait3A_28 = tpu.memref_slice %arg8[%dma_wait3A, %dma_wait3A_27] : memref<4096x128xf32, #tpu.memory_space<vmem_shared>> -> memref<4096x128xf32, #tpu.memory_space<vmem_shared>>
        tpu.wait_indirect_dma semaphore(%run_scoped3A : memref<!tpu.dma_semaphore, #tpu.memory_space<semaphore_mem>>) src(%arg7 : memref<128x128xf32, #tpu.memory_space<vmem>>) dst(%dma_wait3A_28 : memref<4096x128xf32, #tpu.memory_space<vmem_shared>>)
        tpu.yield
      }) : () -> ()
    }
    %scan3A_13 = arith.constant 10 : i32
    %barrier3A_14 = arith.constant 0 : index
    tpu.barrier barrier_id(%barrier3A_14)
    %mul3A_15 = arith.constant 256 : i32
    %mul3A_16 = arith.muli %arg1, %mul3A_15 : i32
    %mul3A_17 = arith.constant 256 : i32
    %mul3A_18 = arith.muli %arg1, %mul3A_17 : i32
    "tpu.region"() ({
      %run_scoped3A = tpu.sem_alloc : memref<!tpu.dma_semaphore, #tpu.memory_space<semaphore_mem>>
      %dma_start3A = arith.constant 0 : i32
      %dma_start3A_19 = tpu.memref_slice %arg5[%arg0, %mul3A_18, %dma_start3A] : memref<2x4096x128xf32, #tpu.memory_space<hbm>> -> memref<1x256x128xf32, #tpu.memory_space<hbm>>
      %dma_start3A_20 = tpu.memref_squeeze %dma_start3A_19 : memref<1x256x128xf32, #tpu.memory_space<hbm>> -> memref<256x128xf32, #tpu.memory_space<hbm>>
      %dma_start3A_21 = arith.constant 0 : i32
      %dma_start3A_22 = tpu.memref_slice %arg8[%mul3A_16, %dma_start3A_21] : memref<4096x128xf32, #tpu.memory_space<vmem_shared>> -> memref<256x128xf32, #tpu.memory_space<vmem_shared>>
      tpu.enqueue_dma source(%dma_start3A_22 : memref<256x128xf32, #tpu.memory_space<vmem_shared>>) target(%dma_start3A_20 : memref<256x128xf32, #tpu.memory_space<hbm>>) target_semaphore(%run_scoped3A : memref<!tpu.dma_semaphore, #tpu.memory_space<semaphore_mem>>)
      %dma_wait3A = arith.constant 0 : i32
      %dma_wait3A_23 = tpu.memref_slice %arg5[%arg0, %mul3A_18, %dma_wait3A] : memref<2x4096x128xf32, #tpu.memory_space<hbm>> -> memref<1x256x128xf32, #tpu.memory_space<hbm>>
      %dma_wait3A_24 = tpu.memref_squeeze %dma_wait3A_23 : memref<1x256x128xf32, #tpu.memory_space<hbm>> -> memref<256x128xf32, #tpu.memory_space<hbm>>
      %dma_wait3A_25 = arith.constant 0 : i32
      %dma_wait3A_26 = tpu.memref_slice %arg8[%mul3A_16, %dma_wait3A_25] : memref<4096x128xf32, #tpu.memory_space<vmem_shared>> -> memref<256x128xf32, #tpu.memory_space<vmem_shared>>
      tpu.wait_dma2 semaphore(%run_scoped3A : memref<!tpu.dma_semaphore, #tpu.memory_space<semaphore_mem>>) src(%dma_wait3A_26 : memref<256x128xf32, #tpu.memory_space<vmem_shared>>) dst(%dma_wait3A_24 : memref<256x128xf32, #tpu.memory_space<hbm>>)
      tpu.yield
    }) : () -> ()
    return
  }
}

module attributes {stable_mosaic.version = 14 : i64} {
  func.func @_tc_linear_body(%arg0: i32, %arg1: i32, %arg2: memref<1x2x1280x128xf32, #tpu.memory_space<vmem>>, %arg3: memref<1x128x128xf32, #tpu.memory_space<vmem>>, %arg4: memref<1x1x128xf32, #tpu.memory_space<vmem>>, %arg5: memref<1x1280x128xf32, #tpu.memory_space<vmem>>) attributes {dimension_semantics = [#tpu.dimension_semantics<arbitrary>, #tpu.dimension_semantics<arbitrary>], iteration_bounds = array<i64: 4, 8>, scalar_prefetch = 0 : i64, scratch_operands = 0 : i64, tpu.core_type = #tpu.core_type<tc>, window_params = [{transform_indices = @transform_0, window_bounds = array<i64: 1, 2, 1280, 128>}, {transform_indices = @transform_1, window_bounds = array<i64: 1, 128, 128>}, {transform_indices = @transform_2, window_bounds = array<i64: 1, 1, 128>}, {transform_indices = @transform_3, window_bounds = array<i64: 1, 1280, 128>}]} {
    %get3A = arith.constant 0 : index
    %get3A_0 = arith.constant 0 : index
    %get3A_1 = arith.constant 0 : index
    %get3A_2 = arith.constant 0 : index
    %get3A_3 = vector.load %arg2[%get3A, %get3A_0, %get3A_1, %get3A_2] : memref<1x2x1280x128xf32, #tpu.memory_space<vmem>>, vector<1x1x1280x128xf32>
    %get3A_4 = vector.shape_cast %get3A_3 : vector<1x1x1280x128xf32> to vector<1280x128xf32>
    %get3A_5 = arith.constant 0 : index
    %get3A_6 = arith.constant 1 : index
    %get3A_7 = arith.constant 0 : index
    %get3A_8 = arith.constant 0 : index
    %get3A_9 = vector.load %arg2[%get3A_5, %get3A_6, %get3A_7, %get3A_8] : memref<1x2x1280x128xf32, #tpu.memory_space<vmem>>, vector<1x1x1280x128xf32>
    %get3A_10 = vector.shape_cast %get3A_9 : vector<1x1x1280x128xf32> to vector<1280x128xf32>
    %add3A = arith.addf %get3A_4, %get3A_10 : vector<1280x128xf32>
    %get3A_11 = arith.constant 0 : index
    %get3A_12 = arith.constant 0 : index
    %get3A_13 = arith.constant 0 : index
    %get3A_14 = vector.load %arg3[%get3A_11, %get3A_12, %get3A_13] : memref<1x128x128xf32, #tpu.memory_space<vmem>>, vector<1x128x128xf32>
    %get3A_15 = vector.shape_cast %get3A_14 : vector<1x128x128xf32> to vector<128x128xf32>
    %dot_general3A = arith.constant dense<0.000000e+00> : vector<1280x128xf32>
    %dot_general3A_16 = tpu.matmul %add3A, %get3A_15, %dot_general3A {dimension_numbers = #tpu.dot_dimension_numbers<[1], [0], [0], [1], [0, 0, 1, 1], [], []>, transpose_lhs_hint = false} : vector<1280x128xf32>, vector<128x128xf32>, vector<1280x128xf32> -> vector<1280x128xf32>
    %get3A_17 = arith.constant 0 : index
    %get3A_18 = arith.constant 0 : index
    %get3A_19 = arith.constant 0 : index
    %get3A_20 = vector.load %arg4[%get3A_17, %get3A_18, %get3A_19] : memref<1x1x128xf32, #tpu.memory_space<vmem>>, vector<1x1x128xf32>
    %get3A_21 = vector.shape_cast %get3A_20 : vector<1x1x128xf32> to vector<1x128xf32>
    %add3A_22 = vector.broadcast %get3A_21 : vector<1x128xf32> to vector<1280x128xf32>
    %add3A_23 = arith.addf %dot_general3A_16, %add3A_22 : vector<1280x128xf32>
    %max3A = arith.constant 0.000000e+00 : f32
    %max3A_24 = vector.broadcast %max3A : f32 to vector<1280x128xf32>
    %max3A_25 = arith.maximumf %add3A_23, %max3A_24 : vector<1280x128xf32>
    %mul3A = arith.constant 1280 : i32
    %mul3A_26 = arith.muli %arg1, %mul3A : i32
    %iota3A = tpu.iota {dimensions = array<i32: 0>} : vector<1280x128xi32>
    %add3A_27 = vector.broadcast %mul3A_26 : i32 to vector<1280x128xi32>
    %add3A_28 = arith.addi %add3A_27, %iota3A : vector<1280x128xi32>
    %lt3A = arith.constant 10000 : i32
    %lt3A_29 = vector.broadcast %lt3A : i32 to vector<1280x128xi32>
    %lt3A_30 = arith.cmpi slt, %add3A_28, %lt3A_29 : vector<1280x128xi32>
    %jit3A = arith.constant 0.000000e+00 : f32
    %broadcast_in_dim3A = vector.broadcast %jit3A : f32 to vector<1280x128xf32>
    %select_n3A = arith.select %lt3A_30, %max3A_25, %broadcast_in_dim3A : vector<1280x128xi1>, vector<1280x128xf32>
    %swap3A = arith.constant 0 : index
    %swap3A_31 = arith.constant 0 : index
    %swap3A_32 = arith.constant 0 : index
    %swap3A_33 = vector.load %arg5[%swap3A, %swap3A_31, %swap3A_32] : memref<1x1280x128xf32, #tpu.memory_space<vmem>>, vector<1x1280x128xf32>
    %swap3A_34 = vector.shape_cast %swap3A_33 : vector<1x1280x128xf32> to vector<1280x128xf32>
    %swap3A_35 = vector.shape_cast %select_n3A : vector<1280x128xf32> to vector<1x1280x128xf32>
    tpu.vector_store %arg5[%swap3A, %swap3A_31, %swap3A_32], %swap3A_35 {strides = array<i32>} : memref<1x1280x128xf32, #tpu.memory_space<vmem>>, vector<1x1280x128xf32>,
    return
  }
  func.func @transform_0(%arg0: i32, %arg1: i32) -> (i32, i32, i32, i32) {
    %c0_i32 = arith.constant 0 : i32
    %c0_i32_0 = arith.constant 0 : i32
    %c0_i32_1 = arith.constant 0 : i32
    %c0_i32_2 = arith.constant 0 : i32
    return %c0_i32, %c0_i32_0, %arg1, %c0_i32_1 : i32, i32, i32, i32
  }
  func.func @transform_1(%arg0: i32, %arg1: i32) -> (i32, i32, i32) {
    %c0_i32 = arith.constant 0 : i32
    %c0_i32_0 = arith.constant 0 : i32
    %c0_i32_1 = arith.constant 0 : i32
    return %arg0, %c0_i32, %c0_i32_0 : i32, i32, i32
  }
  func.func @transform_2(%arg0: i32, %arg1: i32) -> (i32, i32, i32) {
    %c0_i32 = arith.constant 0 : i32
    %c0_i32_0 = arith.constant 0 : i32
    %c0_i32_1 = arith.constant 0 : i32
    return %arg0, %c0_i32, %c0_i32_0 : i32, i32, i32
  }
  func.func @transform_3(%arg0: i32, %arg1: i32) -> (i32, i32, i32) {
    %c0_i32 = arith.constant 0 : i32
    %c0_i32_0 = arith.constant 0 : i32
    return %arg0, %arg1, %c0_i32 : i32, i32, i32
  }
}

module attributes {stable_mosaic.version = 14 : i64} {
  func.func @_tc_linear_body(%arg0: i32, %arg1: i32, %arg2: memref<1x2x1280x128xf32, #tpu.memory_space<vmem>>, %arg3: memref<1x128x128xf32, #tpu.memory_space<vmem>>, %arg4: memref<1x1x128xf32, #tpu.memory_space<vmem>>, %arg5: memref<1x1280x128xf32, #tpu.memory_space<vmem>>) attributes {dimension_semantics = [#tpu.dimension_semantics<arbitrary>, #tpu.dimension_semantics<arbitrary>], iteration_bounds = array<i64: 4, 8>, scalar_prefetch = 0 : i64, scratch_operands = 0 : i64, tpu.core_type = #tpu.core_type<tc>, window_params = [{transform_indices = @transform_0, window_bounds = array<i64: 1, 2, 1280, 128>}, {transform_indices = @transform_1, window_bounds = array<i64: 1, 128, 128>}, {transform_indices = @transform_2, window_bounds = array<i64: 1, 1, 128>}, {transform_indices = @transform_3, window_bounds = array<i64: 1, 1280, 128>}]} {
    %get3A = arith.constant 0 : index
    %get3A_0 = arith.constant 0 : index
    %get3A_1 = arith.constant 0 : index
    %get3A_2 = arith.constant 0 : index
    %get3A_3 = vector.load %arg2[%get3A, %get3A_0, %get3A_1, %get3A_2] : memref<1x2x1280x128xf32, #tpu.memory_space<vmem>>, vector<1x1x1280x128xf32>
    %get3A_4 = vector.shape_cast %get3A_3 : vector<1x1x1280x128xf32> to vector<1280x128xf32>
    %get3A_5 = arith.constant 0 : index
    %get3A_6 = arith.constant 1 : index
    %get3A_7 = arith.constant 0 : index
    %get3A_8 = arith.constant 0 : index
    %get3A_9 = vector.load %arg2[%get3A_5, %get3A_6, %get3A_7, %get3A_8] : memref<1x2x1280x128xf32, #tpu.memory_space<vmem>>, vector<1x1x1280x128xf32>
    %get3A_10 = vector.shape_cast %get3A_9 : vector<1x1x1280x128xf32> to vector<1280x128xf32>
    %add3A = arith.addf %get3A_4, %get3A_10 : vector<1280x128xf32>
    %get3A_11 = arith.constant 0 : index
    %get3A_12 = arith.constant 0 : index
    %get3A_13 = arith.constant 0 : index
    %get3A_14 = vector.load %arg3[%get3A_11, %get3A_12, %get3A_13] : memref<1x128x128xf32, #tpu.memory_space<vmem>>, vector<1x128x128xf32>
    %get3A_15 = vector.shape_cast %get3A_14 : vector<1x128x128xf32> to vector<128x128xf32>
    %dot_general3A = arith.constant dense<0.000000e+00> : vector<1280x128xf32>
    %dot_general3A_16 = tpu.matmul %add3A, %get3A_15, %dot_general3A {dimension_numbers = #tpu.dot_dimension_numbers<[1], [0], [0], [1], [0, 0, 1, 1], [], []>, transpose_lhs_hint = false} : vector<1280x128xf32>, vector<128x128xf32>, vector<1280x128xf32> -> vector<1280x128xf32>
    %get3A_17 = arith.constant 0 : index
    %get3A_18 = arith.constant 0 : index
    %get3A_19 = arith.constant 0 : index
    %get3A_20 = vector.load %arg4[%get3A_17, %get3A_18, %get3A_19] : memref<1x1x128xf32, #tpu.memory_space<vmem>>, vector<1x1x128xf32>
    %get3A_21 = vector.shape_cast %get3A_20 : vector<1x1x128xf32> to vector<1x128xf32>
    %add3A_22 = vector.broadcast %get3A_21 : vector<1x128xf32> to vector<1280x128xf32>
    %add3A_23 = arith.addf %dot_general3A_16, %add3A_22 : vector<1280x128xf32>
    %max3A = arith.constant 0.000000e+00 : f32
    %max3A_24 = vector.broadcast %max3A : f32 to vector<1280x128xf32>
    %max3A_25 = arith.maximumf %add3A_23, %max3A_24 : vector<1280x128xf32>
    %mul3A = arith.constant 1280 : i32
    %mul3A_26 = arith.muli %arg1, %mul3A : i32
    %iota3A = tpu.iota {dimensions = array<i32: 0>} : vector<1280x128xi32>
    %add3A_27 = vector.broadcast %mul3A_26 : i32 to vector<1280x128xi32>
    %add3A_28 = arith.addi %add3A_27, %iota3A : vector<1280x128xi32>
    %lt3A = arith.constant 10000 : i32
    %lt3A_29 = vector.broadcast %lt3A : i32 to vector<1280x128xi32>
    %lt3A_30 = arith.cmpi slt, %add3A_28, %lt3A_29 : vector<1280x128xi32>
    %jit3A = arith.constant 0.000000e+00 : f32
    %broadcast_in_dim3A = vector.broadcast %jit3A : f32 to vector<1280x128xf32>
    %select_n3A = arith.select %lt3A_30, %max3A_25, %broadcast_in_dim3A : vector<1280x128xi1>, vector<1280x128xf32>
    %swap3A = arith.constant 0 : index
    %swap3A_31 = arith.constant 0 : index
    %swap3A_32 = arith.constant 0 : index
    %swap3A_33 = vector.load %arg5[%swap3A, %swap3A_31, %swap3A_32] : memref<1x1280x128xf32, #tpu.memory_space<vmem>>, vector<1x1280x128xf32>
    %swap3A_34 = vector.shape_cast %swap3A_33 : vector<1x1280x128xf32> to vector<1280x128xf32>
    %swap3A_35 = vector.shape_cast %select_n3A : vector<1280x128xf32> to vector<1x1280x128xf32>
    tpu.vector_store %arg5[%swap3A, %swap3A_31, %swap3A_32], %swap3A_35 {strides = array<i32>} : memref<1x1280x128xf32, #tpu.memory_space<vmem>>, vector<1x1280x128xf32>,
    return
  }
  func.func @transform_0(%arg0: i32, %arg1: i32) -> (i32, i32, i32, i32) {
    %c0_i32 = arith.constant 0 : i32
    %c0_i32_0 = arith.constant 0 : i32
    %c0_i32_1 = arith.constant 0 : i32
    return %arg0, %c0_i32, %arg1, %c0_i32_0 : i32, i32, i32, i32
  }
  func.func @transform_1(%arg0: i32, %arg1: i32) -> (i32, i32, i32) {
    %c0_i32 = arith.constant 0 : i32
    %c0_i32_0 = arith.constant 0 : i32
    %c0_i32_1 = arith.constant 0 : i32
    return %arg0, %c0_i32, %c0_i32_0 : i32, i32, i32
  }
  func.func @transform_2(%arg0: i32, %arg1: i32) -> (i32, i32, i32) {
    %c0_i32 = arith.constant 0 : i32
    %c0_i32_0 = arith.constant 0 : i32
    %c0_i32_1 = arith.constant 0 : i32
    return %arg0, %c0_i32, %c0_i32_0 : i32, i32, i32
  }
  func.func @transform_3(%arg0: i32, %arg1: i32) -> (i32, i32, i32) {
    %c0_i32 = arith.constant 0 : i32
    %c0_i32_0 = arith.constant 0 : i32
    return %arg0, %arg1, %c0_i32 : i32, i32, i32
  }
}

module attributes {stable_mosaic.version = 14 : i64} {
  func.func @_tc_combine_body(%arg0: i32, %arg1: memref<2x1x1024x128xf32, #tpu.memory_space<vmem>>, %arg2: memref<1024x128xf32, #tpu.memory_space<vmem>>) attributes {dimension_semantics = [#tpu.dimension_semantics<arbitrary>], iteration_bounds = array<i64: 4>, scalar_prefetch = 0 : i64, scratch_operands = 0 : i64, tpu.core_type = #tpu.core_type<tc>, window_params = [{transform_indices = @transform_0, window_bounds = array<i64: 2, 1, 1024, 128>}, {transform_indices = @transform_1, window_bounds = array<i64: 1024, 128>}]} {
    %get3A = arith.constant 0 : index
    %get3A_0 = arith.constant 0 : index
    %get3A_1 = arith.constant 0 : index
    %get3A_2 = arith.constant 0 : index
    %get3A_3 = vector.load %arg1[%get3A, %get3A_0, %get3A_1, %get3A_2] : memref<2x1x1024x128xf32, #tpu.memory_space<vmem>>, vector<1x1x1024x128xf32>
    %get3A_4 = vector.shape_cast %get3A_3 : vector<1x1x1024x128xf32> to vector<1024x128xf32>
    %get3A_5 = arith.constant 1 : index
    %get3A_6 = arith.constant 0 : index
    %get3A_7 = arith.constant 0 : index
    %get3A_8 = arith.constant 0 : index
    %get3A_9 = vector.load %arg1[%get3A_5, %get3A_6, %get3A_7, %get3A_8] : memref<2x1x1024x128xf32, #tpu.memory_space<vmem>>, vector<1x1x1024x128xf32>
    %get3A_10 = vector.shape_cast %get3A_9 : vector<1x1x1024x128xf32> to vector<1024x128xf32>
    %add3A = arith.addf %get3A_4, %get3A_10 : vector<1024x128xf32>
    %swap3A = arith.constant 0 : index
    %swap3A_11 = arith.constant 0 : index
    %swap3A_12 = vector.load %arg2[%swap3A, %swap3A_11] : memref<1024x128xf32, #tpu.memory_space<vmem>>, vector<1024x128xf32>
    tpu.vector_store %arg2[%swap3A, %swap3A_11], %add3A {strides = array<i32>} : memref<1024x128xf32, #tpu.memory_space<vmem>>, vector<1024x128xf32>,
    return
  }
  func.func @transform_0(%arg0: i32) -> (i32, i32, i32, i32) {
    %c0_i32 = arith.constant 0 : i32
    %c0_i32_0 = arith.constant 0 : i32
    %c0_i32_1 = arith.constant 0 : i32
    %c0_i32_2 = arith.constant 0 : i32
    return %c0_i32, %arg0, %c0_i32_0, %c0_i32_1 : i32, i32, i32, i32
  }
  func.func @transform_1(%arg0: i32) -> (i32, i32) {
    %c0_i32 = arith.constant 0 : i32
    %c0_i32_0 = arith.constant 0 : i32
    return %c0_i32, %arg0 : i32, i32
  }
}

</mosaic_0001>

<sc_bundles>
// kernel: kernel.12.cloned.1.call-start
scs
__scs_entry_jumppad:
0x0: {  	(pc) =	sbr.rel $0x88, $3  }
0x1: {  	(tag) =	ssettag $0x0;
	lr =	simm.s32 $0x1  }
0x2: {  	[smem:$0x3F99] =	sst lr;
	_ =	strace $0xD0000000  }
0x3: {  	_ = 	snop  }
0x4: {  	_ = 	snop  }
0x5: {  	_ = 	snop  }
0x6: {  	_ = 	snop  }
0x7: {  	_ = 	snop  }
__scs_overlays_trampoline_lowered:
0x8: {  	[smem:$0x3FA8] =	sst s0  }
0x9: {  	[smem:$0x3FA9] =	sst s1  }
0xa: {  	[smem:$0x3FAA] =	sst s2  }
0xb: {  	[smem:$0x3FAB] =	sst s3  }
0xc: {  	[smem:$0x3FAC] =	sst s4  }
0xd: {  	[smem:$0x3FAD] =	sst s5  }
0xe: {  	[smem:$0x3FAE] =	sst s6  }
0xf: {  	[smem:$0x3FAF] =	sst s7  }
0x10: {  	[smem:$0x3FB0] =	sst s8  }
0x11: {  	[smem:$0x3FB1] =	sst s9;
	s0 =	simm.s32 @!p0 $0x0  }
0x12: {  	s1 =	sld [smem:$0x3F97];
	s0 =	simm.s32 @p0 $0x1  }
0x13: {  	[smem:$0x3FB2] =	sst s0;
	s0 =	simm.s32 @!p1 $0x0  }
0x14: {  	s2 =	sld [smem:$0x3F96];
	s0 =	simm.s32 @p1 $0x1  }
0x15: {  	[smem:$0x3FB3] =	sst s0;
	s0 =	simm.s32 @!p2 $0x0  }
0x16: {  	s3 =	sld [smem:$0x3FDB];
	s0 =	simm.s32 @p2 $0x1  }
0x17: {  	s4 =	simm.s32 $0x1BF5;
	[smem:$0x3FB5] =	sst s0  }
0x18: {  	s0 =	sld [smem:$0x3F98];
	_ =	swait.ge [sflag:s4], $0x0  }
0x19: {  	s7 =	sld [smem:$0x3F99]  }
0x1a: {  	s8 =	sadd.s32 $0xFFFFE003, lr  }
0x1b: {  	s9 =	sadd.s32 $0xFFFFFEF7, lr;
	s5 =	simm.s32 $0xFFFFFFFF;
	p2 =	slt.u32 s8, $0xFFFFF086  }
0x1c: {  	p1 =	slt.u32 s9, $0xF7A;
	s5 =	simm.s32 @!p2 $0x0  }
0x1d: {  	s5 =	simm.s32 @p1 $0x1;
	p0 =	seq.s32 s7, s2  }
0x1e: {  	s7 =	smul.u32 @!p0 $0xF7A, s2;
	p2 =	seq.s32 @!p0 s5, $0x0  }
0x1f: {  	s9 =	smul.u32 $0xF7A, s1;
	s8 =	simm.s32 @!p0 $0x1BF5;
	p2 =	por !p2, p0  }
0x20: {  	[sflag:s8] =	ssyncset.s32 @!p0 $0xFFFFF086;
	s6 =	sadd.s32 @!p0 s3, s7;
	s7 =	simm.s32 @!p0 $0x108  }
0x21: {  	s3 =	sadd.s32 s3, s9;
	s6 =	sadd.s32 @!p0 $0x88, s6;
	s7 =	simm.s32 @p2 $0x1082  }
0x22: {  	[simem:s7], [sflag:s8] =	dma.local @!p0 [hbm:s6], $0xF7A  }
0x23: {  	s9 =	sor.u32 $0xD0000000, s2;
	s6 =	simm.s32 $0x108;
	_ =	swait.ge @!p0 [sflag:s8], $0x0  }
0x24: {  	s3 =	sadd.s32 $0x88, s3;
	s6 =	simm.s32 @!p1 $0x1082;
	[sflag:s4] =	ssyncset.s32 $0xFFFFF086  }
0x25: {  	[simem:s6], [sflag:s4] =	dma.local [hbm:s3], $0xF7A  }
0x26: {  	[smem:$0x3F99] =	sst s1;
	(tag) =	ssettag s2;
	_ =	strace s9  }
0x27: {  	s1 =	sld [smem:$0x3FA9]  }
0x28: {  	s2 =	sld [smem:$0x3FAA]  }
0x29: {  	s4 =	sld [smem:$0x3FAC]  }
0x2a: {  	p0 =	seq.s32 s5, $0x0;
	s5 =	sld [smem:$0x3FAD]  }
0x2b: {  	s6 =	sld [smem:$0x3FAE]  }
0x2c: {  	s7 =	sld [smem:$0x3FAF]  }
0x2d: {  	s3 =	simm.s32 $0x108;
	s8 =	sld [smem:$0x3FB0]  }
0x2e: {  	s3 =	simm.s32 @!p0 $0x1082;
	s9 =	sld [smem:$0x3FB1]  }
0x2f: {  	lr =	sadd.s32 s0, s3;
	s0 =	sld [smem:$0x3FA8]  }
0x30: {  	s3 =	sld [smem:$0x3FAB]  }
0x31: {  	[smem:$0x3FB4] =	sst s10  }
0x32: {  	s10 =	sld [smem:$0x3FB2];
	_ =	sdelay $0x3  }
0x33: {  	p0 =	seq.s32 s10, $0x1;
	s10 =	sld [smem:$0x3FB4];
	_ =	sdelay $0x3  }
0x34: {  	[smem:$0x3FB4] =	sst s10  }
0x35: {  	s10 =	sld [smem:$0x3FB3];
	_ =	sdelay $0x3  }
0x36: {  	p1 =	seq.s32 s10, $0x1;
	s10 =	sld [smem:$0x3FB4];
	_ =	sdelay $0x3  }
0x37: {  	[smem:$0x3FB4] =	sst s10  }
0x38: {  	s10 =	sld [smem:$0x3FB5]  }
0x39: {  	_ = 	snop;
	(pc) =	sbr.ind lr, $3  }
0x3a: {  	_ = 	snop  }
0x3b: {  	_ = 	snop  }
0x3c: {  	p2 =	seq.s32 s10, $0x1;
	s10 =	sld [smem:$0x3FB4]  }
0x3d: {  	_ =	shalt  }
0x3e: {  	_ =	shalt  }
0x3f: {  	_ =	shalt  }
0x40: {  	_ =	shalt  }
0x41: {  	_ =	shalt  }
0x42: {  	_ =	shalt  }
0x43: {  	_ =	shalt  }
0x44: {  	_ =	shalt  }
0x45: {  	_ =	shalt  }
0x46: {  	_ =	shalt  }
0x47: {  	_ =	shalt  }
0x48: {  	_ =	shalt  }
0x49: {  	_ =	shalt  }
0x4a: {  	_ =	shalt  }
0x4b: {  	_ =	shalt  }
0x4c: {  	_ =	shalt  }
0x4d: {  	_ =	shalt  }
0x4e: {  	_ =	shalt  }
0x4f: {  	_ =	shalt  }
0x50: {  	_ =	shalt  }
0x51: {  	_ =	shalt  }
0x52: {  	_ =	shalt  }
0x53: {  	_ =	shalt  }
0x54: {  	_ =	shalt  }
0x55: {  	_ =	shalt  }
0x56: {  	_ =	shalt  }
0x57: {  	_ =	shalt  }
0x58: {  	_ =	shalt  }
0x59: {  	_ =	shalt  }
0x5a: {  	_ =	shalt  }
0x5b: {  	_ =	shalt  }
0x5c: {  	_ =	shalt  }
0x5d: {  	_ =	shalt  }
0x5e: {  	_ =	shalt  }
0x5f: {  	_ =	shalt  }
0x60: {  	_ =	shalt  }
0x61: {  	_ =	shalt  }
0x62: {  	_ =	shalt  }
0x63: {  	_ =	shalt  }
0x64: {  	_ =	shalt  }
0x65: {  	_ =	shalt  }
0x66: {  	_ =	shalt  }
0x67: {  	_ =	shalt  }
0x68: {  	_ =	shalt  }
0x69: {  	_ =	shalt  }
0x6a: {  	_ =	shalt  }
0x6b: {  	_ =	shalt  }
0x6c: {  	_ =	shalt  }
0x6d: {  	_ =	shalt  }
0x6e: {  	_ =	shalt  }
0x6f: {  	_ =	shalt  }
0x70: {  	_ =	shalt  }
0x71: {  	_ =	shalt  }
0x72: {  	_ =	shalt  }
0x73: {  	_ =	shalt  }
0x74: {  	_ =	shalt  }
0x75: {  	_ =	shalt  }
0x76: {  	_ =	shalt  }
0x77: {  	_ =	shalt  }
0x78: {  	_ =	shalt  }
0x79: {  	_ =	shalt  }
0x7a: {  	_ =	shalt  }
0x7b: {  	_ =	shalt  }
0x7c: {  	_ =	shalt  }
0x7d: {  	_ =	shalt  }
0x7e: {  	_ =	shalt  }
0x7f: {  	_ =	shalt  }
0x80: {  	_ =	shalt  }
0x81: {  	_ =	shalt  }
0x82: {  	_ =	shalt  }
0x83: {  	_ =	shalt  }
0x84: {  	_ =	shalt  }
0x85: {  	_ =	shalt  }
0x86: {  	_ =	shalt  }
0x87: {  	_ =	shalt  }
.Lfunc_end0:
.L_simem_size_0:
called_computation_lowered:
.L_overlay_start_0:
0x88: {  	s2 =	sld [smem:$0x3FD9]  }
0x89: {  	s3 =	sld [smem:$0x3FFE];
	_ =	sdelay $0x1  }
0x8a: {  	s1 =	srdreg.scid  }
0x8b: {  	s0 =	sand.u32 $0x1, s1  }
0x8c: {  	s17 =	sshll.u32 s0, $0xA;
	s2 =	sadd.s32 s3, s2  }
0x8d: {  	s2 =	sadd.s32 s2, s17  }
0x8e: {  	[smem:$0x3FC0] =	sst s2  }
0x8f: {  	_ = 	snop  }
0x90: {  	s2 =	sld [smem:$0x3FC9];
	(tm) =	ssettm $0x1  }
0x91: {  	s18 =	sld [smem:$0x3FFB];
	_ =	sdelay $0x3  }
0x92: {  	_ =	strace s18  }
0x93: {  	s3 =	sld [smem:$0x3FFC];
	_ =	sdelay $0x3  }
0x94: {  	_ =	strace s3  }
0x95: {  	s3 =	sld [smem:$0x3FFD];
	_ =	sdelay $0x3  }
0x96: {  	_ =	strace s3  }
0x97: {  	_ =	strace $0x8FFFFFFF  }
0x98: {  	s19 =	sld [smem:$0x3FDB];
	_ =	sdelay $0x1  }
0x99: {  	s4 =	simm.s32 $_scs_section_size  }
0x9a: {  	s5 =	simm.s32 $_size__tile_overlayer_lowered;
	s6 =	simm.s32 $_tile_overlayer_lowered  }
0x9b: {  	s22 =	simm.s32 $0x1BFF;
	s21 =	sshll.u32 s6, $0x1;
	s3 =	sadd.s32 s4, s19  }
0x9c: {  	s7 =	simm.s32 $0x0;
	s20 =	sshll.u32 s5, $0x1;
	s5 =	sadd.s32 s21, s3  }
0x9d: {  	[timem:s7], [sflag:s22] =	dma.local [hbm:s5], s20  }
0x9e: {  	_ =	swait.ge [sflag:s22], s20  }
0x9f: {  	s4 =	ssub.s32 $0x0, s20;
	[sflag:s22] =	ssyncset.done $0x0  }
0xa0: {  	[sflag:s22] =	ssyncadd.s32 s4;
	_ =	sdelay $0x1  }
0xa1: {  	s23 =	simm.s32 $0x1B8B  }
0xa2: {  	_ =	swait.ge [sflag:s23], $0x1  }
0xa3: {  	[sflag:s23] =	ssyncset.done $0x0  }
0xa4: {  	s25 =	simm.s32 $0x1B8E;
	s24 =	sld [smem:$0x3FFE];
	[sflag:s23] =	ssyncadd.s32 $0xFFFFFFFF  }
0xa5: {  	s26 =	simm.s32 $execute0_lowered;
	[smem:$0x3FD2] =	sst s25  }
0xa6: {  	s5 =	sshll.u32 s26, $0x1;
	_ =	strace $0x80000046;
	[dreg:$0x1] =	wrdreg $0xFFFFFFFF  }
0xa7: {  	s28 =	simm.s32 $_size_execute0_lowered;
	s3 =	sadd.s32 s3, s5;
	[dreg:$0x0] =	wrdreg $0x0  }
0xa8: {  	s5 =	sshll.u32 s28, $0x1;
	[dreg:$0x2] =	wrdreg s3  }
0xa9: {  	[dreg:$0x3] =	wrdreg s5  }
0xaa: {  	[dreg:$0x4] =	wrdreg $0xC0  }
0xab: {  	_ =	task [dreg:s7], $0x5FFFF  }
0xac: {  	[dreg:$0x1] =	wrdreg $0xFFFFFFFF  }
0xad: {  	[dreg:$0x0] =	wrdreg $0x60  }
0xae: {  	[dreg:$0x2] =	wrdreg s2  }
0xaf: {  	[dreg:$0x3] =	wrdreg s24  }
0xb0: {  	[dreg:$0x4] =	wrdreg $0x9  }
0xb1: {  	_ =	task.clear_ibuf [dreg:s7], $0x5FFFF;
	_ =	strace $0x90000046  }
0xb2: {  	s29 =	simm.s32 $0x9;
	_ =	strace $0x80000048  }
0xb3: {  	_ =	swait.ge [sflag:s29], $0x1  }
0xb4: {  	[sflag:s29] =	ssyncadd.s32 $0xFFFFFFFF  }
0xb5: {  	_ =	strace $0x90000048  }
0xb6: {  	_ =	sfence  }
0xb7: {  	s30 =	sld [smem:$0x0];
	_ =	sdelay $0x2  }
0xb8: {  	s31 =	sshll.u32 s1, $0xD;
	s1 =	sshrl.u32 s1, $0x2  }
0xb9: {  	s3 =	sand.u32 $0x4000, s31;
	s1 =	sadd.s32 s1, s30  }
0xba: {  	s0 =	sor.u32 s3, s0;
	s1 =	sshll.u32 s1, $0x11  }
0xbb: {  	s0 =	sor.u32 s1, s0  }
0xbc: {  	s0 =	sadd.s32 $0x8F2B, s0  }
0xbd: {  	[sflag:s0] =	ssyncadd.remote.s32 $0x1  }
0xbe: {  	_ =	sfence.sel $0xFFFF  }
0xbf: {  	[dreg:$0x0] =	wrdreg $0xFFFFFFFF;
	(pc) =	sbr.abs _section_cstart, $3  }
0xc0: {  	[dreg:$0x1] =	wrdreg $0xFFFFFFFF  }
0xc1: {  	_ =	task.clear_ibuf [dreg:s7], $0x2FFFF;
	_ =	strace $0x9FFFFFFF  }
0xc2: {  	(tm) =	ssettm $0x7FFFFFFF  }
0xc3: {  	_ =	shalt  }
tec
execute0_lowered:
.L_overlay_start_1:
0x0: {  	(tag) =	ssettag $0x1  }
0x1: {  	s1 =	rddreg [dreg:$0x0]  }
0x2: {  	s4 =	rddreg [dreg:$0x1]  }
0x3: {  	s0 =	rddreg [dreg:$0x2];
	s5 =	srdreg.scid  }
0x4: {  	s3 =	simm.s32 $0x0;
	s2 =	stileid.u32;
	s11 =	simm.s32 $0x0  }
0x5: {  	s5 =	sand.u32 $0x1, s5;
	[smem:$0x7FF] =	sst s3;
	s6 =	sshll.u32 s2, $0x8  }
0x6: {  	s8 =	sshll.u32 s2, $0xC;
	p0 =	slt.u32 s2, $0x8;
	s7 =	sshll.u32 s5, $0x7  }
0x7: {  	_ =	strace $0x80000047;
	s29 =	ssub.s32 $0x2, s5;
	s30 =	sadd.s32 s8, s4  }
0x8: {  	s31 =	sshll.u32 s5, $0xB;
	s6 =	sor.u32 s7, s6;
	s9 =	sshrl.u32 s29, $0x1  }
0x9: {  	s8 =	simm.s32 $0x2;
	s6 =	sshrl.u32 s6, $0x3;
	s7 =	ssub.s32 s29, s9  }
0xa: {  	s9 =	simm.s32 $0x80;
	s10 =	sadd.s32 s6, s4;
	s4 =	simm.s32 $0x3  }
0xb: {  	s5 =	smax.u32 s7, $0x1;
	s6 =	sadd.s32 s31, s30;
	s4 =	simm.s32 @!p0 $0x2  }
0xc: {  	s6 =	sadd.s32 $0x2E00, s6;
	s7 =	sadd.s32 $0x2800, s10;
	s10 =	simm.s32 $0x1  }
.LBB2_1:
0xd: {  	[tilespmem:s3], [sflag:$0x2] =	stream.linear.gather [hbm4b:s7+s3], $0x80, $0x38;
	[tilespmem:$0x4080] =	vst v63  }
0xe: {  	_ =	swait.ge [sflag:s8], $0x80  }
0xf: {  	[sflag:s8] =	ssyncset.done $0x0  }
0x10: {  	[sflag:s8] =	ssyncadd.s32 $0xFFFFFF80  }
0x11: {  	[tilespmem:s9], [sflag:$0x1] =	stream.indirect.gather [hbm4b:s1+s9], $0x80, s3, s9, $0xb8;
	[tilespmem:$0x4080] =	vst v63  }
0x12: {  	p0 =	sne.s32 s4, $0x1;
	_ =	swait.ge [sflag:s10], $0x4000  }
.Ltmp0:
0x13: {  	[sflag:s10] =	ssyncset.done $0x0;
	(pc) =	sbr.rel @!p0 .LBB2_3-.Ltmp0, $4  }
0x14: {  	[sflag:s10] =	ssyncadd.s32 $0xFFFFC000  }
0x15: {  	[hbm4b:s6+s3] =	stream.linear.scatter [tilespmem:s9], [sflag:$0x2], $0x4000, $0x38;
	[tilespmem:$0x4080] =	vst v63  }
0x16: {  	s12 =	sadd.s32 $0xFFFFFFFF, s4;
	_ =	swait.ge [sflag:s8], $0x4000  }
0x17: {  	s13 =	smov.u32 s6;
	s14 =	smov.u32 s7;
	[sflag:s8] =	ssyncset.done $0x0  }
.LBB2_2:
0x18: {  	[sflag:s8] =	ssyncadd.s32 $0xFFFFC000;
	s13 =	sadd.s32 $0x10000, s13;
	s14 =	sadd.s32 $0x200, s14  }
0x19: {  	[tilespmem:s3], [sflag:$0x2] =	stream.linear.gather [hbm4b:s14+s3], $0x80, $0x38;
	[tilespmem:$0x4080] =	vst v63  }
0x1a: {  	p0 =	sne.s32 s12, $0x1;
	s12 =	sadd.s32 $0xFFFFFFFF, s12;
	_ =	swait.ge [sflag:s8], $0x80  }
0x1b: {  	[sflag:s8] =	ssyncset.done $0x0  }
0x1c: {  	[sflag:s8] =	ssyncadd.s32 $0xFFFFFF80  }
0x1d: {  	[tilespmem:s9], [sflag:$0x1] =	stream.indirect.gather [hbm4b:s1+s9], $0x80, s3, s9, $0xb8;
	[tilespmem:$0x4080] =	vst v63  }
0x1e: {  	_ =	swait.ge [sflag:s10], $0x4000  }
.Ltmp1:
0x1f: {  	[sflag:s10] =	ssyncset.done $0x0;
	(pc) =	sbr.rel @p0 .LBB2_2-.Ltmp1, $4  }
0x20: {  	[sflag:s10] =	ssyncadd.s32 $0xFFFFC000  }
0x21: {  	[hbm4b:s13+s3] =	stream.linear.scatter [tilespmem:s9], [sflag:$0x2], $0x4000, $0x38;
	[tilespmem:$0x4080] =	vst v63  }
0x22: {  	_ =	swait.ge [sflag:s8], $0x4000  }
0x23: {  	[sflag:s8] =	ssyncset.done $0x0  }
.LBB2_3:
0x24: {  	s11 =	sadd.s32 $0x1, s11  }
0x25: {  	p0 =	sne.s32 s11, s5  }
.Ltmp2:
0x26: {  	_ = 	snop;
	(pc) =	sbr.rel @p0 .LBB2_1-.Ltmp2, $2  }
0x27: {  	_ =	sdelay $0x2  }
0x28: {  	[sflag:s8] =	ssyncadd.s32 $0xFFFFC000  }
0x29: {  	_ =	sfence.sel $0x180000  }
0x2a: {  	[bflag:$0x0] =	sbarrier.arrive $0xFFFF  }
0x2b: {  	p0 =	sne.s32 s2, $0x0;
	_ =	strace $0x90000047  }
0x2c: {  	s0 =	sadd.s32 @!p0 $0x100000, s0;
	[bflag:$0x2] =	sbarrier.arrive $0xFFFF  }
0x2d: {  	[sflag:s0] =	ssyncadd.tile.s32 @!p0 $0x1;
	_ =	shalt  }
.Lfunc_end2:
_tile_overlayer_lowered:
.L_overlay_start_2:
0x2e: {  	(tag) =	ssettag $0x2  }
0x2f: {  	s0 =	rddreg [dreg:$0x0];
	s2 =	stileid.u32  }
0x30: {  	s1 =	rddreg [dreg:$0x1];
	p0 =	sne.s32 s2, $0x0  }
0x31: {  	s3 =	rddreg [dreg:$0x2];
	[bflag:$0x3] =	sbarrier.arrive $0xFFFF;
	s2 =	simm.s32 @!p0 $0x1C02  }
0x32: {  	[timem:s3], [sflag:s2] =	dma.local @!p0 [hbm:s0], s1  }
0x33: {  	s0 =	simm.s32 @!p0 $0x2  }
0x34: {  	_ =	swait.ge @!p0 [sflag:s0], s1  }
0x35: {  	s1 =	ssub.s32 @!p0 $0x0, s1;
	[sflag:s0] =	ssyncset.done @!p0 $0x0  }
0x36: {  	[sflag:s0] =	ssyncadd.s32 @!p0 s1  }
0x37: {  	[bflag:$0x3] =	sbarrier.arrive $0xFFFF  }
0x38: {  	_ =	shalt  }

// kernel: kernel.15.cloned.1.call-start
scs
__scs_entry_jumppad:
0x0: {  	(pc) =	sbr.rel $0x88, $3  }
0x1: {  	(tag) =	ssettag $0x0;
	lr =	simm.s32 $0x1  }
0x2: {  	[smem:$0x3F99] =	sst lr;
	_ =	strace $0xD0000000  }
0x3: {  	_ = 	snop  }
0x4: {  	_ = 	snop  }
0x5: {  	_ = 	snop  }
0x6: {  	_ = 	snop  }
0x7: {  	_ = 	snop  }
__scs_overlays_trampoline_lowered:
0x8: {  	[smem:$0x3FA8] =	sst s0  }
0x9: {  	[smem:$0x3FA9] =	sst s1  }
0xa: {  	[smem:$0x3FAA] =	sst s2  }
0xb: {  	[smem:$0x3FAB] =	sst s3  }
0xc: {  	[smem:$0x3FAC] =	sst s4  }
0xd: {  	[smem:$0x3FAD] =	sst s5  }
0xe: {  	[smem:$0x3FAE] =	sst s6  }
0xf: {  	[smem:$0x3FAF] =	sst s7  }
0x10: {  	[smem:$0x3FB0] =	sst s8  }
0x11: {  	[smem:$0x3FB1] =	sst s9;
	s0 =	simm.s32 @!p0 $0x0  }
0x12: {  	s1 =	sld [smem:$0x3F97];
	s0 =	simm.s32 @p0 $0x1  }
0x13: {  	[smem:$0x3FB2] =	sst s0;
	s0 =	simm.s32 @!p1 $0x0  }
0x14: {  	s2 =	sld [smem:$0x3F96];
	s0 =	simm.s32 @p1 $0x1  }
0x15: {  	[smem:$0x3FB3] =	sst s0;
	s0 =	simm.s32 @!p2 $0x0  }
0x16: {  	s3 =	sld [smem:$0x3FDB];
	s0 =	simm.s32 @p2 $0x1  }
0x17: {  	s4 =	simm.s32 $0x1BF5;
	[smem:$0x3FB5] =	sst s0  }
0x18: {  	s0 =	sld [smem:$0x3F98];
	_ =	swait.ge [sflag:s4], $0x0  }
0x19: {  	s7 =	sld [smem:$0x3F99]  }
0x1a: {  	s8 =	sadd.s32 $0xFFFFE003, lr  }
0x1b: {  	s9 =	sadd.s32 $0xFFFFFEF7, lr;
	s5 =	simm.s32 $0xFFFFFFFF;
	p2 =	slt.u32 s8, $0xFFFFF086  }
0x1c: {  	p1 =	slt.u32 s9, $0xF7A;
	s5 =	simm.s32 @!p2 $0x0  }
0x1d: {  	s5 =	simm.s32 @p1 $0x1;
	p0 =	seq.s32 s7, s2  }
0x1e: {  	s7 =	smul.u32 @!p0 $0xF7A, s2;
	p2 =	seq.s32 @!p0 s5, $0x0  }
0x1f: {  	s9 =	smul.u32 $0xF7A, s1;
	s8 =	simm.s32 @!p0 $0x1BF5;
	p2 =	por !p2, p0  }
0x20: {  	[sflag:s8] =	ssyncset.s32 @!p0 $0xFFFFF086;
	s6 =	sadd.s32 @!p0 s3, s7;
	s7 =	simm.s32 @!p0 $0x108  }
0x21: {  	s3 =	sadd.s32 s3, s9;
	s6 =	sadd.s32 @!p0 $0x88, s6;
	s7 =	simm.s32 @p2 $0x1082  }
0x22: {  	[simem:s7], [sflag:s8] =	dma.local @!p0 [hbm:s6], $0xF7A  }
0x23: {  	s9 =	sor.u32 $0xD0000000, s2;
	s6 =	simm.s32 $0x108;
	_ =	swait.ge @!p0 [sflag:s8], $0x0  }
0x24: {  	s3 =	sadd.s32 $0x88, s3;
	s6 =	simm.s32 @!p1 $0x1082;
	[sflag:s4] =	ssyncset.s32 $0xFFFFF086  }
0x25: {  	[simem:s6], [sflag:s4] =	dma.local [hbm:s3], $0xF7A  }
0x26: {  	[smem:$0x3F99] =	sst s1;
	(tag) =	ssettag s2;
	_ =	strace s9  }
0x27: {  	s1 =	sld [smem:$0x3FA9]  }
0x28: {  	s2 =	sld [smem:$0x3FAA]  }
0x29: {  	s4 =	sld [smem:$0x3FAC]  }
0x2a: {  	p0 =	seq.s32 s5, $0x0;
	s5 =	sld [smem:$0x3FAD]  }
0x2b: {  	s6 =	sld [smem:$0x3FAE]  }
0x2c: {  	s7 =	sld [smem:$0x3FAF]  }
0x2d: {  	s3 =	simm.s32 $0x108;
	s8 =	sld [smem:$0x3FB0]  }
0x2e: {  	s3 =	simm.s32 @!p0 $0x1082;
	s9 =	sld [smem:$0x3FB1]  }
0x2f: {  	lr =	sadd.s32 s0, s3;
	s0 =	sld [smem:$0x3FA8]  }
0x30: {  	s3 =	sld [smem:$0x3FAB]  }
0x31: {  	[smem:$0x3FB4] =	sst s10  }
0x32: {  	s10 =	sld [smem:$0x3FB2];
	_ =	sdelay $0x3  }
0x33: {  	p0 =	seq.s32 s10, $0x1;
	s10 =	sld [smem:$0x3FB4];
	_ =	sdelay $0x3  }
0x34: {  	[smem:$0x3FB4] =	sst s10  }
0x35: {  	s10 =	sld [smem:$0x3FB3];
	_ =	sdelay $0x3  }
0x36: {  	p1 =	seq.s32 s10, $0x1;
	s10 =	sld [smem:$0x3FB4];
	_ =	sdelay $0x3  }
0x37: {  	[smem:$0x3FB4] =	sst s10  }
0x38: {  	s10 =	sld [smem:$0x3FB5]  }
0x39: {  	_ = 	snop;
	(pc) =	sbr.ind lr, $3  }
0x3a: {  	_ = 	snop  }
0x3b: {  	_ = 	snop  }
0x3c: {  	p2 =	seq.s32 s10, $0x1;
	s10 =	sld [smem:$0x3FB4]  }
0x3d: {  	_ =	shalt  }
0x3e: {  	_ =	shalt  }
0x3f: {  	_ =	shalt  }
0x40: {  	_ =	shalt  }
0x41: {  	_ =	shalt  }
0x42: {  	_ =	shalt  }
0x43: {  	_ =	shalt  }
0x44: {  	_ =	shalt  }
0x45: {  	_ =	shalt  }
0x46: {  	_ =	shalt  }
0x47: {  	_ =	shalt  }
0x48: {  	_ =	shalt  }
0x49: {  	_ =	shalt  }
0x4a: {  	_ =	shalt  }
0x4b: {  	_ =	shalt  }
0x4c: {  	_ =	shalt  }
0x4d: {  	_ =	shalt  }
0x4e: {  	_ =	shalt  }
0x4f: {  	_ =	shalt  }
0x50: {  	_ =	shalt  }
0x51: {  	_ =	shalt  }
0x52: {  	_ =	shalt  }
0x53: {  	_ =	shalt  }
0x54: {  	_ =	shalt  }
0x55: {  	_ =	shalt  }
0x56: {  	_ =	shalt  }
0x57: {  	_ =	shalt  }
0x58: {  	_ =	shalt  }
0x59: {  	_ =	shalt  }
0x5a: {  	_ =	shalt  }
0x5b: {  	_ =	shalt  }
0x5c: {  	_ =	shalt  }
0x5d: {  	_ =	shalt  }
0x5e: {  	_ =	shalt  }
0x5f: {  	_ =	shalt  }
0x60: {  	_ =	shalt  }
0x61: {  	_ =	shalt  }
0x62: {  	_ =	shalt  }
0x63: {  	_ =	shalt  }
0x64: {  	_ =	shalt  }
0x65: {  	_ =	shalt  }
0x66: {  	_ =	shalt  }
0x67: {  	_ =	shalt  }
0x68: {  	_ =	shalt  }
0x69: {  	_ =	shalt  }
0x6a: {  	_ =	shalt  }
0x6b: {  	_ =	shalt  }
0x6c: {  	_ =	shalt  }
0x6d: {  	_ =	shalt  }
0x6e: {  	_ =	shalt  }
0x6f: {  	_ =	shalt  }
0x70: {  	_ =	shalt  }
0x71: {  	_ =	shalt  }
0x72: {  	_ =	shalt  }
0x73: {  	_ =	shalt  }
0x74: {  	_ =	shalt  }
0x75: {  	_ =	shalt  }
0x76: {  	_ =	shalt  }
0x77: {  	_ =	shalt  }
0x78: {  	_ =	shalt  }
0x79: {  	_ =	shalt  }
0x7a: {  	_ =	shalt  }
0x7b: {  	_ =	shalt  }
0x7c: {  	_ =	shalt  }
0x7d: {  	_ =	shalt  }
0x7e: {  	_ =	shalt  }
0x7f: {  	_ =	shalt  }
0x80: {  	_ =	shalt  }
0x81: {  	_ =	shalt  }
0x82: {  	_ =	shalt  }
0x83: {  	_ =	shalt  }
0x84: {  	_ =	shalt  }
0x85: {  	_ =	shalt  }
0x86: {  	_ =	shalt  }
0x87: {  	_ =	shalt  }
.Lfunc_end0:
.L_simem_size_0:
called_computation.1_lowered:
.L_overlay_start_0:
0x88: {  	s2 =	sld [smem:$0x3FD9]  }
0x89: {  	s3 =	sld [smem:$0x3FFE];
	_ =	sdelay $0x1  }
0x8a: {  	s1 =	srdreg.scid  }
0x8b: {  	s0 =	sand.u32 $0x1, s1  }
0x8c: {  	s17 =	sshll.u32 s0, $0xA;
	s2 =	sadd.s32 s3, s2  }
0x8d: {  	s2 =	sadd.s32 s2, s17  }
0x8e: {  	[smem:$0x3FC0] =	sst s2  }
0x8f: {  	_ = 	snop  }
0x90: {  	s2 =	sld [smem:$0x3FC8]  }
0x91: {  	s18 =	sld [smem:$0x3FC3]  }
0x92: {  	s4 =	sld [smem:$0x3FD0];
	(tm) =	ssettm $0x1  }
0x93: {  	s5 =	sld [smem:$0x3FFB];
	_ =	sdelay $0x3  }
0x94: {  	_ =	strace s5  }
0x95: {  	s5 =	sld [smem:$0x3FFC];
	_ =	sdelay $0x3  }
0x96: {  	_ =	strace s5  }
0x97: {  	s5 =	sld [smem:$0x3FFD];
	_ =	sdelay $0x3  }
0x98: {  	_ =	strace s5  }
0x99: {  	_ =	strace $0x8FFFFFFF  }
0x9a: {  	s19 =	sld [smem:$0x3FDB];
	_ =	sdelay $0x1  }
0x9b: {  	s6 =	simm.s32 $_scs_section_size  }
0x9c: {  	s7 =	simm.s32 $_size__tile_overlayer_lowered;
	s8 =	simm.s32 $_tile_overlayer_lowered  }
0x9d: {  	s22 =	simm.s32 $0x1BFF;
	s21 =	sshll.u32 s8, $0x1;
	s5 =	sadd.s32 s6, s19  }
0x9e: {  	s9 =	simm.s32 $0x0;
	s20 =	sshll.u32 s7, $0x1;
	s7 =	sadd.s32 s21, s5  }
0x9f: {  	[timem:s9], [sflag:s22] =	dma.local [hbm:s7], s20  }
0xa0: {  	_ =	swait.ge [sflag:s22], s20  }
0xa1: {  	s6 =	ssub.s32 $0x0, s20;
	[sflag:s22] =	ssyncset.done $0x0  }
0xa2: {  	[sflag:s22] =	ssyncadd.s32 s6;
	_ =	sdelay $0x1  }
0xa3: {  	s23 =	simm.s32 $0x1B8B  }
0xa4: {  	_ =	swait.ge [sflag:s23], $0x1  }
0xa5: {  	[sflag:s23] =	ssyncset.done $0x0  }
0xa6: {  	s25 =	simm.s32 $0x1B8E;
	s24 =	sld [smem:$0x3FFE];
	[sflag:s23] =	ssyncadd.s32 $0xFFFFFFFF  }
0xa7: {  	s26 =	simm.s32 $execute0_lowered;
	[smem:$0x3FD2] =	sst s25  }
0xa8: {  	s7 =	sshll.u32 s26, $0x1;
	_ =	strace $0x80000049;
	[dreg:$0x1] =	wrdreg $0xFFFFFFFF  }
0xa9: {  	s28 =	simm.s32 $_size_execute0_lowered;
	s5 =	sadd.s32 s5, s7;
	[dreg:$0x0] =	wrdreg $0x0  }
0xaa: {  	s7 =	sshll.u32 s28, $0x1;
	[dreg:$0x2] =	wrdreg s5  }
0xab: {  	[dreg:$0x3] =	wrdreg s7  }
0xac: {  	[dreg:$0x4] =	wrdreg $0xC0  }
0xad: {  	_ =	task [dreg:s9], $0x5FFFF  }
0xae: {  	[dreg:$0x1] =	wrdreg $0xFFFFFFFF  }
0xaf: {  	[dreg:$0x0] =	wrdreg $0x60  }
0xb0: {  	[dreg:$0x2] =	wrdreg s24  }
0xb1: {  	[dreg:$0x3] =	wrdreg s4  }
0xb2: {  	[dreg:$0x4] =	wrdreg s18  }
0xb3: {  	[dreg:$0x5] =	wrdreg s2  }
0xb4: {  	[dreg:$0x6] =	wrdreg $0x81800  }
0xb5: {  	[dreg:$0x7] =	wrdreg $0x9  }
0xb6: {  	_ =	task.clear_ibuf [dreg:s9], $0x8FFFF;
	_ =	strace $0x90000049  }
0xb7: {  	s29 =	simm.s32 $0x9;
	_ =	strace $0x8000004B  }
0xb8: {  	_ =	swait.ge [sflag:s29], $0x1  }
0xb9: {  	[sflag:s29] =	ssyncadd.s32 $0xFFFFFFFF  }
0xba: {  	_ =	strace $0x9000004B  }
0xbb: {  	_ =	sfence  }
0xbc: {  	s30 =	sld [smem:$0x0];
	_ =	sdelay $0x2  }
0xbd: {  	s31 =	sshll.u32 s1, $0xD;
	s1 =	sshrl.u32 s1, $0x2  }
0xbe: {  	s3 =	sand.u32 $0x4000, s31;
	s1 =	sadd.s32 s1, s30  }
0xbf: {  	s0 =	sor.u32 s3, s0;
	s1 =	sshll.u32 s1, $0x11  }
0xc0: {  	s0 =	sor.u32 s1, s0  }
0xc1: {  	s0 =	sadd.s32 $0x8F2B, s0  }
0xc2: {  	[sflag:s0] =	ssyncadd.remote.s32 $0x1  }
0xc3: {  	_ =	sfence.sel $0xFFFF  }
0xc4: {  	[dreg:$0x0] =	wrdreg $0xFFFFFFFF;
	(pc) =	sbr.abs _section_cstart, $3  }
0xc5: {  	[dreg:$0x1] =	wrdreg $0xFFFFFFFF  }
0xc6: {  	_ =	task.clear_ibuf [dreg:s9], $0x2FFFF;
	_ =	strace $0x9FFFFFFF  }
0xc7: {  	(tm) =	ssettm $0x7FFFFFFF  }
tec
execute0_lowered:
.L_overlay_start_1:
0x0: {  	(tag) =	ssettag $0x1  }
0x1: {  	s0 =	rddreg [dreg:$0x0]  }
0x2: {  	s1 =	rddreg [dreg:$0x1]  }
0x3: {  	s2 =	rddreg [dreg:$0x2]  }
0x4: {  	s3 =	rddreg [dreg:$0x3]  }
0x5: {  	s4 =	rddreg [dreg:$0x4];
	s5 =	srdreg.scid  }
0x6: {  	s6 =	simm.s32 $0x0;
	s26 =	stileid.u32;
	s15 =	simm.s32 $0x4F  }
0x7: {  	s19 =	simm.s32 $0x180;
	s20 =	simm.s32 $0x3;
	s21 =	simm.s32 $0x100  }
0x8: {  	s22 =	simm.s32 $0x80;
	s23 =	simm.s32 $0x4180;
	s24 =	simm.s32 $0x1  }
0x9: {  	s29 =	simm.s32 $0x0;
	s16 =	sand.u32 $0x1, s5;
	s11 =	smul.u32 $0x14000, s26  }
0xa: {  	[smem:$0x7FF] =	sst s6;
	s7 =	sadd.s32 $0x2E00, s0;
	s12 =	smul.u32 $0x50000, s26  }
0xb: {  	s8 =	sadd.s32 $0x2AE00, s0;
	s9 =	sadd.s32 $0x34C00, s0;
	p0 =	slt.u32 s26, $0x2  }
0xc: {  	s17 =	sshll.u32 s26, $0x8;
	s31 =	sshll.u32 s26, $0x6;
	s26 =	simm.s32 $0x2  }
0xd: {  	s10 =	smul.u32 $0x140000, s16;
	_ =	strace $0x8000004A;
	s30 =	ssub.s32 $0x2, s16  }
0xe: {  	s16 =	sshll.u32 s16, $0x7;
	s15 =	simm.s32 @!p0 $0x4E;
	s25 =	sor.u32 $0x1C03, s31  }
0xf: {  	s12 =	sshrl.u32 s12, $0x2;
	s13 =	sshrl.u32 s30, $0x1;
	s10 =	sadd.s32 s11, s10  }
0x10: {  	s16 =	sor.u32 s16, s17;
	s18 =	ssub.s32 s30, s13;
	s10 =	sshrl.u32 s10, $0x3  }
0x11: {  	s18 =	smax.u32 s18, $0x1;
	s0 =	sadd.s32 s10, s0;
	s10 =	sadd.s32 s12, s4  }
0x12: {  	s11 =	sadd.s32 $0x4000, s10;
	s12 =	sadd.s32 $0x8000, s10;
	s13 =	sadd.s32 $0xC000, s10  }
0x13: {  	s14 =	sadd.s32 $0x10000, s10;
	s17 =	sadd.s32 $0x35400, s0;
	s28 =	sshrl.u32 s10, $0x3  }
.LBB2_1:
0x14: {  	[tilespmem:s19], [sflag:$0x3] =	stream.linear.gather [hbm4b:s9+s6], $0x4000, $0x38;
	[tilespmem:$0x1C180] =	vst v63  }
0x15: {  	_ =	swait.ge [sflag:s20], $0x4000  }
0x16: {  	[sflag:s20] =	ssyncset.done $0x0  }
0x17: {  	[sflag:s20] =	ssyncadd.s32 $0xFFFFC000  }
0x18: {  	[spmem:s10] =	stream.linear.scatter [tilespmem:s19], [sflag:$0x3], $0x4000, $0x38;
	[tilespmem:$0x1C180] =	vst v63  }
0x19: {  	_ =	swait.ge [sflag:s20], $0x4000  }
0x1a: {  	[sflag:s20] =	ssyncset.done $0x0  }
0x1b: {  	[sflag:s20] =	ssyncadd.s32 $0xFFFFC000  }
0x1c: {  	[spmem:s11] =	stream.linear.scatter [tilespmem:s19], [sflag:$0x3], $0x4000, $0x38;
	[tilespmem:$0x1C180] =	vst v63  }
0x1d: {  	_ =	swait.ge [sflag:s20], $0x4000  }
0x1e: {  	[sflag:s20] =	ssyncset.done $0x0  }
0x1f: {  	[sflag:s20] =	ssyncadd.s32 $0xFFFFC000  }
0x20: {  	[spmem:s12] =	stream.linear.scatter [tilespmem:s19], [sflag:$0x3], $0x4000, $0x38;
	[tilespmem:$0x1C180] =	vst v63  }
0x21: {  	_ =	swait.ge [sflag:s20], $0x4000  }
0x22: {  	[sflag:s20] =	ssyncset.done $0x0  }
0x23: {  	[sflag:s20] =	ssyncadd.s32 $0xFFFFC000  }
0x24: {  	[spmem:s13] =	stream.linear.scatter [tilespmem:s19], [sflag:$0x3], $0x4000, $0x38;
	[tilespmem:$0x1C180] =	vst v63  }
0x25: {  	_ =	swait.ge [sflag:s20], $0x4000  }
0x26: {  	[sflag:s20] =	ssyncset.done $0x0  }
0x27: {  	[sflag:s20] =	ssyncadd.s32 $0xFFFFC000  }
0x28: {  	[spmem:s14] =	stream.linear.scatter [tilespmem:s19], [sflag:$0x3], $0x4000, $0x38;
	[tilespmem:$0x1C180] =	vst v63  }
0x29: {  	_ =	swait.ge [sflag:s20], $0x4000  }
0x2a: {  	[sflag:s20] =	ssyncset.done $0x0  }
0x2b: {  	[sflag:s20] =	ssyncadd.s32 $0xFFFFC000  }
0x2c: {  	s30 =	simm.s32 $0x0;
	[bflag:$0x0] =	sbarrier.arrive $0xFFFF  }
.LBB2_2:
0x2d: {  	s0 =	sshll.u32 s30, $0xC  }
0x2e: {  	s0 =	sor.u32 s16, s0  }
0x2f: {  	s0 =	sshrl.u32 s0, $0x3  }
0x30: {  	s5 =	simm.s32 $0x0;
	s31 =	sadd.s32 s8, s0  }
0x31: {  	[tilespmem:s5], [sflag:$0x3] =	stream.linear.gather [hbm4b:s31+s5], $0x80, $0x38;
	[tilespmem:$0x1C180] =	vst v63  }
0x32: {  	_ =	swait.ge [sflag:s20], $0x80  }
0x33: {  	[sflag:s20] =	ssyncset.done $0x0  }
0x34: {  	s31 =	sadd.s32 s2, s0;
	[sflag:s20] =	ssyncadd.s32 $0xFFFFFF80  }
0x35: {  	[tilespmem:s21], [sflag:$0x3] =	stream.linear.gather [hbm4b:s31+s5], $0x80, $0x38;
	[tilespmem:$0x1C180] =	vst v63  }
0x36: {  	_ =	swait.ge [sflag:s20], $0x80  }
0x37: {  	[sflag:s20] =	ssyncset.done $0x0  }
0x38: {  	s0 =	sadd.s32 s1, s0;
	[sflag:s20] =	ssyncadd.s32 $0xFFFFFF80  }
0x39: {  	[tilespmem:s22], [sflag:$0x3] =	stream.linear.gather [hbm4b:s0+s5], $0x80, $0x38;
	[tilespmem:$0x1C180] =	vst v63  }
0x3a: {  	_ =	swait.ge [sflag:s20], $0x80  }
0x3b: {  	[sflag:s20] =	ssyncset.done $0x0  }
0x3c: {  	[sflag:s20] =	ssyncadd.s32 $0xFFFFFF80  }
0x3d: {  	[tilespmem:s19], [sflag:$0x1] =	stream.indirect.gather [hbm4b:s7+s22], $0x80, s5, s22, $0xb8;
	[tilespmem:$0x1C180] =	vst v63  }
0x3e: {  	_ = 	snop  }
0x3f: {  	[tilespmem:s23], [sflag:$0x2] =	stream.indirect.gather [hbm4b:s3+s22], $0x80, s21, s22, $0xb8;
	[tilespmem:$0x1C180] =	vst v63  }
0x40: {  	_ =	swait.ge [sflag:s24], $0x4000  }
0x41: {  	[sflag:s24] =	ssyncset.done $0x0  }
0x42: {  	[sflag:s24] =	ssyncadd.s32 $0xFFFFC000  }
0x43: {  	_ =	swait.ge [sflag:s26], $0x4000  }
0x44: {  	[sflag:s26] =	ssyncset.done $0x0  }
0x45: {  	s31 =	simm.s32 $0x0;
	[sflag:s26] =	ssyncadd.s32 $0xFFFFC000  }
0x46: {  	v7 =	vld [tilespmem:s31+$0x4180]  }
0x47: {  	v11 =	vld [tilespmem:s31+$0x4190]  }
0x48: {  	v5 =	vld [tilespmem:s31+$0x41A0]  }
0x49: {  	v4 =	vld [tilespmem:s31+$0x41B0]  }
0x4a: {  	v3 =	vld [tilespmem:s31+$0x41C0]  }
0x4b: {  	v2 =	vld [tilespmem:s31+$0x41D0]  }
0x4c: {  	v1 =	vld [tilespmem:s31+$0x41E0]  }
0x4d: {  	v0 =	vld [tilespmem:s31+$0x41F0]  }
0x4e: {  	v12 =	vld [tilespmem:s31+$0x180]  }
0x4f: {  	v13 =	vld [tilespmem:s31+$0x190]  }
0x50: {  	v10 =	vld [tilespmem:s31+$0x1A0]  }
0x51: {  	v9 =	vld [tilespmem:s31+$0x1B0]  }
0x52: {  	v8 =	vld [tilespmem:s31+$0x1C0]  }
0x53: {  	v6 =	vld [tilespmem:s31+$0x1D0];
	v12 =	vmul.f32 v7, v12  }
0x54: {  	s0 =	simm.s32 $0x200;
	v11 =	vmul.f32 v11, v13;
	v7 =	vld [tilespmem:s31+$0x1E0]  }
.LBB2_3:
0x55: {  	s5 =	sshra.s32 s0, $0x2;
	p0 =	sne.s32 s0, $0xFE00;
	[tilespmem:s31+$0x180] =	vst v12;
	v5 =	vmul.f32 v5, v10;
	v10 =	vld [tilespmem:s31+$0x1F0]  }
0x56: {  	v12 =	vld [tilespmem:s5+$0x4180];
	[tilespmem:s31+$0x190] =	vst v11;
	v4 =	vmul.f32 v4, v9  }
0x57: {  	v11 =	vld [tilespmem:s5+$0x4190];
	[tilespmem:s31+$0x1A0] =	vst v5;
	v3 =	vmul.f32 v3, v8  }
0x58: {  	v5 =	vld [tilespmem:s5+$0x41A0];
	[tilespmem:s31+$0x1B0] =	vst v4;
	v2 =	vmul.f32 v2, v6  }
0x59: {  	v4 =	vld [tilespmem:s5+$0x41B0];
	[tilespmem:s31+$0x1C0] =	vst v3;
	v1 =	vmul.f32 v1, v7  }
0x5a: {  	v3 =	vld [tilespmem:s5+$0x41C0];
	[tilespmem:s31+$0x1D0] =	vst v2;
	v0 =	vmul.f32 v0, v10  }
0x5b: {  	v2 =	vld [tilespmem:s5+$0x41D0];
	[tilespmem:s31+$0x1E0] =	vst v1  }
0x5c: {  	v1 =	vld [tilespmem:s5+$0x41E0];
	[tilespmem:s31+$0x1F0] =	vst v0;
	s31 =	smov.u32 s5  }
0x5d: {  	v0 =	vld [tilespmem:s31+$0x41F0]  }
0x5e: {  	v6 =	vld [tilespmem:s31+$0x180]  }
0x5f: {  	v7 =	vld [tilespmem:s31+$0x190]  }
.Ltmp0:
0x60: {  	v10 =	vld [tilespmem:s31+$0x1A0];
	(pc) =	sbr.rel @p0 .LBB2_3-.Ltmp0, $4  }
0x61: {  	v9 =	vld [tilespmem:s31+$0x1B0]  }
0x62: {  	v8 =	vld [tilespmem:s31+$0x1C0]  }
0x63: {  	v12 =	vmul.f32 v12, v6;
	v6 =	vld [tilespmem:s31+$0x1D0]  }
0x64: {  	s0 =	sadd.s32 $0x200, s0;
	v11 =	vmul.f32 v11, v7;
	v7 =	vld [tilespmem:s31+$0x1E0]  }
0x65: {  	[tilespmem:s31+$0x180] =	vst v12;
	v5 =	vmul.f32 v5, v10;
	v63 =	vld [tilespmem:s31+$0x1F0]  }
0x66: {  	[tilespmem:s31+$0x190] =	vst v11;
	v4 =	vmul.f32 v4, v9  }
0x67: {  	[tilespmem:s31+$0x1A0] =	vst v5;
	v3 =	vmul.f32 v3, v8  }
0x68: {  	[tilespmem:s31+$0x1B0] =	vst v4;
	v2 =	vmul.f32 v2, v6  }
0x69: {  	[tilespmem:s31+$0x1C0] =	vst v3;
	v1 =	vmul.f32 v1, v7  }
0x6a: {  	s30 =	sadd.s32 $0x1, s30;
	[tilespmem:s31+$0x1D0] =	vst v2;
	v0 =	vmul.f32 v0, v63  }
0x6b: {  	p0 =	sne.s32 s30, s15;
	[tilespmem:s31+$0x1E0] =	vst v1  }
.Ltmp1:
0x6c: {  	[tilespmem:s31+$0x1F0] =	vst v0;
	(pc) =	sbr.rel @p0 .LBB2_2-.Ltmp1, $4  }
0x6d: {  	[spmem:s4] =	stream.indirect.scatter.add.f32 [tilespmem:s19], [sflag:$0x3], $0x80, s22, s22, $0xb8;
	[tilespmem:$0x1C180] =	vst v63  }
0x6e: {  	_ =	swait.ge [sflag:s20], $0x4000  }
0x6f: {  	[sflag:s20] =	ssyncset.done $0x0  }
0x70: {  	[sflag:s20] =	ssyncadd.s32 $0xFFFFC000  }
0x71: {  	s29 =	sadd.s32 $0x1, s29  }
0x72: {  	p0 =	sne.s32 s29, s18  }
.Ltmp2:
0x73: {  	[bflag:$0x0] =	sbarrier.arrive $0xFFFF;
	(pc) =	sbr.rel @p0 .LBB2_1-.Ltmp2, $4  }
0x74: {  	[hbm:s17], [sflag:s25] =	dma.local [spmem:s28], $0x2800  }
0x75: {  	_ =	swait.ge [sflag:s20], $0x2800  }
0x76: {  	[sflag:s20] =	ssyncset.done $0x0  }
0x77: {  	[sflag:s20] =	ssyncadd.s32 $0xFFFFD800  }
0x78: {  	_ =	sfence.sel $0x180000  }
0x79: {  	[bflag:$0x0] =	sbarrier.arrive $0xFFFF  }
0x7a: {  	_ =	strace $0x9000004A  }
0x7b: {  	s0 =	stileid.u32;
	[bflag:$0x2] =	sbarrier.arrive $0xFFFF  }
0x7c: {  	p0 =	sne.s32 s0, $0x0;
	s0 =	rddreg [dreg:$0x5]  }
0x7d: {  	s0 =	sadd.s32 @!p0 $0x100000, s0  }
0x7e: {  	[sflag:s0] =	ssyncadd.tile.s32 @!p0 $0x1;
	_ =	shalt  }
.Lfunc_end2:
_tile_overlayer_lowered:
.L_overlay_start_2:
0x7f: {  	(tag) =	ssettag $0x2  }
0x80: {  	s0 =	rddreg [dreg:$0x0];
	s2 =	stileid.u32  }
0x81: {  	s1 =	rddreg [dreg:$0x1];
	p0 =	sne.s32 s2, $0x0  }
0x82: {  	s3 =	rddreg [dreg:$0x2];
	[bflag:$0x3] =	sbarrier.arrive $0xFFFF;
	s2 =	simm.s32 @!p0 $0x1C03  }
0x83: {  	[timem:s3], [sflag:s2] =	dma.local @!p0 [hbm:s0], s1  }
0x84: {  	s0 =	simm.s32 @!p0 $0x3  }
0x85: {  	_ =	swait.ge @!p0 [sflag:s0], s1  }
0x86: {  	s1 =	ssub.s32 @!p0 $0x0, s1;
	[sflag:s0] =	ssyncset.done @!p0 $0x0  }
0x87: {  	[sflag:s0] =	ssyncadd.s32 @!p0 s1  }
0x88: {  	[bflag:$0x3] =	sbarrier.arrive $0xFFFF  }
0x89: {  	_ =	shalt  }

// kernel: kernel.18.cloned.1.call-start
scs
__scs_entry_jumppad:
0x0: {  	(pc) =	sbr.rel $0x88, $3  }
0x1: {  	(tag) =	ssettag $0x0;
	lr =	simm.s32 $0x1  }
0x2: {  	[smem:$0x3F99] =	sst lr;
	_ =	strace $0xD0000000  }
0x3: {  	_ = 	snop  }
0x4: {  	_ = 	snop  }
0x5: {  	_ = 	snop  }
0x6: {  	_ = 	snop  }
0x7: {  	_ = 	snop  }
__scs_overlays_trampoline_lowered:
0x8: {  	[smem:$0x3FA8] =	sst s0  }
0x9: {  	[smem:$0x3FA9] =	sst s1  }
0xa: {  	[smem:$0x3FAA] =	sst s2  }
0xb: {  	[smem:$0x3FAB] =	sst s3  }
0xc: {  	[smem:$0x3FAC] =	sst s4  }
0xd: {  	[smem:$0x3FAD] =	sst s5  }
0xe: {  	[smem:$0x3FAE] =	sst s6  }
0xf: {  	[smem:$0x3FAF] =	sst s7  }
0x10: {  	[smem:$0x3FB0] =	sst s8  }
0x11: {  	[smem:$0x3FB1] =	sst s9;
	s0 =	simm.s32 @!p0 $0x0  }
0x12: {  	s1 =	sld [smem:$0x3F97];
	s0 =	simm.s32 @p0 $0x1  }
0x13: {  	[smem:$0x3FB2] =	sst s0;
	s0 =	simm.s32 @!p1 $0x0  }
0x14: {  	s2 =	sld [smem:$0x3F96];
	s0 =	simm.s32 @p1 $0x1  }
0x15: {  	[smem:$0x3FB3] =	sst s0;
	s0 =	simm.s32 @!p2 $0x0  }
0x16: {  	s3 =	sld [smem:$0x3FDB];
	s0 =	simm.s32 @p2 $0x1  }
0x17: {  	s4 =	simm.s32 $0x1BF5;
	[smem:$0x3FB5] =	sst s0  }
0x18: {  	s0 =	sld [smem:$0x3F98];
	_ =	swait.ge [sflag:s4], $0x0  }
0x19: {  	s7 =	sld [smem:$0x3F99]  }
0x1a: {  	s8 =	sadd.s32 $0xFFFFE003, lr  }
0x1b: {  	s9 =	sadd.s32 $0xFFFFFEF7, lr;
	s5 =	simm.s32 $0xFFFFFFFF;
	p2 =	slt.u32 s8, $0xFFFFF086  }
0x1c: {  	p1 =	slt.u32 s9, $0xF7A;
	s5 =	simm.s32 @!p2 $0x0  }
0x1d: {  	s5 =	simm.s32 @p1 $0x1;
	p0 =	seq.s32 s7, s2  }
0x1e: {  	s7 =	smul.u32 @!p0 $0xF7A, s2;
	p2 =	seq.s32 @!p0 s5, $0x0  }
0x1f: {  	s9 =	smul.u32 $0xF7A, s1;
	s8 =	simm.s32 @!p0 $0x1BF5;
	p2 =	por !p2, p0  }
0x20: {  	[sflag:s8] =	ssyncset.s32 @!p0 $0xFFFFF086;
	s6 =	sadd.s32 @!p0 s3, s7;
	s7 =	simm.s32 @!p0 $0x108  }
0x21: {  	s3 =	sadd.s32 s3, s9;
	s6 =	sadd.s32 @!p0 $0x88, s6;
	s7 =	simm.s32 @p2 $0x1082  }
0x22: {  	[simem:s7], [sflag:s8] =	dma.local @!p0 [hbm:s6], $0xF7A  }
0x23: {  	s9 =	sor.u32 $0xD0000000, s2;
	s6 =	simm.s32 $0x108;
	_ =	swait.ge @!p0 [sflag:s8], $0x0  }
0x24: {  	s3 =	sadd.s32 $0x88, s3;
	s6 =	simm.s32 @!p1 $0x1082;
	[sflag:s4] =	ssyncset.s32 $0xFFFFF086  }
0x25: {  	[simem:s6], [sflag:s4] =	dma.local [hbm:s3], $0xF7A  }
0x26: {  	[smem:$0x3F99] =	sst s1;
	(tag) =	ssettag s2;
	_ =	strace s9  }
0x27: {  	s1 =	sld [smem:$0x3FA9]  }
0x28: {  	s2 =	sld [smem:$0x3FAA]  }
0x29: {  	s4 =	sld [smem:$0x3FAC]  }
0x2a: {  	p0 =	seq.s32 s5, $0x0;
	s5 =	sld [smem:$0x3FAD]  }
0x2b: {  	s6 =	sld [smem:$0x3FAE]  }
0x2c: {  	s7 =	sld [smem:$0x3FAF]  }
0x2d: {  	s3 =	simm.s32 $0x108;
	s8 =	sld [smem:$0x3FB0]  }
0x2e: {  	s3 =	simm.s32 @!p0 $0x1082;
	s9 =	sld [smem:$0x3FB1]  }
0x2f: {  	lr =	sadd.s32 s0, s3;
	s0 =	sld [smem:$0x3FA8]  }
0x30: {  	s3 =	sld [smem:$0x3FAB]  }
0x31: {  	[smem:$0x3FB4] =	sst s10  }
0x32: {  	s10 =	sld [smem:$0x3FB2];
	_ =	sdelay $0x3  }
0x33: {  	p0 =	seq.s32 s10, $0x1;
	s10 =	sld [smem:$0x3FB4];
	_ =	sdelay $0x3  }
0x34: {  	[smem:$0x3FB4] =	sst s10  }
0x35: {  	s10 =	sld [smem:$0x3FB3];
	_ =	sdelay $0x3  }
0x36: {  	p1 =	seq.s32 s10, $0x1;
	s10 =	sld [smem:$0x3FB4];
	_ =	sdelay $0x3  }
0x37: {  	[smem:$0x3FB4] =	sst s10  }
0x38: {  	s10 =	sld [smem:$0x3FB5]  }
0x39: {  	_ = 	snop;
	(pc) =	sbr.ind lr, $3  }
0x3a: {  	_ = 	snop  }
0x3b: {  	_ = 	snop  }
0x3c: {  	p2 =	seq.s32 s10, $0x1;
	s10 =	sld [smem:$0x3FB4]  }
0x3d: {  	_ =	shalt  }
0x3e: {  	_ =	shalt  }
0x3f: {  	_ =	shalt  }
0x40: {  	_ =	shalt  }
0x41: {  	_ =	shalt  }
0x42: {  	_ =	shalt  }
0x43: {  	_ =	shalt  }
0x44: {  	_ =	shalt  }
0x45: {  	_ =	shalt  }
0x46: {  	_ =	shalt  }
0x47: {  	_ =	shalt  }
0x48: {  	_ =	shalt  }
0x49: {  	_ =	shalt  }
0x4a: {  	_ =	shalt  }
0x4b: {  	_ =	shalt  }
0x4c: {  	_ =	shalt  }
0x4d: {  	_ =	shalt  }
0x4e: {  	_ =	shalt  }
0x4f: {  	_ =	shalt  }
0x50: {  	_ =	shalt  }
0x51: {  	_ =	shalt  }
0x52: {  	_ =	shalt  }
0x53: {  	_ =	shalt  }
0x54: {  	_ =	shalt  }
0x55: {  	_ =	shalt  }
0x56: {  	_ =	shalt  }
0x57: {  	_ =	shalt  }
0x58: {  	_ =	shalt  }
0x59: {  	_ =	shalt  }
0x5a: {  	_ =	shalt  }
0x5b: {  	_ =	shalt  }
0x5c: {  	_ =	shalt  }
0x5d: {  	_ =	shalt  }
0x5e: {  	_ =	shalt  }
0x5f: {  	_ =	shalt  }
0x60: {  	_ =	shalt  }
0x61: {  	_ =	shalt  }
0x62: {  	_ =	shalt  }
0x63: {  	_ =	shalt  }
0x64: {  	_ =	shalt  }
0x65: {  	_ =	shalt  }
0x66: {  	_ =	shalt  }
0x67: {  	_ =	shalt  }
0x68: {  	_ =	shalt  }
0x69: {  	_ =	shalt  }
0x6a: {  	_ =	shalt  }
0x6b: {  	_ =	shalt  }
0x6c: {  	_ =	shalt  }
0x6d: {  	_ =	shalt  }
0x6e: {  	_ =	shalt  }
0x6f: {  	_ =	shalt  }
0x70: {  	_ =	shalt  }
0x71: {  	_ =	shalt  }
0x72: {  	_ =	shalt  }
0x73: {  	_ =	shalt  }
0x74: {  	_ =	shalt  }
0x75: {  	_ =	shalt  }
0x76: {  	_ =	shalt  }
0x77: {  	_ =	shalt  }
0x78: {  	_ =	shalt  }
0x79: {  	_ =	shalt  }
0x7a: {  	_ =	shalt  }
0x7b: {  	_ =	shalt  }
0x7c: {  	_ =	shalt  }
0x7d: {  	_ =	shalt  }
0x7e: {  	_ =	shalt  }
0x7f: {  	_ =	shalt  }
0x80: {  	_ =	shalt  }
0x81: {  	_ =	shalt  }
0x82: {  	_ =	shalt  }
0x83: {  	_ =	shalt  }
0x84: {  	_ =	shalt  }
0x85: {  	_ =	shalt  }
0x86: {  	_ =	shalt  }
0x87: {  	_ =	shalt  }
.Lfunc_end0:
.L_simem_size_0:
called_computation.2_lowered:
.L_overlay_start_0:
0x88: {  	s2 =	sld [smem:$0x3FD9]  }
0x89: {  	s3 =	sld [smem:$0x3FFE];
	_ =	sdelay $0x1  }
0x8a: {  	s1 =	srdreg.scid  }
0x8b: {  	s0 =	sand.u32 $0x1, s1  }
0x8c: {  	s17 =	sshll.u32 s0, $0xA;
	s2 =	sadd.s32 s3, s2  }
0x8d: {  	s2 =	sadd.s32 s2, s17  }
0x8e: {  	[smem:$0x3FC0] =	sst s2  }
0x8f: {  	_ = 	snop  }
0x90: {  	s2 =	sld [smem:$0x3FC8]  }
0x91: {  	s18 =	sld [smem:$0x3FC3]  }
0x92: {  	s4 =	sld [smem:$0x3FD0];
	(tm) =	ssettm $0x1  }
0x93: {  	s5 =	sld [smem:$0x3FFB];
	_ =	sdelay $0x3  }
0x94: {  	_ =	strace s5  }
0x95: {  	s5 =	sld [smem:$0x3FFC];
	_ =	sdelay $0x3  }
0x96: {  	_ =	strace s5  }
0x97: {  	s5 =	sld [smem:$0x3FFD];
	_ =	sdelay $0x3  }
0x98: {  	_ =	strace s5  }
0x99: {  	_ =	strace $0x8FFFFFFF  }
0x9a: {  	s19 =	sld [smem:$0x3FDB];
	_ =	sdelay $0x1  }
0x9b: {  	s6 =	simm.s32 $_scs_section_size  }
0x9c: {  	s7 =	simm.s32 $_size__tile_overlayer_lowered;
	s8 =	simm.s32 $_tile_overlayer_lowered  }
0x9d: {  	s22 =	simm.s32 $0x1BFF;
	s21 =	sshll.u32 s8, $0x1;
	s5 =	sadd.s32 s6, s19  }
0x9e: {  	s9 =	simm.s32 $0x0;
	s20 =	sshll.u32 s7, $0x1;
	s7 =	sadd.s32 s21, s5  }
0x9f: {  	[timem:s9], [sflag:s22] =	dma.local [hbm:s7], s20  }
0xa0: {  	_ =	swait.ge [sflag:s22], s20  }
0xa1: {  	s6 =	ssub.s32 $0x0, s20;
	[sflag:s22] =	ssyncset.done $0x0  }
0xa2: {  	[sflag:s22] =	ssyncadd.s32 s6;
	_ =	sdelay $0x1  }
0xa3: {  	s23 =	simm.s32 $0x1B8B  }
0xa4: {  	_ =	swait.ge [sflag:s23], $0x1  }
0xa5: {  	[sflag:s23] =	ssyncset.done $0x0  }
0xa6: {  	s25 =	simm.s32 $0x1B8E;
	s24 =	sld [smem:$0x3FFE];
	[sflag:s23] =	ssyncadd.s32 $0xFFFFFFFF  }
0xa7: {  	s26 =	simm.s32 $execute0_lowered;
	[smem:$0x3FD2] =	sst s25  }
0xa8: {  	s7 =	sshll.u32 s26, $0x1;
	_ =	strace $0x8000004C;
	[dreg:$0x1] =	wrdreg $0xFFFFFFFF  }
0xa9: {  	s28 =	simm.s32 $_size_execute0_lowered;
	s5 =	sadd.s32 s5, s7;
	[dreg:$0x0] =	wrdreg $0x0  }
0xaa: {  	s7 =	sshll.u32 s28, $0x1;
	[dreg:$0x2] =	wrdreg s5  }
0xab: {  	[dreg:$0x3] =	wrdreg s7  }
0xac: {  	[dreg:$0x4] =	wrdreg $0xC0  }
0xad: {  	_ =	task [dreg:s9], $0x5FFFF  }
0xae: {  	[dreg:$0x1] =	wrdreg $0xFFFFFFFF  }
0xaf: {  	[dreg:$0x0] =	wrdreg $0x60  }
0xb0: {  	[dreg:$0x2] =	wrdreg s24  }
0xb1: {  	[dreg:$0x3] =	wrdreg s4  }
0xb2: {  	[dreg:$0x4] =	wrdreg s18  }
0xb3: {  	[dreg:$0x5] =	wrdreg s2  }
0xb4: {  	[dreg:$0x6] =	wrdreg $0x81800  }
0xb5: {  	[dreg:$0x7] =	wrdreg $0x9  }
0xb6: {  	_ =	task.clear_ibuf [dreg:s9], $0x8FFFF;
	_ =	strace $0x9000004C  }
0xb7: {  	s29 =	simm.s32 $0x9;
	_ =	strace $0x8000004E  }
0xb8: {  	_ =	swait.ge [sflag:s29], $0x1  }
0xb9: {  	[sflag:s29] =	ssyncadd.s32 $0xFFFFFFFF  }
0xba: {  	_ =	strace $0x9000004E  }
0xbb: {  	_ =	sfence  }
0xbc: {  	s30 =	sld [smem:$0x0];
	_ =	sdelay $0x2  }
0xbd: {  	s31 =	sshll.u32 s1, $0xD;
	s1 =	sshrl.u32 s1, $0x2  }
0xbe: {  	s3 =	sand.u32 $0x4000, s31;
	s1 =	sadd.s32 s1, s30  }
0xbf: {  	s0 =	sor.u32 s3, s0;
	s1 =	sshll.u32 s1, $0x11  }
0xc0: {  	s0 =	sor.u32 s1, s0  }
0xc1: {  	s0 =	sadd.s32 $0x8F2B, s0  }
0xc2: {  	[sflag:s0] =	ssyncadd.remote.s32 $0x1  }
0xc3: {  	_ =	sfence.sel $0xFFFF  }
0xc4: {  	[dreg:$0x0] =	wrdreg $0xFFFFFFFF;
	(pc) =	sbr.abs _section_cstart, $3  }
0xc5: {  	[dreg:$0x1] =	wrdreg $0xFFFFFFFF  }
0xc6: {  	_ =	task.clear_ibuf [dreg:s9], $0x2FFFF;
	_ =	strace $0x9FFFFFFF  }
0xc7: {  	(tm) =	ssettm $0x7FFFFFFF  }
tec
execute0_lowered:
.L_overlay_start_1:
0x0: {  	(tag) =	ssettag $0x1  }
0x1: {  	s0 =	rddreg [dreg:$0x0]  }
0x2: {  	s1 =	rddreg [dreg:$0x1]  }
0x3: {  	s2 =	rddreg [dreg:$0x2]  }
0x4: {  	s3 =	rddreg [dreg:$0x3]  }
0x5: {  	s4 =	rddreg [dreg:$0x4];
	s5 =	srdreg.scid  }
0x6: {  	s6 =	simm.s32 $0x0;
	s26 =	stileid.u32;
	s15 =	simm.s32 $0x4F  }
0x7: {  	s19 =	simm.s32 $0x180;
	s20 =	simm.s32 $0x3;
	s21 =	simm.s32 $0x100  }
0x8: {  	s22 =	simm.s32 $0x80;
	s23 =	simm.s32 $0x4180;
	s24 =	simm.s32 $0x1  }
0x9: {  	s29 =	simm.s32 $0x0;
	s16 =	sand.u32 $0x1, s5;
	s11 =	smul.u32 $0x14000, s26  }
0xa: {  	[smem:$0x7FF] =	sst s6;
	s7 =	sadd.s32 $0x2800, s0;
	s12 =	smul.u32 $0x50000, s26  }
0xb: {  	s8 =	sadd.s32 $0x2AE00, s0;
	s9 =	sadd.s32 $0x34C00, s0;
	p0 =	slt.u32 s26, $0x2  }
0xc: {  	s17 =	sshll.u32 s26, $0x8;
	s31 =	sshll.u32 s26, $0x6;
	s26 =	simm.s32 $0x2  }
0xd: {  	s10 =	smul.u32 $0x140000, s16;
	_ =	strace $0x8000004D;
	s30 =	ssub.s32 $0x2, s16  }
0xe: {  	s16 =	sshll.u32 s16, $0x7;
	s15 =	simm.s32 @!p0 $0x4E;
	s25 =	sor.u32 $0x1C03, s31  }
0xf: {  	s12 =	sshrl.u32 s12, $0x2;
	s13 =	sshrl.u32 s30, $0x1;
	s10 =	sadd.s32 s11, s10  }
0x10: {  	s16 =	sor.u32 s16, s17;
	s18 =	ssub.s32 s30, s13;
	s10 =	sshrl.u32 s10, $0x3  }
0x11: {  	s18 =	smax.u32 s18, $0x1;
	s0 =	sadd.s32 s10, s0;
	s10 =	sadd.s32 s12, s4  }
0x12: {  	s11 =	sadd.s32 $0x4000, s10;
	s12 =	sadd.s32 $0x8000, s10;
	s13 =	sadd.s32 $0xC000, s10  }
0x13: {  	s14 =	sadd.s32 $0x10000, s10;
	s17 =	sadd.s32 $0x35400, s0;
	s28 =	sshrl.u32 s10, $0x3  }
.LBB2_1:
0x14: {  	[tilespmem:s19], [sflag:$0x3] =	stream.linear.gather [hbm4b:s9+s6], $0x4000, $0x38;
	[tilespmem:$0x1C180] =	vst v63  }
0x15: {  	_ =	swait.ge [sflag:s20], $0x4000  }
0x16: {  	[sflag:s20] =	ssyncset.done $0x0  }
0x17: {  	[sflag:s20] =	ssyncadd.s32 $0xFFFFC000  }
0x18: {  	[spmem:s10] =	stream.linear.scatter [tilespmem:s19], [sflag:$0x3], $0x4000, $0x38;
	[tilespmem:$0x1C180] =	vst v63  }
0x19: {  	_ =	swait.ge [sflag:s20], $0x4000  }
0x1a: {  	[sflag:s20] =	ssyncset.done $0x0  }
0x1b: {  	[sflag:s20] =	ssyncadd.s32 $0xFFFFC000  }
0x1c: {  	[spmem:s11] =	stream.linear.scatter [tilespmem:s19], [sflag:$0x3], $0x4000, $0x38;
	[tilespmem:$0x1C180] =	vst v63  }
0x1d: {  	_ =	swait.ge [sflag:s20], $0x4000  }
0x1e: {  	[sflag:s20] =	ssyncset.done $0x0  }
0x1f: {  	[sflag:s20] =	ssyncadd.s32 $0xFFFFC000  }
0x20: {  	[spmem:s12] =	stream.linear.scatter [tilespmem:s19], [sflag:$0x3], $0x4000, $0x38;
	[tilespmem:$0x1C180] =	vst v63  }
0x21: {  	_ =	swait.ge [sflag:s20], $0x4000  }
0x22: {  	[sflag:s20] =	ssyncset.done $0x0  }
0x23: {  	[sflag:s20] =	ssyncadd.s32 $0xFFFFC000  }
0x24: {  	[spmem:s13] =	stream.linear.scatter [tilespmem:s19], [sflag:$0x3], $0x4000, $0x38;
	[tilespmem:$0x1C180] =	vst v63  }
0x25: {  	_ =	swait.ge [sflag:s20], $0x4000  }
0x26: {  	[sflag:s20] =	ssyncset.done $0x0  }
0x27: {  	[sflag:s20] =	ssyncadd.s32 $0xFFFFC000  }
0x28: {  	[spmem:s14] =	stream.linear.scatter [tilespmem:s19], [sflag:$0x3], $0x4000, $0x38;
	[tilespmem:$0x1C180] =	vst v63  }
0x29: {  	_ =	swait.ge [sflag:s20], $0x4000  }
0x2a: {  	[sflag:s20] =	ssyncset.done $0x0  }
0x2b: {  	[sflag:s20] =	ssyncadd.s32 $0xFFFFC000  }
0x2c: {  	s30 =	simm.s32 $0x0;
	[bflag:$0x0] =	sbarrier.arrive $0xFFFF  }
.LBB2_2:
0x2d: {  	s0 =	sshll.u32 s30, $0xC  }
0x2e: {  	s0 =	sor.u32 s16, s0  }
0x2f: {  	s0 =	sshrl.u32 s0, $0x3  }
0x30: {  	s5 =	simm.s32 $0x0;
	s31 =	sadd.s32 s8, s0  }
0x31: {  	[tilespmem:s5], [sflag:$0x3] =	stream.linear.gather [hbm4b:s31+s5], $0x80, $0x38;
	[tilespmem:$0x1C180] =	vst v63  }
0x32: {  	_ =	swait.ge [sflag:s20], $0x80  }
0x33: {  	[sflag:s20] =	ssyncset.done $0x0  }
0x34: {  	s31 =	sadd.s32 s2, s0;
	[sflag:s20] =	ssyncadd.s32 $0xFFFFFF80  }
0x35: {  	[tilespmem:s21], [sflag:$0x3] =	stream.linear.gather [hbm4b:s31+s5], $0x80, $0x38;
	[tilespmem:$0x1C180] =	vst v63  }
0x36: {  	_ =	swait.ge [sflag:s20], $0x80  }
0x37: {  	[sflag:s20] =	ssyncset.done $0x0  }
0x38: {  	s0 =	sadd.s32 s1, s0;
	[sflag:s20] =	ssyncadd.s32 $0xFFFFFF80  }
0x39: {  	[tilespmem:s22], [sflag:$0x3] =	stream.linear.gather [hbm4b:s0+s5], $0x80, $0x38;
	[tilespmem:$0x1C180] =	vst v63  }
0x3a: {  	_ =	swait.ge [sflag:s20], $0x80  }
0x3b: {  	[sflag:s20] =	ssyncset.done $0x0  }
0x3c: {  	[sflag:s20] =	ssyncadd.s32 $0xFFFFFF80  }
0x3d: {  	[tilespmem:s19], [sflag:$0x1] =	stream.indirect.gather [hbm4b:s7+s22], $0x80, s5, s22, $0xb8;
	[tilespmem:$0x1C180] =	vst v63  }
0x3e: {  	_ = 	snop  }
0x3f: {  	[tilespmem:s23], [sflag:$0x2] =	stream.indirect.gather [hbm4b:s3+s22], $0x80, s21, s22, $0xb8;
	[tilespmem:$0x1C180] =	vst v63  }
0x40: {  	_ =	swait.ge [sflag:s24], $0x4000  }
0x41: {  	[sflag:s24] =	ssyncset.done $0x0  }
0x42: {  	[sflag:s24] =	ssyncadd.s32 $0xFFFFC000  }
0x43: {  	_ =	swait.ge [sflag:s26], $0x4000  }
0x44: {  	[sflag:s26] =	ssyncset.done $0x0  }
0x45: {  	s31 =	simm.s32 $0x0;
	[sflag:s26] =	ssyncadd.s32 $0xFFFFC000  }
0x46: {  	v7 =	vld [tilespmem:s31+$0x4180]  }
0x47: {  	v11 =	vld [tilespmem:s31+$0x4190]  }
0x48: {  	v5 =	vld [tilespmem:s31+$0x41A0]  }
0x49: {  	v4 =	vld [tilespmem:s31+$0x41B0]  }
0x4a: {  	v3 =	vld [tilespmem:s31+$0x41C0]  }
0x4b: {  	v2 =	vld [tilespmem:s31+$0x41D0]  }
0x4c: {  	v1 =	vld [tilespmem:s31+$0x41E0]  }
0x4d: {  	v0 =	vld [tilespmem:s31+$0x41F0]  }
0x4e: {  	v12 =	vld [tilespmem:s31+$0x180]  }
0x4f: {  	v13 =	vld [tilespmem:s31+$0x190]  }
0x50: {  	v10 =	vld [tilespmem:s31+$0x1A0]  }
0x51: {  	v9 =	vld [tilespmem:s31+$0x1B0]  }
0x52: {  	v8 =	vld [tilespmem:s31+$0x1C0]  }
0x53: {  	v6 =	vld [tilespmem:s31+$0x1D0];
	v12 =	vmul.f32 v7, v12  }
0x54: {  	s0 =	simm.s32 $0x200;
	v11 =	vmul.f32 v11, v13;
	v7 =	vld [tilespmem:s31+$0x1E0]  }
.LBB2_3:
0x55: {  	s5 =	sshra.s32 s0, $0x2;
	p0 =	sne.s32 s0, $0xFE00;
	[tilespmem:s31+$0x180] =	vst v12;
	v5 =	vmul.f32 v5, v10;
	v10 =	vld [tilespmem:s31+$0x1F0]  }
0x56: {  	v12 =	vld [tilespmem:s5+$0x4180];
	[tilespmem:s31+$0x190] =	vst v11;
	v4 =	vmul.f32 v4, v9  }
0x57: {  	v11 =	vld [tilespmem:s5+$0x4190];
	[tilespmem:s31+$0x1A0] =	vst v5;
	v3 =	vmul.f32 v3, v8  }
0x58: {  	v5 =	vld [tilespmem:s5+$0x41A0];
	[tilespmem:s31+$0x1B0] =	vst v4;
	v2 =	vmul.f32 v2, v6  }
0x59: {  	v4 =	vld [tilespmem:s5+$0x41B0];
	[tilespmem:s31+$0x1C0] =	vst v3;
	v1 =	vmul.f32 v1, v7  }
0x5a: {  	v3 =	vld [tilespmem:s5+$0x41C0];
	[tilespmem:s31+$0x1D0] =	vst v2;
	v0 =	vmul.f32 v0, v10  }
0x5b: {  	v2 =	vld [tilespmem:s5+$0x41D0];
	[tilespmem:s31+$0x1E0] =	vst v1  }
0x5c: {  	v1 =	vld [tilespmem:s5+$0x41E0];
	[tilespmem:s31+$0x1F0] =	vst v0;
	s31 =	smov.u32 s5  }
0x5d: {  	v0 =	vld [tilespmem:s31+$0x41F0]  }
0x5e: {  	v6 =	vld [tilespmem:s31+$0x180]  }
0x5f: {  	v7 =	vld [tilespmem:s31+$0x190]  }
.Ltmp0:
0x60: {  	v10 =	vld [tilespmem:s31+$0x1A0];
	(pc) =	sbr.rel @p0 .LBB2_3-.Ltmp0, $4  }
0x61: {  	v9 =	vld [tilespmem:s31+$0x1B0]  }
0x62: {  	v8 =	vld [tilespmem:s31+$0x1C0]  }
0x63: {  	v12 =	vmul.f32 v12, v6;
	v6 =	vld [tilespmem:s31+$0x1D0]  }
0x64: {  	s0 =	sadd.s32 $0x200, s0;
	v11 =	vmul.f32 v11, v7;
	v7 =	vld [tilespmem:s31+$0x1E0]  }
0x65: {  	[tilespmem:s31+$0x180] =	vst v12;
	v5 =	vmul.f32 v5, v10;
	v63 =	vld [tilespmem:s31+$0x1F0]  }
0x66: {  	[tilespmem:s31+$0x190] =	vst v11;
	v4 =	vmul.f32 v4, v9  }
0x67: {  	[tilespmem:s31+$0x1A0] =	vst v5;
	v3 =	vmul.f32 v3, v8  }
0x68: {  	[tilespmem:s31+$0x1B0] =	vst v4;
	v2 =	vmul.f32 v2, v6  }
0x69: {  	[tilespmem:s31+$0x1C0] =	vst v3;
	v1 =	vmul.f32 v1, v7  }
0x6a: {  	s30 =	sadd.s32 $0x1, s30;
	[tilespmem:s31+$0x1D0] =	vst v2;
	v0 =	vmul.f32 v0, v63  }
0x6b: {  	p0 =	sne.s32 s30, s15;
	[tilespmem:s31+$0x1E0] =	vst v1  }
.Ltmp1:
0x6c: {  	[tilespmem:s31+$0x1F0] =	vst v0;
	(pc) =	sbr.rel @p0 .LBB2_2-.Ltmp1, $4  }
0x6d: {  	[spmem:s4] =	stream.indirect.scatter.add.f32 [tilespmem:s19], [sflag:$0x3], $0x80, s22, s22, $0xb8;
	[tilespmem:$0x1C180] =	vst v63  }
0x6e: {  	_ =	swait.ge [sflag:s20], $0x4000  }
0x6f: {  	[sflag:s20] =	ssyncset.done $0x0  }
0x70: {  	[sflag:s20] =	ssyncadd.s32 $0xFFFFC000  }
0x71: {  	s29 =	sadd.s32 $0x1, s29  }
0x72: {  	p0 =	sne.s32 s29, s18  }
.Ltmp2:
0x73: {  	[bflag:$0x0] =	sbarrier.arrive $0xFFFF;
	(pc) =	sbr.rel @p0 .LBB2_1-.Ltmp2, $4  }
0x74: {  	[hbm:s17], [sflag:s25] =	dma.local [spmem:s28], $0x2800  }
0x75: {  	_ =	swait.ge [sflag:s20], $0x2800  }
0x76: {  	[sflag:s20] =	ssyncset.done $0x0  }
0x77: {  	[sflag:s20] =	ssyncadd.s32 $0xFFFFD800  }
0x78: {  	_ =	sfence.sel $0x180000  }
0x79: {  	[bflag:$0x0] =	sbarrier.arrive $0xFFFF  }
0x7a: {  	_ =	strace $0x9000004D  }
0x7b: {  	s0 =	stileid.u32;
	[bflag:$0x2] =	sbarrier.arrive $0xFFFF  }
0x7c: {  	p0 =	sne.s32 s0, $0x0;
	s0 =	rddreg [dreg:$0x5]  }
0x7d: {  	s0 =	sadd.s32 @!p0 $0x100000, s0  }
0x7e: {  	[sflag:s0] =	ssyncadd.tile.s32 @!p0 $0x1;
	_ =	shalt  }
.Lfunc_end2:
_tile_overlayer_lowered:
.L_overlay_start_2:
0x7f: {  	(tag) =	ssettag $0x2  }
0x80: {  	s0 =	rddreg [dreg:$0x0];
	s2 =	stileid.u32  }
0x81: {  	s1 =	rddreg [dreg:$0x1];
	p0 =	sne.s32 s2, $0x0  }
0x82: {  	s3 =	rddreg [dreg:$0x2];
	[bflag:$0x3] =	sbarrier.arrive $0xFFFF;
	s2 =	simm.s32 @!p0 $0x1C03  }
0x83: {  	[timem:s3], [sflag:s2] =	dma.local @!p0 [hbm:s0], s1  }
0x84: {  	s0 =	simm.s32 @!p0 $0x3  }
0x85: {  	_ =	swait.ge @!p0 [sflag:s0], s1  }
0x86: {  	s1 =	ssub.s32 @!p0 $0x0, s1;
	[sflag:s0] =	ssyncset.done @!p0 $0x0  }
0x87: {  	[sflag:s0] =	ssyncadd.s32 @!p0 s1  }
0x88: {  	[bflag:$0x3] =	sbarrier.arrive $0xFFFF  }
0x89: {  	_ =	shalt  }

// kernel: kernel.21.cloned.1.call-start
scs
__scs_entry_jumppad:
0x0: {  	(pc) =	sbr.rel $0x88, $3  }
0x1: {  	(tag) =	ssettag $0x0;
	lr =	simm.s32 $0x1  }
0x2: {  	[smem:$0x3F99] =	sst lr;
	_ =	strace $0xD0000000  }
0x3: {  	_ = 	snop  }
0x4: {  	_ = 	snop  }
0x5: {  	_ = 	snop  }
0x6: {  	_ = 	snop  }
0x7: {  	_ = 	snop  }
__scs_overlays_trampoline_lowered:
0x8: {  	[smem:$0x3FA8] =	sst s0  }
0x9: {  	[smem:$0x3FA9] =	sst s1  }
0xa: {  	[smem:$0x3FAA] =	sst s2  }
0xb: {  	[smem:$0x3FAB] =	sst s3  }
0xc: {  	[smem:$0x3FAC] =	sst s4  }
0xd: {  	[smem:$0x3FAD] =	sst s5  }
0xe: {  	[smem:$0x3FAE] =	sst s6  }
0xf: {  	[smem:$0x3FAF] =	sst s7  }
0x10: {  	[smem:$0x3FB0] =	sst s8  }
0x11: {  	[smem:$0x3FB1] =	sst s9;
	s0 =	simm.s32 @!p0 $0x0  }
0x12: {  	s1 =	sld [smem:$0x3F97];
	s0 =	simm.s32 @p0 $0x1  }
0x13: {  	[smem:$0x3FB2] =	sst s0;
	s0 =	simm.s32 @!p1 $0x0  }
0x14: {  	s2 =	sld [smem:$0x3F96];
	s0 =	simm.s32 @p1 $0x1  }
0x15: {  	[smem:$0x3FB3] =	sst s0;
	s0 =	simm.s32 @!p2 $0x0  }
0x16: {  	s3 =	sld [smem:$0x3FDB];
	s0 =	simm.s32 @p2 $0x1  }
0x17: {  	s4 =	simm.s32 $0x1BF5;
	[smem:$0x3FB5] =	sst s0  }
0x18: {  	s0 =	sld [smem:$0x3F98];
	_ =	swait.ge [sflag:s4], $0x0  }
0x19: {  	s7 =	sld [smem:$0x3F99]  }
0x1a: {  	s8 =	sadd.s32 $0xFFFFE003, lr  }
0x1b: {  	s9 =	sadd.s32 $0xFFFFFEF7, lr;
	s5 =	simm.s32 $0xFFFFFFFF;
	p2 =	slt.u32 s8, $0xFFFFF086  }
0x1c: {  	p1 =	slt.u32 s9, $0xF7A;
	s5 =	simm.s32 @!p2 $0x0  }
0x1d: {  	s5 =	simm.s32 @p1 $0x1;
	p0 =	seq.s32 s7, s2  }
0x1e: {  	s7 =	smul.u32 @!p0 $0xF7A, s2;
	p2 =	seq.s32 @!p0 s5, $0x0  }
0x1f: {  	s9 =	smul.u32 $0xF7A, s1;
	s8 =	simm.s32 @!p0 $0x1BF5;
	p2 =	por !p2, p0  }
0x20: {  	[sflag:s8] =	ssyncset.s32 @!p0 $0xFFFFF086;
	s6 =	sadd.s32 @!p0 s3, s7;
	s7 =	simm.s32 @!p0 $0x108  }
0x21: {  	s3 =	sadd.s32 s3, s9;
	s6 =	sadd.s32 @!p0 $0x88, s6;
	s7 =	simm.s32 @p2 $0x1082  }
0x22: {  	[simem:s7], [sflag:s8] =	dma.local @!p0 [hbm:s6], $0xF7A  }
0x23: {  	s9 =	sor.u32 $0xD0000000, s2;
	s6 =	simm.s32 $0x108;
	_ =	swait.ge @!p0 [sflag:s8], $0x0  }
0x24: {  	s3 =	sadd.s32 $0x88, s3;
	s6 =	simm.s32 @!p1 $0x1082;
	[sflag:s4] =	ssyncset.s32 $0xFFFFF086  }
0x25: {  	[simem:s6], [sflag:s4] =	dma.local [hbm:s3], $0xF7A  }
0x26: {  	[smem:$0x3F99] =	sst s1;
	(tag) =	ssettag s2;
	_ =	strace s9  }
0x27: {  	s1 =	sld [smem:$0x3FA9]  }
0x28: {  	s2 =	sld [smem:$0x3FAA]  }
0x29: {  	s4 =	sld [smem:$0x3FAC]  }
0x2a: {  	p0 =	seq.s32 s5, $0x0;
	s5 =	sld [smem:$0x3FAD]  }
0x2b: {  	s6 =	sld [smem:$0x3FAE]  }
0x2c: {  	s7 =	sld [smem:$0x3FAF]  }
0x2d: {  	s3 =	simm.s32 $0x108;
	s8 =	sld [smem:$0x3FB0]  }
0x2e: {  	s3 =	simm.s32 @!p0 $0x1082;
	s9 =	sld [smem:$0x3FB1]  }
0x2f: {  	lr =	sadd.s32 s0, s3;
	s0 =	sld [smem:$0x3FA8]  }
0x30: {  	s3 =	sld [smem:$0x3FAB]  }
0x31: {  	[smem:$0x3FB4] =	sst s10  }
0x32: {  	s10 =	sld [smem:$0x3FB2];
	_ =	sdelay $0x3  }
0x33: {  	p0 =	seq.s32 s10, $0x1;
	s10 =	sld [smem:$0x3FB4];
	_ =	sdelay $0x3  }
0x34: {  	[smem:$0x3FB4] =	sst s10  }
0x35: {  	s10 =	sld [smem:$0x3FB3];
	_ =	sdelay $0x3  }
0x36: {  	p1 =	seq.s32 s10, $0x1;
	s10 =	sld [smem:$0x3FB4];
	_ =	sdelay $0x3  }
0x37: {  	[smem:$0x3FB4] =	sst s10  }
0x38: {  	s10 =	sld [smem:$0x3FB5]  }
0x39: {  	_ = 	snop;
	(pc) =	sbr.ind lr, $3  }
0x3a: {  	_ = 	snop  }
0x3b: {  	_ = 	snop  }
0x3c: {  	p2 =	seq.s32 s10, $0x1;
	s10 =	sld [smem:$0x3FB4]  }
0x3d: {  	_ =	shalt  }
0x3e: {  	_ =	shalt  }
0x3f: {  	_ =	shalt  }
0x40: {  	_ =	shalt  }
0x41: {  	_ =	shalt  }
0x42: {  	_ =	shalt  }
0x43: {  	_ =	shalt  }
0x44: {  	_ =	shalt  }
0x45: {  	_ =	shalt  }
0x46: {  	_ =	shalt  }
0x47: {  	_ =	shalt  }
0x48: {  	_ =	shalt  }
0x49: {  	_ =	shalt  }
0x4a: {  	_ =	shalt  }
0x4b: {  	_ =	shalt  }
0x4c: {  	_ =	shalt  }
0x4d: {  	_ =	shalt  }
0x4e: {  	_ =	shalt  }
0x4f: {  	_ =	shalt  }
0x50: {  	_ =	shalt  }
0x51: {  	_ =	shalt  }
0x52: {  	_ =	shalt  }
0x53: {  	_ =	shalt  }
0x54: {  	_ =	shalt  }
0x55: {  	_ =	shalt  }
0x56: {  	_ =	shalt  }
0x57: {  	_ =	shalt  }
0x58: {  	_ =	shalt  }
0x59: {  	_ =	shalt  }
0x5a: {  	_ =	shalt  }
0x5b: {  	_ =	shalt  }
0x5c: {  	_ =	shalt  }
0x5d: {  	_ =	shalt  }
0x5e: {  	_ =	shalt  }
0x5f: {  	_ =	shalt  }
0x60: {  	_ =	shalt  }
0x61: {  	_ =	shalt  }
0x62: {  	_ =	shalt  }
0x63: {  	_ =	shalt  }
0x64: {  	_ =	shalt  }
0x65: {  	_ =	shalt  }
0x66: {  	_ =	shalt  }
0x67: {  	_ =	shalt  }
0x68: {  	_ =	shalt  }
0x69: {  	_ =	shalt  }
0x6a: {  	_ =	shalt  }
0x6b: {  	_ =	shalt  }
0x6c: {  	_ =	shalt  }
0x6d: {  	_ =	shalt  }
0x6e: {  	_ =	shalt  }
0x6f: {  	_ =	shalt  }
0x70: {  	_ =	shalt  }
0x71: {  	_ =	shalt  }
0x72: {  	_ =	shalt  }
0x73: {  	_ =	shalt  }
0x74: {  	_ =	shalt  }
0x75: {  	_ =	shalt  }
0x76: {  	_ =	shalt  }
0x77: {  	_ =	shalt  }
0x78: {  	_ =	shalt  }
0x79: {  	_ =	shalt  }
0x7a: {  	_ =	shalt  }
0x7b: {  	_ =	shalt  }
0x7c: {  	_ =	shalt  }
0x7d: {  	_ =	shalt  }
0x7e: {  	_ =	shalt  }
0x7f: {  	_ =	shalt  }
0x80: {  	_ =	shalt  }
0x81: {  	_ =	shalt  }
0x82: {  	_ =	shalt  }
0x83: {  	_ =	shalt  }
0x84: {  	_ =	shalt  }
0x85: {  	_ =	shalt  }
0x86: {  	_ =	shalt  }
0x87: {  	_ =	shalt  }
.Lfunc_end0:
.L_simem_size_0:
called_computation.3_lowered:
.L_overlay_start_0:
0x88: {  	s2 =	sld [smem:$0x3FD9]  }
0x89: {  	s3 =	sld [smem:$0x3FFE];
	_ =	sdelay $0x1  }
0x8a: {  	s1 =	srdreg.scid  }
0x8b: {  	s0 =	sand.u32 $0x1, s1  }
0x8c: {  	s17 =	sshll.u32 s0, $0xA;
	s2 =	sadd.s32 s3, s2  }
0x8d: {  	s2 =	sadd.s32 s2, s17  }
0x8e: {  	[smem:$0x3FC0] =	sst s2  }
0x8f: {  	_ = 	snop  }
0x90: {  	s18 =	sld [smem:$0x3FC8]  }
0x91: {  	s4 =	sld [smem:$0x3FC3]  }
0x92: {  	s5 =	sld [smem:$0x3FD0];
	(tm) =	ssettm $0x1  }
0x93: {  	s19 =	sld [smem:$0x3FFB];
	_ =	sdelay $0x3  }
0x94: {  	_ =	strace s19  }
0x95: {  	s2 =	sld [smem:$0x3FFC];
	_ =	sdelay $0x3  }
0x96: {  	_ =	strace s2  }
0x97: {  	s2 =	sld [smem:$0x3FFD];
	_ =	sdelay $0x3  }
0x98: {  	_ =	strace s2  }
0x99: {  	_ =	strace $0x8FFFFFFF  }
0x9a: {  	s20 =	sld [smem:$0x3FDB];
	_ =	sdelay $0x1  }
0x9b: {  	s6 =	simm.s32 $_scs_section_size  }
0x9c: {  	s7 =	simm.s32 $_size__tile_overlayer_lowered;
	s8 =	simm.s32 $_tile_overlayer_lowered  }
0x9d: {  	s9 =	simm.s32 $0x1BFF;
	s21 =	sshll.u32 s8, $0x1;
	s6 =	sadd.s32 s6, s20  }
0x9e: {  	s22 =	simm.s32 $0x0;
	s7 =	sshll.u32 s7, $0x1;
	s8 =	sadd.s32 s21, s6  }
0x9f: {  	[timem:s22], [sflag:s9] =	dma.local [hbm:s8], s7  }
0xa0: {  	_ =	swait.ge [sflag:s9], s7  }
0xa1: {  	s7 =	ssub.s32 $0x0, s7;
	[sflag:s9] =	ssyncset.done $0x0  }
0xa2: {  	[sflag:s9] =	ssyncadd.s32 s7;
	_ =	sdelay $0x1  }
0xa3: {  	s23 =	simm.s32 $0x1B8B  }
0xa4: {  	_ =	swait.ge [sflag:s23], $0x1  }
0xa5: {  	[sflag:s23] =	ssyncset.done $0x0  }
0xa6: {  	[sflag:s23] =	ssyncadd.s32 $0xFFFFFFFF  }
0xa7: {  	s7 =	sld [smem:$0x0]  }
0xa8: {  	s8 =	sand.u32 $0xFFFFFFFE, s1  }
0xa9: {  	p0 =	sne.s32 s1, s8  }
0xaa: {  	s8 =	sshll.u32 @p0 s8, $0xE  }
0xab: {  	s8 =	sadd.s32 @p0 $0x11B8D, s8;
	s9 =	sshll.u32 @p0 s7, $0x11  }
0xac: {  	s8 =	sor.u32 @p0 s9, s8  }
0xad: {  	[sflag:s8] =	ssyncadd.remote.s32 @p0 $0x1;
	_ =	sdelay $0x1  }
0xae: {  	s8 =	simm.s32 @p0 $0x1B8D  }
0xaf: {  	_ =	swait.eq @p0 [sflag:s8], $0x1  }
0xb0: {  	[sflag:s8] =	ssyncadd.s32 @p0 $0xFFFFFFFF  }
0xb1: {  	s9 =	sshll.u32 @!p0 s1, $0xE  }
0xb2: {  	s9 =	sor.u32 @!p0 $0x4000, s9;
	s8 =	simm.s32 @!p0 $0x1B8D  }
0xb3: {  	s7 =	sshll.u32 @!p0 s7, $0x11;
	s9 =	sadd.s32 @!p0 $0x11B8D, s9;
	_ =	swait.eq @!p0 [sflag:s8], $0x1  }
0xb4: {  	s7 =	sor.u32 @!p0 s7, s9;
	[sflag:s8] =	ssyncadd.s32 @!p0 $0xFFFFFFFF  }
0xb5: {  	s25 =	simm.s32 $0x1B8E;
	s24 =	sld [smem:$0x3FFE];
	[sflag:s7] =	ssyncadd.remote.s32 @!p0 $0x1  }
0xb6: {  	s26 =	simm.s32 $execute0_lowered;
	[smem:$0x3FD2] =	sst s25  }
0xb7: {  	s8 =	sshll.u32 s26, $0x1;
	_ =	strace $0x8000004F;
	[dreg:$0x1] =	wrdreg $0xFFFFFFFF  }
0xb8: {  	s28 =	simm.s32 $_size_execute0_lowered;
	s6 =	sadd.s32 s6, s8;
	[dreg:$0x0] =	wrdreg $0x0  }
0xb9: {  	s8 =	sshll.u32 s28, $0x1;
	[dreg:$0x2] =	wrdreg s6  }
0xba: {  	[dreg:$0x3] =	wrdreg s8  }
0xbb: {  	[dreg:$0x4] =	wrdreg $0xC0  }
0xbc: {  	_ =	task [dreg:s22], $0x5FFFF  }
0xbd: {  	[dreg:$0x1] =	wrdreg $0xFFFFFFFF  }
0xbe: {  	[dreg:$0x0] =	wrdreg $0x60  }
0xbf: {  	[dreg:$0x2] =	wrdreg s24  }
0xc0: {  	[dreg:$0x3] =	wrdreg s5  }
0xc1: {  	[dreg:$0x4] =	wrdreg s4  }
0xc2: {  	[dreg:$0x5] =	wrdreg s18  }
0xc3: {  	[dreg:$0x6] =	wrdreg $0x81800  }
0xc4: {  	[dreg:$0x7] =	wrdreg $0xA  }
0xc5: {  	_ =	task.clear_ibuf [dreg:s22], $0x8FFFF;
	_ =	strace $0x9000004F  }
0xc6: {  	s29 =	simm.s32 $0xA;
	_ =	strace $0x80000051  }
0xc7: {  	_ =	swait.ge [sflag:s29], $0x1  }
0xc8: {  	[sflag:s29] =	ssyncadd.s32 $0xFFFFFFFF  }
0xc9: {  	_ =	strace $0x90000051  }
0xca: {  	_ =	sfence  }
0xcb: {  	s30 =	sld [smem:$0x0];
	_ =	sdelay $0x2  }
0xcc: {  	s31 =	sshll.u32 s1, $0xD;
	s1 =	sshrl.u32 s1, $0x2  }
0xcd: {  	s4 =	sand.u32 $0x4000, s31;
	s1 =	sadd.s32 s1, s30  }
0xce: {  	s0 =	sor.u32 s4, s0;
	s1 =	sshll.u32 s1, $0x11  }
0xcf: {  	s0 =	sor.u32 s1, s0  }
0xd0: {  	s0 =	sadd.s32 $0x8F2B, s0  }
0xd1: {  	[sflag:s0] =	ssyncadd.remote.s32 $0x1  }
0xd2: {  	_ =	sfence.sel $0xFFFF  }
0xd3: {  	[dreg:$0x0] =	wrdreg $0xFFFFFFFF;
	(pc) =	sbr.abs _section_cstart, $3  }
0xd4: {  	[dreg:$0x1] =	wrdreg $0xFFFFFFFF  }
0xd5: {  	_ =	task.clear_ibuf [dreg:s22], $0x2FFFF;
	_ =	strace $0x9FFFFFFF  }
0xd6: {  	(tm) =	ssettm $0x7FFFFFFF  }
0xd7: {  	_ =	shalt  }
tec
execute0_lowered:
.L_overlay_start_1:
0x0: {  	(tag) =	ssettag $0x1  }
0x1: {  	s0 =	rddreg [dreg:$0x0]  }
0x2: {  	s1 =	rddreg [dreg:$0x1]  }
0x3: {  	s2 =	rddreg [dreg:$0x2]  }
0x4: {  	s3 =	rddreg [dreg:$0x3]  }
0x5: {  	s4 =	rddreg [dreg:$0x4];
	s5 =	srdreg.scid  }
0x6: {  	s6 =	simm.s32 $0x0;
	s26 =	stileid.u32;
	s15 =	simm.s32 $0x4F  }
0x7: {  	s19 =	simm.s32 $0x180;
	s20 =	simm.s32 $0x3;
	s21 =	simm.s32 $0x100  }
0x8: {  	s22 =	simm.s32 $0x80;
	s23 =	simm.s32 $0x4180;
	s24 =	simm.s32 $0x1  }
0x9: {  	s29 =	simm.s32 $0x0;
	s16 =	sand.u32 $0x1, s5;
	s11 =	smul.u32 $0x14000, s26  }
0xa: {  	[smem:$0x7FF] =	sst s6;
	s7 =	sadd.s32 $0xD5400, s0;
	s12 =	smul.u32 $0x50000, s26  }
0xb: {  	s8 =	sadd.s32 $0x2AE00, s0;
	s9 =	sadd.s32 $0x34C00, s0;
	p0 =	slt.u32 s26, $0x2  }
0xc: {  	s17 =	sshll.u32 s26, $0x8;
	s31 =	sshll.u32 s26, $0x6;
	s26 =	simm.s32 $0x2  }
0xd: {  	s10 =	smul.u32 $0x140000, s16;
	_ =	strace $0x80000050;
	s30 =	ssub.s32 $0x2, s16  }
0xe: {  	s16 =	sshll.u32 s16, $0x7;
	s15 =	simm.s32 @!p0 $0x4E;
	s25 =	sor.u32 $0x1C03, s31  }
0xf: {  	s12 =	sshrl.u32 s12, $0x2;
	s13 =	sshrl.u32 s30, $0x1;
	s10 =	sadd.s32 s11, s10  }
0x10: {  	s16 =	sor.u32 s16, s17;
	s18 =	ssub.s32 s30, s13;
	s10 =	sshrl.u32 s10, $0x3  }
0x11: {  	s18 =	smax.u32 s18, $0x1;
	s0 =	sadd.s32 s10, s0;
	s10 =	sadd.s32 s12, s4  }
0x12: {  	s11 =	sadd.s32 $0x4000, s10;
	s12 =	sadd.s32 $0x8000, s10;
	s13 =	sadd.s32 $0xC000, s10  }
0x13: {  	s14 =	sadd.s32 $0x10000, s10;
	s17 =	sadd.s32 $0x85400, s0;
	s28 =	sshrl.u32 s10, $0x3  }
.LBB2_1:
0x14: {  	[tilespmem:s19], [sflag:$0x3] =	stream.linear.gather [hbm4b:s9+s6], $0x4000, $0x38;
	[tilespmem:$0x1C180] =	vst v63  }
0x15: {  	_ =	swait.ge [sflag:s20], $0x4000  }
0x16: {  	[sflag:s20] =	ssyncset.done $0x0  }
0x17: {  	[sflag:s20] =	ssyncadd.s32 $0xFFFFC000  }
0x18: {  	[spmem:s10] =	stream.linear.scatter [tilespmem:s19], [sflag:$0x3], $0x4000, $0x38;
	[tilespmem:$0x1C180] =	vst v63  }
0x19: {  	_ =	swait.ge [sflag:s20], $0x4000  }
0x1a: {  	[sflag:s20] =	ssyncset.done $0x0  }
0x1b: {  	[sflag:s20] =	ssyncadd.s32 $0xFFFFC000  }
0x1c: {  	[spmem:s11] =	stream.linear.scatter [tilespmem:s19], [sflag:$0x3], $0x4000, $0x38;
	[tilespmem:$0x1C180] =	vst v63  }
0x1d: {  	_ =	swait.ge [sflag:s20], $0x4000  }
0x1e: {  	[sflag:s20] =	ssyncset.done $0x0  }
0x1f: {  	[sflag:s20] =	ssyncadd.s32 $0xFFFFC000  }
0x20: {  	[spmem:s12] =	stream.linear.scatter [tilespmem:s19], [sflag:$0x3], $0x4000, $0x38;
	[tilespmem:$0x1C180] =	vst v63  }
0x21: {  	_ =	swait.ge [sflag:s20], $0x4000  }
0x22: {  	[sflag:s20] =	ssyncset.done $0x0  }
0x23: {  	[sflag:s20] =	ssyncadd.s32 $0xFFFFC000  }
0x24: {  	[spmem:s13] =	stream.linear.scatter [tilespmem:s19], [sflag:$0x3], $0x4000, $0x38;
	[tilespmem:$0x1C180] =	vst v63  }
0x25: {  	_ =	swait.ge [sflag:s20], $0x4000  }
0x26: {  	[sflag:s20] =	ssyncset.done $0x0  }
0x27: {  	[sflag:s20] =	ssyncadd.s32 $0xFFFFC000  }
0x28: {  	[spmem:s14] =	stream.linear.scatter [tilespmem:s19], [sflag:$0x3], $0x4000, $0x38;
	[tilespmem:$0x1C180] =	vst v63  }
0x29: {  	_ =	swait.ge [sflag:s20], $0x4000  }
0x2a: {  	[sflag:s20] =	ssyncset.done $0x0  }
0x2b: {  	[sflag:s20] =	ssyncadd.s32 $0xFFFFC000  }
0x2c: {  	s30 =	simm.s32 $0x0;
	[bflag:$0x0] =	sbarrier.arrive $0xFFFF  }
.LBB2_2:
0x2d: {  	s0 =	sshll.u32 s30, $0xC  }
0x2e: {  	s0 =	sor.u32 s16, s0  }
0x2f: {  	s0 =	sshrl.u32 s0, $0x3  }
0x30: {  	s5 =	simm.s32 $0x0;
	s31 =	sadd.s32 s8, s0  }
0x31: {  	[tilespmem:s5], [sflag:$0x3] =	stream.linear.gather [hbm4b:s31+s5], $0x80, $0x38;
	[tilespmem:$0x1C180] =	vst v63  }
0x32: {  	_ =	swait.ge [sflag:s20], $0x80  }
0x33: {  	[sflag:s20] =	ssyncset.done $0x0  }
0x34: {  	s31 =	sadd.s32 s2, s0;
	[sflag:s20] =	ssyncadd.s32 $0xFFFFFF80  }
0x35: {  	[tilespmem:s21], [sflag:$0x3] =	stream.linear.gather [hbm4b:s31+s5], $0x80, $0x38;
	[tilespmem:$0x1C180] =	vst v63  }
0x36: {  	_ =	swait.ge [sflag:s20], $0x80  }
0x37: {  	[sflag:s20] =	ssyncset.done $0x0  }
0x38: {  	s0 =	sadd.s32 s1, s0;
	[sflag:s20] =	ssyncadd.s32 $0xFFFFFF80  }
0x39: {  	[tilespmem:s22], [sflag:$0x3] =	stream.linear.gather [hbm4b:s0+s5], $0x80, $0x38;
	[tilespmem:$0x1C180] =	vst v63  }
0x3a: {  	_ =	swait.ge [sflag:s20], $0x80  }
0x3b: {  	[sflag:s20] =	ssyncset.done $0x0  }
0x3c: {  	[sflag:s20] =	ssyncadd.s32 $0xFFFFFF80  }
0x3d: {  	[tilespmem:s19], [sflag:$0x1] =	stream.indirect.gather [hbm4b:s7+s22], $0x80, s5, s22, $0xb8;
	[tilespmem:$0x1C180] =	vst v63  }
0x3e: {  	_ = 	snop  }
0x3f: {  	[tilespmem:s23], [sflag:$0x2] =	stream.indirect.gather [hbm4b:s3+s22], $0x80, s21, s22, $0xb8;
	[tilespmem:$0x1C180] =	vst v63  }
0x40: {  	_ =	swait.ge [sflag:s24], $0x4000  }
0x41: {  	[sflag:s24] =	ssyncset.done $0x0  }
0x42: {  	[sflag:s24] =	ssyncadd.s32 $0xFFFFC000  }
0x43: {  	_ =	swait.ge [sflag:s26], $0x4000  }
0x44: {  	[sflag:s26] =	ssyncset.done $0x0  }
0x45: {  	s31 =	simm.s32 $0x0;
	[sflag:s26] =	ssyncadd.s32 $0xFFFFC000  }
0x46: {  	v7 =	vld [tilespmem:s31+$0x4180]  }
0x47: {  	v11 =	vld [tilespmem:s31+$0x4190]  }
0x48: {  	v5 =	vld [tilespmem:s31+$0x41A0]  }
0x49: {  	v4 =	vld [tilespmem:s31+$0x41B0]  }
0x4a: {  	v3 =	vld [tilespmem:s31+$0x41C0]  }
0x4b: {  	v2 =	vld [tilespmem:s31+$0x41D0]  }
0x4c: {  	v1 =	vld [tilespmem:s31+$0x41E0]  }
0x4d: {  	v0 =	vld [tilespmem:s31+$0x41F0]  }
0x4e: {  	v12 =	vld [tilespmem:s31+$0x180]  }
0x4f: {  	v13 =	vld [tilespmem:s31+$0x190]  }
0x50: {  	v10 =	vld [tilespmem:s31+$0x1A0]  }
0x51: {  	v9 =	vld [tilespmem:s31+$0x1B0]  }
0x52: {  	v8 =	vld [tilespmem:s31+$0x1C0]  }
0x53: {  	v6 =	vld [tilespmem:s31+$0x1D0];
	v12 =	vmul.f32 v7, v12  }
0x54: {  	s0 =	simm.s32 $0x200;
	v11 =	vmul.f32 v11, v13;
	v7 =	vld [tilespmem:s31+$0x1E0]  }
.LBB2_3:
0x55: {  	s5 =	sshra.s32 s0, $0x2;
	p0 =	sne.s32 s0, $0xFE00;
	[tilespmem:s31+$0x180] =	vst v12;
	v5 =	vmul.f32 v5, v10;
	v10 =	vld [tilespmem:s31+$0x1F0]  }
0x56: {  	v12 =	vld [tilespmem:s5+$0x4180];
	[tilespmem:s31+$0x190] =	vst v11;
	v4 =	vmul.f32 v4, v9  }
0x57: {  	v11 =	vld [tilespmem:s5+$0x4190];
	[tilespmem:s31+$0x1A0] =	vst v5;
	v3 =	vmul.f32 v3, v8  }
0x58: {  	v5 =	vld [tilespmem:s5+$0x41A0];
	[tilespmem:s31+$0x1B0] =	vst v4;
	v2 =	vmul.f32 v2, v6  }
0x59: {  	v4 =	vld [tilespmem:s5+$0x41B0];
	[tilespmem:s31+$0x1C0] =	vst v3;
	v1 =	vmul.f32 v1, v7  }
0x5a: {  	v3 =	vld [tilespmem:s5+$0x41C0];
	[tilespmem:s31+$0x1D0] =	vst v2;
	v0 =	vmul.f32 v0, v10  }
0x5b: {  	v2 =	vld [tilespmem:s5+$0x41D0];
	[tilespmem:s31+$0x1E0] =	vst v1  }
0x5c: {  	v1 =	vld [tilespmem:s5+$0x41E0];
	[tilespmem:s31+$0x1F0] =	vst v0;
	s31 =	smov.u32 s5  }
0x5d: {  	v0 =	vld [tilespmem:s31+$0x41F0]  }
0x5e: {  	v6 =	vld [tilespmem:s31+$0x180]  }
0x5f: {  	v7 =	vld [tilespmem:s31+$0x190]  }
.Ltmp0:
0x60: {  	v10 =	vld [tilespmem:s31+$0x1A0];
	(pc) =	sbr.rel @p0 .LBB2_3-.Ltmp0, $4  }
0x61: {  	v9 =	vld [tilespmem:s31+$0x1B0]  }
0x62: {  	v8 =	vld [tilespmem:s31+$0x1C0]  }
0x63: {  	v12 =	vmul.f32 v12, v6;
	v6 =	vld [tilespmem:s31+$0x1D0]  }
0x64: {  	s0 =	sadd.s32 $0x200, s0;
	v11 =	vmul.f32 v11, v7;
	v7 =	vld [tilespmem:s31+$0x1E0]  }
0x65: {  	[tilespmem:s31+$0x180] =	vst v12;
	v5 =	vmul.f32 v5, v10;
	v63 =	vld [tilespmem:s31+$0x1F0]  }
0x66: {  	[tilespmem:s31+$0x190] =	vst v11;
	v4 =	vmul.f32 v4, v9  }
0x67: {  	[tilespmem:s31+$0x1A0] =	vst v5;
	v3 =	vmul.f32 v3, v8  }
0x68: {  	[tilespmem:s31+$0x1B0] =	vst v4;
	v2 =	vmul.f32 v2, v6  }
0x69: {  	[tilespmem:s31+$0x1C0] =	vst v3;
	v1 =	vmul.f32 v1, v7  }
0x6a: {  	s30 =	sadd.s32 $0x1, s30;
	[tilespmem:s31+$0x1D0] =	vst v2;
	v0 =	vmul.f32 v0, v63  }
0x6b: {  	p0 =	sne.s32 s30, s15;
	[tilespmem:s31+$0x1E0] =	vst v1  }
.Ltmp1:
0x6c: {  	[tilespmem:s31+$0x1F0] =	vst v0;
	(pc) =	sbr.rel @p0 .LBB2_2-.Ltmp1, $4  }
0x6d: {  	[spmem:s4] =	stream.indirect.scatter.add.f32 [tilespmem:s19], [sflag:$0x3], $0x80, s22, s22, $0xb8;
	[tilespmem:$0x1C180] =	vst v63  }
0x6e: {  	_ =	swait.ge [sflag:s20], $0x4000  }
0x6f: {  	[sflag:s20] =	ssyncset.done $0x0  }
0x70: {  	[sflag:s20] =	ssyncadd.s32 $0xFFFFC000  }
0x71: {  	s29 =	sadd.s32 $0x1, s29  }
0x72: {  	p0 =	sne.s32 s29, s18  }
.Ltmp2:
0x73: {  	[bflag:$0x0] =	sbarrier.arrive $0xFFFF;
	(pc) =	sbr.rel @p0 .LBB2_1-.Ltmp2, $4  }
0x74: {  	[hbm:s17], [sflag:s25] =	dma.local [spmem:s28], $0x2800  }
0x75: {  	_ =	swait.ge [sflag:s20], $0x2800  }
0x76: {  	[sflag:s20] =	ssyncset.done $0x0  }
0x77: {  	[sflag:s20] =	ssyncadd.s32 $0xFFFFD800  }
0x78: {  	_ =	sfence.sel $0x180000  }
0x79: {  	[bflag:$0x0] =	sbarrier.arrive $0xFFFF  }
0x7a: {  	_ =	strace $0x90000050  }
0x7b: {  	s0 =	stileid.u32;
	[bflag:$0x2] =	sbarrier.arrive $0xFFFF  }
0x7c: {  	p0 =	sne.s32 s0, $0x0;
	s0 =	rddreg [dreg:$0x5]  }
0x7d: {  	s0 =	sadd.s32 @!p0 $0x100000, s0  }
0x7e: {  	[sflag:s0] =	ssyncadd.tile.s32 @!p0 $0x1;
	_ =	shalt  }
.Lfunc_end2:
_tile_overlayer_lowered:
.L_overlay_start_2:
0x7f: {  	(tag) =	ssettag $0x2  }
0x80: {  	s0 =	rddreg [dreg:$0x0];
	s2 =	stileid.u32  }
0x81: {  	s1 =	rddreg [dreg:$0x1];
	p0 =	sne.s32 s2, $0x0  }
0x82: {  	s3 =	rddreg [dreg:$0x2];
	[bflag:$0x3] =	sbarrier.arrive $0xFFFF;
	s2 =	simm.s32 @!p0 $0x1C03  }
0x83: {  	[timem:s3], [sflag:s2] =	dma.local @!p0 [hbm:s0], s1  }
0x84: {  	s0 =	simm.s32 @!p0 $0x3  }
0x85: {  	_ =	swait.ge @!p0 [sflag:s0], s1  }
0x86: {  	s1 =	ssub.s32 @!p0 $0x0, s1;
	[sflag:s0] =	ssyncset.done @!p0 $0x0  }
0x87: {  	[sflag:s0] =	ssyncadd.s32 @!p0 s1  }
0x88: {  	[bflag:$0x3] =	sbarrier.arrive $0xFFFF  }
0x89: {  	_ =	shalt  }

// kernel: kernel.24.cloned.1.call-start
scs
__scs_entry_jumppad:
0x0: {  	(pc) =	sbr.rel $0x88, $3  }
0x1: {  	(tag) =	ssettag $0x0;
	lr =	simm.s32 $0x1  }
0x2: {  	[smem:$0x3F99] =	sst lr;
	_ =	strace $0xD0000000  }
0x3: {  	_ = 	snop  }
0x4: {  	_ = 	snop  }
0x5: {  	_ = 	snop  }
0x6: {  	_ = 	snop  }
0x7: {  	_ = 	snop  }
__scs_overlays_trampoline_lowered:
0x8: {  	[smem:$0x3FA8] =	sst s0  }
0x9: {  	[smem:$0x3FA9] =	sst s1  }
0xa: {  	[smem:$0x3FAA] =	sst s2  }
0xb: {  	[smem:$0x3FAB] =	sst s3  }
0xc: {  	[smem:$0x3FAC] =	sst s4  }
0xd: {  	[smem:$0x3FAD] =	sst s5  }
0xe: {  	[smem:$0x3FAE] =	sst s6  }
0xf: {  	[smem:$0x3FAF] =	sst s7  }
0x10: {  	[smem:$0x3FB0] =	sst s8  }
0x11: {  	[smem:$0x3FB1] =	sst s9;
	s0 =	simm.s32 @!p0 $0x0  }
0x12: {  	s1 =	sld [smem:$0x3F97];
	s0 =	simm.s32 @p0 $0x1  }
0x13: {  	[smem:$0x3FB2] =	sst s0;
	s0 =	simm.s32 @!p1 $0x0  }
0x14: {  	s2 =	sld [smem:$0x3F96];
	s0 =	simm.s32 @p1 $0x1  }
0x15: {  	[smem:$0x3FB3] =	sst s0;
	s0 =	simm.s32 @!p2 $0x0  }
0x16: {  	s3 =	sld [smem:$0x3FDB];
	s0 =	simm.s32 @p2 $0x1  }
0x17: {  	s4 =	simm.s32 $0x1BF5;
	[smem:$0x3FB5] =	sst s0  }
0x18: {  	s0 =	sld [smem:$0x3F98];
	_ =	swait.ge [sflag:s4], $0x0  }
0x19: {  	s7 =	sld [smem:$0x3F99]  }
0x1a: {  	s8 =	sadd.s32 $0xFFFFE003, lr  }
0x1b: {  	s9 =	sadd.s32 $0xFFFFFEF7, lr;
	s5 =	simm.s32 $0xFFFFFFFF;
	p2 =	slt.u32 s8, $0xFFFFF086  }
0x1c: {  	p1 =	slt.u32 s9, $0xF7A;
	s5 =	simm.s32 @!p2 $0x0  }
0x1d: {  	s5 =	simm.s32 @p1 $0x1;
	p0 =	seq.s32 s7, s2  }
0x1e: {  	s7 =	smul.u32 @!p0 $0xF7A, s2;
	p2 =	seq.s32 @!p0 s5, $0x0  }
0x1f: {  	s9 =	smul.u32 $0xF7A, s1;
	s8 =	simm.s32 @!p0 $0x1BF5;
	p2 =	por !p2, p0  }
0x20: {  	[sflag:s8] =	ssyncset.s32 @!p0 $0xFFFFF086;
	s6 =	sadd.s32 @!p0 s3, s7;
	s7 =	simm.s32 @!p0 $0x108  }
0x21: {  	s3 =	sadd.s32 s3, s9;
	s6 =	sadd.s32 @!p0 $0x88, s6;
	s7 =	simm.s32 @p2 $0x1082  }
0x22: {  	[simem:s7], [sflag:s8] =	dma.local @!p0 [hbm:s6], $0xF7A  }
0x23: {  	s9 =	sor.u32 $0xD0000000, s2;
	s6 =	simm.s32 $0x108;
	_ =	swait.ge @!p0 [sflag:s8], $0x0  }
0x24: {  	s3 =	sadd.s32 $0x88, s3;
	s6 =	simm.s32 @!p1 $0x1082;
	[sflag:s4] =	ssyncset.s32 $0xFFFFF086  }
0x25: {  	[simem:s6], [sflag:s4] =	dma.local [hbm:s3], $0xF7A  }
0x26: {  	[smem:$0x3F99] =	sst s1;
	(tag) =	ssettag s2;
	_ =	strace s9  }
0x27: {  	s1 =	sld [smem:$0x3FA9]  }
0x28: {  	s2 =	sld [smem:$0x3FAA]  }
0x29: {  	s4 =	sld [smem:$0x3FAC]  }
0x2a: {  	p0 =	seq.s32 s5, $0x0;
	s5 =	sld [smem:$0x3FAD]  }
0x2b: {  	s6 =	sld [smem:$0x3FAE]  }
0x2c: {  	s7 =	sld [smem:$0x3FAF]  }
0x2d: {  	s3 =	simm.s32 $0x108;
	s8 =	sld [smem:$0x3FB0]  }
0x2e: {  	s3 =	simm.s32 @!p0 $0x1082;
	s9 =	sld [smem:$0x3FB1]  }
0x2f: {  	lr =	sadd.s32 s0, s3;
	s0 =	sld [smem:$0x3FA8]  }
0x30: {  	s3 =	sld [smem:$0x3FAB]  }
0x31: {  	[smem:$0x3FB4] =	sst s10  }
0x32: {  	s10 =	sld [smem:$0x3FB2];
	_ =	sdelay $0x3  }
0x33: {  	p0 =	seq.s32 s10, $0x1;
	s10 =	sld [smem:$0x3FB4];
	_ =	sdelay $0x3  }
0x34: {  	[smem:$0x3FB4] =	sst s10  }
0x35: {  	s10 =	sld [smem:$0x3FB3];
	_ =	sdelay $0x3  }
0x36: {  	p1 =	seq.s32 s10, $0x1;
	s10 =	sld [smem:$0x3FB4];
	_ =	sdelay $0x3  }
0x37: {  	[smem:$0x3FB4] =	sst s10  }
0x38: {  	s10 =	sld [smem:$0x3FB5]  }
0x39: {  	_ = 	snop;
	(pc) =	sbr.ind lr, $3  }
0x3a: {  	_ = 	snop  }
0x3b: {  	_ = 	snop  }
0x3c: {  	p2 =	seq.s32 s10, $0x1;
	s10 =	sld [smem:$0x3FB4]  }
0x3d: {  	_ =	shalt  }
0x3e: {  	_ =	shalt  }
0x3f: {  	_ =	shalt  }
0x40: {  	_ =	shalt  }
0x41: {  	_ =	shalt  }
0x42: {  	_ =	shalt  }
0x43: {  	_ =	shalt  }
0x44: {  	_ =	shalt  }
0x45: {  	_ =	shalt  }
0x46: {  	_ =	shalt  }
0x47: {  	_ =	shalt  }
0x48: {  	_ =	shalt  }
0x49: {  	_ =	shalt  }
0x4a: {  	_ =	shalt  }
0x4b: {  	_ =	shalt  }
0x4c: {  	_ =	shalt  }
0x4d: {  	_ =	shalt  }
0x4e: {  	_ =	shalt  }
0x4f: {  	_ =	shalt  }
0x50: {  	_ =	shalt  }
0x51: {  	_ =	shalt  }
0x52: {  	_ =	shalt  }
0x53: {  	_ =	shalt  }
0x54: {  	_ =	shalt  }
0x55: {  	_ =	shalt  }
0x56: {  	_ =	shalt  }
0x57: {  	_ =	shalt  }
0x58: {  	_ =	shalt  }
0x59: {  	_ =	shalt  }
0x5a: {  	_ =	shalt  }
0x5b: {  	_ =	shalt  }
0x5c: {  	_ =	shalt  }
0x5d: {  	_ =	shalt  }
0x5e: {  	_ =	shalt  }
0x5f: {  	_ =	shalt  }
0x60: {  	_ =	shalt  }
0x61: {  	_ =	shalt  }
0x62: {  	_ =	shalt  }
0x63: {  	_ =	shalt  }
0x64: {  	_ =	shalt  }
0x65: {  	_ =	shalt  }
0x66: {  	_ =	shalt  }
0x67: {  	_ =	shalt  }
0x68: {  	_ =	shalt  }
0x69: {  	_ =	shalt  }
0x6a: {  	_ =	shalt  }
0x6b: {  	_ =	shalt  }
0x6c: {  	_ =	shalt  }
0x6d: {  	_ =	shalt  }
0x6e: {  	_ =	shalt  }
0x6f: {  	_ =	shalt  }
0x70: {  	_ =	shalt  }
0x71: {  	_ =	shalt  }
0x72: {  	_ =	shalt  }
0x73: {  	_ =	shalt  }
0x74: {  	_ =	shalt  }
0x75: {  	_ =	shalt  }
0x76: {  	_ =	shalt  }
0x77: {  	_ =	shalt  }
0x78: {  	_ =	shalt  }
0x79: {  	_ =	shalt  }
0x7a: {  	_ =	shalt  }
0x7b: {  	_ =	shalt  }
0x7c: {  	_ =	shalt  }
0x7d: {  	_ =	shalt  }
0x7e: {  	_ =	shalt  }
0x7f: {  	_ =	shalt  }
0x80: {  	_ =	shalt  }
0x81: {  	_ =	shalt  }
0x82: {  	_ =	shalt  }
0x83: {  	_ =	shalt  }
0x84: {  	_ =	shalt  }
0x85: {  	_ =	shalt  }
0x86: {  	_ =	shalt  }
0x87: {  	_ =	shalt  }
.Lfunc_end0:
.L_simem_size_0:
called_computation.4_lowered:
.L_overlay_start_0:
0x88: {  	s2 =	sld [smem:$0x3FD9]  }
0x89: {  	s3 =	sld [smem:$0x3FFE];
	_ =	sdelay $0x1  }
0x8a: {  	s1 =	srdreg.scid  }
0x8b: {  	s0 =	sand.u32 $0x1, s1  }
0x8c: {  	s17 =	sshll.u32 s0, $0xA;
	s2 =	sadd.s32 s3, s2  }
0x8d: {  	s2 =	sadd.s32 s2, s17  }
0x8e: {  	[smem:$0x3FC0] =	sst s2  }
0x8f: {  	_ = 	snop  }
0x90: {  	s18 =	sld [smem:$0x3FC8]  }
0x91: {  	s4 =	sld [smem:$0x3FC3]  }
0x92: {  	s5 =	sld [smem:$0x3FD0];
	(tm) =	ssettm $0x1  }
0x93: {  	s19 =	sld [smem:$0x3FFB];
	_ =	sdelay $0x3  }
0x94: {  	_ =	strace s19  }
0x95: {  	s2 =	sld [smem:$0x3FFC];
	_ =	sdelay $0x3  }
0x96: {  	_ =	strace s2  }
0x97: {  	s2 =	sld [smem:$0x3FFD];
	_ =	sdelay $0x3  }
0x98: {  	_ =	strace s2  }
0x99: {  	_ =	strace $0x8FFFFFFF  }
0x9a: {  	s20 =	sld [smem:$0x3FDB];
	_ =	sdelay $0x1  }
0x9b: {  	s6 =	simm.s32 $_scs_section_size  }
0x9c: {  	s7 =	simm.s32 $_size__tile_overlayer_lowered;
	s8 =	simm.s32 $_tile_overlayer_lowered  }
0x9d: {  	s9 =	simm.s32 $0x1BFF;
	s21 =	sshll.u32 s8, $0x1;
	s6 =	sadd.s32 s6, s20  }
0x9e: {  	s22 =	simm.s32 $0x0;
	s7 =	sshll.u32 s7, $0x1;
	s8 =	sadd.s32 s21, s6  }
0x9f: {  	[timem:s22], [sflag:s9] =	dma.local [hbm:s8], s7  }
0xa0: {  	_ =	swait.ge [sflag:s9], s7  }
0xa1: {  	s7 =	ssub.s32 $0x0, s7;
	[sflag:s9] =	ssyncset.done $0x0  }
0xa2: {  	[sflag:s9] =	ssyncadd.s32 s7;
	_ =	sdelay $0x1  }
0xa3: {  	s23 =	simm.s32 $0x1B8B  }
0xa4: {  	_ =	swait.ge [sflag:s23], $0x1  }
0xa5: {  	[sflag:s23] =	ssyncset.done $0x0  }
0xa6: {  	[sflag:s23] =	ssyncadd.s32 $0xFFFFFFFF  }
0xa7: {  	s7 =	sld [smem:$0x0]  }
0xa8: {  	s8 =	sand.u32 $0xFFFFFFFE, s1  }
0xa9: {  	p0 =	sne.s32 s1, s8  }
0xaa: {  	s8 =	sshll.u32 @p0 s8, $0xE  }
0xab: {  	s8 =	sadd.s32 @p0 $0x11B8D, s8;
	s9 =	sshll.u32 @p0 s7, $0x11  }
0xac: {  	s8 =	sor.u32 @p0 s9, s8  }
0xad: {  	[sflag:s8] =	ssyncadd.remote.s32 @p0 $0x1;
	_ =	sdelay $0x1  }
0xae: {  	s8 =	simm.s32 @p0 $0x1B8D  }
0xaf: {  	_ =	swait.eq @p0 [sflag:s8], $0x1  }
0xb0: {  	[sflag:s8] =	ssyncadd.s32 @p0 $0xFFFFFFFF  }
0xb1: {  	s9 =	sshll.u32 @!p0 s1, $0xE  }
0xb2: {  	s9 =	sor.u32 @!p0 $0x4000, s9;
	s8 =	simm.s32 @!p0 $0x1B8D  }
0xb3: {  	s7 =	sshll.u32 @!p0 s7, $0x11;
	s9 =	sadd.s32 @!p0 $0x11B8D, s9;
	_ =	swait.eq @!p0 [sflag:s8], $0x1  }
0xb4: {  	s7 =	sor.u32 @!p0 s7, s9;
	[sflag:s8] =	ssyncadd.s32 @!p0 $0xFFFFFFFF  }
0xb5: {  	s25 =	simm.s32 $0x1B8E;
	s24 =	sld [smem:$0x3FFE];
	[sflag:s7] =	ssyncadd.remote.s32 @!p0 $0x1  }
0xb6: {  	s26 =	simm.s32 $execute0_lowered;
	[smem:$0x3FD2] =	sst s25  }
0xb7: {  	s8 =	sshll.u32 s26, $0x1;
	_ =	strace $0x80000052;
	[dreg:$0x1] =	wrdreg $0xFFFFFFFF  }
0xb8: {  	s28 =	simm.s32 $_size_execute0_lowered;
	s6 =	sadd.s32 s6, s8;
	[dreg:$0x0] =	wrdreg $0x0  }
0xb9: {  	s8 =	sshll.u32 s28, $0x1;
	[dreg:$0x2] =	wrdreg s6  }
0xba: {  	[dreg:$0x3] =	wrdreg s8  }
0xbb: {  	[dreg:$0x4] =	wrdreg $0xC0  }
0xbc: {  	_ =	task [dreg:s22], $0x5FFFF  }
0xbd: {  	[dreg:$0x1] =	wrdreg $0xFFFFFFFF  }
0xbe: {  	[dreg:$0x0] =	wrdreg $0x60  }
0xbf: {  	[dreg:$0x2] =	wrdreg s24  }
0xc0: {  	[dreg:$0x3] =	wrdreg s5  }
0xc1: {  	[dreg:$0x4] =	wrdreg s4  }
0xc2: {  	[dreg:$0x5] =	wrdreg s18  }
0xc3: {  	[dreg:$0x6] =	wrdreg $0x81800  }
0xc4: {  	[dreg:$0x7] =	wrdreg $0xB  }
0xc5: {  	_ =	task.clear_ibuf [dreg:s22], $0x8FFFF;
	_ =	strace $0x90000052  }
0xc6: {  	s29 =	simm.s32 $0xB;
	_ =	strace $0x80000054  }
0xc7: {  	_ =	swait.ge [sflag:s29], $0x1  }
0xc8: {  	[sflag:s29] =	ssyncadd.s32 $0xFFFFFFFF  }
0xc9: {  	_ =	strace $0x90000054  }
0xca: {  	_ =	sfence  }
0xcb: {  	s30 =	sld [smem:$0x0];
	_ =	sdelay $0x2  }
0xcc: {  	s31 =	sshll.u32 s1, $0xD;
	s1 =	sshrl.u32 s1, $0x2  }
0xcd: {  	s4 =	sand.u32 $0x4000, s31;
	s1 =	sadd.s32 s1, s30  }
0xce: {  	s0 =	sor.u32 s4, s0;
	s1 =	sshll.u32 s1, $0x11  }
0xcf: {  	s0 =	sor.u32 s1, s0  }
0xd0: {  	s0 =	sadd.s32 $0x8F2B, s0  }
0xd1: {  	[sflag:s0] =	ssyncadd.remote.s32 $0x1  }
0xd2: {  	_ =	sfence.sel $0xFFFF  }
0xd3: {  	[dreg:$0x0] =	wrdreg $0xFFFFFFFF;
	(pc) =	sbr.abs _section_cstart, $3  }
0xd4: {  	[dreg:$0x1] =	wrdreg $0xFFFFFFFF  }
0xd5: {  	_ =	task.clear_ibuf [dreg:s22], $0x2FFFF;
	_ =	strace $0x9FFFFFFF  }
0xd6: {  	(tm) =	ssettm $0x7FFFFFFF  }
0xd7: {  	_ =	shalt  }
tec
execute0_lowered:
.L_overlay_start_1:
0x0: {  	(tag) =	ssettag $0x1  }
0x1: {  	s0 =	rddreg [dreg:$0x0]  }
0x2: {  	s1 =	rddreg [dreg:$0x1]  }
0x3: {  	s2 =	rddreg [dreg:$0x2]  }
0x4: {  	s3 =	rddreg [dreg:$0x3]  }
0x5: {  	s4 =	rddreg [dreg:$0x4];
	s5 =	srdreg.scid  }
0x6: {  	s6 =	simm.s32 $0x0;
	s26 =	stileid.u32;
	s15 =	simm.s32 $0x4F  }
0x7: {  	s19 =	simm.s32 $0x180;
	s20 =	simm.s32 $0x3;
	s21 =	simm.s32 $0x100  }
0x8: {  	s22 =	simm.s32 $0x80;
	s23 =	simm.s32 $0x4180;
	s24 =	simm.s32 $0x1  }
0x9: {  	s29 =	simm.s32 $0x0;
	s16 =	sand.u32 $0x1, s5;
	s11 =	smul.u32 $0x14000, s26  }
0xa: {  	[smem:$0x7FF] =	sst s6;
	s7 =	sadd.s32 $0xFD400, s0;
	s12 =	smul.u32 $0x50000, s26  }
0xb: {  	s8 =	sadd.s32 $0x2AE00, s0;
	s9 =	sadd.s32 $0x34C00, s0;
	p0 =	slt.u32 s26, $0x2  }
0xc: {  	s17 =	sshll.u32 s26, $0x8;
	s31 =	sshll.u32 s26, $0x6;
	s26 =	simm.s32 $0x2  }
0xd: {  	s10 =	smul.u32 $0x140000, s16;
	_ =	strace $0x80000053;
	s30 =	ssub.s32 $0x2, s16  }
0xe: {  	s16 =	sshll.u32 s16, $0x7;
	s15 =	simm.s32 @!p0 $0x4E;
	s25 =	sor.u32 $0x1C03, s31  }
0xf: {  	s12 =	sshrl.u32 s12, $0x2;
	s13 =	sshrl.u32 s30, $0x1;
	s10 =	sadd.s32 s11, s10  }
0x10: {  	s16 =	sor.u32 s16, s17;
	s18 =	ssub.s32 s30, s13;
	s10 =	sshrl.u32 s10, $0x3  }
0x11: {  	s18 =	smax.u32 s18, $0x1;
	s0 =	sadd.s32 s10, s0;
	s10 =	sadd.s32 s12, s4  }
0x12: {  	s11 =	sadd.s32 $0x4000, s10;
	s12 =	sadd.s32 $0x8000, s10;
	s13 =	sadd.s32 $0xC000, s10  }
0x13: {  	s14 =	sadd.s32 $0x10000, s10;
	s17 =	sadd.s32 $0x14D400, s0;
	s28 =	sshrl.u32 s10, $0x3  }
.LBB2_1:
0x14: {  	[tilespmem:s19], [sflag:$0x3] =	stream.linear.gather [hbm4b:s9+s6], $0x4000, $0x38;
	[tilespmem:$0x1C180] =	vst v63  }
0x15: {  	_ =	swait.ge [sflag:s20], $0x4000  }
0x16: {  	[sflag:s20] =	ssyncset.done $0x0  }
0x17: {  	[sflag:s20] =	ssyncadd.s32 $0xFFFFC000  }
0x18: {  	[spmem:s10] =	stream.linear.scatter [tilespmem:s19], [sflag:$0x3], $0x4000, $0x38;
	[tilespmem:$0x1C180] =	vst v63  }
0x19: {  	_ =	swait.ge [sflag:s20], $0x4000  }
0x1a: {  	[sflag:s20] =	ssyncset.done $0x0  }
0x1b: {  	[sflag:s20] =	ssyncadd.s32 $0xFFFFC000  }
0x1c: {  	[spmem:s11] =	stream.linear.scatter [tilespmem:s19], [sflag:$0x3], $0x4000, $0x38;
	[tilespmem:$0x1C180] =	vst v63  }
0x1d: {  	_ =	swait.ge [sflag:s20], $0x4000  }
0x1e: {  	[sflag:s20] =	ssyncset.done $0x0  }
0x1f: {  	[sflag:s20] =	ssyncadd.s32 $0xFFFFC000  }
0x20: {  	[spmem:s12] =	stream.linear.scatter [tilespmem:s19], [sflag:$0x3], $0x4000, $0x38;
	[tilespmem:$0x1C180] =	vst v63  }
0x21: {  	_ =	swait.ge [sflag:s20], $0x4000  }
0x22: {  	[sflag:s20] =	ssyncset.done $0x0  }
0x23: {  	[sflag:s20] =	ssyncadd.s32 $0xFFFFC000  }
0x24: {  	[spmem:s13] =	stream.linear.scatter [tilespmem:s19], [sflag:$0x3], $0x4000, $0x38;
	[tilespmem:$0x1C180] =	vst v63  }
0x25: {  	_ =	swait.ge [sflag:s20], $0x4000  }
0x26: {  	[sflag:s20] =	ssyncset.done $0x0  }
0x27: {  	[sflag:s20] =	ssyncadd.s32 $0xFFFFC000  }
0x28: {  	[spmem:s14] =	stream.linear.scatter [tilespmem:s19], [sflag:$0x3], $0x4000, $0x38;
	[tilespmem:$0x1C180] =	vst v63  }
0x29: {  	_ =	swait.ge [sflag:s20], $0x4000  }
0x2a: {  	[sflag:s20] =	ssyncset.done $0x0  }
0x2b: {  	[sflag:s20] =	ssyncadd.s32 $0xFFFFC000  }
0x2c: {  	s30 =	simm.s32 $0x0;
	[bflag:$0x0] =	sbarrier.arrive $0xFFFF  }
.LBB2_2:
0x2d: {  	s0 =	sshll.u32 s30, $0xC  }
0x2e: {  	s0 =	sor.u32 s16, s0  }
0x2f: {  	s0 =	sshrl.u32 s0, $0x3  }
0x30: {  	s5 =	simm.s32 $0x0;
	s31 =	sadd.s32 s8, s0  }
0x31: {  	[tilespmem:s5], [sflag:$0x3] =	stream.linear.gather [hbm4b:s31+s5], $0x80, $0x38;
	[tilespmem:$0x1C180] =	vst v63  }
0x32: {  	_ =	swait.ge [sflag:s20], $0x80  }
0x33: {  	[sflag:s20] =	ssyncset.done $0x0  }
0x34: {  	s31 =	sadd.s32 s2, s0;
	[sflag:s20] =	ssyncadd.s32 $0xFFFFFF80  }
0x35: {  	[tilespmem:s21], [sflag:$0x3] =	stream.linear.gather [hbm4b:s31+s5], $0x80, $0x38;
	[tilespmem:$0x1C180] =	vst v63  }
0x36: {  	_ =	swait.ge [sflag:s20], $0x80  }
0x37: {  	[sflag:s20] =	ssyncset.done $0x0  }
0x38: {  	s0 =	sadd.s32 s1, s0;
	[sflag:s20] =	ssyncadd.s32 $0xFFFFFF80  }
0x39: {  	[tilespmem:s22], [sflag:$0x3] =	stream.linear.gather [hbm4b:s0+s5], $0x80, $0x38;
	[tilespmem:$0x1C180] =	vst v63  }
0x3a: {  	_ =	swait.ge [sflag:s20], $0x80  }
0x3b: {  	[sflag:s20] =	ssyncset.done $0x0  }
0x3c: {  	[sflag:s20] =	ssyncadd.s32 $0xFFFFFF80  }
0x3d: {  	[tilespmem:s19], [sflag:$0x1] =	stream.indirect.gather [hbm4b:s7+s22], $0x80, s5, s22, $0xb8;
	[tilespmem:$0x1C180] =	vst v63  }
0x3e: {  	_ = 	snop  }
0x3f: {  	[tilespmem:s23], [sflag:$0x2] =	stream.indirect.gather [hbm4b:s3+s22], $0x80, s21, s22, $0xb8;
	[tilespmem:$0x1C180] =	vst v63  }
0x40: {  	_ =	swait.ge [sflag:s24], $0x4000  }
0x41: {  	[sflag:s24] =	ssyncset.done $0x0  }
0x42: {  	[sflag:s24] =	ssyncadd.s32 $0xFFFFC000  }
0x43: {  	_ =	swait.ge [sflag:s26], $0x4000  }
0x44: {  	[sflag:s26] =	ssyncset.done $0x0  }
0x45: {  	s31 =	simm.s32 $0x0;
	[sflag:s26] =	ssyncadd.s32 $0xFFFFC000  }
0x46: {  	v7 =	vld [tilespmem:s31+$0x4180]  }
0x47: {  	v11 =	vld [tilespmem:s31+$0x4190]  }
0x48: {  	v5 =	vld [tilespmem:s31+$0x41A0]  }
0x49: {  	v4 =	vld [tilespmem:s31+$0x41B0]  }
0x4a: {  	v3 =	vld [tilespmem:s31+$0x41C0]  }
0x4b: {  	v2 =	vld [tilespmem:s31+$0x41D0]  }
0x4c: {  	v1 =	vld [tilespmem:s31+$0x41E0]  }
0x4d: {  	v0 =	vld [tilespmem:s31+$0x41F0]  }
0x4e: {  	v12 =	vld [tilespmem:s31+$0x180]  }
0x4f: {  	v13 =	vld [tilespmem:s31+$0x190]  }
0x50: {  	v10 =	vld [tilespmem:s31+$0x1A0]  }
0x51: {  	v9 =	vld [tilespmem:s31+$0x1B0]  }
0x52: {  	v8 =	vld [tilespmem:s31+$0x1C0]  }
0x53: {  	v6 =	vld [tilespmem:s31+$0x1D0];
	v12 =	vmul.f32 v7, v12  }
0x54: {  	s0 =	simm.s32 $0x200;
	v11 =	vmul.f32 v11, v13;
	v7 =	vld [tilespmem:s31+$0x1E0]  }
.LBB2_3:
0x55: {  	s5 =	sshra.s32 s0, $0x2;
	p0 =	sne.s32 s0, $0xFE00;
	[tilespmem:s31+$0x180] =	vst v12;
	v5 =	vmul.f32 v5, v10;
	v10 =	vld [tilespmem:s31+$0x1F0]  }
0x56: {  	v12 =	vld [tilespmem:s5+$0x4180];
	[tilespmem:s31+$0x190] =	vst v11;
	v4 =	vmul.f32 v4, v9  }
0x57: {  	v11 =	vld [tilespmem:s5+$0x4190];
	[tilespmem:s31+$0x1A0] =	vst v5;
	v3 =	vmul.f32 v3, v8  }
0x58: {  	v5 =	vld [tilespmem:s5+$0x41A0];
	[tilespmem:s31+$0x1B0] =	vst v4;
	v2 =	vmul.f32 v2, v6  }
0x59: {  	v4 =	vld [tilespmem:s5+$0x41B0];
	[tilespmem:s31+$0x1C0] =	vst v3;
	v1 =	vmul.f32 v1, v7  }
0x5a: {  	v3 =	vld [tilespmem:s5+$0x41C0];
	[tilespmem:s31+$0x1D0] =	vst v2;
	v0 =	vmul.f32 v0, v10  }
0x5b: {  	v2 =	vld [tilespmem:s5+$0x41D0];
	[tilespmem:s31+$0x1E0] =	vst v1  }
0x5c: {  	v1 =	vld [tilespmem:s5+$0x41E0];
	[tilespmem:s31+$0x1F0] =	vst v0;
	s31 =	smov.u32 s5  }
0x5d: {  	v0 =	vld [tilespmem:s31+$0x41F0]  }
0x5e: {  	v6 =	vld [tilespmem:s31+$0x180]  }
0x5f: {  	v7 =	vld [tilespmem:s31+$0x190]  }
.Ltmp0:
0x60: {  	v10 =	vld [tilespmem:s31+$0x1A0];
	(pc) =	sbr.rel @p0 .LBB2_3-.Ltmp0, $4  }
0x61: {  	v9 =	vld [tilespmem:s31+$0x1B0]  }
0x62: {  	v8 =	vld [tilespmem:s31+$0x1C0]  }
0x63: {  	v12 =	vmul.f32 v12, v6;
	v6 =	vld [tilespmem:s31+$0x1D0]  }
0x64: {  	s0 =	sadd.s32 $0x200, s0;
	v11 =	vmul.f32 v11, v7;
	v7 =	vld [tilespmem:s31+$0x1E0]  }
0x65: {  	[tilespmem:s31+$0x180] =	vst v12;
	v5 =	vmul.f32 v5, v10;
	v63 =	vld [tilespmem:s31+$0x1F0]  }
0x66: {  	[tilespmem:s31+$0x190] =	vst v11;
	v4 =	vmul.f32 v4, v9  }
0x67: {  	[tilespmem:s31+$0x1A0] =	vst v5;
	v3 =	vmul.f32 v3, v8  }
0x68: {  	[tilespmem:s31+$0x1B0] =	vst v4;
	v2 =	vmul.f32 v2, v6  }
0x69: {  	[tilespmem:s31+$0x1C0] =	vst v3;
	v1 =	vmul.f32 v1, v7  }
0x6a: {  	s30 =	sadd.s32 $0x1, s30;
	[tilespmem:s31+$0x1D0] =	vst v2;
	v0 =	vmul.f32 v0, v63  }
0x6b: {  	p0 =	sne.s32 s30, s15;
	[tilespmem:s31+$0x1E0] =	vst v1  }
.Ltmp1:
0x6c: {  	[tilespmem:s31+$0x1F0] =	vst v0;
	(pc) =	sbr.rel @p0 .LBB2_2-.Ltmp1, $4  }
0x6d: {  	[spmem:s4] =	stream.indirect.scatter.add.f32 [tilespmem:s19], [sflag:$0x3], $0x80, s22, s22, $0xb8;
	[tilespmem:$0x1C180] =	vst v63  }
0x6e: {  	_ =	swait.ge [sflag:s20], $0x4000  }
0x6f: {  	[sflag:s20] =	ssyncset.done $0x0  }
0x70: {  	[sflag:s20] =	ssyncadd.s32 $0xFFFFC000  }
0x71: {  	s29 =	sadd.s32 $0x1, s29  }
0x72: {  	p0 =	sne.s32 s29, s18  }
.Ltmp2:
0x73: {  	[bflag:$0x0] =	sbarrier.arrive $0xFFFF;
	(pc) =	sbr.rel @p0 .LBB2_1-.Ltmp2, $4  }
0x74: {  	[hbm:s17], [sflag:s25] =	dma.local [spmem:s28], $0x2800  }
0x75: {  	_ =	swait.ge [sflag:s20], $0x2800  }
0x76: {  	[sflag:s20] =	ssyncset.done $0x0  }
0x77: {  	[sflag:s20] =	ssyncadd.s32 $0xFFFFD800  }
0x78: {  	_ =	sfence.sel $0x180000  }
0x79: {  	[bflag:$0x0] =	sbarrier.arrive $0xFFFF  }
0x7a: {  	_ =	strace $0x90000053  }
0x7b: {  	s0 =	stileid.u32;
	[bflag:$0x2] =	sbarrier.arrive $0xFFFF  }
0x7c: {  	p0 =	sne.s32 s0, $0x0;
	s0 =	rddreg [dreg:$0x5]  }
0x7d: {  	s0 =	sadd.s32 @!p0 $0x100000, s0  }
0x7e: {  	[sflag:s0] =	ssyncadd.tile.s32 @!p0 $0x1;
	_ =	shalt  }
.Lfunc_end2:
_tile_overlayer_lowered:
.L_overlay_start_2:
0x7f: {  	(tag) =	ssettag $0x2  }
0x80: {  	s0 =	rddreg [dreg:$0x0];
	s2 =	stileid.u32  }
0x81: {  	s1 =	rddreg [dreg:$0x1];
	p0 =	sne.s32 s2, $0x0  }
0x82: {  	s3 =	rddreg [dreg:$0x2];
	[bflag:$0x3] =	sbarrier.arrive $0xFFFF;
	s2 =	simm.s32 @!p0 $0x1C03  }
0x83: {  	[timem:s3], [sflag:s2] =	dma.local @!p0 [hbm:s0], s1  }
0x84: {  	s0 =	simm.s32 @!p0 $0x3  }
0x85: {  	_ =	swait.ge @!p0 [sflag:s0], s1  }
0x86: {  	s1 =	ssub.s32 @!p0 $0x0, s1;
	[sflag:s0] =	ssyncset.done @!p0 $0x0  }
0x87: {  	[sflag:s0] =	ssyncadd.s32 @!p0 s1  }
0x88: {  	[bflag:$0x3] =	sbarrier.arrive $0xFFFF  }
0x89: {  	_ =	shalt  }

// kernel: kernel.27.cloned.1.call-start
scs
__scs_entry_jumppad:
0x0: {  	(pc) =	sbr.rel $0x88, $3  }
0x1: {  	(tag) =	ssettag $0x0;
	lr =	simm.s32 $0x1  }
0x2: {  	[smem:$0x3F99] =	sst lr;
	_ =	strace $0xD0000000  }
0x3: {  	_ = 	snop  }
0x4: {  	_ = 	snop  }
0x5: {  	_ = 	snop  }
0x6: {  	_ = 	snop  }
0x7: {  	_ = 	snop  }
__scs_overlays_trampoline_lowered:
0x8: {  	[smem:$0x3FA8] =	sst s0  }
0x9: {  	[smem:$0x3FA9] =	sst s1  }
0xa: {  	[smem:$0x3FAA] =	sst s2  }
0xb: {  	[smem:$0x3FAB] =	sst s3  }
0xc: {  	[smem:$0x3FAC] =	sst s4  }
0xd: {  	[smem:$0x3FAD] =	sst s5  }
0xe: {  	[smem:$0x3FAE] =	sst s6  }
0xf: {  	[smem:$0x3FAF] =	sst s7  }
0x10: {  	[smem:$0x3FB0] =	sst s8  }
0x11: {  	[smem:$0x3FB1] =	sst s9;
	s0 =	simm.s32 @!p0 $0x0  }
0x12: {  	s1 =	sld [smem:$0x3F97];
	s0 =	simm.s32 @p0 $0x1  }
0x13: {  	[smem:$0x3FB2] =	sst s0;
	s0 =	simm.s32 @!p1 $0x0  }
0x14: {  	s2 =	sld [smem:$0x3F96];
	s0 =	simm.s32 @p1 $0x1  }
0x15: {  	[smem:$0x3FB3] =	sst s0;
	s0 =	simm.s32 @!p2 $0x0  }
0x16: {  	s3 =	sld [smem:$0x3FDB];
	s0 =	simm.s32 @p2 $0x1  }
0x17: {  	s4 =	simm.s32 $0x1BF5;
	[smem:$0x3FB5] =	sst s0  }
0x18: {  	s0 =	sld [smem:$0x3F98];
	_ =	swait.ge [sflag:s4], $0x0  }
0x19: {  	s7 =	sld [smem:$0x3F99]  }
0x1a: {  	s8 =	sadd.s32 $0xFFFFE003, lr  }
0x1b: {  	s9 =	sadd.s32 $0xFFFFFEF7, lr;
	s5 =	simm.s32 $0xFFFFFFFF;
	p2 =	slt.u32 s8, $0xFFFFF086  }
0x1c: {  	p1 =	slt.u32 s9, $0xF7A;
	s5 =	simm.s32 @!p2 $0x0  }
0x1d: {  	s5 =	simm.s32 @p1 $0x1;
	p0 =	seq.s32 s7, s2  }
0x1e: {  	s7 =	smul.u32 @!p0 $0xF7A, s2;
	p2 =	seq.s32 @!p0 s5, $0x0  }
0x1f: {  	s9 =	smul.u32 $0xF7A, s1;
	s8 =	simm.s32 @!p0 $0x1BF5;
	p2 =	por !p2, p0  }
0x20: {  	[sflag:s8] =	ssyncset.s32 @!p0 $0xFFFFF086;
	s6 =	sadd.s32 @!p0 s3, s7;
	s7 =	simm.s32 @!p0 $0x108  }
0x21: {  	s3 =	sadd.s32 s3, s9;
	s6 =	sadd.s32 @!p0 $0x88, s6;
	s7 =	simm.s32 @p2 $0x1082  }
0x22: {  	[simem:s7], [sflag:s8] =	dma.local @!p0 [hbm:s6], $0xF7A  }
0x23: {  	s9 =	sor.u32 $0xD0000000, s2;
	s6 =	simm.s32 $0x108;
	_ =	swait.ge @!p0 [sflag:s8], $0x0  }
0x24: {  	s3 =	sadd.s32 $0x88, s3;
	s6 =	simm.s32 @!p1 $0x1082;
	[sflag:s4] =	ssyncset.s32 $0xFFFFF086  }
0x25: {  	[simem:s6], [sflag:s4] =	dma.local [hbm:s3], $0xF7A  }
0x26: {  	[smem:$0x3F99] =	sst s1;
	(tag) =	ssettag s2;
	_ =	strace s9  }
0x27: {  	s1 =	sld [smem:$0x3FA9]  }
0x28: {  	s2 =	sld [smem:$0x3FAA]  }
0x29: {  	s4 =	sld [smem:$0x3FAC]  }
0x2a: {  	p0 =	seq.s32 s5, $0x0;
	s5 =	sld [smem:$0x3FAD]  }
0x2b: {  	s6 =	sld [smem:$0x3FAE]  }
0x2c: {  	s7 =	sld [smem:$0x3FAF]  }
0x2d: {  	s3 =	simm.s32 $0x108;
	s8 =	sld [smem:$0x3FB0]  }
0x2e: {  	s3 =	simm.s32 @!p0 $0x1082;
	s9 =	sld [smem:$0x3FB1]  }
0x2f: {  	lr =	sadd.s32 s0, s3;
	s0 =	sld [smem:$0x3FA8]  }
0x30: {  	s3 =	sld [smem:$0x3FAB]  }
0x31: {  	[smem:$0x3FB4] =	sst s10  }
0x32: {  	s10 =	sld [smem:$0x3FB2];
	_ =	sdelay $0x3  }
0x33: {  	p0 =	seq.s32 s10, $0x1;
	s10 =	sld [smem:$0x3FB4];
	_ =	sdelay $0x3  }
0x34: {  	[smem:$0x3FB4] =	sst s10  }
0x35: {  	s10 =	sld [smem:$0x3FB3];
	_ =	sdelay $0x3  }
0x36: {  	p1 =	seq.s32 s10, $0x1;
	s10 =	sld [smem:$0x3FB4];
	_ =	sdelay $0x3  }
0x37: {  	[smem:$0x3FB4] =	sst s10  }
0x38: {  	s10 =	sld [smem:$0x3FB5]  }
0x39: {  	_ = 	snop;
	(pc) =	sbr.ind lr, $3  }
0x3a: {  	_ = 	snop  }
0x3b: {  	_ = 	snop  }
0x3c: {  	p2 =	seq.s32 s10, $0x1;
	s10 =	sld [smem:$0x3FB4]  }
0x3d: {  	_ =	shalt  }
0x3e: {  	_ =	shalt  }
0x3f: {  	_ =	shalt  }
0x40: {  	_ =	shalt  }
0x41: {  	_ =	shalt  }
0x42: {  	_ =	shalt  }
0x43: {  	_ =	shalt  }
0x44: {  	_ =	shalt  }
0x45: {  	_ =	shalt  }
0x46: {  	_ =	shalt  }
0x47: {  	_ =	shalt  }
0x48: {  	_ =	shalt  }
0x49: {  	_ =	shalt  }
0x4a: {  	_ =	shalt  }
0x4b: {  	_ =	shalt  }
0x4c: {  	_ =	shalt  }
0x4d: {  	_ =	shalt  }
0x4e: {  	_ =	shalt  }
0x4f: {  	_ =	shalt  }
0x50: {  	_ =	shalt  }
0x51: {  	_ =	shalt  }
0x52: {  	_ =	shalt  }
0x53: {  	_ =	shalt  }
0x54: {  	_ =	shalt  }
0x55: {  	_ =	shalt  }
0x56: {  	_ =	shalt  }
0x57: {  	_ =	shalt  }
0x58: {  	_ =	shalt  }
0x59: {  	_ =	shalt  }
0x5a: {  	_ =	shalt  }
0x5b: {  	_ =	shalt  }
0x5c: {  	_ =	shalt  }
0x5d: {  	_ =	shalt  }
0x5e: {  	_ =	shalt  }
0x5f: {  	_ =	shalt  }
0x60: {  	_ =	shalt  }
0x61: {  	_ =	shalt  }
0x62: {  	_ =	shalt  }
0x63: {  	_ =	shalt  }
0x64: {  	_ =	shalt  }
0x65: {  	_ =	shalt  }
0x66: {  	_ =	shalt  }
0x67: {  	_ =	shalt  }
0x68: {  	_ =	shalt  }
0x69: {  	_ =	shalt  }
0x6a: {  	_ =	shalt  }
0x6b: {  	_ =	shalt  }
0x6c: {  	_ =	shalt  }
0x6d: {  	_ =	shalt  }
0x6e: {  	_ =	shalt  }
0x6f: {  	_ =	shalt  }
0x70: {  	_ =	shalt  }
0x71: {  	_ =	shalt  }
0x72: {  	_ =	shalt  }
0x73: {  	_ =	shalt  }
0x74: {  	_ =	shalt  }
0x75: {  	_ =	shalt  }
0x76: {  	_ =	shalt  }
0x77: {  	_ =	shalt  }
0x78: {  	_ =	shalt  }
0x79: {  	_ =	shalt  }
0x7a: {  	_ =	shalt  }
0x7b: {  	_ =	shalt  }
0x7c: {  	_ =	shalt  }
0x7d: {  	_ =	shalt  }
0x7e: {  	_ =	shalt  }
0x7f: {  	_ =	shalt  }
0x80: {  	_ =	shalt  }
0x81: {  	_ =	shalt  }
0x82: {  	_ =	shalt  }
0x83: {  	_ =	shalt  }
0x84: {  	_ =	shalt  }
0x85: {  	_ =	shalt  }
0x86: {  	_ =	shalt  }
0x87: {  	_ =	shalt  }
.Lfunc_end0:
.L_simem_size_0:
called_computation.5_lowered:
.L_overlay_start_0:
0x88: {  	s2 =	sld [smem:$0x3FD9]  }
0x89: {  	s3 =	sld [smem:$0x3FFE];
	_ =	sdelay $0x1  }
0x8a: {  	s1 =	srdreg.scid  }
0x8b: {  	s0 =	sand.u32 $0x1, s1  }
0x8c: {  	s17 =	sshll.u32 s0, $0xA;
	s2 =	sadd.s32 s3, s2  }
0x8d: {  	s2 =	sadd.s32 s2, s17  }
0x8e: {  	[smem:$0x3FC0] =	sst s2  }
0x8f: {  	_ = 	snop  }
0x90: {  	s18 =	sld [smem:$0x3FC8]  }
0x91: {  	s4 =	sld [smem:$0x3FC3]  }
0x92: {  	s5 =	sld [smem:$0x3FD0];
	(tm) =	ssettm $0x1  }
0x93: {  	s19 =	sld [smem:$0x3FFB];
	_ =	sdelay $0x3  }
0x94: {  	_ =	strace s19  }
0x95: {  	s2 =	sld [smem:$0x3FFC];
	_ =	sdelay $0x3  }
0x96: {  	_ =	strace s2  }
0x97: {  	s2 =	sld [smem:$0x3FFD];
	_ =	sdelay $0x3  }
0x98: {  	_ =	strace s2  }
0x99: {  	_ =	strace $0x8FFFFFFF  }
0x9a: {  	s20 =	sld [smem:$0x3FDB];
	_ =	sdelay $0x1  }
0x9b: {  	s6 =	simm.s32 $_scs_section_size  }
0x9c: {  	s7 =	simm.s32 $_size__tile_overlayer_lowered;
	s8 =	simm.s32 $_tile_overlayer_lowered  }
0x9d: {  	s9 =	simm.s32 $0x1BFF;
	s21 =	sshll.u32 s8, $0x1;
	s6 =	sadd.s32 s6, s20  }
0x9e: {  	s22 =	simm.s32 $0x0;
	s7 =	sshll.u32 s7, $0x1;
	s8 =	sadd.s32 s21, s6  }
0x9f: {  	[timem:s22], [sflag:s9] =	dma.local [hbm:s8], s7  }
0xa0: {  	_ =	swait.ge [sflag:s9], s7  }
0xa1: {  	s7 =	ssub.s32 $0x0, s7;
	[sflag:s9] =	ssyncset.done $0x0  }
0xa2: {  	[sflag:s9] =	ssyncadd.s32 s7;
	_ =	sdelay $0x1  }
0xa3: {  	s23 =	simm.s32 $0x1B8B  }
0xa4: {  	_ =	swait.ge [sflag:s23], $0x1  }
0xa5: {  	[sflag:s23] =	ssyncset.done $0x0  }
0xa6: {  	[sflag:s23] =	ssyncadd.s32 $0xFFFFFFFF  }
0xa7: {  	s7 =	sld [smem:$0x0]  }
0xa8: {  	s8 =	sand.u32 $0xFFFFFFFE, s1  }
0xa9: {  	p0 =	sne.s32 s1, s8  }
0xaa: {  	s8 =	sshll.u32 @p0 s8, $0xE  }
0xab: {  	s8 =	sadd.s32 @p0 $0x11B8D, s8;
	s9 =	sshll.u32 @p0 s7, $0x11  }
0xac: {  	s8 =	sor.u32 @p0 s9, s8  }
0xad: {  	[sflag:s8] =	ssyncadd.remote.s32 @p0 $0x1;
	_ =	sdelay $0x1  }
0xae: {  	s8 =	simm.s32 @p0 $0x1B8D  }
0xaf: {  	_ =	swait.eq @p0 [sflag:s8], $0x1  }
0xb0: {  	[sflag:s8] =	ssyncadd.s32 @p0 $0xFFFFFFFF  }
0xb1: {  	s9 =	sshll.u32 @!p0 s1, $0xE  }
0xb2: {  	s9 =	sor.u32 @!p0 $0x4000, s9;
	s8 =	simm.s32 @!p0 $0x1B8D  }
0xb3: {  	s7 =	sshll.u32 @!p0 s7, $0x11;
	s9 =	sadd.s32 @!p0 $0x11B8D, s9;
	_ =	swait.eq @!p0 [sflag:s8], $0x1  }
0xb4: {  	s7 =	sor.u32 @!p0 s7, s9;
	[sflag:s8] =	ssyncadd.s32 @!p0 $0xFFFFFFFF  }
0xb5: {  	s25 =	simm.s32 $0x1B8E;
	s24 =	sld [smem:$0x3FFE];
	[sflag:s7] =	ssyncadd.remote.s32 @!p0 $0x1  }
0xb6: {  	s26 =	simm.s32 $execute0_lowered;
	[smem:$0x3FD2] =	sst s25  }
0xb7: {  	s8 =	sshll.u32 s26, $0x1;
	_ =	strace $0x80000055;
	[dreg:$0x1] =	wrdreg $0xFFFFFFFF  }
0xb8: {  	s28 =	simm.s32 $_size_execute0_lowered;
	s6 =	sadd.s32 s6, s8;
	[dreg:$0x0] =	wrdreg $0x0  }
0xb9: {  	s8 =	sshll.u32 s28, $0x1;
	[dreg:$0x2] =	wrdreg s6  }
0xba: {  	[dreg:$0x3] =	wrdreg s8  }
0xbb: {  	[dreg:$0x4] =	wrdreg $0xC0  }
0xbc: {  	_ =	task [dreg:s22], $0x5FFFF  }
0xbd: {  	[dreg:$0x1] =	wrdreg $0xFFFFFFFF  }
0xbe: {  	[dreg:$0x0] =	wrdreg $0x60  }
0xbf: {  	[dreg:$0x2] =	wrdreg s24  }
0xc0: {  	[dreg:$0x3] =	wrdreg s5  }
0xc1: {  	[dreg:$0x4] =	wrdreg s4  }
0xc2: {  	[dreg:$0x5] =	wrdreg s18  }
0xc3: {  	[dreg:$0x6] =	wrdreg $0x81800  }
0xc4: {  	[dreg:$0x7] =	wrdreg $0xC  }
0xc5: {  	_ =	task.clear_ibuf [dreg:s22], $0x8FFFF;
	_ =	strace $0x90000055  }
0xc6: {  	s29 =	simm.s32 $0xC;
	_ =	strace $0x80000057  }
0xc7: {  	_ =	swait.ge [sflag:s29], $0x1  }
0xc8: {  	[sflag:s29] =	ssyncadd.s32 $0xFFFFFFFF  }
0xc9: {  	_ =	strace $0x90000057  }
0xca: {  	_ =	sfence  }
0xcb: {  	s30 =	sld [smem:$0x0];
	_ =	sdelay $0x2  }
0xcc: {  	s31 =	sshll.u32 s1, $0xD;
	s1 =	sshrl.u32 s1, $0x2  }
0xcd: {  	s4 =	sand.u32 $0x4000, s31;
	s1 =	sadd.s32 s1, s30  }
0xce: {  	s0 =	sor.u32 s4, s0;
	s1 =	sshll.u32 s1, $0x11  }
0xcf: {  	s0 =	sor.u32 s1, s0  }
0xd0: {  	s0 =	sadd.s32 $0x8F2B, s0  }
0xd1: {  	[sflag:s0] =	ssyncadd.remote.s32 $0x1  }
0xd2: {  	_ =	sfence.sel $0xFFFF  }
0xd3: {  	[dreg:$0x0] =	wrdreg $0xFFFFFFFF;
	(pc) =	sbr.abs _section_cstart, $3  }
0xd4: {  	[dreg:$0x1] =	wrdreg $0xFFFFFFFF  }
0xd5: {  	_ =	task.clear_ibuf [dreg:s22], $0x2FFFF;
	_ =	strace $0x9FFFFFFF  }
0xd6: {  	(tm) =	ssettm $0x7FFFFFFF  }
0xd7: {  	_ =	shalt  }
tec
execute0_lowered:
.L_overlay_start_1:
0x0: {  	(tag) =	ssettag $0x1  }
0x1: {  	s0 =	rddreg [dreg:$0x0]  }
0x2: {  	s1 =	rddreg [dreg:$0x1]  }
0x3: {  	s2 =	rddreg [dreg:$0x2]  }
0x4: {  	s3 =	rddreg [dreg:$0x3]  }
0x5: {  	s4 =	rddreg [dreg:$0x4];
	s6 =	simm.s32 $0x0  }
0x6: {  	s5 =	srdreg.scid;
	s26 =	stileid.u32;
	s15 =	simm.s32 $0x4F  }
0x7: {  	s19 =	simm.s32 $0x180;
	s20 =	simm.s32 $0x3;
	s21 =	simm.s32 $0x100  }
0x8: {  	s22 =	simm.s32 $0x80;
	s23 =	simm.s32 $0x4180;
	s24 =	simm.s32 $0x1  }
0x9: {  	s29 =	simm.s32 $0x0;
	[smem:$0x7FF] =	sst s6;
	s11 =	smul.u32 $0x14000, s26  }
0xa: {  	s16 =	sand.u32 $0x1, s5;
	s7 =	sadd.s32 $0x125400, s0;
	s12 =	smul.u32 $0x50000, s26  }
0xb: {  	s8 =	sadd.s32 $0x2AE00, s0;
	s9 =	sadd.s32 $0x34C00, s0;
	p0 =	slt.u32 s26, $0x2  }
0xc: {  	s17 =	sshll.u32 s26, $0x8;
	s31 =	sshll.u32 s26, $0x6;
	s26 =	simm.s32 $0x2  }
0xd: {  	s10 =	smul.u32 $0x140000, s16;
	_ =	strace $0x80000056;
	s30 =	ssub.s32 $0x2, s16  }
0xe: {  	s16 =	sshll.u32 s16, $0x7;
	s15 =	simm.s32 @!p0 $0x4E;
	s25 =	sor.u32 $0x1C03, s31  }
0xf: {  	s12 =	sshrl.u32 s12, $0x2;
	s13 =	sshrl.u32 s30, $0x1;
	s10 =	sadd.s32 s11, s10  }
0x10: {  	s16 =	sor.u32 s16, s17;
	s18 =	ssub.s32 s30, s13;
	s10 =	sshrl.u32 s10, $0x3  }
0x11: {  	s18 =	smax.u32 s18, $0x1;
	s0 =	sadd.s32 s10, s0;
	s10 =	sadd.s32 s12, s4  }
0x12: {  	s11 =	sadd.s32 $0x4000, s10;
	s12 =	sadd.s32 $0x8000, s10;
	s13 =	sadd.s32 $0xC000, s10  }
0x13: {  	s14 =	sadd.s32 $0x10000, s10;
	s17 =	sadd.s32 $0x19D400, s0;
	s28 =	sshrl.u32 s10, $0x3  }
.LBB2_1:
0x14: {  	[tilespmem:s19], [sflag:$0x3] =	stream.linear.gather [hbm4b:s9+s6], $0x4000, $0x38;
	[tilespmem:$0x1C180] =	vst v63  }
0x15: {  	_ =	swait.ge [sflag:s20], $0x4000  }
0x16: {  	[sflag:s20] =	ssyncset.done $0x0  }
0x17: {  	[sflag:s20] =	ssyncadd.s32 $0xFFFFC000  }
0x18: {  	[spmem:s10] =	stream.linear.scatter [tilespmem:s19], [sflag:$0x3], $0x4000, $0x38;
	[tilespmem:$0x1C180] =	vst v63  }
0x19: {  	_ =	swait.ge [sflag:s20], $0x4000  }
0x1a: {  	[sflag:s20] =	ssyncset.done $0x0  }
0x1b: {  	[sflag:s20] =	ssyncadd.s32 $0xFFFFC000  }
0x1c: {  	[spmem:s11] =	stream.linear.scatter [tilespmem:s19], [sflag:$0x3], $0x4000, $0x38;
	[tilespmem:$0x1C180] =	vst v63  }
0x1d: {  	_ =	swait.ge [sflag:s20], $0x4000  }
0x1e: {  	[sflag:s20] =	ssyncset.done $0x0  }
0x1f: {  	[sflag:s20] =	ssyncadd.s32 $0xFFFFC000  }
0x20: {  	[spmem:s12] =	stream.linear.scatter [tilespmem:s19], [sflag:$0x3], $0x4000, $0x38;
	[tilespmem:$0x1C180] =	vst v63  }
0x21: {  	_ =	swait.ge [sflag:s20], $0x4000  }
0x22: {  	[sflag:s20] =	ssyncset.done $0x0  }
0x23: {  	[sflag:s20] =	ssyncadd.s32 $0xFFFFC000  }
0x24: {  	[spmem:s13] =	stream.linear.scatter [tilespmem:s19], [sflag:$0x3], $0x4000, $0x38;
	[tilespmem:$0x1C180] =	vst v63  }
0x25: {  	_ =	swait.ge [sflag:s20], $0x4000  }
0x26: {  	[sflag:s20] =	ssyncset.done $0x0  }
0x27: {  	[sflag:s20] =	ssyncadd.s32 $0xFFFFC000  }
0x28: {  	[spmem:s14] =	stream.linear.scatter [tilespmem:s19], [sflag:$0x3], $0x4000, $0x38;
	[tilespmem:$0x1C180] =	vst v63  }
0x29: {  	_ =	swait.ge [sflag:s20], $0x4000  }
0x2a: {  	[sflag:s20] =	ssyncset.done $0x0  }
0x2b: {  	[sflag:s20] =	ssyncadd.s32 $0xFFFFC000  }
0x2c: {  	s30 =	simm.s32 $0x0;
	[bflag:$0x0] =	sbarrier.arrive $0xFFFF  }
.LBB2_2:
0x2d: {  	s0 =	sshll.u32 s30, $0xC  }
0x2e: {  	s0 =	sor.u32 s16, s0  }
0x2f: {  	s0 =	sshrl.u32 s0, $0x3  }
0x30: {  	s5 =	simm.s32 $0x0;
	s31 =	sadd.s32 s8, s0  }
0x31: {  	[tilespmem:s5], [sflag:$0x3] =	stream.linear.gather [hbm4b:s31+s5], $0x80, $0x38;
	[tilespmem:$0x1C180] =	vst v63  }
0x32: {  	_ =	swait.ge [sflag:s20], $0x80  }
0x33: {  	[sflag:s20] =	ssyncset.done $0x0  }
0x34: {  	s31 =	sadd.s32 s2, s0;
	[sflag:s20] =	ssyncadd.s32 $0xFFFFFF80  }
0x35: {  	[tilespmem:s21], [sflag:$0x3] =	stream.linear.gather [hbm4b:s31+s5], $0x80, $0x38;
	[tilespmem:$0x1C180] =	vst v63  }
0x36: {  	_ =	swait.ge [sflag:s20], $0x80  }
0x37: {  	[sflag:s20] =	ssyncset.done $0x0  }
0x38: {  	s0 =	sadd.s32 s1, s0;
	[sflag:s20] =	ssyncadd.s32 $0xFFFFFF80  }
0x39: {  	[tilespmem:s22], [sflag:$0x3] =	stream.linear.gather [hbm4b:s0+s5], $0x80, $0x38;
	[tilespmem:$0x1C180] =	vst v63  }
0x3a: {  	_ =	swait.ge [sflag:s20], $0x80  }
0x3b: {  	[sflag:s20] =	ssyncset.done $0x0  }
0x3c: {  	[sflag:s20] =	ssyncadd.s32 $0xFFFFFF80  }
0x3d: {  	[tilespmem:s19], [sflag:$0x1] =	stream.indirect.gather [hbm4b:s7+s22], $0x80, s5, s22, $0xb8;
	[tilespmem:$0x1C180] =	vst v63  }
0x3e: {  	_ = 	snop  }
0x3f: {  	[tilespmem:s23], [sflag:$0x2] =	stream.indirect.gather [hbm4b:s3+s22], $0x80, s21, s22, $0xb8;
	[tilespmem:$0x1C180] =	vst v63  }
0x40: {  	_ =	swait.ge [sflag:s24], $0x4000  }
0x41: {  	[sflag:s24] =	ssyncset.done $0x0  }
0x42: {  	[sflag:s24] =	ssyncadd.s32 $0xFFFFC000  }
0x43: {  	_ =	swait.ge [sflag:s26], $0x4000  }
0x44: {  	[sflag:s26] =	ssyncset.done $0x0  }
0x45: {  	s31 =	simm.s32 $0x0;
	[sflag:s26] =	ssyncadd.s32 $0xFFFFC000  }
0x46: {  	v7 =	vld [tilespmem:s31+$0x4180]  }
0x47: {  	v11 =	vld [tilespmem:s31+$0x4190]  }
0x48: {  	v5 =	vld [tilespmem:s31+$0x41A0]  }
0x49: {  	v4 =	vld [tilespmem:s31+$0x41B0]  }
0x4a: {  	v3 =	vld [tilespmem:s31+$0x41C0]  }
0x4b: {  	v2 =	vld [tilespmem:s31+$0x41D0]  }
0x4c: {  	v1 =	vld [tilespmem:s31+$0x41E0]  }
0x4d: {  	v0 =	vld [tilespmem:s31+$0x41F0]  }
0x4e: {  	v12 =	vld [tilespmem:s31+$0x180]  }
0x4f: {  	v13 =	vld [tilespmem:s31+$0x190]  }
0x50: {  	v10 =	vld [tilespmem:s31+$0x1A0]  }
0x51: {  	v9 =	vld [tilespmem:s31+$0x1B0]  }
0x52: {  	v8 =	vld [tilespmem:s31+$0x1C0]  }
0x53: {  	v6 =	vld [tilespmem:s31+$0x1D0];
	v12 =	vmul.f32 v7, v12  }
0x54: {  	s0 =	simm.s32 $0x200;
	v11 =	vmul.f32 v11, v13;
	v7 =	vld [tilespmem:s31+$0x1E0]  }
.LBB2_3:
0x55: {  	s5 =	sshra.s32 s0, $0x2;
	p0 =	sne.s32 s0, $0xFE00;
	[tilespmem:s31+$0x180] =	vst v12;
	v5 =	vmul.f32 v5, v10;
	v10 =	vld [tilespmem:s31+$0x1F0]  }
0x56: {  	v12 =	vld [tilespmem:s5+$0x4180];
	[tilespmem:s31+$0x190] =	vst v11;
	v4 =	vmul.f32 v4, v9  }
0x57: {  	v11 =	vld [tilespmem:s5+$0x4190];
	[tilespmem:s31+$0x1A0] =	vst v5;
	v3 =	vmul.f32 v3, v8  }
0x58: {  	v5 =	vld [tilespmem:s5+$0x41A0];
	[tilespmem:s31+$0x1B0] =	vst v4;
	v2 =	vmul.f32 v2, v6  }
0x59: {  	v4 =	vld [tilespmem:s5+$0x41B0];
	[tilespmem:s31+$0x1C0] =	vst v3;
	v1 =	vmul.f32 v1, v7  }
0x5a: {  	v3 =	vld [tilespmem:s5+$0x41C0];
	[tilespmem:s31+$0x1D0] =	vst v2;
	v0 =	vmul.f32 v0, v10  }
0x5b: {  	v2 =	vld [tilespmem:s5+$0x41D0];
	[tilespmem:s31+$0x1E0] =	vst v1  }
0x5c: {  	v1 =	vld [tilespmem:s5+$0x41E0];
	[tilespmem:s31+$0x1F0] =	vst v0;
	s31 =	smov.u32 s5  }
0x5d: {  	v0 =	vld [tilespmem:s31+$0x41F0]  }
0x5e: {  	v6 =	vld [tilespmem:s31+$0x180]  }
0x5f: {  	v7 =	vld [tilespmem:s31+$0x190]  }
.Ltmp0:
0x60: {  	v10 =	vld [tilespmem:s31+$0x1A0];
	(pc) =	sbr.rel @p0 .LBB2_3-.Ltmp0, $4  }
0x61: {  	v9 =	vld [tilespmem:s31+$0x1B0]  }
0x62: {  	v8 =	vld [tilespmem:s31+$0x1C0]  }
0x63: {  	v12 =	vmul.f32 v12, v6;
	v6 =	vld [tilespmem:s31+$0x1D0]  }
0x64: {  	s0 =	sadd.s32 $0x200, s0;
	v11 =	vmul.f32 v11, v7;
	v7 =	vld [tilespmem:s31+$0x1E0]  }
0x65: {  	[tilespmem:s31+$0x180] =	vst v12;
	v5 =	vmul.f32 v5, v10;
	v63 =	vld [tilespmem:s31+$0x1F0]  }
0x66: {  	[tilespmem:s31+$0x190] =	vst v11;
	v4 =	vmul.f32 v4, v9  }
0x67: {  	[tilespmem:s31+$0x1A0] =	vst v5;
	v3 =	vmul.f32 v3, v8  }
0x68: {  	[tilespmem:s31+$0x1B0] =	vst v4;
	v2 =	vmul.f32 v2, v6  }
0x69: {  	[tilespmem:s31+$0x1C0] =	vst v3;
	v1 =	vmul.f32 v1, v7  }
0x6a: {  	s30 =	sadd.s32 $0x1, s30;
	[tilespmem:s31+$0x1D0] =	vst v2;
	v0 =	vmul.f32 v0, v63  }
0x6b: {  	p0 =	sne.s32 s30, s15;
	[tilespmem:s31+$0x1E0] =	vst v1  }
.Ltmp1:
0x6c: {  	[tilespmem:s31+$0x1F0] =	vst v0;
	(pc) =	sbr.rel @p0 .LBB2_2-.Ltmp1, $4  }
0x6d: {  	[spmem:s4] =	stream.indirect.scatter.add.f32 [tilespmem:s19], [sflag:$0x3], $0x80, s22, s22, $0xb8;
	[tilespmem:$0x1C180] =	vst v63  }
0x6e: {  	_ =	swait.ge [sflag:s20], $0x4000  }
0x6f: {  	[sflag:s20] =	ssyncset.done $0x0  }
0x70: {  	[sflag:s20] =	ssyncadd.s32 $0xFFFFC000  }
0x71: {  	s29 =	sadd.s32 $0x1, s29  }
0x72: {  	p0 =	sne.s32 s29, s18  }
.Ltmp2:
0x73: {  	[bflag:$0x0] =	sbarrier.arrive $0xFFFF;
	(pc) =	sbr.rel @p0 .LBB2_1-.Ltmp2, $4  }
0x74: {  	[hbm:s17], [sflag:s25] =	dma.local [spmem:s28], $0x2800  }
0x75: {  	_ =	swait.ge [sflag:s20], $0x2800  }
0x76: {  	[sflag:s20] =	ssyncset.done $0x0  }
0x77: {  	[sflag:s20] =	ssyncadd.s32 $0xFFFFD800  }
0x78: {  	_ =	sfence.sel $0x180000  }
0x79: {  	[bflag:$0x0] =	sbarrier.arrive $0xFFFF  }
0x7a: {  	_ =	strace $0x90000056  }
0x7b: {  	s0 =	stileid.u32;
	[bflag:$0x2] =	sbarrier.arrive $0xFFFF  }
0x7c: {  	p0 =	sne.s32 s0, $0x0;
	s0 =	rddreg [dreg:$0x5]  }
0x7d: {  	s0 =	sadd.s32 @!p0 $0x100000, s0  }
0x7e: {  	[sflag:s0] =	ssyncadd.tile.s32 @!p0 $0x1;
	_ =	shalt  }
.Lfunc_end2:
_tile_overlayer_lowered:
.L_overlay_start_2:
0x7f: {  	(tag) =	ssettag $0x2  }
0x80: {  	s0 =	rddreg [dreg:$0x0];
	s2 =	stileid.u32  }
0x81: {  	s1 =	rddreg [dreg:$0x1];
	p0 =	sne.s32 s2, $0x0  }
0x82: {  	s3 =	rddreg [dreg:$0x2];
	[bflag:$0x3] =	sbarrier.arrive $0xFFFF;
	s2 =	simm.s32 @!p0 $0x1C03  }
0x83: {  	[timem:s3], [sflag:s2] =	dma.local @!p0 [hbm:s0], s1  }
0x84: {  	s0 =	simm.s32 @!p0 $0x3  }
0x85: {  	_ =	swait.ge @!p0 [sflag:s0], s1  }
0x86: {  	s1 =	ssub.s32 @!p0 $0x0, s1;
	[sflag:s0] =	ssyncset.done @!p0 $0x0  }
0x87: {  	[sflag:s0] =	ssyncadd.s32 @!p0 s1  }
0x88: {  	[bflag:$0x3] =	sbarrier.arrive $0xFFFF  }
0x89: {  	_ =	shalt  }

// kernel: kernel.30.cloned.1.call-start
scs
__scs_entry_jumppad:
0x0: {  	(pc) =	sbr.rel $0x88, $3  }
0x1: {  	(tag) =	ssettag $0x0;
	lr =	simm.s32 $0x1  }
0x2: {  	[smem:$0x3F99] =	sst lr;
	_ =	strace $0xD0000000  }
0x3: {  	_ = 	snop  }
0x4: {  	_ = 	snop  }
0x5: {  	_ = 	snop  }
0x6: {  	_ = 	snop  }
0x7: {  	_ = 	snop  }
__scs_overlays_trampoline_lowered:
0x8: {  	[smem:$0x3FA8] =	sst s0  }
0x9: {  	[smem:$0x3FA9] =	sst s1  }
0xa: {  	[smem:$0x3FAA] =	sst s2  }
0xb: {  	[smem:$0x3FAB] =	sst s3  }
0xc: {  	[smem:$0x3FAC] =	sst s4  }
0xd: {  	[smem:$0x3FAD] =	sst s5  }
0xe: {  	[smem:$0x3FAE] =	sst s6  }
0xf: {  	[smem:$0x3FAF] =	sst s7  }
0x10: {  	[smem:$0x3FB0] =	sst s8  }
0x11: {  	[smem:$0x3FB1] =	sst s9;
	s0 =	simm.s32 @!p0 $0x0  }
0x12: {  	s1 =	sld [smem:$0x3F97];
	s0 =	simm.s32 @p0 $0x1  }
0x13: {  	[smem:$0x3FB2] =	sst s0;
	s0 =	simm.s32 @!p1 $0x0  }
0x14: {  	s2 =	sld [smem:$0x3F96];
	s0 =	simm.s32 @p1 $0x1  }
0x15: {  	[smem:$0x3FB3] =	sst s0;
	s0 =	simm.s32 @!p2 $0x0  }
0x16: {  	s3 =	sld [smem:$0x3FDB];
	s0 =	simm.s32 @p2 $0x1  }
0x17: {  	s4 =	simm.s32 $0x1BF5;
	[smem:$0x3FB5] =	sst s0  }
0x18: {  	s0 =	sld [smem:$0x3F98];
	_ =	swait.ge [sflag:s4], $0x0  }
0x19: {  	s7 =	sld [smem:$0x3F99]  }
0x1a: {  	s8 =	sadd.s32 $0xFFFFE003, lr  }
0x1b: {  	s9 =	sadd.s32 $0xFFFFFEF7, lr;
	s5 =	simm.s32 $0xFFFFFFFF;
	p2 =	slt.u32 s8, $0xFFFFF086  }
0x1c: {  	p1 =	slt.u32 s9, $0xF7A;
	s5 =	simm.s32 @!p2 $0x0  }
0x1d: {  	s5 =	simm.s32 @p1 $0x1;
	p0 =	seq.s32 s7, s2  }
0x1e: {  	s7 =	smul.u32 @!p0 $0xF7A, s2;
	p2 =	seq.s32 @!p0 s5, $0x0  }
0x1f: {  	s9 =	smul.u32 $0xF7A, s1;
	s8 =	simm.s32 @!p0 $0x1BF5;
	p2 =	por !p2, p0  }
0x20: {  	[sflag:s8] =	ssyncset.s32 @!p0 $0xFFFFF086;
	s6 =	sadd.s32 @!p0 s3, s7;
	s7 =	simm.s32 @!p0 $0x108  }
0x21: {  	s3 =	sadd.s32 s3, s9;
	s6 =	sadd.s32 @!p0 $0x88, s6;
	s7 =	simm.s32 @p2 $0x1082  }
0x22: {  	[simem:s7], [sflag:s8] =	dma.local @!p0 [hbm:s6], $0xF7A  }
0x23: {  	s9 =	sor.u32 $0xD0000000, s2;
	s6 =	simm.s32 $0x108;
	_ =	swait.ge @!p0 [sflag:s8], $0x0  }
0x24: {  	s3 =	sadd.s32 $0x88, s3;
	s6 =	simm.s32 @!p1 $0x1082;
	[sflag:s4] =	ssyncset.s32 $0xFFFFF086  }
0x25: {  	[simem:s6], [sflag:s4] =	dma.local [hbm:s3], $0xF7A  }
0x26: {  	[smem:$0x3F99] =	sst s1;
	(tag) =	ssettag s2;
	_ =	strace s9  }
0x27: {  	s1 =	sld [smem:$0x3FA9]  }
0x28: {  	s2 =	sld [smem:$0x3FAA]  }
0x29: {  	s4 =	sld [smem:$0x3FAC]  }
0x2a: {  	p0 =	seq.s32 s5, $0x0;
	s5 =	sld [smem:$0x3FAD]  }
0x2b: {  	s6 =	sld [smem:$0x3FAE]  }
0x2c: {  	s7 =	sld [smem:$0x3FAF]  }
0x2d: {  	s3 =	simm.s32 $0x108;
	s8 =	sld [smem:$0x3FB0]  }
0x2e: {  	s3 =	simm.s32 @!p0 $0x1082;
	s9 =	sld [smem:$0x3FB1]  }
0x2f: {  	lr =	sadd.s32 s0, s3;
	s0 =	sld [smem:$0x3FA8]  }
0x30: {  	s3 =	sld [smem:$0x3FAB]  }
0x31: {  	[smem:$0x3FB4] =	sst s10  }
0x32: {  	s10 =	sld [smem:$0x3FB2];
	_ =	sdelay $0x3  }
0x33: {  	p0 =	seq.s32 s10, $0x1;
	s10 =	sld [smem:$0x3FB4];
	_ =	sdelay $0x3  }
0x34: {  	[smem:$0x3FB4] =	sst s10  }
0x35: {  	s10 =	sld [smem:$0x3FB3];
	_ =	sdelay $0x3  }
0x36: {  	p1 =	seq.s32 s10, $0x1;
	s10 =	sld [smem:$0x3FB4];
	_ =	sdelay $0x3  }
0x37: {  	[smem:$0x3FB4] =	sst s10  }
0x38: {  	s10 =	sld [smem:$0x3FB5]  }
0x39: {  	_ = 	snop;
	(pc) =	sbr.ind lr, $3  }
0x3a: {  	_ = 	snop  }
0x3b: {  	_ = 	snop  }
0x3c: {  	p2 =	seq.s32 s10, $0x1;
	s10 =	sld [smem:$0x3FB4]  }
0x3d: {  	_ =	shalt  }
0x3e: {  	_ =	shalt  }
0x3f: {  	_ =	shalt  }
0x40: {  	_ =	shalt  }
0x41: {  	_ =	shalt  }
0x42: {  	_ =	shalt  }
0x43: {  	_ =	shalt  }
0x44: {  	_ =	shalt  }
0x45: {  	_ =	shalt  }
0x46: {  	_ =	shalt  }
0x47: {  	_ =	shalt  }
0x48: {  	_ =	shalt  }
0x49: {  	_ =	shalt  }
0x4a: {  	_ =	shalt  }
0x4b: {  	_ =	shalt  }
0x4c: {  	_ =	shalt  }
0x4d: {  	_ =	shalt  }
0x4e: {  	_ =	shalt  }
0x4f: {  	_ =	shalt  }
0x50: {  	_ =	shalt  }
0x51: {  	_ =	shalt  }
0x52: {  	_ =	shalt  }
0x53: {  	_ =	shalt  }
0x54: {  	_ =	shalt  }
0x55: {  	_ =	shalt  }
0x56: {  	_ =	shalt  }
0x57: {  	_ =	shalt  }
0x58: {  	_ =	shalt  }
0x59: {  	_ =	shalt  }
0x5a: {  	_ =	shalt  }
0x5b: {  	_ =	shalt  }
0x5c: {  	_ =	shalt  }
0x5d: {  	_ =	shalt  }
0x5e: {  	_ =	shalt  }
0x5f: {  	_ =	shalt  }
0x60: {  	_ =	shalt  }
0x61: {  	_ =	shalt  }
0x62: {  	_ =	shalt  }
0x63: {  	_ =	shalt  }
0x64: {  	_ =	shalt  }
0x65: {  	_ =	shalt  }
0x66: {  	_ =	shalt  }
0x67: {  	_ =	shalt  }
0x68: {  	_ =	shalt  }
0x69: {  	_ =	shalt  }
0x6a: {  	_ =	shalt  }
0x6b: {  	_ =	shalt  }
0x6c: {  	_ =	shalt  }
0x6d: {  	_ =	shalt  }
0x6e: {  	_ =	shalt  }
0x6f: {  	_ =	shalt  }
0x70: {  	_ =	shalt  }
0x71: {  	_ =	shalt  }
0x72: {  	_ =	shalt  }
0x73: {  	_ =	shalt  }
0x74: {  	_ =	shalt  }
0x75: {  	_ =	shalt  }
0x76: {  	_ =	shalt  }
0x77: {  	_ =	shalt  }
0x78: {  	_ =	shalt  }
0x79: {  	_ =	shalt  }
0x7a: {  	_ =	shalt  }
0x7b: {  	_ =	shalt  }
0x7c: {  	_ =	shalt  }
0x7d: {  	_ =	shalt  }
0x7e: {  	_ =	shalt  }
0x7f: {  	_ =	shalt  }
0x80: {  	_ =	shalt  }
0x81: {  	_ =	shalt  }
0x82: {  	_ =	shalt  }
0x83: {  	_ =	shalt  }
0x84: {  	_ =	shalt  }
0x85: {  	_ =	shalt  }
0x86: {  	_ =	shalt  }
0x87: {  	_ =	shalt  }
.Lfunc_end0:
.L_simem_size_0:
called_computation.6_lowered:
.L_overlay_start_0:
0x88: {  	s2 =	sld [smem:$0x3FD9]  }
0x89: {  	s3 =	sld [smem:$0x3FFE];
	_ =	sdelay $0x1  }
0x8a: {  	s1 =	srdreg.scid  }
0x8b: {  	s0 =	sand.u32 $0x1, s1  }
0x8c: {  	s16 =	sshll.u32 s0, $0xA;
	s2 =	sadd.s32 s3, s2  }
0x8d: {  	s2 =	sadd.s32 s2, s16  }
0x8e: {  	[smem:$0x3FC0] =	sst s2  }
0x8f: {  	_ = 	snop  }
0x90: {  	(tm) =	ssettm $0x1  }
0x91: {  	s17 =	sld [smem:$0x3FFB];
	_ =	sdelay $0x3  }
0x92: {  	_ =	strace s17  }
0x93: {  	s2 =	sld [smem:$0x3FFC];
	_ =	sdelay $0x3  }
0x94: {  	_ =	strace s2  }
0x95: {  	s2 =	sld [smem:$0x3FFD];
	_ =	sdelay $0x3  }
0x96: {  	_ =	strace s2  }
0x97: {  	_ =	strace $0x8FFFFFFF  }
0x98: {  	s18 =	sld [smem:$0x3FDB];
	_ =	sdelay $0x1  }
0x99: {  	s19 =	simm.s32 $_scs_section_size  }
0x9a: {  	s4 =	simm.s32 $_size__tile_overlayer_lowered;
	s5 =	simm.s32 $_tile_overlayer_lowered  }
0x9b: {  	s22 =	simm.s32 $0x1BFF;
	s21 =	sshll.u32 s5, $0x1;
	s2 =	sadd.s32 s19, s18  }
0x9c: {  	s6 =	simm.s32 $0x0;
	s20 =	sshll.u32 s4, $0x1;
	s4 =	sadd.s32 s21, s2  }
0x9d: {  	[timem:s6], [sflag:s22] =	dma.local [hbm:s4], s20  }
0x9e: {  	_ =	swait.ge [sflag:s22], s20  }
0x9f: {  	s3 =	ssub.s32 $0x0, s20;
	[sflag:s22] =	ssyncset.done $0x0  }
0xa0: {  	[sflag:s22] =	ssyncadd.s32 s3;
	_ =	sdelay $0x1  }
0xa1: {  	s23 =	simm.s32 $0x1B8B  }
0xa2: {  	_ =	swait.ge [sflag:s23], $0x1  }
0xa3: {  	[sflag:s23] =	ssyncset.done $0x0  }
0xa4: {  	s25 =	simm.s32 $0x1B8E;
	s24 =	sld [smem:$0x3FFE];
	[sflag:s23] =	ssyncadd.s32 $0xFFFFFFFF  }
0xa5: {  	s26 =	simm.s32 $execute0_lowered;
	[smem:$0x3FD2] =	sst s25  }
0xa6: {  	s4 =	sshll.u32 s26, $0x1;
	_ =	strace $0x80000058;
	[dreg:$0x1] =	wrdreg $0xFFFFFFFF  }
0xa7: {  	s28 =	simm.s32 $_size_execute0_lowered;
	s2 =	sadd.s32 s2, s4;
	[dreg:$0x0] =	wrdreg $0x0  }
0xa8: {  	s4 =	sshll.u32 s28, $0x1;
	[dreg:$0x2] =	wrdreg s2  }
0xa9: {  	[dreg:$0x3] =	wrdreg s4  }
0xaa: {  	[dreg:$0x4] =	wrdreg $0xC0  }
0xab: {  	_ =	task [dreg:s6], $0x5FFFF  }
0xac: {  	[dreg:$0x1] =	wrdreg $0xFFFFFFFF  }
0xad: {  	[dreg:$0x0] =	wrdreg $0x60  }
0xae: {  	[dreg:$0x2] =	wrdreg s24  }
0xaf: {  	[dreg:$0x3] =	wrdreg $0x40800  }
0xb0: {  	[dreg:$0x4] =	wrdreg $0x9  }
0xb1: {  	_ =	task.clear_ibuf [dreg:s6], $0x5FFFF;
	_ =	strace $0x90000058  }
0xb2: {  	s29 =	simm.s32 $0x9;
	_ =	strace $0x8000005A  }
0xb3: {  	_ =	swait.ge [sflag:s29], $0x1  }
0xb4: {  	[sflag:s29] =	ssyncadd.s32 $0xFFFFFFFF  }
0xb5: {  	_ =	strace $0x9000005A  }
0xb6: {  	_ =	sfence  }
0xb7: {  	s30 =	sld [smem:$0x0];
	_ =	sdelay $0x2  }
0xb8: {  	s31 =	sshll.u32 s1, $0xD;
	s1 =	sshrl.u32 s1, $0x2  }
0xb9: {  	s3 =	sand.u32 $0x4000, s31;
	s1 =	sadd.s32 s1, s30  }
0xba: {  	s0 =	sor.u32 s3, s0;
	s1 =	sshll.u32 s1, $0x11  }
0xbb: {  	s0 =	sor.u32 s1, s0  }
0xbc: {  	s0 =	sadd.s32 $0x8F2B, s0  }
0xbd: {  	[sflag:s0] =	ssyncadd.remote.s32 $0x1  }
0xbe: {  	_ =	sfence.sel $0xFFFF  }
0xbf: {  	[dreg:$0x0] =	wrdreg $0xFFFFFFFF;
	(pc) =	sbr.abs _section_cstart, $3  }
0xc0: {  	[dreg:$0x1] =	wrdreg $0xFFFFFFFF  }
0xc1: {  	_ =	task.clear_ibuf [dreg:s6], $0x2FFFF;
	_ =	strace $0x9FFFFFFF  }
0xc2: {  	(tm) =	ssettm $0x7FFFFFFF  }
0xc3: {  	_ =	shalt  }
tec
execute0_lowered:
.L_overlay_start_1:
0x0: {  	(tag) =	ssettag $0x1  }
0x1: {  	s4 =	rddreg [dreg:$0x0]  }
0x2: {  	s2 =	rddreg [dreg:$0x1]  }
0x3: {  	s0 =	rddreg [dreg:$0x2];
	s5 =	srdreg.scid  }
0x4: {  	s3 =	simm.s32 $0x0;
	s1 =	stileid.u32;
	s12 =	simm.s32 $0x1  }
0x5: {  	s15 =	simm.s32 $0x0;
	s6 =	sand.u32 $0x1, s5;
	[smem:$0x7FF] =	sst s3  }
0x6: {  	s26 =	sshll.u32 s1, $0x8;
	s8 =	sshll.u32 s1, $0xC;
	s30 =	sshll.u32 s1, $0xF  }
0x7: {  	s13 =	sshll.u32 s1, $0x6;
	s7 =	sshll.u32 s6, $0x7;
	_ =	strace $0x80000059  }
0x8: {  	s8 =	sadd.s32 s8, s4;
	s28 =	ssub.s32 $0x2, s6;
	s31 =	sshll.u32 s6, $0x10  }
0x9: {  	s11 =	sshll.u32 s6, $0xB;
	s13 =	sor.u32 $0x1C01, s13;
	s5 =	sor.u32 s7, s26  }
0xa: {  	s29 =	sshrl.u32 s28, $0x1;
	s7 =	sadd.s32 s31, s8;
	s11 =	sadd.s32 s11, s8  }
0xb: {  	s5 =	sshrl.u32 s5, $0x3;
	s9 =	ssub.s32 s28, s29;
	s7 =	sadd.s32 $0x2800, s7  }
0xc: {  	s10 =	sadd.s32 s5, s4;
	s4 =	sadd.s32 $0x34C00, s4;
	s5 =	sadd.s32 s30, s2  }
0xd: {  	s8 =	smax.u32 s9, $0x1;
	s9 =	sadd.s32 $0x35400, s11;
	s11 =	simm.s32 $0x80  }
0xe: {  	s6 =	sadd.s32 $0x4000, s5;
	s10 =	sadd.s32 $0x1ED400, s10;
	s14 =	sshrl.u32 s5, $0x3  }
.LBB2_1:
0xf: {  	[tilespmem:s11], [sflag:$0x1] =	stream.linear.gather [hbm4b:s4+s3], $0x4000, $0x38;
	[tilespmem:$0xC080] =	vst v63  }
0x10: {  	_ =	swait.ge [sflag:s12], $0x4000  }
0x11: {  	[sflag:s12] =	ssyncset.done $0x0  }
0x12: {  	[sflag:s12] =	ssyncadd.s32 $0xFFFFC000  }
0x13: {  	[spmem:s5] =	stream.linear.scatter [tilespmem:s11], [sflag:$0x1], $0x4000, $0x38;
	[tilespmem:$0xC080] =	vst v63  }
0x14: {  	_ =	swait.ge [sflag:s12], $0x4000  }
0x15: {  	[sflag:s12] =	ssyncset.done $0x0  }
0x16: {  	[sflag:s12] =	ssyncadd.s32 $0xFFFFC000  }
0x17: {  	[spmem:s6] =	stream.linear.scatter [tilespmem:s11], [sflag:$0x1], $0x4000, $0x38;
	[tilespmem:$0xC080] =	vst v63  }
0x18: {  	_ =	swait.ge [sflag:s12], $0x4000  }
0x19: {  	[sflag:s12] =	ssyncset.done $0x0  }
0x1a: {  	[sflag:s12] =	ssyncadd.s32 $0xFFFFC000  }
0x1b: {  	s16 =	sadd.s32 $0x0, s10;
	[bflag:$0x0] =	sbarrier.arrive $0xFFFF  }
0x1c: {  	[tilespmem:s3], [sflag:$0x1] =	stream.linear.gather [hbm4b:s16+s3], $0x80, $0x38;
	[tilespmem:$0xC080] =	vst v63  }
0x1d: {  	_ =	swait.ge [sflag:s12], $0x80  }
0x1e: {  	[sflag:s12] =	ssyncset.done $0x0  }
0x1f: {  	[sflag:s12] =	ssyncadd.s32 $0xFFFFFF80  }
0x20: {  	[tilespmem:s11], [sflag:$0x1] =	stream.linear.gather [hbm4b:s9+s3], $0x4000, $0x38;
	[tilespmem:$0xC080] =	vst v63  }
0x21: {  	_ =	swait.ge [sflag:s12], $0x4000  }
0x22: {  	[sflag:s12] =	ssyncset.done $0x0  }
0x23: {  	[sflag:s12] =	ssyncadd.s32 $0xFFFFC000  }
0x24: {  	[spmem:s2] =	stream.indirect.scatter.add.f32 [tilespmem:s11], [sflag:$0x1], $0x80, s3, s11, $0xb8;
	[tilespmem:$0xC080] =	vst v63  }
0x25: {  	s17 =	simm.s32 $0x200;
	_ =	swait.ge [sflag:s12], $0x4000  }
0x26: {  	s18 =	simm.s32 $0x400;
	s16 =	sadd.s32 $0x10000, s9;
	[sflag:s12] =	ssyncset.done $0x0  }
.LBB2_2:
0x27: {  	s19 =	sadd.s32 s17, s10  }
0x28: {  	[sflag:s12] =	ssyncadd.s32 $0xFFFFC000;
	s17 =	smov.u32 s18;
	s20 =	sadd.s32 $0x200, s18  }
0x29: {  	[tilespmem:s3], [sflag:$0x1] =	stream.linear.gather [hbm4b:s19+s3], $0x80, $0x38;
	[tilespmem:$0xC080] =	vst v63  }
0x2a: {  	p0 =	sne.s32 s18, $0x1200;
	_ =	swait.ge [sflag:s12], $0x80  }
0x2b: {  	[sflag:s12] =	ssyncset.done $0x0  }
0x2c: {  	[sflag:s12] =	ssyncadd.s32 $0xFFFFFF80  }
0x2d: {  	[tilespmem:s11], [sflag:$0x1] =	stream.linear.gather [hbm4b:s16+s3], $0x4000, $0x38;
	[tilespmem:$0xC080] =	vst v63  }
0x2e: {  	_ =	swait.ge [sflag:s12], $0x4000  }
.Ltmp0:
0x2f: {  	[sflag:s12] =	ssyncset.done $0x0;
	(pc) =	sbr.rel @p0 .LBB2_2-.Ltmp0, $4  }
0x30: {  	[sflag:s12] =	ssyncadd.s32 $0xFFFFC000  }
0x31: {  	[spmem:s2] =	stream.indirect.scatter.add.f32 [tilespmem:s11], [sflag:$0x1], $0x80, s3, s11, $0xb8;
	[tilespmem:$0xC080] =	vst v63  }
0x32: {  	_ =	swait.ge [sflag:s12], $0x4000  }
0x33: {  	s18 =	smov.u32 s20;
	s16 =	sadd.s32 $0x10000, s16;
	[sflag:s12] =	ssyncset.done $0x0  }
0x34: {  	s17 =	sadd.s32 s17, s10;
	[sflag:s12] =	ssyncadd.s32 $0xFFFFC000  }
0x35: {  	[tilespmem:s3], [sflag:$0x1] =	stream.linear.gather [hbm4b:s17+s3], $0x80, $0x38;
	[tilespmem:$0xC080] =	vst v63  }
0x36: {  	_ =	swait.ge [sflag:s12], $0x80  }
0x37: {  	[sflag:s12] =	ssyncset.done $0x0  }
0x38: {  	[sflag:s12] =	ssyncadd.s32 $0xFFFFFF80  }
0x39: {  	[tilespmem:s11], [sflag:$0x1] =	stream.linear.gather [hbm4b:s16+s3], $0x4000, $0x38;
	[tilespmem:$0xC080] =	vst v63  }
0x3a: {  	_ =	swait.ge [sflag:s12], $0x4000  }
0x3b: {  	[sflag:s12] =	ssyncset.done $0x0  }
0x3c: {  	[sflag:s12] =	ssyncadd.s32 $0xFFFFC000  }
0x3d: {  	[spmem:s2] =	stream.indirect.scatter.add.f32 [tilespmem:s11], [sflag:$0x1], $0x80, s3, s11, $0xb8;
	[tilespmem:$0xC080] =	vst v63  }
0x3e: {  	_ =	swait.ge [sflag:s12], $0x4000  }
0x3f: {  	s15 =	sadd.s32 $0x1, s15;
	[sflag:s12] =	ssyncset.done $0x0  }
0x40: {  	p0 =	sne.s32 s15, s8;
	[sflag:s12] =	ssyncadd.s32 $0xFFFFC000  }
.Ltmp1:
0x41: {  	[bflag:$0x0] =	sbarrier.arrive $0xFFFF;
	(pc) =	sbr.rel @p0 .LBB2_1-.Ltmp1, $4  }
0x42: {  	[hbm:s7], [sflag:s13] =	dma.local [spmem:s14], $0x1000  }
0x43: {  	_ =	swait.ge [sflag:s12], $0x1000  }
0x44: {  	[sflag:s12] =	ssyncset.done $0x0  }
0x45: {  	[sflag:s12] =	ssyncadd.s32 $0xFFFFF000  }
0x46: {  	_ =	sfence.sel $0x180000  }
0x47: {  	[bflag:$0x0] =	sbarrier.arrive $0xFFFF  }
0x48: {  	p0 =	sne.s32 s1, $0x0;
	_ =	strace $0x90000059  }
0x49: {  	s0 =	sadd.s32 @!p0 $0x100000, s0;
	[bflag:$0x2] =	sbarrier.arrive $0xFFFF  }
0x4a: {  	[sflag:s0] =	ssyncadd.tile.s32 @!p0 $0x1;
	_ =	shalt  }
.Lfunc_end2:
_tile_overlayer_lowered:
.L_overlay_start_2:
0x4b: {  	(tag) =	ssettag $0x2  }
0x4c: {  	s0 =	rddreg [dreg:$0x0];
	s2 =	stileid.u32  }
0x4d: {  	s1 =	rddreg [dreg:$0x1];
	p0 =	sne.s32 s2, $0x0  }
0x4e: {  	s3 =	rddreg [dreg:$0x2];
	[bflag:$0x3] =	sbarrier.arrive $0xFFFF;
	s2 =	simm.s32 @!p0 $0x1C01  }
0x4f: {  	[timem:s3], [sflag:s2] =	dma.local @!p0 [hbm:s0], s1  }
0x50: {  	s0 =	simm.s32 @!p0 $0x1  }
0x51: {  	_ =	swait.ge @!p0 [sflag:s0], s1  }
0x52: {  	s1 =	ssub.s32 @!p0 $0x0, s1;
	[sflag:s0] =	ssyncset.done @!p0 $0x0  }
0x53: {  	[sflag:s0] =	ssyncadd.s32 @!p0 s1  }
0x54: {  	[bflag:$0x3] =	sbarrier.arrive $0xFFFF  }
0x55: {  	_ =	shalt  }

</sc_bundles>
